<compile_context>
chip_gen: v7x
topology: tpu7x:2x2x1
jax: 0.10.2.dev20260603
libtpu: 0.0.44.dev20260713+nightly
codegen_flags: <defaults>
</compile_context>

<pallas_src>
import functools

import jax
import jax.numpy as jnp
from jax import lax
from jax.experimental import pallas as pl
from jax.experimental.pallas import tpu as pltpu
from jax.experimental.pallas import tpu_sc as plsc

D = 128
NS = 8
M = 8192
KD = 32
VD = 32
K = 8
S = 2048
C = KD * VD
P = NS * K

NC = 2
NSUB = 16
NW = NC * NSUB

TS_A = 256
TS_B = 512

_MASK13 = -8192
_NEG_INF_I32 = -2**31


def _sc_gather_emb(tokens, emb):
    per = S // NW
    mesh = plsc.VectorSubcoreMesh(core_axis_name="c", subcore_axis_name="s")

    @functools.partial(
        pl.kernel, mesh=mesh,
        out_type=jax.ShapeDtypeStruct((S, D), jnp.float32),
        scratch_types=[
            pltpu.VMEM((per,), jnp.int32),
            pltpu.VMEM((per, D), jnp.float32),
            pltpu.SemaphoreType.DMA,
        ],
    )
    def k(tok_hbm, emb_hbm, out_hbm, idx_v, rows_v, sem):
        wid = lax.axis_index("s") * NC + lax.axis_index("c")
        base = wid * per
        pltpu.sync_copy(tok_hbm.at[pl.ds(base, per)], idx_v)
        pltpu.async_copy(emb_hbm.at[idx_v], rows_v, sem).wait()
        pltpu.sync_copy(rows_v, out_hbm.at[pl.ds(base, per)])

    return k(tokens, emb)


def _phase_a_body(xe_ref, mk_ref, sk_ref, wq_ref, bq_ref,
                  sd_ref, tq_ref, gi_ref, wc_ref):
    s = pl.program_id(0)
    xe = xe_ref[...]
    sk = sk_ref[...]
    ss = lax.dot_general(xe, sk, (((1,), (1,)), ((), ())),
                         preferred_element_type=jnp.float32)
    ss = ss - jnp.max(ss, axis=1, keepdims=True)
    es = jnp.exp(ss)
    sd = es / jnp.sum(es, axis=1, keepdims=True)
    sd_ref[...] = sd
    tq_ref[...] = (lax.dot_general(xe, wq_ref[...], (((1,), (0,)), ((), ())),
                                   preferred_element_type=jnp.float32)
                   + bq_ref[...])

    mk = mk_ref[0]
    scores = lax.dot_general(xe, mk, (((1,), (1,)), ((), ())),
                             preferred_element_type=jnp.float32)
    ib = lax.bitcast_convert_type(scores, jnp.int32)
    mono = jnp.where(ib < 0, ib ^ 0x7FFFFFFF, ib)
    col = lax.broadcasted_iota(jnp.int32, scores.shape, 1)
    cur = (mono & _MASK13) | col
    cur = jnp.maximum(cur[:, :M // 2], cur[:, M // 2:])
    cur = jnp.maximum(cur[:, :M // 4], cur[:, M // 4:])
    cur = jnp.maximum(cur[:, :M // 8], cur[:, M // 8:])
    tops = []
    for k in range(K):
        m = jnp.max(cur, axis=1, keepdims=True)
        tops.append(m)
        if k < K - 1:
            cur = jnp.where(cur == m, _NEG_INF_I32, cur)
    top = jnp.concatenate(tops, axis=1)
    idx = top & (M - 1)
    vb = top & _MASK13
    fb = jnp.where(vb < 0, vb ^ 0x7FFFFFFF, vb)
    sv = lax.bitcast_convert_type(fb, jnp.float32)
    e = jnp.exp(sv - sv[:, 0:1])
    w8 = e / jnp.sum(e, axis=1, keepdims=True)
    lane = lax.broadcasted_iota(jnp.int32, sd.shape, 1)
    sd_s = jnp.sum(jnp.where(lane == s, sd, 0.0), axis=1, keepdims=True)
    wc_ref[0] = w8 * sd_s
    gi_ref[0] = idx + s * jnp.int32(M)


def _phase_a(x_emb, sector_keys, memory_keys, Wq, bq):
    nb = S // TS_A
    grid = (NS, nb)
    return pl.pallas_call(
        _phase_a_body,
        grid=grid,
        in_specs=[
            pl.BlockSpec((TS_A, D), lambda s, b: (b, 0)),
            pl.BlockSpec((1, M, D), lambda s, b: (s, 0, 0)),
            pl.BlockSpec((NS, D), lambda s, b: (0, 0)),
            pl.BlockSpec((D, KD), lambda s, b: (0, 0)),
            pl.BlockSpec((1, KD), lambda s, b: (0, 0)),
        ],
        out_specs=[
            pl.BlockSpec((TS_A, NS), lambda s, b: (b, 0)),
            pl.BlockSpec((TS_A, KD), lambda s, b: (b, 0)),
            pl.BlockSpec((1, TS_A, K), lambda s, b: (s, b, 0)),
            pl.BlockSpec((1, TS_A, K), lambda s, b: (s, b, 0)),
        ],
        out_shape=[
            jax.ShapeDtypeStruct((S, NS), jnp.float32),
            jax.ShapeDtypeStruct((S, KD), jnp.float32),
            jax.ShapeDtypeStruct((NS, S, K), jnp.int32),
            jax.ShapeDtypeStruct((NS, S, K), jnp.float32),
        ],
    )(x_emb, memory_keys, sector_keys, Wq, bq.reshape(1, KD))


def _sc_bag(kflat3, gidx_flat, w16):
    per = S // NW
    HP = P // 2
    mesh = plsc.VectorSubcoreMesh(core_axis_name="c", subcore_axis_name="s")

    @functools.partial(
        pl.kernel, mesh=mesh,
        out_type=jax.ShapeDtypeStruct((S * C,), jnp.float32),
        scratch_types=[
            pltpu.VMEM((per * P,), jnp.int32),
            pltpu.VMEM((P, 16), jnp.float32),
            pltpu.VMEM((HP, 8, 128), jnp.float32),
            pltpu.VMEM((HP, 8, 128), jnp.float32),
            pltpu.VMEM((C,), jnp.float32),
            pltpu.SemaphoreType.DMA,
            pltpu.SemaphoreType.DMA,
        ],
    )
    def k(kflat_hbm, gi_hbm, w_hbm, out_hbm, idx_all, wtok_v, rows0_v,
          rows1_v, acc_v, sem0, sem1):
        wid = lax.axis_index("s") * NC + lax.axis_index("c")
        base = wid * per
        pltpu.sync_copy(gi_hbm.at[pl.ds(base * P, per * P)], idx_all)
        bufs = (rows0_v, rows1_v)
        sems = (sem0, sem1)

        def gather_half(i, h, buf, sem):
            return pltpu.async_copy(
                kflat_hbm.at[idx_all.at[pl.ds(i * P + h * HP, HP)]],
                buf, sem)

        gather_half(0, 0, bufs[0], sems[0])

        def per_token(i, carry):
            for h in (0, 1):
                if h == 0:
                    gather_half(i, 1, bufs[1], sems[1])
                    pltpu.sync_copy(w_hbm.at[pl.ds((base + i) * P, P)],
                                    wtok_v)
                else:
                    @pl.when(i + 1 < per)
                    def _():
                        gather_half(i + 1, 0, bufs[0], sems[0])
                pltpu.make_async_copy(
                    kflat_hbm.at[idx_all.at[pl.ds(i * P + h * HP, HP)]],
                    bufs[h], sems[h]).wait()
                buf = bufs[h]

                if h == 0:
                    wv0 = wtok_v[0]
                    for a in range(8):
                        for b in range(8):
                            sl = pl.ds(b * 16, 16)
                            acc_v[pl.ds(a * 128 + b * 16, 16)] = (
                                wv0 * buf[0, a, sl])
                    lo = 1
                else:
                    lo = 0

                @plsc.parallel_loop(lo, HP, unroll=2)
                def per_pick(j):
                    wv = wtok_v[h * HP + j]
                    for a in range(8):
                        for b in range(8):
                            plsc.addupdate(
                                acc_v.at[pl.ds(a * 128 + b * 16, 16)],
                                wv * buf[j, a, pl.ds(b * 16, 16)])

            pltpu.sync_copy(acc_v, out_hbm.at[pl.ds((base + i) * C, C)])
            return carry

        lax.fori_loop(0, per, per_token, 0)

    return k(kflat3, gidx_flat, w16)


def _phase_b_body(ctx_ref, tq_ref, xe_ref, wo_ref, bo_ref, g_ref, bt_ref,
                  out_ref):
    mat = ctx_ref[...]
    q = tq_ref[...]
    fin = q[:, 0:1] * mat[:, 0:VD]
    for d in range(1, KD):
        fin = fin + q[:, d:d + 1] * mat[:, d * VD:(d + 1) * VD]
    proj = (lax.dot_general(fin, wo_ref[...], (((1,), (0,)), ((), ())),
                            preferred_element_type=jnp.float32)
            + bo_ref[...])
    h = xe_ref[...] + proj
    mean = jnp.mean(h, axis=1, keepdims=True)
    hc = h - mean
    var = jnp.mean(hc * hc, axis=1, keepdims=True)
    out_ref[...] = hc * lax.rsqrt(var + 1e-5) * g_ref[...] + bt_ref[...]


def _phase_b(ctxmat, tq, x_emb, Wo, bo, gamma, beta):
    nb = S // TS_B
    return pl.pallas_call(
        _phase_b_body,
        grid=(nb,),
        in_specs=[
            pl.BlockSpec((TS_B, C), lambda b: (b, 0)),
            pl.BlockSpec((TS_B, KD), lambda b: (b, 0)),
            pl.BlockSpec((TS_B, D), lambda b: (b, 0)),
            pl.BlockSpec((VD, D), lambda b: (0, 0)),
            pl.BlockSpec((1, D), lambda b: (0, 0)),
            pl.BlockSpec((1, D), lambda b: (0, 0)),
            pl.BlockSpec((1, D), lambda b: (0, 0)),
        ],
        out_specs=pl.BlockSpec((TS_B, D), lambda b: (b, 0)),
        out_shape=jax.ShapeDtypeStruct((S, D), jnp.float32),
    )(ctxmat, tq, x_emb, Wo, bo.reshape(1, D), gamma.reshape(1, D),
      beta.reshape(1, D))


def kernel(x, emb, sector_keys, memory_keys, knowledge, Wq, bq, Wo, bo,
           gamma, beta):
    tokens = x.reshape(S)
    x_emb = _sc_gather_emb(tokens, emb)

    sector_dist, tq, gidx, wc = _phase_a(x_emb, sector_keys, memory_keys,
                                         Wq, bq)

    gidx_flat = gidx.transpose(1, 0, 2).reshape(S * P)
    w16 = jnp.broadcast_to(
        wc.transpose(1, 0, 2).reshape(S * P, 1), (S * P, 16))
    kflat3 = knowledge.reshape(NS * M, 8, 128)

    ctxmat = _sc_bag(kflat3, gidx_flat, w16).reshape(S, C)

    out = _phase_b(ctxmat, tq, x_emb, Wo, bo, gamma, beta)
    return out.reshape(1, S, D), sector_dist.reshape(1, S, NS)

# --- scband reference (transcript-rebuilt; emitter-appended) ---
"""Pipeline reference for scband-hierarchical-memory-worker-32392643346608 (READ-ONLY COPY).

The authoritative reference and input builder live on the scoring server;
editing this copy changes nothing except your own understanding.
"""

import jax, jax.numpy as jnp
import numpy as np

VOCAB = 100000
D = 128
NS = 8
M = 8192
KD = 32
VD = 32
K = 8
B = 1
S = 2048


def setup_inputs(seed: int = 0) -> dict:
    key = jax.random.key(seed)
    ks = jax.random.split(key, 12)
    x = jax.random.randint(ks[0], (B, S), 0, VOCAB, dtype=jnp.int32)
    emb = jax.random.normal(ks[1], (VOCAB, D), dtype=jnp.float32) * 0.02
    sector_keys = jax.random.normal(ks[2], (NS, D), dtype=jnp.float32) * 0.05
    memory_keys = jax.random.normal(ks[3], (NS, M, D), dtype=jnp.float32) * 0.05
    knowledge = jax.random.normal(ks[4], (NS, M, KD, VD), dtype=jnp.float32) * 0.05
    Wq = jax.random.normal(ks[5], (D, KD), dtype=jnp.float32) * 0.05
    bq = jnp.zeros((KD,), dtype=jnp.float32)
    Wo = jax.random.normal(ks[6], (VD, D), dtype=jnp.float32) * 0.05
    bo = jnp.zeros((D,), dtype=jnp.float32)
    gamma = jnp.ones((D,), dtype=jnp.float32)
    beta = jnp.zeros((D,), dtype=jnp.float32)
    return {"x": x, "emb": emb, "sector_keys": sector_keys, "memory_keys": memory_keys, "knowledge": knowledge, "Wq": Wq, "bq": bq, "Wo": Wo, "bo": bo, "gamma": gamma, "beta": beta}


def reference(x, emb, sector_keys, memory_keys, knowledge, Wq, bq, Wo, bo, gamma, beta):
    x_emb = jnp.take(emb, x, axis=0)  # [B,S,D]
    sector_scores = jnp.matmul(x_emb, sector_keys.T)  # [B,S,NS]
    sector_dist = jax.nn.softmax(sector_scores, axis=-1)
    token_query = jnp.matmul(x_emb, Wq) + bq  # [B,S,KD]
    outs = []
    for s in range(NS):
        local_scores = jnp.matmul(x_emb, memory_keys[s].T)  # [B,S,M]
        local_dist = jax.nn.softmax(local_scores, axis=-1)
        w, idx = jax.lax.top_k(local_dist, K)  # [B,S,K]
        sums = jnp.sum(w, axis=-1, keepdims=True)
        w = jnp.where(jnp.all(sums > 1e-9), w / sums, w)
        retrieved = jnp.take(knowledge[s], idx, axis=0)  # [B,S,K,KD,VD]
        transformed = jnp.einsum('bsd,bskdv->bskv', token_query, retrieved)  # [B,S,K,VD]
        ctx = jnp.sum(transformed * w[..., None], axis=2)  # [B,S,VD]
        outs.append(ctx)
    stacked = jnp.stack(outs).transpose(1, 2, 0, 3)  # [B,S,NS,VD]
    final = jnp.sum(stacked * sector_dist[..., None], axis=2)  # [B,S,VD]
    proj = jnp.matmul(final, Wo) + bo  # [B,S,D]
    h = x_emb + proj
    mean = jnp.mean(h, axis=-1, keepdims=True)
    var = jnp.var(h, axis=-1, keepdims=True)
    out = (h - mean) / jnp.sqrt(var + 1e-5) * gamma + beta
    return (out, sector_dist)

if __name__ == "__main__":
    import jax
    _d = setup_inputs()
    print(jax.jit(kernel)(*tuple(_d.values())))

</pallas_src>

<mosaic_0001>
#map = affine_map<(d0, d1) -> (0)>
#map1 = affine_map<(d0, d1) -> (0, 0)>
module attributes {stable_mosaic.version = 14 : i64} {
  func.func @k(%arg0: i32, %arg1: i32, %arg2: memref<2048xi32, #tpu.memory_space<hbm>>, %arg3: memref<100000x128xf32, #tpu.memory_space<hbm>>, %arg4: memref<2048x128xf32, #tpu.memory_space<hbm>>, %arg5: memref<64xi32, #tpu.memory_space<vmem>>, %arg6: memref<64x128xf32, #tpu.memory_space<vmem>>, %arg7: memref<!tpu.dma_semaphore, #tpu.memory_space<semaphore_mem>>) attributes {dimension_semantics = [#tpu.dimension_semantics<core_parallel>, #tpu.dimension_semantics<subcore_parallel>], iteration_bounds = array<i64: 2, 16>, scalar_prefetch = 0 : i64, scratch_operands = 3 : i64, tpu.core_type = #tpu.core_type<sc_vector_subcore>, window_params = [{transform_indices = #map}, {transform_indices = #map1}, {transform_indices = #map1}]} {
    %mul3A = arith.constant 2 : i32
    %mul3A_0 = arith.muli %arg1, %mul3A : i32
    %add3A = arith.addi %mul3A_0, %arg0 : i32
    %mul3A_1 = arith.constant 64 : i32
    %mul3A_2 = arith.muli %add3A, %mul3A_1 : i32
    "tpu.region"() ({
      %run_scoped3A = tpu.sem_alloc : memref<!tpu.dma_semaphore, #tpu.memory_space<semaphore_mem>>
      %dma_start3A_7 = tpu.memref_slice %arg2[%mul3A_2] : memref<2048xi32, #tpu.memory_space<hbm>> -> memref<64xi32, #tpu.memory_space<hbm>>
      %dma_start3A_8 = tpu.memref_slice %arg2[%mul3A_2] : memref<2048xi32, #tpu.memory_space<hbm>> -> memref<64xi32, #tpu.memory_space<hbm>>
      tpu.enqueue_dma source(%dma_start3A_8 : memref<64xi32, #tpu.memory_space<hbm>>) target(%arg5 : memref<64xi32, #tpu.memory_space<vmem>>) target_semaphore(%run_scoped3A : memref<!tpu.dma_semaphore, #tpu.memory_space<semaphore_mem>>)
      %dma_wait3A_9 = tpu.memref_slice %arg2[%mul3A_2] : memref<2048xi32, #tpu.memory_space<hbm>> -> memref<64xi32, #tpu.memory_space<hbm>>
      %dma_wait3A_10 = tpu.memref_slice %arg2[%mul3A_2] : memref<2048xi32, #tpu.memory_space<hbm>> -> memref<64xi32, #tpu.memory_space<hbm>>
      tpu.wait_dma2 semaphore(%run_scoped3A : memref<!tpu.dma_semaphore, #tpu.memory_space<semaphore_mem>>) src(%dma_wait3A_10 : memref<64xi32, #tpu.memory_space<hbm>>) dst(%arg5 : memref<64xi32, #tpu.memory_space<vmem>>)
      tpu.yield
    }) : () -> ()
    %dma_start3A = arith.constant 0 : i32
    %dma_start3A_3 = arith.constant 0 : i32
    %dma_start3A_4 = tpu.memref_slice %arg3[%dma_start3A, %dma_start3A_3] : memref<100000x128xf32, #tpu.memory_space<hbm>> -> memref<100000x128xf32, #tpu.memory_space<hbm>>
    tpu.enqueue_indirect_dma source(%dma_start3A_4 : memref<100000x128xf32, #tpu.memory_space<hbm>>) target(%arg6 : memref<64x128xf32, #tpu.memory_space<vmem>>) offsets(%arg5 : memref<64xi32, #tpu.memory_space<vmem>>) semaphore(%arg7 : memref<!tpu.dma_semaphore, #tpu.memory_space<semaphore_mem>>)
    %dma_wait3A = arith.constant 0 : i32
    %dma_wait3A_5 = arith.constant 0 : i32
    %dma_wait3A_6 = tpu.memref_slice %arg3[%dma_wait3A, %dma_wait3A_5] : memref<100000x128xf32, #tpu.memory_space<hbm>> -> memref<100000x128xf32, #tpu.memory_space<hbm>>
    tpu.wait_indirect_dma semaphore(%arg7 : memref<!tpu.dma_semaphore, #tpu.memory_space<semaphore_mem>>) src(%dma_wait3A_6 : memref<100000x128xf32, #tpu.memory_space<hbm>>) dst(%arg6 : memref<64x128xf32, #tpu.memory_space<vmem>>)
    "tpu.region"() ({
      %run_scoped3A = tpu.sem_alloc : memref<!tpu.dma_semaphore, #tpu.memory_space<semaphore_mem>>
      %dma_start3A_7 = arith.constant 0 : i32
      %dma_start3A_8 = tpu.memref_slice %arg4[%mul3A_2, %dma_start3A_7] : memref<2048x128xf32, #tpu.memory_space<hbm>> -> memref<64x128xf32, #tpu.memory_space<hbm>>
      %dma_start3A_9 = arith.constant 0 : i32
      %dma_start3A_10 = tpu.memref_slice %arg4[%mul3A_2, %dma_start3A_9] : memref<2048x128xf32, #tpu.memory_space<hbm>> -> memref<64x128xf32, #tpu.memory_space<hbm>>
      tpu.enqueue_dma source(%arg6 : memref<64x128xf32, #tpu.memory_space<vmem>>) target(%dma_start3A_10 : memref<64x128xf32, #tpu.memory_space<hbm>>) target_semaphore(%run_scoped3A : memref<!tpu.dma_semaphore, #tpu.memory_space<semaphore_mem>>)
      %dma_wait3A_11 = arith.constant 0 : i32
      %dma_wait3A_12 = tpu.memref_slice %arg4[%mul3A_2, %dma_wait3A_11] : memref<2048x128xf32, #tpu.memory_space<hbm>> -> memref<64x128xf32, #tpu.memory_space<hbm>>
      %dma_wait3A_13 = arith.constant 0 : i32
      %dma_wait3A_14 = tpu.memref_slice %arg4[%mul3A_2, %dma_wait3A_13] : memref<2048x128xf32, #tpu.memory_space<hbm>> -> memref<64x128xf32, #tpu.memory_space<hbm>>
      tpu.wait_dma2 semaphore(%run_scoped3A : memref<!tpu.dma_semaphore, #tpu.memory_space<semaphore_mem>>) src(%arg6 : memref<64x128xf32, #tpu.memory_space<vmem>>) dst(%dma_wait3A_14 : memref<64x128xf32, #tpu.memory_space<hbm>>)
      tpu.yield
    }) : () -> ()
    return
  }
}

#map = affine_map<(d0, d1) -> (0, 0, 0)>
#map1 = affine_map<(d0, d1) -> (0)>
#map2 = affine_map<(d0, d1) -> (0, 0)>
module attributes {stable_mosaic.version = 14 : i64} {
  func.func @k(%arg0: i32, %arg1: i32, %arg2: memref<65536x8x128xf32, #tpu.memory_space<hbm>>, %arg3: memref<131072xi32, #tpu.memory_space<hbm>>, %arg4: memref<131072x16xf32, #tpu.memory_space<hbm>>, %arg5: memref<2097152xf32, #tpu.memory_space<hbm>>, %arg6: memref<4096xi32, #tpu.memory_space<vmem>>, %arg7: memref<64x16xf32, #tpu.memory_space<vmem>>, %arg8: memref<32x8x128xf32, #tpu.memory_space<vmem>>, %arg9: memref<32x8x128xf32, #tpu.memory_space<vmem>>, %arg10: memref<1024xf32, #tpu.memory_space<vmem>>, %arg11: memref<!tpu.dma_semaphore, #tpu.memory_space<semaphore_mem>>, %arg12: memref<!tpu.dma_semaphore, #tpu.memory_space<semaphore_mem>>) attributes {dimension_semantics = [#tpu.dimension_semantics<core_parallel>, #tpu.dimension_semantics<subcore_parallel>], iteration_bounds = array<i64: 2, 16>, scalar_prefetch = 0 : i64, scratch_operands = 7 : i64, tpu.core_type = #tpu.core_type<sc_vector_subcore>, window_params = [{transform_indices = #map}, {transform_indices = #map1}, {transform_indices = #map2}, {transform_indices = #map1}]} {
    %mul3A = arith.constant 2 : i32
    %mul3A_0 = arith.muli %arg1, %mul3A : i32
    %add3A = arith.addi %mul3A_0, %arg0 : i32
    %mul3A_1 = arith.constant 64 : i32
    %mul3A_2 = arith.muli %add3A, %mul3A_1 : i32
    %mul3A_3 = arith.constant 64 : i32
    %mul3A_4 = arith.muli %mul3A_2, %mul3A_3 : i32
    "tpu.region"() ({
      %run_scoped3A = tpu.sem_alloc : memref<!tpu.dma_semaphore, #tpu.memory_space<semaphore_mem>>
      %dma_start3A_15 = tpu.memref_slice %arg3[%mul3A_4] : memref<131072xi32, #tpu.memory_space<hbm>> -> memref<4096xi32, #tpu.memory_space<hbm>>
      %dma_start3A_16 = tpu.memref_slice %arg3[%mul3A_4] : memref<131072xi32, #tpu.memory_space<hbm>> -> memref<4096xi32, #tpu.memory_space<hbm>>
      tpu.enqueue_dma source(%dma_start3A_16 : memref<4096xi32, #tpu.memory_space<hbm>>) target(%arg6 : memref<4096xi32, #tpu.memory_space<vmem>>) target_semaphore(%run_scoped3A : memref<!tpu.dma_semaphore, #tpu.memory_space<semaphore_mem>>)
      %dma_wait3A = tpu.memref_slice %arg3[%mul3A_4] : memref<131072xi32, #tpu.memory_space<hbm>> -> memref<4096xi32, #tpu.memory_space<hbm>>
      %dma_wait3A_17 = tpu.memref_slice %arg3[%mul3A_4] : memref<131072xi32, #tpu.memory_space<hbm>> -> memref<4096xi32, #tpu.memory_space<hbm>>
      tpu.wait_dma2 semaphore(%run_scoped3A : memref<!tpu.dma_semaphore, #tpu.memory_space<semaphore_mem>>) src(%dma_wait3A_17 : memref<4096xi32, #tpu.memory_space<hbm>>) dst(%arg6 : memref<4096xi32, #tpu.memory_space<vmem>>)
      tpu.yield
    }) : () -> ()
    %dma_start3A = arith.constant 0 : i32
    %dma_start3A_5 = tpu.memref_slice %arg6[%dma_start3A] : memref<4096xi32, #tpu.memory_space<vmem>> -> memref<32xi32, #tpu.memory_space<vmem>>
    %dma_start3A_6 = arith.constant 0 : i32
    %dma_start3A_7 = arith.constant 0 : i32
    %dma_start3A_8 = arith.constant 0 : i32
    %dma_start3A_9 = tpu.memref_slice %arg2[%dma_start3A_6, %dma_start3A_7, %dma_start3A_8] : memref<65536x8x128xf32, #tpu.memory_space<hbm>> -> memref<65536x8x128xf32, #tpu.memory_space<hbm>>
    tpu.enqueue_indirect_dma source(%dma_start3A_9 : memref<65536x8x128xf32, #tpu.memory_space<hbm>>) target(%arg8 : memref<32x8x128xf32, #tpu.memory_space<vmem>>) offsets(%dma_start3A_5 : memref<32xi32, #tpu.memory_space<vmem>>) semaphore(%arg11 : memref<!tpu.dma_semaphore, #tpu.memory_space<semaphore_mem>>)
    %scan3A = arith.constant 0 : i32
    %scan3A_10 = arith.constant 0 : i32
    %scan3A_11 = arith.constant 64 : i32
    %scan3A_12 = arith.addi %scan3A_10, %scan3A_11 : i32
    %scan3A_13 = arith.constant 1 : i32
    scf.for %scan3A_15 = %scan3A_10 to %scan3A_12 step %scan3A_13  : i32 {
      %mul3A_16 = arith.constant 64 : i32
      %mul3A_17 = arith.muli %scan3A_15, %mul3A_16 : i32
      %add3A_18 = arith.constant 32 : i32
      %add3A_19 = arith.addi %mul3A_17, %add3A_18 : i32
      %dma_start3A_20 = tpu.memref_slice %arg6[%add3A_19] : memref<4096xi32, #tpu.memory_space<vmem>> -> memref<32xi32, #tpu.memory_space<vmem>>
      %dma_start3A_21 = arith.constant 0 : i32
      %dma_start3A_22 = arith.constant 0 : i32
      %dma_start3A_23 = arith.constant 0 : i32
      %dma_start3A_24 = tpu.memref_slice %arg2[%dma_start3A_21, %dma_start3A_22, %dma_start3A_23] : memref<65536x8x128xf32, #tpu.memory_space<hbm>> -> memref<65536x8x128xf32, #tpu.memory_space<hbm>>
      tpu.enqueue_indirect_dma source(%dma_start3A_24 : memref<65536x8x128xf32, #tpu.memory_space<hbm>>) target(%arg9 : memref<32x8x128xf32, #tpu.memory_space<vmem>>) offsets(%dma_start3A_20 : memref<32xi32, #tpu.memory_space<vmem>>) semaphore(%arg12 : memref<!tpu.dma_semaphore, #tpu.memory_space<semaphore_mem>>)
      %add3A_25 = arith.addi %mul3A_2, %scan3A_15 : i32
      %mul3A_26 = arith.constant 64 : i32
      %mul3A_27 = arith.muli %add3A_25, %mul3A_26 : i32
      "tpu.region"() ({
        %run_scoped3A = tpu.sem_alloc : memref<!tpu.dma_semaphore, #tpu.memory_space<semaphore_mem>>
        %dma_start3A_828 = arith.constant 0 : i32
        %dma_start3A_829 = tpu.memref_slice %arg4[%mul3A_27, %dma_start3A_828] : memref<131072x16xf32, #tpu.memory_space<hbm>> -> memref<64x16xf32, #tpu.memory_space<hbm>>
        %dma_start3A_830 = arith.constant 0 : i32
        %dma_start3A_831 = tpu.memref_slice %arg4[%mul3A_27, %dma_start3A_830] : memref<131072x16xf32, #tpu.memory_space<hbm>> -> memref<64x16xf32, #tpu.memory_space<hbm>>
        tpu.enqueue_dma source(%dma_start3A_831 : memref<64x16xf32, #tpu.memory_space<hbm>>) target(%arg7 : memref<64x16xf32, #tpu.memory_space<vmem>>) target_semaphore(%run_scoped3A : memref<!tpu.dma_semaphore, #tpu.memory_space<semaphore_mem>>)
        %dma_wait3A_832 = arith.constant 0 : i32
        %dma_wait3A_833 = tpu.memref_slice %arg4[%mul3A_27, %dma_wait3A_832] : memref<131072x16xf32, #tpu.memory_space<hbm>> -> memref<64x16xf32, #tpu.memory_space<hbm>>
        %dma_wait3A_834 = arith.constant 0 : i32
        %dma_wait3A_835 = tpu.memref_slice %arg4[%mul3A_27, %dma_wait3A_834] : memref<131072x16xf32, #tpu.memory_space<hbm>> -> memref<64x16xf32, #tpu.memory_space<hbm>>
        tpu.wait_dma2 semaphore(%run_scoped3A : memref<!tpu.dma_semaphore, #tpu.memory_space<semaphore_mem>>) src(%dma_wait3A_835 : memref<64x16xf32, #tpu.memory_space<hbm>>) dst(%arg7 : memref<64x16xf32, #tpu.memory_space<vmem>>)
        tpu.yield
      }) : () -> ()
      %mul3A_28 = arith.constant 64 : i32
      %mul3A_29 = arith.muli %scan3A_15, %mul3A_28 : i32
      %add3A_30 = arith.constant 0 : i32
      %add3A_31 = arith.addi %mul3A_29, %add3A_30 : i32
      %dma_wait3A = tpu.memref_slice %arg6[%add3A_31] : memref<4096xi32, #tpu.memory_space<vmem>> -> memref<32xi32, #tpu.memory_space<vmem>>
      %dma_wait3A_32 = arith.constant 0 : i32
      %dma_wait3A_33 = arith.constant 0 : i32
      %dma_wait3A_34 = arith.constant 0 : i32
      %dma_wait3A_35 = tpu.memref_slice %arg2[%dma_wait3A_32, %dma_wait3A_33, %dma_wait3A_34] : memref<65536x8x128xf32, #tpu.memory_space<hbm>> -> memref<65536x8x128xf32, #tpu.memory_space<hbm>>
      tpu.wait_indirect_dma semaphore(%arg11 : memref<!tpu.dma_semaphore, #tpu.memory_space<semaphore_mem>>) src(%dma_wait3A_35 : memref<65536x8x128xf32, #tpu.memory_space<hbm>>) dst(%arg8 : memref<32x8x128xf32, #tpu.memory_space<vmem>>)
      %get3A = arith.constant 0 : i32
      %get3A_36 = arith.index_cast %get3A : i32 to index
      %get3A_37 = arith.constant 0 : index
      %get3A_38 = tpu.vector_load %arg7[%get3A_36, %get3A_37] {strides = array<i32>} : memref<64x16xf32, #tpu.memory_space<vmem>>, vector<1x16xf32>,
      %get3A_39 = vector.shape_cast %get3A_38 : vector<1x16xf32> to vector<16xf32>
      %get3A_40 = arith.constant 0 : i32
      %get3A_41 = arith.constant 0 : i32
      %get3A_42 = arith.index_cast %get3A_40 : i32 to index
      %get3A_43 = arith.index_cast %get3A_41 : i32 to index
      %get3A_44 = arith.constant 0 : index
      %get3A_45 = tpu.vector_load %arg8[%get3A_42, %get3A_43, %get3A_44] {strides = array<i32>} : memref<32x8x128xf32, #tpu.memory_space<vmem>>, vector<1x1x16xf32>,
      %get3A_46 = vector.shape_cast %get3A_45 : vector<1x1x16xf32> to vector<16xf32>
      %mul3A_47 = arith.mulf %get3A_39, %get3A_46 : vector<16xf32>
      %swap3A = arith.constant 0 : index
      %swap3A_48 = tpu.vector_load %arg10[%swap3A] {strides = array<i32>} : memref<1024xf32, #tpu.memory_space<vmem>>, vector<16xf32>,
      %swap3A_49 = vector.shape_cast %swap3A_48 : vector<16xf32> to vector<16xf32>
      %swap3A_50 = vector.shape_cast %mul3A_47 : vector<16xf32> to vector<16xf32>
      tpu.vector_store %arg10[%swap3A], %swap3A_50 {strides = array<i32>} : memref<1024xf32, #tpu.memory_space<vmem>>, vector<16xf32>,
      %get3A_51 = arith.constant 0 : i32
      %get3A_52 = arith.constant 0 : i32
      %get3A_53 = arith.index_cast %get3A_51 : i32 to index
      %get3A_54 = arith.index_cast %get3A_52 : i32 to index
      %get3A_55 = arith.constant 16 : index
      %get3A_56 = tpu.vector_load %arg8[%get3A_53, %get3A_54, %get3A_55] {strides = array<i32>} : memref<32x8x128xf32, #tpu.memory_space<vmem>>, vector<1x1x16xf32>,
      %get3A_57 = vector.shape_cast %get3A_56 : vector<1x1x16xf32> to vector<16xf32>
      %mul3A_58 = arith.mulf %get3A_39, %get3A_57 : vector<16xf32>
      %swap3A_59 = arith.constant 16 : index
      %swap3A_60 = tpu.vector_load %arg10[%swap3A_59] {strides = array<i32>} : memref<1024xf32, #tpu.memory_space<vmem>>, vector<16xf32>,
      %swap3A_61 = vector.shape_cast %swap3A_60 : vector<16xf32> to vector<16xf32>
      %swap3A_62 = vector.shape_cast %mul3A_58 : vector<16xf32> to vector<16xf32>
      tpu.vector_store %arg10[%swap3A_59], %swap3A_62 {strides = array<i32>} : memref<1024xf32, #tpu.memory_space<vmem>>, vector<16xf32>,
      %get3A_63 = arith.constant 0 : i32
      %get3A_64 = arith.constant 0 : i32
      %get3A_65 = arith.index_cast %get3A_63 : i32 to index
      %get3A_66 = arith.index_cast %get3A_64 : i32 to index
      %get3A_67 = arith.constant 32 : index
      %get3A_68 = tpu.vector_load %arg8[%get3A_65, %get3A_66, %get3A_67] {strides = array<i32>} : memref<32x8x128xf32, #tpu.memory_space<vmem>>, vector<1x1x16xf32>,
      %get3A_69 = vector.shape_cast %get3A_68 : vector<1x1x16xf32> to vector<16xf32>
      %mul3A_70 = arith.mulf %get3A_39, %get3A_69 : vector<16xf32>
      %swap3A_71 = arith.constant 32 : index
      %swap3A_72 = tpu.vector_load %arg10[%swap3A_71] {strides = array<i32>} : memref<1024xf32, #tpu.memory_space<vmem>>, vector<16xf32>,
      %swap3A_73 = vector.shape_cast %swap3A_72 : vector<16xf32> to vector<16xf32>
      %swap3A_74 = vector.shape_cast %mul3A_70 : vector<16xf32> to vector<16xf32>
      tpu.vector_store %arg10[%swap3A_71], %swap3A_74 {strides = array<i32>} : memref<1024xf32, #tpu.memory_space<vmem>>, vector<16xf32>,
      %get3A_75 = arith.constant 0 : i32
      %get3A_76 = arith.constant 0 : i32
      %get3A_77 = arith.index_cast %get3A_75 : i32 to index
      %get3A_78 = arith.index_cast %get3A_76 : i32 to index
      %get3A_79 = arith.constant 48 : index
      %get3A_80 = tpu.vector_load %arg8[%get3A_77, %get3A_78, %get3A_79] {strides = array<i32>} : memref<32x8x128xf32, #tpu.memory_space<vmem>>, vector<1x1x16xf32>,
      %get3A_81 = vector.shape_cast %get3A_80 : vector<1x1x16xf32> to vector<16xf32>
      %mul3A_82 = arith.mulf %get3A_39, %get3A_81 : vector<16xf32>
      %swap3A_83 = arith.constant 48 : index
      %swap3A_84 = tpu.vector_load %arg10[%swap3A_83] {strides = array<i32>} : memref<1024xf32, #tpu.memory_space<vmem>>, vector<16xf32>,
      %swap3A_85 = vector.shape_cast %swap3A_84 : vector<16xf32> to vector<16xf32>
      %swap3A_86 = vector.shape_cast %mul3A_82 : vector<16xf32> to vector<16xf32>
      tpu.vector_store %arg10[%swap3A_83], %swap3A_86 {strides = array<i32>} : memref<1024xf32, #tpu.memory_space<vmem>>, vector<16xf32>,
      %get3A_87 = arith.constant 0 : i32
      %get3A_88 = arith.constant 0 : i32
      %get3A_89 = arith.index_cast %get3A_87 : i32 to index
      %get3A_90 = arith.index_cast %get3A_88 : i32 to index
      %get3A_91 = arith.constant 64 : index
      %get3A_92 = tpu.vector_load %arg8[%get3A_89, %get3A_90, %get3A_91] {strides = array<i32>} : memref<32x8x128xf32, #tpu.memory_space<vmem>>, vector<1x1x16xf32>,
      %get3A_93 = vector.shape_cast %get3A_92 : vector<1x1x16xf32> to vector<16xf32>
      %mul3A_94 = arith.mulf %get3A_39, %get3A_93 : vector<16xf32>
      %swap3A_95 = arith.constant 64 : index
      %swap3A_96 = tpu.vector_load %arg10[%swap3A_95] {strides = array<i32>} : memref<1024xf32, #tpu.memory_space<vmem>>, vector<16xf32>,
      %swap3A_97 = vector.shape_cast %swap3A_96 : vector<16xf32> to vector<16xf32>
      %swap3A_98 = vector.shape_cast %mul3A_94 : vector<16xf32> to vector<16xf32>
      tpu.vector_store %arg10[%swap3A_95], %swap3A_98 {strides = array<i32>} : memref<1024xf32, #tpu.memory_space<vmem>>, vector<16xf32>,
      %get3A_99 = arith.constant 0 : i32
      %get3A_100 = arith.constant 0 : i32
      %get3A_101 = arith.index_cast %get3A_99 : i32 to index
      %get3A_102 = arith.index_cast %get3A_100 : i32 to index
      %get3A_103 = arith.constant 80 : index
      %get3A_104 = tpu.vector_load %arg8[%get3A_101, %get3A_102, %get3A_103] {strides = array<i32>} : memref<32x8x128xf32, #tpu.memory_space<vmem>>, vector<1x1x16xf32>,
      %get3A_105 = vector.shape_cast %get3A_104 : vector<1x1x16xf32> to vector<16xf32>
      %mul3A_106 = arith.mulf %get3A_39, %get3A_105 : vector<16xf32>
      %swap3A_107 = arith.constant 80 : index
      %swap3A_108 = tpu.vector_load %arg10[%swap3A_107] {strides = array<i32>} : memref<1024xf32, #tpu.memory_space<vmem>>, vector<16xf32>,
      %swap3A_109 = vector.shape_cast %swap3A_108 : vector<16xf32> to vector<16xf32>
      %swap3A_110 = vector.shape_cast %mul3A_106 : vector<16xf32> to vector<16xf32>
      tpu.vector_store %arg10[%swap3A_107], %swap3A_110 {strides = array<i32>} : memref<1024xf32, #tpu.memory_space<vmem>>, vector<16xf32>,
      %get3A_111 = arith.constant 0 : i32
      %get3A_112 = arith.constant 0 : i32
      %get3A_113 = arith.index_cast %get3A_111 : i32 to index
      %get3A_114 = arith.index_cast %get3A_112 : i32 to index
      %get3A_115 = arith.constant 96 : index
      %get3A_116 = tpu.vector_load %arg8[%get3A_113, %get3A_114, %get3A_115] {strides = array<i32>} : memref<32x8x128xf32, #tpu.memory_space<vmem>>, vector<1x1x16xf32>,
      %get3A_117 = vector.shape_cast %get3A_116 : vector<1x1x16xf32> to vector<16xf32>
      %mul3A_118 = arith.mulf %get3A_39, %get3A_117 : vector<16xf32>
      %swap3A_119 = arith.constant 96 : index
      %swap3A_120 = tpu.vector_load %arg10[%swap3A_119] {strides = array<i32>} : memref<1024xf32, #tpu.memory_space<vmem>>, vector<16xf32>,
      %swap3A_121 = vector.shape_cast %swap3A_120 : vector<16xf32> to vector<16xf32>
      %swap3A_122 = vector.shape_cast %mul3A_118 : vector<16xf32> to vector<16xf32>
      tpu.vector_store %arg10[%swap3A_119], %swap3A_122 {strides = array<i32>} : memref<1024xf32, #tpu.memory_space<vmem>>, vector<16xf32>,
      %get3A_123 = arith.constant 0 : i32
      %get3A_124 = arith.constant 0 : i32
      %get3A_125 = arith.index_cast %get3A_123 : i32 to index
      %get3A_126 = arith.index_cast %get3A_124 : i32 to index
      %get3A_127 = arith.constant 112 : index
      %get3A_128 = tpu.vector_load %arg8[%get3A_125, %get3A_126, %get3A_127] {strides = array<i32>} : memref<32x8x128xf32, #tpu.memory_space<vmem>>, vector<1x1x16xf32>,
      %get3A_129 = vector.shape_cast %get3A_128 : vector<1x1x16xf32> to vector<16xf32>
      %mul3A_130 = arith.mulf %get3A_39, %get3A_129 : vector<16xf32>
      %swap3A_131 = arith.constant 112 : index
      %swap3A_132 = tpu.vector_load %arg10[%swap3A_131] {strides = array<i32>} : memref<1024xf32, #tpu.memory_space<vmem>>, vector<16xf32>,
      %swap3A_133 = vector.shape_cast %swap3A_132 : vector<16xf32> to vector<16xf32>
      %swap3A_134 = vector.shape_cast %mul3A_130 : vector<16xf32> to vector<16xf32>
      tpu.vector_store %arg10[%swap3A_131], %swap3A_134 {strides = array<i32>} : memref<1024xf32, #tpu.memory_space<vmem>>, vector<16xf32>,
      %get3A_135 = arith.constant 0 : i32
      %get3A_136 = arith.constant 1 : i32
      %get3A_137 = arith.index_cast %get3A_135 : i32 to index
      %get3A_138 = arith.index_cast %get3A_136 : i32 to index
      %get3A_139 = arith.constant 0 : index
      %get3A_140 = tpu.vector_load %arg8[%get3A_137, %get3A_138, %get3A_139] {strides = array<i32>} : memref<32x8x128xf32, #tpu.memory_space<vmem>>, vector<1x1x16xf32>,
      %get3A_141 = vector.shape_cast %get3A_140 : vector<1x1x16xf32> to vector<16xf32>
      %mul3A_142 = arith.mulf %get3A_39, %get3A_141 : vector<16xf32>
      %swap3A_143 = arith.constant 128 : index
      %swap3A_144 = tpu.vector_load %arg10[%swap3A_143] {strides = array<i32>} : memref<1024xf32, #tpu.memory_space<vmem>>, vector<16xf32>,
      %swap3A_145 = vector.shape_cast %swap3A_144 : vector<16xf32> to vector<16xf32>
      %swap3A_146 = vector.shape_cast %mul3A_142 : vector<16xf32> to vector<16xf32>
      tpu.vector_store %arg10[%swap3A_143], %swap3A_146 {strides = array<i32>} : memref<1024xf32, #tpu.memory_space<vmem>>, vector<16xf32>,
      %get3A_147 = arith.constant 0 : i32
      %get3A_148 = arith.constant 1 : i32
      %get3A_149 = arith.index_cast %get3A_147 : i32 to index
      %get3A_150 = arith.index_cast %get3A_148 : i32 to index
      %get3A_151 = arith.constant 16 : index
      %get3A_152 = tpu.vector_load %arg8[%get3A_149, %get3A_150, %get3A_151] {strides = array<i32>} : memref<32x8x128xf32, #tpu.memory_space<vmem>>, vector<1x1x16xf32>,
      %get3A_153 = vector.shape_cast %get3A_152 : vector<1x1x16xf32> to vector<16xf32>
      %mul3A_154 = arith.mulf %get3A_39, %get3A_153 : vector<16xf32>
      %swap3A_155 = arith.constant 144 : index
      %swap3A_156 = tpu.vector_load %arg10[%swap3A_155] {strides = array<i32>} : memref<1024xf32, #tpu.memory_space<vmem>>, vector<16xf32>,
      %swap3A_157 = vector.shape_cast %swap3A_156 : vector<16xf32> to vector<16xf32>
      %swap3A_158 = vector.shape_cast %mul3A_154 : vector<16xf32> to vector<16xf32>
      tpu.vector_store %arg10[%swap3A_155], %swap3A_158 {strides = array<i32>} : memref<1024xf32, #tpu.memory_space<vmem>>, vector<16xf32>,
      %get3A_159 = arith.constant 0 : i32
      %get3A_160 = arith.constant 1 : i32
      %get3A_161 = arith.index_cast %get3A_159 : i32 to index
      %get3A_162 = arith.index_cast %get3A_160 : i32 to index
      %get3A_163 = arith.constant 32 : index
      %get3A_164 = tpu.vector_load %arg8[%get3A_161, %get3A_162, %get3A_163] {strides = array<i32>} : memref<32x8x128xf32, #tpu.memory_space<vmem>>, vector<1x1x16xf32>,
      %get3A_165 = vector.shape_cast %get3A_164 : vector<1x1x16xf32> to vector<16xf32>
      %mul3A_166 = arith.mulf %get3A_39, %get3A_165 : vector<16xf32>
      %swap3A_167 = arith.constant 160 : index
      %swap3A_168 = tpu.vector_load %arg10[%swap3A_167] {strides = array<i32>} : memref<1024xf32, #tpu.memory_space<vmem>>, vector<16xf32>,
      %swap3A_169 = vector.shape_cast %swap3A_168 : vector<16xf32> to vector<16xf32>
      %swap3A_170 = vector.shape_cast %mul3A_166 : vector<16xf32> to vector<16xf32>
      tpu.vector_store %arg10[%swap3A_167], %swap3A_170 {strides = array<i32>} : memref<1024xf32, #tpu.memory_space<vmem>>, vector<16xf32>,
      %get3A_171 = arith.constant 0 : i32
      %get3A_172 = arith.constant 1 : i32
      %get3A_173 = arith.index_cast %get3A_171 : i32 to index
      %get3A_174 = arith.index_cast %get3A_172 : i32 to index
      %get3A_175 = arith.constant 48 : index
      %get3A_176 = tpu.vector_load %arg8[%get3A_173, %get3A_174, %get3A_175] {strides = array<i32>} : memref<32x8x128xf32, #tpu.memory_space<vmem>>, vector<1x1x16xf32>,
      %get3A_177 = vector.shape_cast %get3A_176 : vector<1x1x16xf32> to vector<16xf32>
      %mul3A_178 = arith.mulf %get3A_39, %get3A_177 : vector<16xf32>
      %swap3A_179 = arith.constant 176 : index
      %swap3A_180 = tpu.vector_load %arg10[%swap3A_179] {strides = array<i32>} : memref<1024xf32, #tpu.memory_space<vmem>>, vector<16xf32>,
      %swap3A_181 = vector.shape_cast %swap3A_180 : vector<16xf32> to vector<16xf32>
      %swap3A_182 = vector.shape_cast %mul3A_178 : vector<16xf32> to vector<16xf32>
      tpu.vector_store %arg10[%swap3A_179], %swap3A_182 {strides = array<i32>} : memref<1024xf32, #tpu.memory_space<vmem>>, vector<16xf32>,
      %get3A_183 = arith.constant 0 : i32
      %get3A_184 = arith.constant 1 : i32
      %get3A_185 = arith.index_cast %get3A_183 : i32 to index
      %get3A_186 = arith.index_cast %get3A_184 : i32 to index
      %get3A_187 = arith.constant 64 : index
      %get3A_188 = tpu.vector_load %arg8[%get3A_185, %get3A_186, %get3A_187] {strides = array<i32>} : memref<32x8x128xf32, #tpu.memory_space<vmem>>, vector<1x1x16xf32>,
      %get3A_189 = vector.shape_cast %get3A_188 : vector<1x1x16xf32> to vector<16xf32>
      %mul3A_190 = arith.mulf %get3A_39, %get3A_189 : vector<16xf32>
      %swap3A_191 = arith.constant 192 : index
      %swap3A_192 = tpu.vector_load %arg10[%swap3A_191] {strides = array<i32>} : memref<1024xf32, #tpu.memory_space<vmem>>, vector<16xf32>,
      %swap3A_193 = vector.shape_cast %swap3A_192 : vector<16xf32> to vector<16xf32>
      %swap3A_194 = vector.shape_cast %mul3A_190 : vector<16xf32> to vector<16xf32>
      tpu.vector_store %arg10[%swap3A_191], %swap3A_194 {strides = array<i32>} : memref<1024xf32, #tpu.memory_space<vmem>>, vector<16xf32>,
      %get3A_195 = arith.constant 0 : i32
      %get3A_196 = arith.constant 1 : i32
      %get3A_197 = arith.index_cast %get3A_195 : i32 to index
      %get3A_198 = arith.index_cast %get3A_196 : i32 to index
      %get3A_199 = arith.constant 80 : index
      %get3A_200 = tpu.vector_load %arg8[%get3A_197, %get3A_198, %get3A_199] {strides = array<i32>} : memref<32x8x128xf32, #tpu.memory_space<vmem>>, vector<1x1x16xf32>,
      %get3A_201 = vector.shape_cast %get3A_200 : vector<1x1x16xf32> to vector<16xf32>
      %mul3A_202 = arith.mulf %get3A_39, %get3A_201 : vector<16xf32>
      %swap3A_203 = arith.constant 208 : index
      %swap3A_204 = tpu.vector_load %arg10[%swap3A_203] {strides = array<i32>} : memref<1024xf32, #tpu.memory_space<vmem>>, vector<16xf32>,
      %swap3A_205 = vector.shape_cast %swap3A_204 : vector<16xf32> to vector<16xf32>
      %swap3A_206 = vector.shape_cast %mul3A_202 : vector<16xf32> to vector<16xf32>
      tpu.vector_store %arg10[%swap3A_203], %swap3A_206 {strides = array<i32>} : memref<1024xf32, #tpu.memory_space<vmem>>, vector<16xf32>,
      %get3A_207 = arith.constant 0 : i32
      %get3A_208 = arith.constant 1 : i32
      %get3A_209 = arith.index_cast %get3A_207 : i32 to index
      %get3A_210 = arith.index_cast %get3A_208 : i32 to index
      %get3A_211 = arith.constant 96 : index
      %get3A_212 = tpu.vector_load %arg8[%get3A_209, %get3A_210, %get3A_211] {strides = array<i32>} : memref<32x8x128xf32, #tpu.memory_space<vmem>>, vector<1x1x16xf32>,
      %get3A_213 = vector.shape_cast %get3A_212 : vector<1x1x16xf32> to vector<16xf32>
      %mul3A_214 = arith.mulf %get3A_39, %get3A_213 : vector<16xf32>
      %swap3A_215 = arith.constant 224 : index
      %swap3A_216 = tpu.vector_load %arg10[%swap3A_215] {strides = array<i32>} : memref<1024xf32, #tpu.memory_space<vmem>>, vector<16xf32>,
      %swap3A_217 = vector.shape_cast %swap3A_216 : vector<16xf32> to vector<16xf32>
      %swap3A_218 = vector.shape_cast %mul3A_214 : vector<16xf32> to vector<16xf32>
      tpu.vector_store %arg10[%swap3A_215], %swap3A_218 {strides = array<i32>} : memref<1024xf32, #tpu.memory_space<vmem>>, vector<16xf32>,
      %get3A_219 = arith.constant 0 : i32
      %get3A_220 = arith.constant 1 : i32
      %get3A_221 = arith.index_cast %get3A_219 : i32 to index
      %get3A_222 = arith.index_cast %get3A_220 : i32 to index
      %get3A_223 = arith.constant 112 : index
      %get3A_224 = tpu.vector_load %arg8[%get3A_221, %get3A_222, %get3A_223] {strides = array<i32>} : memref<32x8x128xf32, #tpu.memory_space<vmem>>, vector<1x1x16xf32>,
      %get3A_225 = vector.shape_cast %get3A_224 : vector<1x1x16xf32> to vector<16xf32>
      %mul3A_226 = arith.mulf %get3A_39, %get3A_225 : vector<16xf32>
      %swap3A_227 = arith.constant 240 : index
      %swap3A_228 = tpu.vector_load %arg10[%swap3A_227] {strides = array<i32>} : memref<1024xf32, #tpu.memory_space<vmem>>, vector<16xf32>,
      %swap3A_229 = vector.shape_cast %swap3A_228 : vector<16xf32> to vector<16xf32>
      %swap3A_230 = vector.shape_cast %mul3A_226 : vector<16xf32> to vector<16xf32>
      tpu.vector_store %arg10[%swap3A_227], %swap3A_230 {strides = array<i32>} : memref<1024xf32, #tpu.memory_space<vmem>>, vector<16xf32>,
      %get3A_231 = arith.constant 0 : i32
      %get3A_232 = arith.constant 2 : i32
      %get3A_233 = arith.index_cast %get3A_231 : i32 to index
      %get3A_234 = arith.index_cast %get3A_232 : i32 to index
      %get3A_235 = arith.constant 0 : index
      %get3A_236 = tpu.vector_load %arg8[%get3A_233, %get3A_234, %get3A_235] {strides = array<i32>} : memref<32x8x128xf32, #tpu.memory_space<vmem>>, vector<1x1x16xf32>,
      %get3A_237 = vector.shape_cast %get3A_236 : vector<1x1x16xf32> to vector<16xf32>
      %mul3A_238 = arith.mulf %get3A_39, %get3A_237 : vector<16xf32>
      %swap3A_239 = arith.constant 256 : index
      %swap3A_240 = tpu.vector_load %arg10[%swap3A_239] {strides = array<i32>} : memref<1024xf32, #tpu.memory_space<vmem>>, vector<16xf32>,
      %swap3A_241 = vector.shape_cast %swap3A_240 : vector<16xf32> to vector<16xf32>
      %swap3A_242 = vector.shape_cast %mul3A_238 : vector<16xf32> to vector<16xf32>
      tpu.vector_store %arg10[%swap3A_239], %swap3A_242 {strides = array<i32>} : memref<1024xf32, #tpu.memory_space<vmem>>, vector<16xf32>,
      %get3A_243 = arith.constant 0 : i32
      %get3A_244 = arith.constant 2 : i32
      %get3A_245 = arith.index_cast %get3A_243 : i32 to index
      %get3A_246 = arith.index_cast %get3A_244 : i32 to index
      %get3A_247 = arith.constant 16 : index
      %get3A_248 = tpu.vector_load %arg8[%get3A_245, %get3A_246, %get3A_247] {strides = array<i32>} : memref<32x8x128xf32, #tpu.memory_space<vmem>>, vector<1x1x16xf32>,
      %get3A_249 = vector.shape_cast %get3A_248 : vector<1x1x16xf32> to vector<16xf32>
      %mul3A_250 = arith.mulf %get3A_39, %get3A_249 : vector<16xf32>
      %swap3A_251 = arith.constant 272 : index
      %swap3A_252 = tpu.vector_load %arg10[%swap3A_251] {strides = array<i32>} : memref<1024xf32, #tpu.memory_space<vmem>>, vector<16xf32>,
      %swap3A_253 = vector.shape_cast %swap3A_252 : vector<16xf32> to vector<16xf32>
      %swap3A_254 = vector.shape_cast %mul3A_250 : vector<16xf32> to vector<16xf32>
      tpu.vector_store %arg10[%swap3A_251], %swap3A_254 {strides = array<i32>} : memref<1024xf32, #tpu.memory_space<vmem>>, vector<16xf32>,
      %get3A_255 = arith.constant 0 : i32
      %get3A_256 = arith.constant 2 : i32
      %get3A_257 = arith.index_cast %get3A_255 : i32 to index
      %get3A_258 = arith.index_cast %get3A_256 : i32 to index
      %get3A_259 = arith.constant 32 : index
      %get3A_260 = tpu.vector_load %arg8[%get3A_257, %get3A_258, %get3A_259] {strides = array<i32>} : memref<32x8x128xf32, #tpu.memory_space<vmem>>, vector<1x1x16xf32>,
      %get3A_261 = vector.shape_cast %get3A_260 : vector<1x1x16xf32> to vector<16xf32>
      %mul3A_262 = arith.mulf %get3A_39, %get3A_261 : vector<16xf32>
      %swap3A_263 = arith.constant 288 : index
      %swap3A_264 = tpu.vector_load %arg10[%swap3A_263] {strides = array<i32>} : memref<1024xf32, #tpu.memory_space<vmem>>, vector<16xf32>,
      %swap3A_265 = vector.shape_cast %swap3A_264 : vector<16xf32> to vector<16xf32>
      %swap3A_266 = vector.shape_cast %mul3A_262 : vector<16xf32> to vector<16xf32>
      tpu.vector_store %arg10[%swap3A_263], %swap3A_266 {strides = array<i32>} : memref<1024xf32, #tpu.memory_space<vmem>>, vector<16xf32>,
      %get3A_267 = arith.constant 0 : i32
      %get3A_268 = arith.constant 2 : i32
      %get3A_269 = arith.index_cast %get3A_267 : i32 to index
      %get3A_270 = arith.index_cast %get3A_268 : i32 to index
      %get3A_271 = arith.constant 48 : index
      %get3A_272 = tpu.vector_load %arg8[%get3A_269, %get3A_270, %get3A_271] {strides = array<i32>} : memref<32x8x128xf32, #tpu.memory_space<vmem>>, vector<1x1x16xf32>,
      %get3A_273 = vector.shape_cast %get3A_272 : vector<1x1x16xf32> to vector<16xf32>
      %mul3A_274 = arith.mulf %get3A_39, %get3A_273 : vector<16xf32>
      %swap3A_275 = arith.constant 304 : index
      %swap3A_276 = tpu.vector_load %arg10[%swap3A_275] {strides = array<i32>} : memref<1024xf32, #tpu.memory_space<vmem>>, vector<16xf32>,
      %swap3A_277 = vector.shape_cast %swap3A_276 : vector<16xf32> to vector<16xf32>
      %swap3A_278 = vector.shape_cast %mul3A_274 : vector<16xf32> to vector<16xf32>
      tpu.vector_store %arg10[%swap3A_275], %swap3A_278 {strides = array<i32>} : memref<1024xf32, #tpu.memory_space<vmem>>, vector<16xf32>,
      %get3A_279 = arith.constant 0 : i32
      %get3A_280 = arith.constant 2 : i32
      %get3A_281 = arith.index_cast %get3A_279 : i32 to index
      %get3A_282 = arith.index_cast %get3A_280 : i32 to index
      %get3A_283 = arith.constant 64 : index
      %get3A_284 = tpu.vector_load %arg8[%get3A_281, %get3A_282, %get3A_283] {strides = array<i32>} : memref<32x8x128xf32, #tpu.memory_space<vmem>>, vector<1x1x16xf32>,
      %get3A_285 = vector.shape_cast %get3A_284 : vector<1x1x16xf32> to vector<16xf32>
      %mul3A_286 = arith.mulf %get3A_39, %get3A_285 : vector<16xf32>
      %swap3A_287 = arith.constant 320 : index
      %swap3A_288 = tpu.vector_load %arg10[%swap3A_287] {strides = array<i32>} : memref<1024xf32, #tpu.memory_space<vmem>>, vector<16xf32>,
      %swap3A_289 = vector.shape_cast %swap3A_288 : vector<16xf32> to vector<16xf32>
      %swap3A_290 = vector.shape_cast %mul3A_286 : vector<16xf32> to vector<16xf32>
      tpu.vector_store %arg10[%swap3A_287], %swap3A_290 {strides = array<i32>} : memref<1024xf32, #tpu.memory_space<vmem>>, vector<16xf32>,
      %get3A_291 = arith.constant 0 : i32
      %get3A_292 = arith.constant 2 : i32
      %get3A_293 = arith.index_cast %get3A_291 : i32 to index
      %get3A_294 = arith.index_cast %get3A_292 : i32 to index
      %get3A_295 = arith.constant 80 : index
      %get3A_296 = tpu.vector_load %arg8[%get3A_293, %get3A_294, %get3A_295] {strides = array<i32>} : memref<32x8x128xf32, #tpu.memory_space<vmem>>, vector<1x1x16xf32>,
      %get3A_297 = vector.shape_cast %get3A_296 : vector<1x1x16xf32> to vector<16xf32>
      %mul3A_298 = arith.mulf %get3A_39, %get3A_297 : vector<16xf32>
      %swap3A_299 = arith.constant 336 : index
      %swap3A_300 = tpu.vector_load %arg10[%swap3A_299] {strides = array<i32>} : memref<1024xf32, #tpu.memory_space<vmem>>, vector<16xf32>,
      %swap3A_301 = vector.shape_cast %swap3A_300 : vector<16xf32> to vector<16xf32>
      %swap3A_302 = vector.shape_cast %mul3A_298 : vector<16xf32> to vector<16xf32>
      tpu.vector_store %arg10[%swap3A_299], %swap3A_302 {strides = array<i32>} : memref<1024xf32, #tpu.memory_space<vmem>>, vector<16xf32>,
      %get3A_303 = arith.constant 0 : i32
      %get3A_304 = arith.constant 2 : i32
      %get3A_305 = arith.index_cast %get3A_303 : i32 to index
      %get3A_306 = arith.index_cast %get3A_304 : i32 to index
      %get3A_307 = arith.constant 96 : index
      %get3A_308 = tpu.vector_load %arg8[%get3A_305, %get3A_306, %get3A_307] {strides = array<i32>} : memref<32x8x128xf32, #tpu.memory_space<vmem>>, vector<1x1x16xf32>,
      %get3A_309 = vector.shape_cast %get3A_308 : vector<1x1x16xf32> to vector<16xf32>
      %mul3A_310 = arith.mulf %get3A_39, %get3A_309 : vector<16xf32>
      %swap3A_311 = arith.constant 352 : index
      %swap3A_312 = tpu.vector_load %arg10[%swap3A_311] {strides = array<i32>} : memref<1024xf32, #tpu.memory_space<vmem>>, vector<16xf32>,
      %swap3A_313 = vector.shape_cast %swap3A_312 : vector<16xf32> to vector<16xf32>
      %swap3A_314 = vector.shape_cast %mul3A_310 : vector<16xf32> to vector<16xf32>
      tpu.vector_store %arg10[%swap3A_311], %swap3A_314 {strides = array<i32>} : memref<1024xf32, #tpu.memory_space<vmem>>, vector<16xf32>,
      %get3A_315 = arith.constant 0 : i32
      %get3A_316 = arith.constant 2 : i32
      %get3A_317 = arith.index_cast %get3A_315 : i32 to index
      %get3A_318 = arith.index_cast %get3A_316 : i32 to index
      %get3A_319 = arith.constant 112 : index
      %get3A_320 = tpu.vector_load %arg8[%get3A_317, %get3A_318, %get3A_319] {strides = array<i32>} : memref<32x8x128xf32, #tpu.memory_space<vmem>>, vector<1x1x16xf32>,
      %get3A_321 = vector.shape_cast %get3A_320 : vector<1x1x16xf32> to vector<16xf32>
      %mul3A_322 = arith.mulf %get3A_39, %get3A_321 : vector<16xf32>
      %swap3A_323 = arith.constant 368 : index
      %swap3A_324 = tpu.vector_load %arg10[%swap3A_323] {strides = array<i32>} : memref<1024xf32, #tpu.memory_space<vmem>>, vector<16xf32>,
      %swap3A_325 = vector.shape_cast %swap3A_324 : vector<16xf32> to vector<16xf32>
      %swap3A_326 = vector.shape_cast %mul3A_322 : vector<16xf32> to vector<16xf32>
      tpu.vector_store %arg10[%swap3A_323], %swap3A_326 {strides = array<i32>} : memref<1024xf32, #tpu.memory_space<vmem>>, vector<16xf32>,
      %get3A_327 = arith.constant 0 : i32
      %get3A_328 = arith.constant 3 : i32
      %get3A_329 = arith.index_cast %get3A_327 : i32 to index
      %get3A_330 = arith.index_cast %get3A_328 : i32 to index
      %get3A_331 = arith.constant 0 : index
      %get3A_332 = tpu.vector_load %arg8[%get3A_329, %get3A_330, %get3A_331] {strides = array<i32>} : memref<32x8x128xf32, #tpu.memory_space<vmem>>, vector<1x1x16xf32>,
      %get3A_333 = vector.shape_cast %get3A_332 : vector<1x1x16xf32> to vector<16xf32>
      %mul3A_334 = arith.mulf %get3A_39, %get3A_333 : vector<16xf32>
      %swap3A_335 = arith.constant 384 : index
      %swap3A_336 = tpu.vector_load %arg10[%swap3A_335] {strides = array<i32>} : memref<1024xf32, #tpu.memory_space<vmem>>, vector<16xf32>,
      %swap3A_337 = vector.shape_cast %swap3A_336 : vector<16xf32> to vector<16xf32>
      %swap3A_338 = vector.shape_cast %mul3A_334 : vector<16xf32> to vector<16xf32>
      tpu.vector_store %arg10[%swap3A_335], %swap3A_338 {strides = array<i32>} : memref<1024xf32, #tpu.memory_space<vmem>>, vector<16xf32>,
      %get3A_339 = arith.constant 0 : i32
      %get3A_340 = arith.constant 3 : i32
      %get3A_341 = arith.index_cast %get3A_339 : i32 to index
      %get3A_342 = arith.index_cast %get3A_340 : i32 to index
      %get3A_343 = arith.constant 16 : index
      %get3A_344 = tpu.vector_load %arg8[%get3A_341, %get3A_342, %get3A_343] {strides = array<i32>} : memref<32x8x128xf32, #tpu.memory_space<vmem>>, vector<1x1x16xf32>,
      %get3A_345 = vector.shape_cast %get3A_344 : vector<1x1x16xf32> to vector<16xf32>
      %mul3A_346 = arith.mulf %get3A_39, %get3A_345 : vector<16xf32>
      %swap3A_347 = arith.constant 400 : index
      %swap3A_348 = tpu.vector_load %arg10[%swap3A_347] {strides = array<i32>} : memref<1024xf32, #tpu.memory_space<vmem>>, vector<16xf32>,
      %swap3A_349 = vector.shape_cast %swap3A_348 : vector<16xf32> to vector<16xf32>
      %swap3A_350 = vector.shape_cast %mul3A_346 : vector<16xf32> to vector<16xf32>
      tpu.vector_store %arg10[%swap3A_347], %swap3A_350 {strides = array<i32>} : memref<1024xf32, #tpu.memory_space<vmem>>, vector<16xf32>,
      %get3A_351 = arith.constant 0 : i32
      %get3A_352 = arith.constant 3 : i32
      %get3A_353 = arith.index_cast %get3A_351 : i32 to index
      %get3A_354 = arith.index_cast %get3A_352 : i32 to index
      %get3A_355 = arith.constant 32 : index
      %get3A_356 = tpu.vector_load %arg8[%get3A_353, %get3A_354, %get3A_355] {strides = array<i32>} : memref<32x8x128xf32, #tpu.memory_space<vmem>>, vector<1x1x16xf32>,
      %get3A_357 = vector.shape_cast %get3A_356 : vector<1x1x16xf32> to vector<16xf32>
      %mul3A_358 = arith.mulf %get3A_39, %get3A_357 : vector<16xf32>
      %swap3A_359 = arith.constant 416 : index
      %swap3A_360 = tpu.vector_load %arg10[%swap3A_359] {strides = array<i32>} : memref<1024xf32, #tpu.memory_space<vmem>>, vector<16xf32>,
      %swap3A_361 = vector.shape_cast %swap3A_360 : vector<16xf32> to vector<16xf32>
      %swap3A_362 = vector.shape_cast %mul3A_358 : vector<16xf32> to vector<16xf32>
      tpu.vector_store %arg10[%swap3A_359], %swap3A_362 {strides = array<i32>} : memref<1024xf32, #tpu.memory_space<vmem>>, vector<16xf32>,
      %get3A_363 = arith.constant 0 : i32
      %get3A_364 = arith.constant 3 : i32
      %get3A_365 = arith.index_cast %get3A_363 : i32 to index
      %get3A_366 = arith.index_cast %get3A_364 : i32 to index
      %get3A_367 = arith.constant 48 : index
      %get3A_368 = tpu.vector_load %arg8[%get3A_365, %get3A_366, %get3A_367] {strides = array<i32>} : memref<32x8x128xf32, #tpu.memory_space<vmem>>, vector<1x1x16xf32>,
      %get3A_369 = vector.shape_cast %get3A_368 : vector<1x1x16xf32> to vector<16xf32>
      %mul3A_370 = arith.mulf %get3A_39, %get3A_369 : vector<16xf32>
      %swap3A_371 = arith.constant 432 : index
      %swap3A_372 = tpu.vector_load %arg10[%swap3A_371] {strides = array<i32>} : memref<1024xf32, #tpu.memory_space<vmem>>, vector<16xf32>,
      %swap3A_373 = vector.shape_cast %swap3A_372 : vector<16xf32> to vector<16xf32>
      %swap3A_374 = vector.shape_cast %mul3A_370 : vector<16xf32> to vector<16xf32>
      tpu.vector_store %arg10[%swap3A_371], %swap3A_374 {strides = array<i32>} : memref<1024xf32, #tpu.memory_space<vmem>>, vector<16xf32>,
      %get3A_375 = arith.constant 0 : i32
      %get3A_376 = arith.constant 3 : i32
      %get3A_377 = arith.index_cast %get3A_375 : i32 to index
      %get3A_378 = arith.index_cast %get3A_376 : i32 to index
      %get3A_379 = arith.constant 64 : index
      %get3A_380 = tpu.vector_load %arg8[%get3A_377, %get3A_378, %get3A_379] {strides = array<i32>} : memref<32x8x128xf32, #tpu.memory_space<vmem>>, vector<1x1x16xf32>,
      %get3A_381 = vector.shape_cast %get3A_380 : vector<1x1x16xf32> to vector<16xf32>
      %mul3A_382 = arith.mulf %get3A_39, %get3A_381 : vector<16xf32>
      %swap3A_383 = arith.constant 448 : index
      %swap3A_384 = tpu.vector_load %arg10[%swap3A_383] {strides = array<i32>} : memref<1024xf32, #tpu.memory_space<vmem>>, vector<16xf32>,
      %swap3A_385 = vector.shape_cast %swap3A_384 : vector<16xf32> to vector<16xf32>
      %swap3A_386 = vector.shape_cast %mul3A_382 : vector<16xf32> to vector<16xf32>
      tpu.vector_store %arg10[%swap3A_383], %swap3A_386 {strides = array<i32>} : memref<1024xf32, #tpu.memory_space<vmem>>, vector<16xf32>,
      %get3A_387 = arith.constant 0 : i32
      %get3A_388 = arith.constant 3 : i32
      %get3A_389 = arith.index_cast %get3A_387 : i32 to index
      %get3A_390 = arith.index_cast %get3A_388 : i32 to index
      %get3A_391 = arith.constant 80 : index
      %get3A_392 = tpu.vector_load %arg8[%get3A_389, %get3A_390, %get3A_391] {strides = array<i32>} : memref<32x8x128xf32, #tpu.memory_space<vmem>>, vector<1x1x16xf32>,
      %get3A_393 = vector.shape_cast %get3A_392 : vector<1x1x16xf32> to vector<16xf32>
      %mul3A_394 = arith.mulf %get3A_39, %get3A_393 : vector<16xf32>
      %swap3A_395 = arith.constant 464 : index
      %swap3A_396 = tpu.vector_load %arg10[%swap3A_395] {strides = array<i32>} : memref<1024xf32, #tpu.memory_space<vmem>>, vector<16xf32>,
      %swap3A_397 = vector.shape_cast %swap3A_396 : vector<16xf32> to vector<16xf32>
      %swap3A_398 = vector.shape_cast %mul3A_394 : vector<16xf32> to vector<16xf32>
      tpu.vector_store %arg10[%swap3A_395], %swap3A_398 {strides = array<i32>} : memref<1024xf32, #tpu.memory_space<vmem>>, vector<16xf32>,
      %get3A_399 = arith.constant 0 : i32
      %get3A_400 = arith.constant 3 : i32
      %get3A_401 = arith.index_cast %get3A_399 : i32 to index
      %get3A_402 = arith.index_cast %get3A_400 : i32 to index
      %get3A_403 = arith.constant 96 : index
      %get3A_404 = tpu.vector_load %arg8[%get3A_401, %get3A_402, %get3A_403] {strides = array<i32>} : memref<32x8x128xf32, #tpu.memory_space<vmem>>, vector<1x1x16xf32>,
      %get3A_405 = vector.shape_cast %get3A_404 : vector<1x1x16xf32> to vector<16xf32>
      %mul3A_406 = arith.mulf %get3A_39, %get3A_405 : vector<16xf32>
      %swap3A_407 = arith.constant 480 : index
      %swap3A_408 = tpu.vector_load %arg10[%swap3A_407] {strides = array<i32>} : memref<1024xf32, #tpu.memory_space<vmem>>, vector<16xf32>,
      %swap3A_409 = vector.shape_cast %swap3A_408 : vector<16xf32> to vector<16xf32>
      %swap3A_410 = vector.shape_cast %mul3A_406 : vector<16xf32> to vector<16xf32>
      tpu.vector_store %arg10[%swap3A_407], %swap3A_410 {strides = array<i32>} : memref<1024xf32, #tpu.memory_space<vmem>>, vector<16xf32>,
      %get3A_411 = arith.constant 0 : i32
      %get3A_412 = arith.constant 3 : i32
      %get3A_413 = arith.index_cast %get3A_411 : i32 to index
      %get3A_414 = arith.index_cast %get3A_412 : i32 to index
      %get3A_415 = arith.constant 112 : index
      %get3A_416 = tpu.vector_load %arg8[%get3A_413, %get3A_414, %get3A_415] {strides = array<i32>} : memref<32x8x128xf32, #tpu.memory_space<vmem>>, vector<1x1x16xf32>,
      %get3A_417 = vector.shape_cast %get3A_416 : vector<1x1x16xf32> to vector<16xf32>
      %mul3A_418 = arith.mulf %get3A_39, %get3A_417 : vector<16xf32>
      %swap3A_419 = arith.constant 496 : index
      %swap3A_420 = tpu.vector_load %arg10[%swap3A_419] {strides = array<i32>} : memref<1024xf32, #tpu.memory_space<vmem>>, vector<16xf32>,
      %swap3A_421 = vector.shape_cast %swap3A_420 : vector<16xf32> to vector<16xf32>
      %swap3A_422 = vector.shape_cast %mul3A_418 : vector<16xf32> to vector<16xf32>
      tpu.vector_store %arg10[%swap3A_419], %swap3A_422 {strides = array<i32>} : memref<1024xf32, #tpu.memory_space<vmem>>, vector<16xf32>,
      %get3A_423 = arith.constant 0 : i32
      %get3A_424 = arith.constant 4 : i32
      %get3A_425 = arith.index_cast %get3A_423 : i32 to index
      %get3A_426 = arith.index_cast %get3A_424 : i32 to index
      %get3A_427 = arith.constant 0 : index
      %get3A_428 = tpu.vector_load %arg8[%get3A_425, %get3A_426, %get3A_427] {strides = array<i32>} : memref<32x8x128xf32, #tpu.memory_space<vmem>>, vector<1x1x16xf32>,
      %get3A_429 = vector.shape_cast %get3A_428 : vector<1x1x16xf32> to vector<16xf32>
      %mul3A_430 = arith.mulf %get3A_39, %get3A_429 : vector<16xf32>
      %swap3A_431 = arith.constant 512 : index
      %swap3A_432 = tpu.vector_load %arg10[%swap3A_431] {strides = array<i32>} : memref<1024xf32, #tpu.memory_space<vmem>>, vector<16xf32>,
      %swap3A_433 = vector.shape_cast %swap3A_432 : vector<16xf32> to vector<16xf32>
      %swap3A_434 = vector.shape_cast %mul3A_430 : vector<16xf32> to vector<16xf32>
      tpu.vector_store %arg10[%swap3A_431], %swap3A_434 {strides = array<i32>} : memref<1024xf32, #tpu.memory_space<vmem>>, vector<16xf32>,
      %get3A_435 = arith.constant 0 : i32
      %get3A_436 = arith.constant 4 : i32
      %get3A_437 = arith.index_cast %get3A_435 : i32 to index
      %get3A_438 = arith.index_cast %get3A_436 : i32 to index
      %get3A_439 = arith.constant 16 : index
      %get3A_440 = tpu.vector_load %arg8[%get3A_437, %get3A_438, %get3A_439] {strides = array<i32>} : memref<32x8x128xf32, #tpu.memory_space<vmem>>, vector<1x1x16xf32>,
      %get3A_441 = vector.shape_cast %get3A_440 : vector<1x1x16xf32> to vector<16xf32>
      %mul3A_442 = arith.mulf %get3A_39, %get3A_441 : vector<16xf32>
      %swap3A_443 = arith.constant 528 : index
      %swap3A_444 = tpu.vector_load %arg10[%swap3A_443] {strides = array<i32>} : memref<1024xf32, #tpu.memory_space<vmem>>, vector<16xf32>,
      %swap3A_445 = vector.shape_cast %swap3A_444 : vector<16xf32> to vector<16xf32>
      %swap3A_446 = vector.shape_cast %mul3A_442 : vector<16xf32> to vector<16xf32>
      tpu.vector_store %arg10[%swap3A_443], %swap3A_446 {strides = array<i32>} : memref<1024xf32, #tpu.memory_space<vmem>>, vector<16xf32>,
      %get3A_447 = arith.constant 0 : i32
      %get3A_448 = arith.constant 4 : i32
      %get3A_449 = arith.index_cast %get3A_447 : i32 to index
      %get3A_450 = arith.index_cast %get3A_448 : i32 to index
      %get3A_451 = arith.constant 32 : index
      %get3A_452 = tpu.vector_load %arg8[%get3A_449, %get3A_450, %get3A_451] {strides = array<i32>} : memref<32x8x128xf32, #tpu.memory_space<vmem>>, vector<1x1x16xf32>,
      %get3A_453 = vector.shape_cast %get3A_452 : vector<1x1x16xf32> to vector<16xf32>
      %mul3A_454 = arith.mulf %get3A_39, %get3A_453 : vector<16xf32>
      %swap3A_455 = arith.constant 544 : index
      %swap3A_456 = tpu.vector_load %arg10[%swap3A_455] {strides = array<i32>} : memref<1024xf32, #tpu.memory_space<vmem>>, vector<16xf32>,
      %swap3A_457 = vector.shape_cast %swap3A_456 : vector<16xf32> to vector<16xf32>
      %swap3A_458 = vector.shape_cast %mul3A_454 : vector<16xf32> to vector<16xf32>
      tpu.vector_store %arg10[%swap3A_455], %swap3A_458 {strides = array<i32>} : memref<1024xf32, #tpu.memory_space<vmem>>, vector<16xf32>,
      %get3A_459 = arith.constant 0 : i32
      %get3A_460 = arith.constant 4 : i32
      %get3A_461 = arith.index_cast %get3A_459 : i32 to index
      %get3A_462 = arith.index_cast %get3A_460 : i32 to index
      %get3A_463 = arith.constant 48 : index
      %get3A_464 = tpu.vector_load %arg8[%get3A_461, %get3A_462, %get3A_463] {strides = array<i32>} : memref<32x8x128xf32, #tpu.memory_space<vmem>>, vector<1x1x16xf32>,
      %get3A_465 = vector.shape_cast %get3A_464 : vector<1x1x16xf32> to vector<16xf32>
      %mul3A_466 = arith.mulf %get3A_39, %get3A_465 : vector<16xf32>
      %swap3A_467 = arith.constant 560 : index
      %swap3A_468 = tpu.vector_load %arg10[%swap3A_467] {strides = array<i32>} : memref<1024xf32, #tpu.memory_space<vmem>>, vector<16xf32>,
      %swap3A_469 = vector.shape_cast %swap3A_468 : vector<16xf32> to vector<16xf32>
      %swap3A_470 = vector.shape_cast %mul3A_466 : vector<16xf32> to vector<16xf32>
      tpu.vector_store %arg10[%swap3A_467], %swap3A_470 {strides = array<i32>} : memref<1024xf32, #tpu.memory_space<vmem>>, vector<16xf32>,
      %get3A_471 = arith.constant 0 : i32
      %get3A_472 = arith.constant 4 : i32
      %get3A_473 = arith.index_cast %get3A_471 : i32 to index
      %get3A_474 = arith.index_cast %get3A_472 : i32 to index
      %get3A_475 = arith.constant 64 : index
      %get3A_476 = tpu.vector_load %arg8[%get3A_473, %get3A_474, %get3A_475] {strides = array<i32>} : memref<32x8x128xf32, #tpu.memory_space<vmem>>, vector<1x1x16xf32>,
      %get3A_477 = vector.shape_cast %get3A_476 : vector<1x1x16xf32> to vector<16xf32>
      %mul3A_478 = arith.mulf %get3A_39, %get3A_477 : vector<16xf32>
      %swap3A_479 = arith.constant 576 : index
      %swap3A_480 = tpu.vector_load %arg10[%swap3A_479] {strides = array<i32>} : memref<1024xf32, #tpu.memory_space<vmem>>, vector<16xf32>,
      %swap3A_481 = vector.shape_cast %swap3A_480 : vector<16xf32> to vector<16xf32>
      %swap3A_482 = vector.shape_cast %mul3A_478 : vector<16xf32> to vector<16xf32>
      tpu.vector_store %arg10[%swap3A_479], %swap3A_482 {strides = array<i32>} : memref<1024xf32, #tpu.memory_space<vmem>>, vector<16xf32>,
      %get3A_483 = arith.constant 0 : i32
      %get3A_484 = arith.constant 4 : i32
      %get3A_485 = arith.index_cast %get3A_483 : i32 to index
      %get3A_486 = arith.index_cast %get3A_484 : i32 to index
      %get3A_487 = arith.constant 80 : index
      %get3A_488 = tpu.vector_load %arg8[%get3A_485, %get3A_486, %get3A_487] {strides = array<i32>} : memref<32x8x128xf32, #tpu.memory_space<vmem>>, vector<1x1x16xf32>,
      %get3A_489 = vector.shape_cast %get3A_488 : vector<1x1x16xf32> to vector<16xf32>
      %mul3A_490 = arith.mulf %get3A_39, %get3A_489 : vector<16xf32>
      %swap3A_491 = arith.constant 592 : index
      %swap3A_492 = tpu.vector_load %arg10[%swap3A_491] {strides = array<i32>} : memref<1024xf32, #tpu.memory_space<vmem>>, vector<16xf32>,
      %swap3A_493 = vector.shape_cast %swap3A_492 : vector<16xf32> to vector<16xf32>
      %swap3A_494 = vector.shape_cast %mul3A_490 : vector<16xf32> to vector<16xf32>
      tpu.vector_store %arg10[%swap3A_491], %swap3A_494 {strides = array<i32>} : memref<1024xf32, #tpu.memory_space<vmem>>, vector<16xf32>,
      %get3A_495 = arith.constant 0 : i32
      %get3A_496 = arith.constant 4 : i32
      %get3A_497 = arith.index_cast %get3A_495 : i32 to index
      %get3A_498 = arith.index_cast %get3A_496 : i32 to index
      %get3A_499 = arith.constant 96 : index
      %get3A_500 = tpu.vector_load %arg8[%get3A_497, %get3A_498, %get3A_499] {strides = array<i32>} : memref<32x8x128xf32, #tpu.memory_space<vmem>>, vector<1x1x16xf32>,
      %get3A_501 = vector.shape_cast %get3A_500 : vector<1x1x16xf32> to vector<16xf32>
      %mul3A_502 = arith.mulf %get3A_39, %get3A_501 : vector<16xf32>
      %swap3A_503 = arith.constant 608 : index
      %swap3A_504 = tpu.vector_load %arg10[%swap3A_503] {strides = array<i32>} : memref<1024xf32, #tpu.memory_space<vmem>>, vector<16xf32>,
      %swap3A_505 = vector.shape_cast %swap3A_504 : vector<16xf32> to vector<16xf32>
      %swap3A_506 = vector.shape_cast %mul3A_502 : vector<16xf32> to vector<16xf32>
      tpu.vector_store %arg10[%swap3A_503], %swap3A_506 {strides = array<i32>} : memref<1024xf32, #tpu.memory_space<vmem>>, vector<16xf32>,
      %get3A_507 = arith.constant 0 : i32
      %get3A_508 = arith.constant 4 : i32
      %get3A_509 = arith.index_cast %get3A_507 : i32 to index
      %get3A_510 = arith.index_cast %get3A_508 : i32 to index
      %get3A_511 = arith.constant 112 : index
      %get3A_512 = tpu.vector_load %arg8[%get3A_509, %get3A_510, %get3A_511] {strides = array<i32>} : memref<32x8x128xf32, #tpu.memory_space<vmem>>, vector<1x1x16xf32>,
      %get3A_513 = vector.shape_cast %get3A_512 : vector<1x1x16xf32> to vector<16xf32>
      %mul3A_514 = arith.mulf %get3A_39, %get3A_513 : vector<16xf32>
      %swap3A_515 = arith.constant 624 : index
      %swap3A_516 = tpu.vector_load %arg10[%swap3A_515] {strides = array<i32>} : memref<1024xf32, #tpu.memory_space<vmem>>, vector<16xf32>,
      %swap3A_517 = vector.shape_cast %swap3A_516 : vector<16xf32> to vector<16xf32>
      %swap3A_518 = vector.shape_cast %mul3A_514 : vector<16xf32> to vector<16xf32>
      tpu.vector_store %arg10[%swap3A_515], %swap3A_518 {strides = array<i32>} : memref<1024xf32, #tpu.memory_space<vmem>>, vector<16xf32>,
      %get3A_519 = arith.constant 0 : i32
      %get3A_520 = arith.constant 5 : i32
      %get3A_521 = arith.index_cast %get3A_519 : i32 to index
      %get3A_522 = arith.index_cast %get3A_520 : i32 to index
      %get3A_523 = arith.constant 0 : index
      %get3A_524 = tpu.vector_load %arg8[%get3A_521, %get3A_522, %get3A_523] {strides = array<i32>} : memref<32x8x128xf32, #tpu.memory_space<vmem>>, vector<1x1x16xf32>,
      %get3A_525 = vector.shape_cast %get3A_524 : vector<1x1x16xf32> to vector<16xf32>
      %mul3A_526 = arith.mulf %get3A_39, %get3A_525 : vector<16xf32>
      %swap3A_527 = arith.constant 640 : index
      %swap3A_528 = tpu.vector_load %arg10[%swap3A_527] {strides = array<i32>} : memref<1024xf32, #tpu.memory_space<vmem>>, vector<16xf32>,
      %swap3A_529 = vector.shape_cast %swap3A_528 : vector<16xf32> to vector<16xf32>
      %swap3A_530 = vector.shape_cast %mul3A_526 : vector<16xf32> to vector<16xf32>
      tpu.vector_store %arg10[%swap3A_527], %swap3A_530 {strides = array<i32>} : memref<1024xf32, #tpu.memory_space<vmem>>, vector<16xf32>,
      %get3A_531 = arith.constant 0 : i32
      %get3A_532 = arith.constant 5 : i32
      %get3A_533 = arith.index_cast %get3A_531 : i32 to index
      %get3A_534 = arith.index_cast %get3A_532 : i32 to index
      %get3A_535 = arith.constant 16 : index
      %get3A_536 = tpu.vector_load %arg8[%get3A_533, %get3A_534, %get3A_535] {strides = array<i32>} : memref<32x8x128xf32, #tpu.memory_space<vmem>>, vector<1x1x16xf32>,
      %get3A_537 = vector.shape_cast %get3A_536 : vector<1x1x16xf32> to vector<16xf32>
      %mul3A_538 = arith.mulf %get3A_39, %get3A_537 : vector<16xf32>
      %swap3A_539 = arith.constant 656 : index
      %swap3A_540 = tpu.vector_load %arg10[%swap3A_539] {strides = array<i32>} : memref<1024xf32, #tpu.memory_space<vmem>>, vector<16xf32>,
      %swap3A_541 = vector.shape_cast %swap3A_540 : vector<16xf32> to vector<16xf32>
      %swap3A_542 = vector.shape_cast %mul3A_538 : vector<16xf32> to vector<16xf32>
      tpu.vector_store %arg10[%swap3A_539], %swap3A_542 {strides = array<i32>} : memref<1024xf32, #tpu.memory_space<vmem>>, vector<16xf32>,
      %get3A_543 = arith.constant 0 : i32
      %get3A_544 = arith.constant 5 : i32
      %get3A_545 = arith.index_cast %get3A_543 : i32 to index
      %get3A_546 = arith.index_cast %get3A_544 : i32 to index
      %get3A_547 = arith.constant 32 : index
      %get3A_548 = tpu.vector_load %arg8[%get3A_545, %get3A_546, %get3A_547] {strides = array<i32>} : memref<32x8x128xf32, #tpu.memory_space<vmem>>, vector<1x1x16xf32>,
      %get3A_549 = vector.shape_cast %get3A_548 : vector<1x1x16xf32> to vector<16xf32>
      %mul3A_550 = arith.mulf %get3A_39, %get3A_549 : vector<16xf32>
      %swap3A_551 = arith.constant 672 : index
      %swap3A_552 = tpu.vector_load %arg10[%swap3A_551] {strides = array<i32>} : memref<1024xf32, #tpu.memory_space<vmem>>, vector<16xf32>,
      %swap3A_553 = vector.shape_cast %swap3A_552 : vector<16xf32> to vector<16xf32>
      %swap3A_554 = vector.shape_cast %mul3A_550 : vector<16xf32> to vector<16xf32>
      tpu.vector_store %arg10[%swap3A_551], %swap3A_554 {strides = array<i32>} : memref<1024xf32, #tpu.memory_space<vmem>>, vector<16xf32>,
      %get3A_555 = arith.constant 0 : i32
      %get3A_556 = arith.constant 5 : i32
      %get3A_557 = arith.index_cast %get3A_555 : i32 to index
      %get3A_558 = arith.index_cast %get3A_556 : i32 to index
      %get3A_559 = arith.constant 48 : index
      %get3A_560 = tpu.vector_load %arg8[%get3A_557, %get3A_558, %get3A_559] {strides = array<i32>} : memref<32x8x128xf32, #tpu.memory_space<vmem>>, vector<1x1x16xf32>,
      %get3A_561 = vector.shape_cast %get3A_560 : vector<1x1x16xf32> to vector<16xf32>
      %mul3A_562 = arith.mulf %get3A_39, %get3A_561 : vector<16xf32>
      %swap3A_563 = arith.constant 688 : index
      %swap3A_564 = tpu.vector_load %arg10[%swap3A_563] {strides = array<i32>} : memref<1024xf32, #tpu.memory_space<vmem>>, vector<16xf32>,
      %swap3A_565 = vector.shape_cast %swap3A_564 : vector<16xf32> to vector<16xf32>
      %swap3A_566 = vector.shape_cast %mul3A_562 : vector<16xf32> to vector<16xf32>
      tpu.vector_store %arg10[%swap3A_563], %swap3A_566 {strides = array<i32>} : memref<1024xf32, #tpu.memory_space<vmem>>, vector<16xf32>,
      %get3A_567 = arith.constant 0 : i32
      %get3A_568 = arith.constant 5 : i32
      %get3A_569 = arith.index_cast %get3A_567 : i32 to index
      %get3A_570 = arith.index_cast %get3A_568 : i32 to index
      %get3A_571 = arith.constant 64 : index
      %get3A_572 = tpu.vector_load %arg8[%get3A_569, %get3A_570, %get3A_571] {strides = array<i32>} : memref<32x8x128xf32, #tpu.memory_space<vmem>>, vector<1x1x16xf32>,
      %get3A_573 = vector.shape_cast %get3A_572 : vector<1x1x16xf32> to vector<16xf32>
      %mul3A_574 = arith.mulf %get3A_39, %get3A_573 : vector<16xf32>
      %swap3A_575 = arith.constant 704 : index
      %swap3A_576 = tpu.vector_load %arg10[%swap3A_575] {strides = array<i32>} : memref<1024xf32, #tpu.memory_space<vmem>>, vector<16xf32>,
      %swap3A_577 = vector.shape_cast %swap3A_576 : vector<16xf32> to vector<16xf32>
      %swap3A_578 = vector.shape_cast %mul3A_574 : vector<16xf32> to vector<16xf32>
      tpu.vector_store %arg10[%swap3A_575], %swap3A_578 {strides = array<i32>} : memref<1024xf32, #tpu.memory_space<vmem>>, vector<16xf32>,
      %get3A_579 = arith.constant 0 : i32
      %get3A_580 = arith.constant 5 : i32
      %get3A_581 = arith.index_cast %get3A_579 : i32 to index
      %get3A_582 = arith.index_cast %get3A_580 : i32 to index
      %get3A_583 = arith.constant 80 : index
      %get3A_584 = tpu.vector_load %arg8[%get3A_581, %get3A_582, %get3A_583] {strides = array<i32>} : memref<32x8x128xf32, #tpu.memory_space<vmem>>, vector<1x1x16xf32>,
      %get3A_585 = vector.shape_cast %get3A_584 : vector<1x1x16xf32> to vector<16xf32>
      %mul3A_586 = arith.mulf %get3A_39, %get3A_585 : vector<16xf32>
      %swap3A_587 = arith.constant 720 : index
      %swap3A_588 = tpu.vector_load %arg10[%swap3A_587] {strides = array<i32>} : memref<1024xf32, #tpu.memory_space<vmem>>, vector<16xf32>,
      %swap3A_589 = vector.shape_cast %swap3A_588 : vector<16xf32> to vector<16xf32>
      %swap3A_590 = vector.shape_cast %mul3A_586 : vector<16xf32> to vector<16xf32>
      tpu.vector_store %arg10[%swap3A_587], %swap3A_590 {strides = array<i32>} : memref<1024xf32, #tpu.memory_space<vmem>>, vector<16xf32>,
      %get3A_591 = arith.constant 0 : i32
      %get3A_592 = arith.constant 5 : i32
      %get3A_593 = arith.index_cast %get3A_591 : i32 to index
      %get3A_594 = arith.index_cast %get3A_592 : i32 to index
      %get3A_595 = arith.constant 96 : index
      %get3A_596 = tpu.vector_load %arg8[%get3A_593, %get3A_594, %get3A_595] {strides = array<i32>} : memref<32x8x128xf32, #tpu.memory_space<vmem>>, vector<1x1x16xf32>,
      %get3A_597 = vector.shape_cast %get3A_596 : vector<1x1x16xf32> to vector<16xf32>
      %mul3A_598 = arith.mulf %get3A_39, %get3A_597 : vector<16xf32>
      %swap3A_599 = arith.constant 736 : index
      %swap3A_600 = tpu.vector_load %arg10[%swap3A_599] {strides = array<i32>} : memref<1024xf32, #tpu.memory_space<vmem>>, vector<16xf32>,
      %swap3A_601 = vector.shape_cast %swap3A_600 : vector<16xf32> to vector<16xf32>
      %swap3A_602 = vector.shape_cast %mul3A_598 : vector<16xf32> to vector<16xf32>
      tpu.vector_store %arg10[%swap3A_599], %swap3A_602 {strides = array<i32>} : memref<1024xf32, #tpu.memory_space<vmem>>, vector<16xf32>,
      %get3A_603 = arith.constant 0 : i32
      %get3A_604 = arith.constant 5 : i32
      %get3A_605 = arith.index_cast %get3A_603 : i32 to index
      %get3A_606 = arith.index_cast %get3A_604 : i32 to index
      %get3A_607 = arith.constant 112 : index
      %get3A_608 = tpu.vector_load %arg8[%get3A_605, %get3A_606, %get3A_607] {strides = array<i32>} : memref<32x8x128xf32, #tpu.memory_space<vmem>>, vector<1x1x16xf32>,
      %get3A_609 = vector.shape_cast %get3A_608 : vector<1x1x16xf32> to vector<16xf32>
      %mul3A_610 = arith.mulf %get3A_39, %get3A_609 : vector<16xf32>
      %swap3A_611 = arith.constant 752 : index
      %swap3A_612 = tpu.vector_load %arg10[%swap3A_611] {strides = array<i32>} : memref<1024xf32, #tpu.memory_space<vmem>>, vector<16xf32>,
      %swap3A_613 = vector.shape_cast %swap3A_612 : vector<16xf32> to vector<16xf32>
      %swap3A_614 = vector.shape_cast %mul3A_610 : vector<16xf32> to vector<16xf32>
      tpu.vector_store %arg10[%swap3A_611], %swap3A_614 {strides = array<i32>} : memref<1024xf32, #tpu.memory_space<vmem>>, vector<16xf32>,
      %get3A_615 = arith.constant 0 : i32
      %get3A_616 = arith.constant 6 : i32
      %get3A_617 = arith.index_cast %get3A_615 : i32 to index
      %get3A_618 = arith.index_cast %get3A_616 : i32 to index
      %get3A_619 = arith.constant 0 : index
      %get3A_620 = tpu.vector_load %arg8[%get3A_617, %get3A_618, %get3A_619] {strides = array<i32>} : memref<32x8x128xf32, #tpu.memory_space<vmem>>, vector<1x1x16xf32>,
      %get3A_621 = vector.shape_cast %get3A_620 : vector<1x1x16xf32> to vector<16xf32>
      %mul3A_622 = arith.mulf %get3A_39, %get3A_621 : vector<16xf32>
      %swap3A_623 = arith.constant 768 : index
      %swap3A_624 = tpu.vector_load %arg10[%swap3A_623] {strides = array<i32>} : memref<1024xf32, #tpu.memory_space<vmem>>, vector<16xf32>,
      %swap3A_625 = vector.shape_cast %swap3A_624 : vector<16xf32> to vector<16xf32>
      %swap3A_626 = vector.shape_cast %mul3A_622 : vector<16xf32> to vector<16xf32>
      tpu.vector_store %arg10[%swap3A_623], %swap3A_626 {strides = array<i32>} : memref<1024xf32, #tpu.memory_space<vmem>>, vector<16xf32>,
      %get3A_627 = arith.constant 0 : i32
      %get3A_628 = arith.constant 6 : i32
      %get3A_629 = arith.index_cast %get3A_627 : i32 to index
      %get3A_630 = arith.index_cast %get3A_628 : i32 to index
      %get3A_631 = arith.constant 16 : index
      %get3A_632 = tpu.vector_load %arg8[%get3A_629, %get3A_630, %get3A_631] {strides = array<i32>} : memref<32x8x128xf32, #tpu.memory_space<vmem>>, vector<1x1x16xf32>,
      %get3A_633 = vector.shape_cast %get3A_632 : vector<1x1x16xf32> to vector<16xf32>
      %mul3A_634 = arith.mulf %get3A_39, %get3A_633 : vector<16xf32>
      %swap3A_635 = arith.constant 784 : index
      %swap3A_636 = tpu.vector_load %arg10[%swap3A_635] {strides = array<i32>} : memref<1024xf32, #tpu.memory_space<vmem>>, vector<16xf32>,
      %swap3A_637 = vector.shape_cast %swap3A_636 : vector<16xf32> to vector<16xf32>
      %swap3A_638 = vector.shape_cast %mul3A_634 : vector<16xf32> to vector<16xf32>
      tpu.vector_store %arg10[%swap3A_635], %swap3A_638 {strides = array<i32>} : memref<1024xf32, #tpu.memory_space<vmem>>, vector<16xf32>,
      %get3A_639 = arith.constant 0 : i32
      %get3A_640 = arith.constant 6 : i32
      %get3A_641 = arith.index_cast %get3A_639 : i32 to index
      %get3A_642 = arith.index_cast %get3A_640 : i32 to index
      %get3A_643 = arith.constant 32 : index
      %get3A_644 = tpu.vector_load %arg8[%get3A_641, %get3A_642, %get3A_643] {strides = array<i32>} : memref<32x8x128xf32, #tpu.memory_space<vmem>>, vector<1x1x16xf32>,
      %get3A_645 = vector.shape_cast %get3A_644 : vector<1x1x16xf32> to vector<16xf32>
      %mul3A_646 = arith.mulf %get3A_39, %get3A_645 : vector<16xf32>
      %swap3A_647 = arith.constant 800 : index
      %swap3A_648 = tpu.vector_load %arg10[%swap3A_647] {strides = array<i32>} : memref<1024xf32, #tpu.memory_space<vmem>>, vector<16xf32>,
      %swap3A_649 = vector.shape_cast %swap3A_648 : vector<16xf32> to vector<16xf32>
      %swap3A_650 = vector.shape_cast %mul3A_646 : vector<16xf32> to vector<16xf32>
      tpu.vector_store %arg10[%swap3A_647], %swap3A_650 {strides = array<i32>} : memref<1024xf32, #tpu.memory_space<vmem>>, vector<16xf32>,
      %get3A_651 = arith.constant 0 : i32
      %get3A_652 = arith.constant 6 : i32
      %get3A_653 = arith.index_cast %get3A_651 : i32 to index
      %get3A_654 = arith.index_cast %get3A_652 : i32 to index
      %get3A_655 = arith.constant 48 : index
      %get3A_656 = tpu.vector_load %arg8[%get3A_653, %get3A_654, %get3A_655] {strides = array<i32>} : memref<32x8x128xf32, #tpu.memory_space<vmem>>, vector<1x1x16xf32>,
      %get3A_657 = vector.shape_cast %get3A_656 : vector<1x1x16xf32> to vector<16xf32>
      %mul3A_658 = arith.mulf %get3A_39, %get3A_657 : vector<16xf32>
      %swap3A_659 = arith.constant 816 : index
      %swap3A_660 = tpu.vector_load %arg10[%swap3A_659] {strides = array<i32>} : memref<1024xf32, #tpu.memory_space<vmem>>, vector<16xf32>,
      %swap3A_661 = vector.shape_cast %swap3A_660 : vector<16xf32> to vector<16xf32>
      %swap3A_662 = vector.shape_cast %mul3A_658 : vector<16xf32> to vector<16xf32>
      tpu.vector_store %arg10[%swap3A_659], %swap3A_662 {strides = array<i32>} : memref<1024xf32, #tpu.memory_space<vmem>>, vector<16xf32>,
      %get3A_663 = arith.constant 0 : i32
      %get3A_664 = arith.constant 6 : i32
      %get3A_665 = arith.index_cast %get3A_663 : i32 to index
      %get3A_666 = arith.index_cast %get3A_664 : i32 to index
      %get3A_667 = arith.constant 64 : index
      %get3A_668 = tpu.vector_load %arg8[%get3A_665, %get3A_666, %get3A_667] {strides = array<i32>} : memref<32x8x128xf32, #tpu.memory_space<vmem>>, vector<1x1x16xf32>,
      %get3A_669 = vector.shape_cast %get3A_668 : vector<1x1x16xf32> to vector<16xf32>
      %mul3A_670 = arith.mulf %get3A_39, %get3A_669 : vector<16xf32>
      %swap3A_671 = arith.constant 832 : index
      %swap3A_672 = tpu.vector_load %arg10[%swap3A_671] {strides = array<i32>} : memref<1024xf32, #tpu.memory_space<vmem>>, vector<16xf32>,
      %swap3A_673 = vector.shape_cast %swap3A_672 : vector<16xf32> to vector<16xf32>
      %swap3A_674 = vector.shape_cast %mul3A_670 : vector<16xf32> to vector<16xf32>
      tpu.vector_store %arg10[%swap3A_671], %swap3A_674 {strides = array<i32>} : memref<1024xf32, #tpu.memory_space<vmem>>, vector<16xf32>,
      %get3A_675 = arith.constant 0 : i32
      %get3A_676 = arith.constant 6 : i32
      %get3A_677 = arith.index_cast %get3A_675 : i32 to index
      %get3A_678 = arith.index_cast %get3A_676 : i32 to index
      %get3A_679 = arith.constant 80 : index
      %get3A_680 = tpu.vector_load %arg8[%get3A_677, %get3A_678, %get3A_679] {strides = array<i32>} : memref<32x8x128xf32, #tpu.memory_space<vmem>>, vector<1x1x16xf32>,
      %get3A_681 = vector.shape_cast %get3A_680 : vector<1x1x16xf32> to vector<16xf32>
      %mul3A_682 = arith.mulf %get3A_39, %get3A_681 : vector<16xf32>
      %swap3A_683 = arith.constant 848 : index
      %swap3A_684 = tpu.vector_load %arg10[%swap3A_683] {strides = array<i32>} : memref<1024xf32, #tpu.memory_space<vmem>>, vector<16xf32>,
      %swap3A_685 = vector.shape_cast %swap3A_684 : vector<16xf32> to vector<16xf32>
      %swap3A_686 = vector.shape_cast %mul3A_682 : vector<16xf32> to vector<16xf32>
      tpu.vector_store %arg10[%swap3A_683], %swap3A_686 {strides = array<i32>} : memref<1024xf32, #tpu.memory_space<vmem>>, vector<16xf32>,
      %get3A_687 = arith.constant 0 : i32
      %get3A_688 = arith.constant 6 : i32
      %get3A_689 = arith.index_cast %get3A_687 : i32 to index
      %get3A_690 = arith.index_cast %get3A_688 : i32 to index
      %get3A_691 = arith.constant 96 : index
      %get3A_692 = tpu.vector_load %arg8[%get3A_689, %get3A_690, %get3A_691] {strides = array<i32>} : memref<32x8x128xf32, #tpu.memory_space<vmem>>, vector<1x1x16xf32>,
      %get3A_693 = vector.shape_cast %get3A_692 : vector<1x1x16xf32> to vector<16xf32>
      %mul3A_694 = arith.mulf %get3A_39, %get3A_693 : vector<16xf32>
      %swap3A_695 = arith.constant 864 : index
      %swap3A_696 = tpu.vector_load %arg10[%swap3A_695] {strides = array<i32>} : memref<1024xf32, #tpu.memory_space<vmem>>, vector<16xf32>,
      %swap3A_697 = vector.shape_cast %swap3A_696 : vector<16xf32> to vector<16xf32>
      %swap3A_698 = vector.shape_cast %mul3A_694 : vector<16xf32> to vector<16xf32>
      tpu.vector_store %arg10[%swap3A_695], %swap3A_698 {strides = array<i32>} : memref<1024xf32, #tpu.memory_space<vmem>>, vector<16xf32>,
      %get3A_699 = arith.constant 0 : i32
      %get3A_700 = arith.constant 6 : i32
      %get3A_701 = arith.index_cast %get3A_699 : i32 to index
      %get3A_702 = arith.index_cast %get3A_700 : i32 to index
      %get3A_703 = arith.constant 112 : index
      %get3A_704 = tpu.vector_load %arg8[%get3A_701, %get3A_702, %get3A_703] {strides = array<i32>} : memref<32x8x128xf32, #tpu.memory_space<vmem>>, vector<1x1x16xf32>,
      %get3A_705 = vector.shape_cast %get3A_704 : vector<1x1x16xf32> to vector<16xf32>
      %mul3A_706 = arith.mulf %get3A_39, %get3A_705 : vector<16xf32>
      %swap3A_707 = arith.constant 880 : index
      %swap3A_708 = tpu.vector_load %arg10[%swap3A_707] {strides = array<i32>} : memref<1024xf32, #tpu.memory_space<vmem>>, vector<16xf32>,
      %swap3A_709 = vector.shape_cast %swap3A_708 : vector<16xf32> to vector<16xf32>
      %swap3A_710 = vector.shape_cast %mul3A_706 : vector<16xf32> to vector<16xf32>
      tpu.vector_store %arg10[%swap3A_707], %swap3A_710 {strides = array<i32>} : memref<1024xf32, #tpu.memory_space<vmem>>, vector<16xf32>,
      %get3A_711 = arith.constant 0 : i32
      %get3A_712 = arith.constant 7 : i32
      %get3A_713 = arith.index_cast %get3A_711 : i32 to index
      %get3A_714 = arith.index_cast %get3A_712 : i32 to index
      %get3A_715 = arith.constant 0 : index
      %get3A_716 = tpu.vector_load %arg8[%get3A_713, %get3A_714, %get3A_715] {strides = array<i32>} : memref<32x8x128xf32, #tpu.memory_space<vmem>>, vector<1x1x16xf32>,
      %get3A_717 = vector.shape_cast %get3A_716 : vector<1x1x16xf32> to vector<16xf32>
      %mul3A_718 = arith.mulf %get3A_39, %get3A_717 : vector<16xf32>
      %swap3A_719 = arith.constant 896 : index
      %swap3A_720 = tpu.vector_load %arg10[%swap3A_719] {strides = array<i32>} : memref<1024xf32, #tpu.memory_space<vmem>>, vector<16xf32>,
      %swap3A_721 = vector.shape_cast %swap3A_720 : vector<16xf32> to vector<16xf32>
      %swap3A_722 = vector.shape_cast %mul3A_718 : vector<16xf32> to vector<16xf32>
      tpu.vector_store %arg10[%swap3A_719], %swap3A_722 {strides = array<i32>} : memref<1024xf32, #tpu.memory_space<vmem>>, vector<16xf32>,
      %get3A_723 = arith.constant 0 : i32
      %get3A_724 = arith.constant 7 : i32
      %get3A_725 = arith.index_cast %get3A_723 : i32 to index
      %get3A_726 = arith.index_cast %get3A_724 : i32 to index
      %get3A_727 = arith.constant 16 : index
      %get3A_728 = tpu.vector_load %arg8[%get3A_725, %get3A_726, %get3A_727] {strides = array<i32>} : memref<32x8x128xf32, #tpu.memory_space<vmem>>, vector<1x1x16xf32>,
      %get3A_729 = vector.shape_cast %get3A_728 : vector<1x1x16xf32> to vector<16xf32>
      %mul3A_730 = arith.mulf %get3A_39, %get3A_729 : vector<16xf32>
      %swap3A_731 = arith.constant 912 : index
      %swap3A_732 = tpu.vector_load %arg10[%swap3A_731] {strides = array<i32>} : memref<1024xf32, #tpu.memory_space<vmem>>, vector<16xf32>,
      %swap3A_733 = vector.shape_cast %swap3A_732 : vector<16xf32> to vector<16xf32>
      %swap3A_734 = vector.shape_cast %mul3A_730 : vector<16xf32> to vector<16xf32>
      tpu.vector_store %arg10[%swap3A_731], %swap3A_734 {strides = array<i32>} : memref<1024xf32, #tpu.memory_space<vmem>>, vector<16xf32>,
      %get3A_735 = arith.constant 0 : i32
      %get3A_736 = arith.constant 7 : i32
      %get3A_737 = arith.index_cast %get3A_735 : i32 to index
      %get3A_738 = arith.index_cast %get3A_736 : i32 to index
      %get3A_739 = arith.constant 32 : index
      %get3A_740 = tpu.vector_load %arg8[%get3A_737, %get3A_738, %get3A_739] {strides = array<i32>} : memref<32x8x128xf32, #tpu.memory_space<vmem>>, vector<1x1x16xf32>,
      %get3A_741 = vector.shape_cast %get3A_740 : vector<1x1x16xf32> to vector<16xf32>
      %mul3A_742 = arith.mulf %get3A_39, %get3A_741 : vector<16xf32>
      %swap3A_743 = arith.constant 928 : index
      %swap3A_744 = tpu.vector_load %arg10[%swap3A_743] {strides = array<i32>} : memref<1024xf32, #tpu.memory_space<vmem>>, vector<16xf32>,
      %swap3A_745 = vector.shape_cast %swap3A_744 : vector<16xf32> to vector<16xf32>
      %swap3A_746 = vector.shape_cast %mul3A_742 : vector<16xf32> to vector<16xf32>
      tpu.vector_store %arg10[%swap3A_743], %swap3A_746 {strides = array<i32>} : memref<1024xf32, #tpu.memory_space<vmem>>, vector<16xf32>,
      %get3A_747 = arith.constant 0 : i32
      %get3A_748 = arith.constant 7 : i32
      %get3A_749 = arith.index_cast %get3A_747 : i32 to index
      %get3A_750 = arith.index_cast %get3A_748 : i32 to index
      %get3A_751 = arith.constant 48 : index
      %get3A_752 = tpu.vector_load %arg8[%get3A_749, %get3A_750, %get3A_751] {strides = array<i32>} : memref<32x8x128xf32, #tpu.memory_space<vmem>>, vector<1x1x16xf32>,
      %get3A_753 = vector.shape_cast %get3A_752 : vector<1x1x16xf32> to vector<16xf32>
      %mul3A_754 = arith.mulf %get3A_39, %get3A_753 : vector<16xf32>
      %swap3A_755 = arith.constant 944 : index
      %swap3A_756 = tpu.vector_load %arg10[%swap3A_755] {strides = array<i32>} : memref<1024xf32, #tpu.memory_space<vmem>>, vector<16xf32>,
      %swap3A_757 = vector.shape_cast %swap3A_756 : vector<16xf32> to vector<16xf32>
      %swap3A_758 = vector.shape_cast %mul3A_754 : vector<16xf32> to vector<16xf32>
      tpu.vector_store %arg10[%swap3A_755], %swap3A_758 {strides = array<i32>} : memref<1024xf32, #tpu.memory_space<vmem>>, vector<16xf32>,
      %get3A_759 = arith.constant 0 : i32
      %get3A_760 = arith.constant 7 : i32
      %get3A_761 = arith.index_cast %get3A_759 : i32 to index
      %get3A_762 = arith.index_cast %get3A_760 : i32 to index
      %get3A_763 = arith.constant 64 : index
      %get3A_764 = tpu.vector_load %arg8[%get3A_761, %get3A_762, %get3A_763] {strides = array<i32>} : memref<32x8x128xf32, #tpu.memory_space<vmem>>, vector<1x1x16xf32>,
      %get3A_765 = vector.shape_cast %get3A_764 : vector<1x1x16xf32> to vector<16xf32>
      %mul3A_766 = arith.mulf %get3A_39, %get3A_765 : vector<16xf32>
      %swap3A_767 = arith.constant 960 : index
      %swap3A_768 = tpu.vector_load %arg10[%swap3A_767] {strides = array<i32>} : memref<1024xf32, #tpu.memory_space<vmem>>, vector<16xf32>,
      %swap3A_769 = vector.shape_cast %swap3A_768 : vector<16xf32> to vector<16xf32>
      %swap3A_770 = vector.shape_cast %mul3A_766 : vector<16xf32> to vector<16xf32>
      tpu.vector_store %arg10[%swap3A_767], %swap3A_770 {strides = array<i32>} : memref<1024xf32, #tpu.memory_space<vmem>>, vector<16xf32>,
      %get3A_771 = arith.constant 0 : i32
      %get3A_772 = arith.constant 7 : i32
      %get3A_773 = arith.index_cast %get3A_771 : i32 to index
      %get3A_774 = arith.index_cast %get3A_772 : i32 to index
      %get3A_775 = arith.constant 80 : index
      %get3A_776 = tpu.vector_load %arg8[%get3A_773, %get3A_774, %get3A_775] {strides = array<i32>} : memref<32x8x128xf32, #tpu.memory_space<vmem>>, vector<1x1x16xf32>,
      %get3A_777 = vector.shape_cast %get3A_776 : vector<1x1x16xf32> to vector<16xf32>
      %mul3A_778 = arith.mulf %get3A_39, %get3A_777 : vector<16xf32>
      %swap3A_779 = arith.constant 976 : index
      %swap3A_780 = tpu.vector_load %arg10[%swap3A_779] {strides = array<i32>} : memref<1024xf32, #tpu.memory_space<vmem>>, vector<16xf32>,
      %swap3A_781 = vector.shape_cast %swap3A_780 : vector<16xf32> to vector<16xf32>
      %swap3A_782 = vector.shape_cast %mul3A_778 : vector<16xf32> to vector<16xf32>
      tpu.vector_store %arg10[%swap3A_779], %swap3A_782 {strides = array<i32>} : memref<1024xf32, #tpu.memory_space<vmem>>, vector<16xf32>,
      %get3A_783 = arith.constant 0 : i32
      %get3A_784 = arith.constant 7 : i32
      %get3A_785 = arith.index_cast %get3A_783 : i32 to index
      %get3A_786 = arith.index_cast %get3A_784 : i32 to index
      %get3A_787 = arith.constant 96 : index
      %get3A_788 = tpu.vector_load %arg8[%get3A_785, %get3A_786, %get3A_787] {strides = array<i32>} : memref<32x8x128xf32, #tpu.memory_space<vmem>>, vector<1x1x16xf32>,
      %get3A_789 = vector.shape_cast %get3A_788 : vector<1x1x16xf32> to vector<16xf32>
      %mul3A_790 = arith.mulf %get3A_39, %get3A_789 : vector<16xf32>
      %swap3A_791 = arith.constant 992 : index
      %swap3A_792 = tpu.vector_load %arg10[%swap3A_791] {strides = array<i32>} : memref<1024xf32, #tpu.memory_space<vmem>>, vector<16xf32>,
      %swap3A_793 = vector.shape_cast %swap3A_792 : vector<16xf32> to vector<16xf32>
      %swap3A_794 = vector.shape_cast %mul3A_790 : vector<16xf32> to vector<16xf32>
      tpu.vector_store %arg10[%swap3A_791], %swap3A_794 {strides = array<i32>} : memref<1024xf32, #tpu.memory_space<vmem>>, vector<16xf32>,
      %get3A_795 = arith.constant 0 : i32
      %get3A_796 = arith.constant 7 : i32
      %get3A_797 = arith.index_cast %get3A_795 : i32 to index
      %get3A_798 = arith.index_cast %get3A_796 : i32 to index
      %get3A_799 = arith.constant 112 : index
      %get3A_800 = tpu.vector_load %arg8[%get3A_797, %get3A_798, %get3A_799] {strides = array<i32>} : memref<32x8x128xf32, #tpu.memory_space<vmem>>, vector<1x1x16xf32>,
      %get3A_801 = vector.shape_cast %get3A_800 : vector<1x1x16xf32> to vector<16xf32>
      %mul3A_802 = arith.mulf %get3A_39, %get3A_801 : vector<16xf32>
      %swap3A_803 = arith.constant 1008 : index
      %swap3A_804 = tpu.vector_load %arg10[%swap3A_803] {strides = array<i32>} : memref<1024xf32, #tpu.memory_space<vmem>>, vector<16xf32>,
      %swap3A_805 = vector.shape_cast %swap3A_804 : vector<16xf32> to vector<16xf32>
      %swap3A_806 = vector.shape_cast %mul3A_802 : vector<16xf32> to vector<16xf32>
      tpu.vector_store %arg10[%swap3A_803], %swap3A_806 {strides = array<i32>} : memref<1024xf32, #tpu.memory_space<vmem>>, vector<16xf32>,
      %parallel_loop3A = arith.constant 1 : i32
      %parallel_loop3A_807 = arith.constant 32 : i32
      %parallel_loop3A_808 = arith.constant 1 : i32
      scf.for %parallel_loop3A_828 = %parallel_loop3A to %parallel_loop3A_807 step %parallel_loop3A_808  : i32 {
        %parallel_loop3A_829 = arith.constant 0 : i32
        %parallel_loop3A_830 = arith.addi %parallel_loop3A_829, %parallel_loop3A_828 : i32
        %parallel_loop3A_831 = arith.index_cast %parallel_loop3A_830 : i32 to index
        %parallel_loop3A_832 = arith.constant 0 : index
        %parallel_loop3A_833 = tpu.vector_load %arg7[%parallel_loop3A_831, %parallel_loop3A_832] {strides = array<i32>} : memref<64x16xf32, #tpu.memory_space<vmem>>, vector<1x16xf32>,
        %parallel_loop3A_834 = vector.shape_cast %parallel_loop3A_833 : vector<1x16xf32> to vector<16xf32>
        %parallel_loop3A_835 = arith.constant 0 : i32
        %parallel_loop3A_836 = arith.index_cast %parallel_loop3A_828 : i32 to index
        %parallel_loop3A_837 = arith.index_cast %parallel_loop3A_835 : i32 to index
        %parallel_loop3A_838 = arith.constant 0 : index
        %parallel_loop3A_839 = tpu.vector_load %arg8[%parallel_loop3A_836, %parallel_loop3A_837, %parallel_loop3A_838] {strides = array<i32>} : memref<32x8x128xf32, #tpu.memory_space<vmem>>, vector<1x1x16xf32>,
        %parallel_loop3A_840 = vector.shape_cast %parallel_loop3A_839 : vector<1x1x16xf32> to vector<16xf32>
        %parallel_loop3A_841 = arith.mulf %parallel_loop3A_834, %parallel_loop3A_840 : vector<16xf32>
        %parallel_loop3A_842 = arith.constant 0 : index
        %parallel_loop3A_843 = tpu.vector_load %arg10[%parallel_loop3A_842] {strides = array<i32>} : memref<1024xf32, #tpu.memory_space<vmem>>, vector<16xf32>,
        %parallel_loop3A_844 = vector.shape_cast %parallel_loop3A_843 : vector<16xf32> to vector<16xf32>
        %parallel_loop3A_845 = vector.shape_cast %parallel_loop3A_841 : vector<16xf32> to vector<16xf32>
        tpu.vector_store %arg10[%parallel_loop3A_842], %parallel_loop3A_845 {add = true, strides = array<i32>} : memref<1024xf32, #tpu.memory_space<vmem>>, vector<16xf32>,
        %parallel_loop3A_846 = arith.constant 0 : i32
        %parallel_loop3A_847 = arith.index_cast %parallel_loop3A_828 : i32 to index
        %parallel_loop3A_848 = arith.index_cast %parallel_loop3A_846 : i32 to index
        %parallel_loop3A_849 = arith.constant 16 : index
        %parallel_loop3A_850 = tpu.vector_load %arg8[%parallel_loop3A_847, %parallel_loop3A_848, %parallel_loop3A_849] {strides = array<i32>} : memref<32x8x128xf32, #tpu.memory_space<vmem>>, vector<1x1x16xf32>,
        %parallel_loop3A_851 = vector.shape_cast %parallel_loop3A_850 : vector<1x1x16xf32> to vector<16xf32>
        %parallel_loop3A_852 = arith.mulf %parallel_loop3A_834, %parallel_loop3A_851 : vector<16xf32>
        %parallel_loop3A_853 = arith.constant 16 : index
        %parallel_loop3A_854 = tpu.vector_load %arg10[%parallel_loop3A_853] {strides = array<i32>} : memref<1024xf32, #tpu.memory_space<vmem>>, vector<16xf32>,
        %parallel_loop3A_855 = vector.shape_cast %parallel_loop3A_854 : vector<16xf32> to vector<16xf32>
        %parallel_loop3A_856 = vector.shape_cast %parallel_loop3A_852 : vector<16xf32> to vector<16xf32>
        tpu.vector_store %arg10[%parallel_loop3A_853], %parallel_loop3A_856 {add = true, strides = array<i32>} : memref<1024xf32, #tpu.memory_space<vmem>>, vector<16xf32>,
        %parallel_loop3A_857 = arith.constant 0 : i32
        %parallel_loop3A_858 = arith.index_cast %parallel_loop3A_828 : i32 to index
        %parallel_loop3A_859 = arith.index_cast %parallel_loop3A_857 : i32 to index
        %parallel_loop3A_860 = arith.constant 32 : index
        %parallel_loop3A_861 = tpu.vector_load %arg8[%parallel_loop3A_858, %parallel_loop3A_859, %parallel_loop3A_860] {strides = array<i32>} : memref<32x8x128xf32, #tpu.memory_space<vmem>>, vector<1x1x16xf32>,
        %parallel_loop3A_862 = vector.shape_cast %parallel_loop3A_861 : vector<1x1x16xf32> to vector<16xf32>
        %parallel_loop3A_863 = arith.mulf %parallel_loop3A_834, %parallel_loop3A_862 : vector<16xf32>
        %parallel_loop3A_864 = arith.constant 32 : index
        %parallel_loop3A_865 = tpu.vector_load %arg10[%parallel_loop3A_864] {strides = array<i32>} : memref<1024xf32, #tpu.memory_space<vmem>>, vector<16xf32>,
        %parallel_loop3A_866 = vector.shape_cast %parallel_loop3A_865 : vector<16xf32> to vector<16xf32>
        %parallel_loop3A_867 = vector.shape_cast %parallel_loop3A_863 : vector<16xf32> to vector<16xf32>
        tpu.vector_store %arg10[%parallel_loop3A_864], %parallel_loop3A_867 {add = true, strides = array<i32>} : memref<1024xf32, #tpu.memory_space<vmem>>, vector<16xf32>,
        %parallel_loop3A_868 = arith.constant 0 : i32
        %parallel_loop3A_869 = arith.index_cast %parallel_loop3A_828 : i32 to index
        %parallel_loop3A_870 = arith.index_cast %parallel_loop3A_868 : i32 to index
        %parallel_loop3A_871 = arith.constant 48 : index
        %parallel_loop3A_872 = tpu.vector_load %arg8[%parallel_loop3A_869, %parallel_loop3A_870, %parallel_loop3A_871] {strides = array<i32>} : memref<32x8x128xf32, #tpu.memory_space<vmem>>, vector<1x1x16xf32>,
        %parallel_loop3A_873 = vector.shape_cast %parallel_loop3A_872 : vector<1x1x16xf32> to vector<16xf32>
        %parallel_loop3A_874 = arith.mulf %parallel_loop3A_834, %parallel_loop3A_873 : vector<16xf32>
        %parallel_loop3A_875 = arith.constant 48 : index
        %parallel_loop3A_876 = tpu.vector_load %arg10[%parallel_loop3A_875] {strides = array<i32>} : memref<1024xf32, #tpu.memory_space<vmem>>, vector<16xf32>,
        %parallel_loop3A_877 = vector.shape_cast %parallel_loop3A_876 : vector<16xf32> to vector<16xf32>
        %parallel_loop3A_878 = vector.shape_cast %parallel_loop3A_874 : vector<16xf32> to vector<16xf32>
        tpu.vector_store %arg10[%parallel_loop3A_875], %parallel_loop3A_878 {add = true, strides = array<i32>} : memref<1024xf32, #tpu.memory_space<vmem>>, vector<16xf32>,
        %parallel_loop3A_879 = arith.constant 0 : i32
        %parallel_loop3A_880 = arith.index_cast %parallel_loop3A_828 : i32 to index
        %parallel_loop3A_881 = arith.index_cast %parallel_loop3A_879 : i32 to index
        %parallel_loop3A_882 = arith.constant 64 : index
        %parallel_loop3A_883 = tpu.vector_load %arg8[%parallel_loop3A_880, %parallel_loop3A_881, %parallel_loop3A_882] {strides = array<i32>} : memref<32x8x128xf32, #tpu.memory_space<vmem>>, vector<1x1x16xf32>,
        %parallel_loop3A_884 = vector.shape_cast %parallel_loop3A_883 : vector<1x1x16xf32> to vector<16xf32>
        %parallel_loop3A_885 = arith.mulf %parallel_loop3A_834, %parallel_loop3A_884 : vector<16xf32>
        %parallel_loop3A_886 = arith.constant 64 : index
        %parallel_loop3A_887 = tpu.vector_load %arg10[%parallel_loop3A_886] {strides = array<i32>} : memref<1024xf32, #tpu.memory_space<vmem>>, vector<16xf32>,
        %parallel_loop3A_888 = vector.shape_cast %parallel_loop3A_887 : vector<16xf32> to vector<16xf32>
        %parallel_loop3A_889 = vector.shape_cast %parallel_loop3A_885 : vector<16xf32> to vector<16xf32>
        tpu.vector_store %arg10[%parallel_loop3A_886], %parallel_loop3A_889 {add = true, strides = array<i32>} : memref<1024xf32, #tpu.memory_space<vmem>>, vector<16xf32>,
        %parallel_loop3A_890 = arith.constant 0 : i32
        %parallel_loop3A_891 = arith.index_cast %parallel_loop3A_828 : i32 to index
        %parallel_loop3A_892 = arith.index_cast %parallel_loop3A_890 : i32 to index
        %parallel_loop3A_893 = arith.constant 80 : index
        %parallel_loop3A_894 = tpu.vector_load %arg8[%parallel_loop3A_891, %parallel_loop3A_892, %parallel_loop3A_893] {strides = array<i32>} : memref<32x8x128xf32, #tpu.memory_space<vmem>>, vector<1x1x16xf32>,
        %parallel_loop3A_895 = vector.shape_cast %parallel_loop3A_894 : vector<1x1x16xf32> to vector<16xf32>
        %parallel_loop3A_896 = arith.mulf %parallel_loop3A_834, %parallel_loop3A_895 : vector<16xf32>
        %parallel_loop3A_897 = arith.constant 80 : index
        %parallel_loop3A_898 = tpu.vector_load %arg10[%parallel_loop3A_897] {strides = array<i32>} : memref<1024xf32, #tpu.memory_space<vmem>>, vector<16xf32>,
        %parallel_loop3A_899 = vector.shape_cast %parallel_loop3A_898 : vector<16xf32> to vector<16xf32>
        %parallel_loop3A_900 = vector.shape_cast %parallel_loop3A_896 : vector<16xf32> to vector<16xf32>
        tpu.vector_store %arg10[%parallel_loop3A_897], %parallel_loop3A_900 {add = true, strides = array<i32>} : memref<1024xf32, #tpu.memory_space<vmem>>, vector<16xf32>,
        %parallel_loop3A_901 = arith.constant 0 : i32
        %parallel_loop3A_902 = arith.index_cast %parallel_loop3A_828 : i32 to index
        %parallel_loop3A_903 = arith.index_cast %parallel_loop3A_901 : i32 to index
        %parallel_loop3A_904 = arith.constant 96 : index
        %parallel_loop3A_905 = tpu.vector_load %arg8[%parallel_loop3A_902, %parallel_loop3A_903, %parallel_loop3A_904] {strides = array<i32>} : memref<32x8x128xf32, #tpu.memory_space<vmem>>, vector<1x1x16xf32>,
        %parallel_loop3A_906 = vector.shape_cast %parallel_loop3A_905 : vector<1x1x16xf32> to vector<16xf32>
        %parallel_loop3A_907 = arith.mulf %parallel_loop3A_834, %parallel_loop3A_906 : vector<16xf32>
        %parallel_loop3A_908 = arith.constant 96 : index
        %parallel_loop3A_909 = tpu.vector_load %arg10[%parallel_loop3A_908] {strides = array<i32>} : memref<1024xf32, #tpu.memory_space<vmem>>, vector<16xf32>,
        %parallel_loop3A_910 = vector.shape_cast %parallel_loop3A_909 : vector<16xf32> to vector<16xf32>
        %parallel_loop3A_911 = vector.shape_cast %parallel_loop3A_907 : vector<16xf32> to vector<16xf32>
        tpu.vector_store %arg10[%parallel_loop3A_908], %parallel_loop3A_911 {add = true, strides = array<i32>} : memref<1024xf32, #tpu.memory_space<vmem>>, vector<16xf32>,
        %parallel_loop3A_912 = arith.constant 0 : i32
        %parallel_loop3A_913 = arith.index_cast %parallel_loop3A_828 : i32 to index
        %parallel_loop3A_914 = arith.index_cast %parallel_loop3A_912 : i32 to index
        %parallel_loop3A_915 = arith.constant 112 : index
        %parallel_loop3A_916 = tpu.vector_load %arg8[%parallel_loop3A_913, %parallel_loop3A_914, %parallel_loop3A_915] {strides = array<i32>} : memref<32x8x128xf32, #tpu.memory_space<vmem>>, vector<1x1x16xf32>,
        %parallel_loop3A_917 = vector.shape_cast %parallel_loop3A_916 : vector<1x1x16xf32> to vector<16xf32>
        %parallel_loop3A_918 = arith.mulf %parallel_loop3A_834, %parallel_loop3A_917 : vector<16xf32>
        %parallel_loop3A_919 = arith.constant 112 : index
        %parallel_loop3A_920 = tpu.vector_load %arg10[%parallel_loop3A_919] {strides = array<i32>} : memref<1024xf32, #tpu.memory_space<vmem>>, vector<16xf32>,
        %parallel_loop3A_921 = vector.shape_cast %parallel_loop3A_920 : vector<16xf32> to vector<16xf32>
        %parallel_loop3A_922 = vector.shape_cast %parallel_loop3A_918 : vector<16xf32> to vector<16xf32>
        tpu.vector_store %arg10[%parallel_loop3A_919], %parallel_loop3A_922 {add = true, strides = array<i32>} : memref<1024xf32, #tpu.memory_space<vmem>>, vector<16xf32>,
        %parallel_loop3A_923 = arith.constant 1 : i32
        %parallel_loop3A_924 = arith.index_cast %parallel_loop3A_828 : i32 to index
        %parallel_loop3A_925 = arith.index_cast %parallel_loop3A_923 : i32 to index
        %parallel_loop3A_926 = arith.constant 0 : index
        %parallel_loop3A_927 = tpu.vector_load %arg8[%parallel_loop3A_924, %parallel_loop3A_925, %parallel_loop3A_926] {strides = array<i32>} : memref<32x8x128xf32, #tpu.memory_space<vmem>>, vector<1x1x16xf32>,
        %parallel_loop3A_928 = vector.shape_cast %parallel_loop3A_927 : vector<1x1x16xf32> to vector<16xf32>
        %parallel_loop3A_929 = arith.mulf %parallel_loop3A_834, %parallel_loop3A_928 : vector<16xf32>
        %parallel_loop3A_930 = arith.constant 128 : index
        %parallel_loop3A_931 = tpu.vector_load %arg10[%parallel_loop3A_930] {strides = array<i32>} : memref<1024xf32, #tpu.memory_space<vmem>>, vector<16xf32>,
        %parallel_loop3A_932 = vector.shape_cast %parallel_loop3A_931 : vector<16xf32> to vector<16xf32>
        %parallel_loop3A_933 = vector.shape_cast %parallel_loop3A_929 : vector<16xf32> to vector<16xf32>
        tpu.vector_store %arg10[%parallel_loop3A_930], %parallel_loop3A_933 {add = true, strides = array<i32>} : memref<1024xf32, #tpu.memory_space<vmem>>, vector<16xf32>,
        %parallel_loop3A_934 = arith.constant 1 : i32
        %parallel_loop3A_935 = arith.index_cast %parallel_loop3A_828 : i32 to index
        %parallel_loop3A_936 = arith.index_cast %parallel_loop3A_934 : i32 to index
        %parallel_loop3A_937 = arith.constant 16 : index
        %parallel_loop3A_938 = tpu.vector_load %arg8[%parallel_loop3A_935, %parallel_loop3A_936, %parallel_loop3A_937] {strides = array<i32>} : memref<32x8x128xf32, #tpu.memory_space<vmem>>, vector<1x1x16xf32>,
        %parallel_loop3A_939 = vector.shape_cast %parallel_loop3A_938 : vector<1x1x16xf32> to vector<16xf32>
        %parallel_loop3A_940 = arith.mulf %parallel_loop3A_834, %parallel_loop3A_939 : vector<16xf32>
        %parallel_loop3A_941 = arith.constant 144 : index
        %parallel_loop3A_942 = tpu.vector_load %arg10[%parallel_loop3A_941] {strides = array<i32>} : memref<1024xf32, #tpu.memory_space<vmem>>, vector<16xf32>,
        %parallel_loop3A_943 = vector.shape_cast %parallel_loop3A_942 : vector<16xf32> to vector<16xf32>
        %parallel_loop3A_944 = vector.shape_cast %parallel_loop3A_940 : vector<16xf32> to vector<16xf32>
        tpu.vector_store %arg10[%parallel_loop3A_941], %parallel_loop3A_944 {add = true, strides = array<i32>} : memref<1024xf32, #tpu.memory_space<vmem>>, vector<16xf32>,
        %parallel_loop3A_945 = arith.constant 1 : i32
        %parallel_loop3A_946 = arith.index_cast %parallel_loop3A_828 : i32 to index
        %parallel_loop3A_947 = arith.index_cast %parallel_loop3A_945 : i32 to index
        %parallel_loop3A_948 = arith.constant 32 : index
        %parallel_loop3A_949 = tpu.vector_load %arg8[%parallel_loop3A_946, %parallel_loop3A_947, %parallel_loop3A_948] {strides = array<i32>} : memref<32x8x128xf32, #tpu.memory_space<vmem>>, vector<1x1x16xf32>,
        %parallel_loop3A_950 = vector.shape_cast %parallel_loop3A_949 : vector<1x1x16xf32> to vector<16xf32>
        %parallel_loop3A_951 = arith.mulf %parallel_loop3A_834, %parallel_loop3A_950 : vector<16xf32>
        %parallel_loop3A_952 = arith.constant 160 : index
        %parallel_loop3A_953 = tpu.vector_load %arg10[%parallel_loop3A_952] {strides = array<i32>} : memref<1024xf32, #tpu.memory_space<vmem>>, vector<16xf32>,
        %parallel_loop3A_954 = vector.shape_cast %parallel_loop3A_953 : vector<16xf32> to vector<16xf32>
        %parallel_loop3A_955 = vector.shape_cast %parallel_loop3A_951 : vector<16xf32> to vector<16xf32>
        tpu.vector_store %arg10[%parallel_loop3A_952], %parallel_loop3A_955 {add = true, strides = array<i32>} : memref<1024xf32, #tpu.memory_space<vmem>>, vector<16xf32>,
        %parallel_loop3A_956 = arith.constant 1 : i32
        %parallel_loop3A_957 = arith.index_cast %parallel_loop3A_828 : i32 to index
        %parallel_loop3A_958 = arith.index_cast %parallel_loop3A_956 : i32 to index
        %parallel_loop3A_959 = arith.constant 48 : index
        %parallel_loop3A_960 = tpu.vector_load %arg8[%parallel_loop3A_957, %parallel_loop3A_958, %parallel_loop3A_959] {strides = array<i32>} : memref<32x8x128xf32, #tpu.memory_space<vmem>>, vector<1x1x16xf32>,
        %parallel_loop3A_961 = vector.shape_cast %parallel_loop3A_960 : vector<1x1x16xf32> to vector<16xf32>
        %parallel_loop3A_962 = arith.mulf %parallel_loop3A_834, %parallel_loop3A_961 : vector<16xf32>
        %parallel_loop3A_963 = arith.constant 176 : index
        %parallel_loop3A_964 = tpu.vector_load %arg10[%parallel_loop3A_963] {strides = array<i32>} : memref<1024xf32, #tpu.memory_space<vmem>>, vector<16xf32>,
        %parallel_loop3A_965 = vector.shape_cast %parallel_loop3A_964 : vector<16xf32> to vector<16xf32>
        %parallel_loop3A_966 = vector.shape_cast %parallel_loop3A_962 : vector<16xf32> to vector<16xf32>
        tpu.vector_store %arg10[%parallel_loop3A_963], %parallel_loop3A_966 {add = true, strides = array<i32>} : memref<1024xf32, #tpu.memory_space<vmem>>, vector<16xf32>,
        %parallel_loop3A_967 = arith.constant 1 : i32
        %parallel_loop3A_968 = arith.index_cast %parallel_loop3A_828 : i32 to index
        %parallel_loop3A_969 = arith.index_cast %parallel_loop3A_967 : i32 to index
        %parallel_loop3A_970 = arith.constant 64 : index
        %parallel_loop3A_971 = tpu.vector_load %arg8[%parallel_loop3A_968, %parallel_loop3A_969, %parallel_loop3A_970] {strides = array<i32>} : memref<32x8x128xf32, #tpu.memory_space<vmem>>, vector<1x1x16xf32>,
        %parallel_loop3A_972 = vector.shape_cast %parallel_loop3A_971 : vector<1x1x16xf32> to vector<16xf32>
        %parallel_loop3A_973 = arith.mulf %parallel_loop3A_834, %parallel_loop3A_972 : vector<16xf32>
        %parallel_loop3A_974 = arith.constant 192 : index
        %parallel_loop3A_975 = tpu.vector_load %arg10[%parallel_loop3A_974] {strides = array<i32>} : memref<1024xf32, #tpu.memory_space<vmem>>, vector<16xf32>,
        %parallel_loop3A_976 = vector.shape_cast %parallel_loop3A_975 : vector<16xf32> to vector<16xf32>
        %parallel_loop3A_977 = vector.shape_cast %parallel_loop3A_973 : vector<16xf32> to vector<16xf32>
        tpu.vector_store %arg10[%parallel_loop3A_974], %parallel_loop3A_977 {add = true, strides = array<i32>} : memref<1024xf32, #tpu.memory_space<vmem>>, vector<16xf32>,
        %parallel_loop3A_978 = arith.constant 1 : i32
        %parallel_loop3A_979 = arith.index_cast %parallel_loop3A_828 : i32 to index
        %parallel_loop3A_980 = arith.index_cast %parallel_loop3A_978 : i32 to index
        %parallel_loop3A_981 = arith.constant 80 : index
        %parallel_loop3A_982 = tpu.vector_load %arg8[%parallel_loop3A_979, %parallel_loop3A_980, %parallel_loop3A_981] {strides = array<i32>} : memref<32x8x128xf32, #tpu.memory_space<vmem>>, vector<1x1x16xf32>,
        %parallel_loop3A_983 = vector.shape_cast %parallel_loop3A_982 : vector<1x1x16xf32> to vector<16xf32>
        %parallel_loop3A_984 = arith.mulf %parallel_loop3A_834, %parallel_loop3A_983 : vector<16xf32>
        %parallel_loop3A_985 = arith.constant 208 : index
        %parallel_loop3A_986 = tpu.vector_load %arg10[%parallel_loop3A_985] {strides = array<i32>} : memref<1024xf32, #tpu.memory_space<vmem>>, vector<16xf32>,
        %parallel_loop3A_987 = vector.shape_cast %parallel_loop3A_986 : vector<16xf32> to vector<16xf32>
        %parallel_loop3A_988 = vector.shape_cast %parallel_loop3A_984 : vector<16xf32> to vector<16xf32>
        tpu.vector_store %arg10[%parallel_loop3A_985], %parallel_loop3A_988 {add = true, strides = array<i32>} : memref<1024xf32, #tpu.memory_space<vmem>>, vector<16xf32>,
        %parallel_loop3A_989 = arith.constant 1 : i32
        %parallel_loop3A_990 = arith.index_cast %parallel_loop3A_828 : i32 to index
        %parallel_loop3A_991 = arith.index_cast %parallel_loop3A_989 : i32 to index
        %parallel_loop3A_992 = arith.constant 96 : index
        %parallel_loop3A_993 = tpu.vector_load %arg8[%parallel_loop3A_990, %parallel_loop3A_991, %parallel_loop3A_992] {strides = array<i32>} : memref<32x8x128xf32, #tpu.memory_space<vmem>>, vector<1x1x16xf32>,
        %parallel_loop3A_994 = vector.shape_cast %parallel_loop3A_993 : vector<1x1x16xf32> to vector<16xf32>
        %parallel_loop3A_995 = arith.mulf %parallel_loop3A_834, %parallel_loop3A_994 : vector<16xf32>
        %parallel_loop3A_996 = arith.constant 224 : index
        %parallel_loop3A_997 = tpu.vector_load %arg10[%parallel_loop3A_996] {strides = array<i32>} : memref<1024xf32, #tpu.memory_space<vmem>>, vector<16xf32>,
        %parallel_loop3A_998 = vector.shape_cast %parallel_loop3A_997 : vector<16xf32> to vector<16xf32>
        %parallel_loop3A_999 = vector.shape_cast %parallel_loop3A_995 : vector<16xf32> to vector<16xf32>
        tpu.vector_store %arg10[%parallel_loop3A_996], %parallel_loop3A_999 {add = true, strides = array<i32>} : memref<1024xf32, #tpu.memory_space<vmem>>, vector<16xf32>,
        %parallel_loop3A_1000 = arith.constant 1 : i32
        %parallel_loop3A_1001 = arith.index_cast %parallel_loop3A_828 : i32 to index
        %parallel_loop3A_1002 = arith.index_cast %parallel_loop3A_1000 : i32 to index
        %parallel_loop3A_1003 = arith.constant 112 : index
        %parallel_loop3A_1004 = tpu.vector_load %arg8[%parallel_loop3A_1001, %parallel_loop3A_1002, %parallel_loop3A_1003] {strides = array<i32>} : memref<32x8x128xf32, #tpu.memory_space<vmem>>, vector<1x1x16xf32>,
        %parallel_loop3A_1005 = vector.shape_cast %parallel_loop3A_1004 : vector<1x1x16xf32> to vector<16xf32>
        %parallel_loop3A_1006 = arith.mulf %parallel_loop3A_834, %parallel_loop3A_1005 : vector<16xf32>
        %parallel_loop3A_1007 = arith.constant 240 : index
        %parallel_loop3A_1008 = tpu.vector_load %arg10[%parallel_loop3A_1007] {strides = array<i32>} : memref<1024xf32, #tpu.memory_space<vmem>>, vector<16xf32>,
        %parallel_loop3A_1009 = vector.shape_cast %parallel_loop3A_1008 : vector<16xf32> to vector<16xf32>
        %parallel_loop3A_1010 = vector.shape_cast %parallel_loop3A_1006 : vector<16xf32> to vector<16xf32>
        tpu.vector_store %arg10[%parallel_loop3A_1007], %parallel_loop3A_1010 {add = true, strides = array<i32>} : memref<1024xf32, #tpu.memory_space<vmem>>, vector<16xf32>,
        %parallel_loop3A_1011 = arith.constant 2 : i32
        %parallel_loop3A_1012 = arith.index_cast %parallel_loop3A_828 : i32 to index
        %parallel_loop3A_1013 = arith.index_cast %parallel_loop3A_1011 : i32 to index
        %parallel_loop3A_1014 = arith.constant 0 : index
        %parallel_loop3A_1015 = tpu.vector_load %arg8[%parallel_loop3A_1012, %parallel_loop3A_1013, %parallel_loop3A_1014] {strides = array<i32>} : memref<32x8x128xf32, #tpu.memory_space<vmem>>, vector<1x1x16xf32>,
        %parallel_loop3A_1016 = vector.shape_cast %parallel_loop3A_1015 : vector<1x1x16xf32> to vector<16xf32>
        %parallel_loop3A_1017 = arith.mulf %parallel_loop3A_834, %parallel_loop3A_1016 : vector<16xf32>
        %parallel_loop3A_1018 = arith.constant 256 : index
        %parallel_loop3A_1019 = tpu.vector_load %arg10[%parallel_loop3A_1018] {strides = array<i32>} : memref<1024xf32, #tpu.memory_space<vmem>>, vector<16xf32>,
        %parallel_loop3A_1020 = vector.shape_cast %parallel_loop3A_1019 : vector<16xf32> to vector<16xf32>
        %parallel_loop3A_1021 = vector.shape_cast %parallel_loop3A_1017 : vector<16xf32> to vector<16xf32>
        tpu.vector_store %arg10[%parallel_loop3A_1018], %parallel_loop3A_1021 {add = true, strides = array<i32>} : memref<1024xf32, #tpu.memory_space<vmem>>, vector<16xf32>,
        %parallel_loop3A_1022 = arith.constant 2 : i32
        %parallel_loop3A_1023 = arith.index_cast %parallel_loop3A_828 : i32 to index
        %parallel_loop3A_1024 = arith.index_cast %parallel_loop3A_1022 : i32 to index
        %parallel_loop3A_1025 = arith.constant 16 : index
        %parallel_loop3A_1026 = tpu.vector_load %arg8[%parallel_loop3A_1023, %parallel_loop3A_1024, %parallel_loop3A_1025] {strides = array<i32>} : memref<32x8x128xf32, #tpu.memory_space<vmem>>, vector<1x1x16xf32>,
        %parallel_loop3A_1027 = vector.shape_cast %parallel_loop3A_1026 : vector<1x1x16xf32> to vector<16xf32>
        %parallel_loop3A_1028 = arith.mulf %parallel_loop3A_834, %parallel_loop3A_1027 : vector<16xf32>
        %parallel_loop3A_1029 = arith.constant 272 : index
        %parallel_loop3A_1030 = tpu.vector_load %arg10[%parallel_loop3A_1029] {strides = array<i32>} : memref<1024xf32, #tpu.memory_space<vmem>>, vector<16xf32>,
        %parallel_loop3A_1031 = vector.shape_cast %parallel_loop3A_1030 : vector<16xf32> to vector<16xf32>
        %parallel_loop3A_1032 = vector.shape_cast %parallel_loop3A_1028 : vector<16xf32> to vector<16xf32>
        tpu.vector_store %arg10[%parallel_loop3A_1029], %parallel_loop3A_1032 {add = true, strides = array<i32>} : memref<1024xf32, #tpu.memory_space<vmem>>, vector<16xf32>,
        %parallel_loop3A_1033 = arith.constant 2 : i32
        %parallel_loop3A_1034 = arith.index_cast %parallel_loop3A_828 : i32 to index
        %parallel_loop3A_1035 = arith.index_cast %parallel_loop3A_1033 : i32 to index
        %parallel_loop3A_1036 = arith.constant 32 : index
        %parallel_loop3A_1037 = tpu.vector_load %arg8[%parallel_loop3A_1034, %parallel_loop3A_1035, %parallel_loop3A_1036] {strides = array<i32>} : memref<32x8x128xf32, #tpu.memory_space<vmem>>, vector<1x1x16xf32>,
        %parallel_loop3A_1038 = vector.shape_cast %parallel_loop3A_1037 : vector<1x1x16xf32> to vector<16xf32>
        %parallel_loop3A_1039 = arith.mulf %parallel_loop3A_834, %parallel_loop3A_1038 : vector<16xf32>
        %parallel_loop3A_1040 = arith.constant 288 : index
        %parallel_loop3A_1041 = tpu.vector_load %arg10[%parallel_loop3A_1040] {strides = array<i32>} : memref<1024xf32, #tpu.memory_space<vmem>>, vector<16xf32>,
        %parallel_loop3A_1042 = vector.shape_cast %parallel_loop3A_1041 : vector<16xf32> to vector<16xf32>
        %parallel_loop3A_1043 = vector.shape_cast %parallel_loop3A_1039 : vector<16xf32> to vector<16xf32>
        tpu.vector_store %arg10[%parallel_loop3A_1040], %parallel_loop3A_1043 {add = true, strides = array<i32>} : memref<1024xf32, #tpu.memory_space<vmem>>, vector<16xf32>,
        %parallel_loop3A_1044 = arith.constant 2 : i32
        %parallel_loop3A_1045 = arith.index_cast %parallel_loop3A_828 : i32 to index
        %parallel_loop3A_1046 = arith.index_cast %parallel_loop3A_1044 : i32 to index
        %parallel_loop3A_1047 = arith.constant 48 : index
        %parallel_loop3A_1048 = tpu.vector_load %arg8[%parallel_loop3A_1045, %parallel_loop3A_1046, %parallel_loop3A_1047] {strides = array<i32>} : memref<32x8x128xf32, #tpu.memory_space<vmem>>, vector<1x1x16xf32>,
        %parallel_loop3A_1049 = vector.shape_cast %parallel_loop3A_1048 : vector<1x1x16xf32> to vector<16xf32>
        %parallel_loop3A_1050 = arith.mulf %parallel_loop3A_834, %parallel_loop3A_1049 : vector<16xf32>
        %parallel_loop3A_1051 = arith.constant 304 : index
        %parallel_loop3A_1052 = tpu.vector_load %arg10[%parallel_loop3A_1051] {strides = array<i32>} : memref<1024xf32, #tpu.memory_space<vmem>>, vector<16xf32>,
        %parallel_loop3A_1053 = vector.shape_cast %parallel_loop3A_1052 : vector<16xf32> to vector<16xf32>
        %parallel_loop3A_1054 = vector.shape_cast %parallel_loop3A_1050 : vector<16xf32> to vector<16xf32>
        tpu.vector_store %arg10[%parallel_loop3A_1051], %parallel_loop3A_1054 {add = true, strides = array<i32>} : memref<1024xf32, #tpu.memory_space<vmem>>, vector<16xf32>,
        %parallel_loop3A_1055 = arith.constant 2 : i32
        %parallel_loop3A_1056 = arith.index_cast %parallel_loop3A_828 : i32 to index
        %parallel_loop3A_1057 = arith.index_cast %parallel_loop3A_1055 : i32 to index
        %parallel_loop3A_1058 = arith.constant 64 : index
        %parallel_loop3A_1059 = tpu.vector_load %arg8[%parallel_loop3A_1056, %parallel_loop3A_1057, %parallel_loop3A_1058] {strides = array<i32>} : memref<32x8x128xf32, #tpu.memory_space<vmem>>, vector<1x1x16xf32>,
        %parallel_loop3A_1060 = vector.shape_cast %parallel_loop3A_1059 : vector<1x1x16xf32> to vector<16xf32>
        %parallel_loop3A_1061 = arith.mulf %parallel_loop3A_834, %parallel_loop3A_1060 : vector<16xf32>
        %parallel_loop3A_1062 = arith.constant 320 : index
        %parallel_loop3A_1063 = tpu.vector_load %arg10[%parallel_loop3A_1062] {strides = array<i32>} : memref<1024xf32, #tpu.memory_space<vmem>>, vector<16xf32>,
        %parallel_loop3A_1064 = vector.shape_cast %parallel_loop3A_1063 : vector<16xf32> to vector<16xf32>
        %parallel_loop3A_1065 = vector.shape_cast %parallel_loop3A_1061 : vector<16xf32> to vector<16xf32>
        tpu.vector_store %arg10[%parallel_loop3A_1062], %parallel_loop3A_1065 {add = true, strides = array<i32>} : memref<1024xf32, #tpu.memory_space<vmem>>, vector<16xf32>,
        %parallel_loop3A_1066 = arith.constant 2 : i32
        %parallel_loop3A_1067 = arith.index_cast %parallel_loop3A_828 : i32 to index
        %parallel_loop3A_1068 = arith.index_cast %parallel_loop3A_1066 : i32 to index
        %parallel_loop3A_1069 = arith.constant 80 : index
        %parallel_loop3A_1070 = tpu.vector_load %arg8[%parallel_loop3A_1067, %parallel_loop3A_1068, %parallel_loop3A_1069] {strides = array<i32>} : memref<32x8x128xf32, #tpu.memory_space<vmem>>, vector<1x1x16xf32>,
        %parallel_loop3A_1071 = vector.shape_cast %parallel_loop3A_1070 : vector<1x1x16xf32> to vector<16xf32>
        %parallel_loop3A_1072 = arith.mulf %parallel_loop3A_834, %parallel_loop3A_1071 : vector<16xf32>
        %parallel_loop3A_1073 = arith.constant 336 : index
        %parallel_loop3A_1074 = tpu.vector_load %arg10[%parallel_loop3A_1073] {strides = array<i32>} : memref<1024xf32, #tpu.memory_space<vmem>>, vector<16xf32>,
        %parallel_loop3A_1075 = vector.shape_cast %parallel_loop3A_1074 : vector<16xf32> to vector<16xf32>
        %parallel_loop3A_1076 = vector.shape_cast %parallel_loop3A_1072 : vector<16xf32> to vector<16xf32>
        tpu.vector_store %arg10[%parallel_loop3A_1073], %parallel_loop3A_1076 {add = true, strides = array<i32>} : memref<1024xf32, #tpu.memory_space<vmem>>, vector<16xf32>,
        %parallel_loop3A_1077 = arith.constant 2 : i32
        %parallel_loop3A_1078 = arith.index_cast %parallel_loop3A_828 : i32 to index
        %parallel_loop3A_1079 = arith.index_cast %parallel_loop3A_1077 : i32 to index
        %parallel_loop3A_1080 = arith.constant 96 : index
        %parallel_loop3A_1081 = tpu.vector_load %arg8[%parallel_loop3A_1078, %parallel_loop3A_1079, %parallel_loop3A_1080] {strides = array<i32>} : memref<32x8x128xf32, #tpu.memory_space<vmem>>, vector<1x1x16xf32>,
        %parallel_loop3A_1082 = vector.shape_cast %parallel_loop3A_1081 : vector<1x1x16xf32> to vector<16xf32>
        %parallel_loop3A_1083 = arith.mulf %parallel_loop3A_834, %parallel_loop3A_1082 : vector<16xf32>
        %parallel_loop3A_1084 = arith.constant 352 : index
        %parallel_loop3A_1085 = tpu.vector_load %arg10[%parallel_loop3A_1084] {strides = array<i32>} : memref<1024xf32, #tpu.memory_space<vmem>>, vector<16xf32>,
        %parallel_loop3A_1086 = vector.shape_cast %parallel_loop3A_1085 : vector<16xf32> to vector<16xf32>
        %parallel_loop3A_1087 = vector.shape_cast %parallel_loop3A_1083 : vector<16xf32> to vector<16xf32>
        tpu.vector_store %arg10[%parallel_loop3A_1084], %parallel_loop3A_1087 {add = true, strides = array<i32>} : memref<1024xf32, #tpu.memory_space<vmem>>, vector<16xf32>,
        %parallel_loop3A_1088 = arith.constant 2 : i32
        %parallel_loop3A_1089 = arith.index_cast %parallel_loop3A_828 : i32 to index
        %parallel_loop3A_1090 = arith.index_cast %parallel_loop3A_1088 : i32 to index
        %parallel_loop3A_1091 = arith.constant 112 : index
        %parallel_loop3A_1092 = tpu.vector_load %arg8[%parallel_loop3A_1089, %parallel_loop3A_1090, %parallel_loop3A_1091] {strides = array<i32>} : memref<32x8x128xf32, #tpu.memory_space<vmem>>, vector<1x1x16xf32>,
        %parallel_loop3A_1093 = vector.shape_cast %parallel_loop3A_1092 : vector<1x1x16xf32> to vector<16xf32>
        %parallel_loop3A_1094 = arith.mulf %parallel_loop3A_834, %parallel_loop3A_1093 : vector<16xf32>
        %parallel_loop3A_1095 = arith.constant 368 : index
        %parallel_loop3A_1096 = tpu.vector_load %arg10[%parallel_loop3A_1095] {strides = array<i32>} : memref<1024xf32, #tpu.memory_space<vmem>>, vector<16xf32>,
        %parallel_loop3A_1097 = vector.shape_cast %parallel_loop3A_1096 : vector<16xf32> to vector<16xf32>
        %parallel_loop3A_1098 = vector.shape_cast %parallel_loop3A_1094 : vector<16xf32> to vector<16xf32>
        tpu.vector_store %arg10[%parallel_loop3A_1095], %parallel_loop3A_1098 {add = true, strides = array<i32>} : memref<1024xf32, #tpu.memory_space<vmem>>, vector<16xf32>,
        %parallel_loop3A_1099 = arith.constant 3 : i32
        %parallel_loop3A_1100 = arith.index_cast %parallel_loop3A_828 : i32 to index
        %parallel_loop3A_1101 = arith.index_cast %parallel_loop3A_1099 : i32 to index
        %parallel_loop3A_1102 = arith.constant 0 : index
        %parallel_loop3A_1103 = tpu.vector_load %arg8[%parallel_loop3A_1100, %parallel_loop3A_1101, %parallel_loop3A_1102] {strides = array<i32>} : memref<32x8x128xf32, #tpu.memory_space<vmem>>, vector<1x1x16xf32>,
        %parallel_loop3A_1104 = vector.shape_cast %parallel_loop3A_1103 : vector<1x1x16xf32> to vector<16xf32>
        %parallel_loop3A_1105 = arith.mulf %parallel_loop3A_834, %parallel_loop3A_1104 : vector<16xf32>
        %parallel_loop3A_1106 = arith.constant 384 : index
        %parallel_loop3A_1107 = tpu.vector_load %arg10[%parallel_loop3A_1106] {strides = array<i32>} : memref<1024xf32, #tpu.memory_space<vmem>>, vector<16xf32>,
        %parallel_loop3A_1108 = vector.shape_cast %parallel_loop3A_1107 : vector<16xf32> to vector<16xf32>
        %parallel_loop3A_1109 = vector.shape_cast %parallel_loop3A_1105 : vector<16xf32> to vector<16xf32>
        tpu.vector_store %arg10[%parallel_loop3A_1106], %parallel_loop3A_1109 {add = true, strides = array<i32>} : memref<1024xf32, #tpu.memory_space<vmem>>, vector<16xf32>,
        %parallel_loop3A_1110 = arith.constant 3 : i32
        %parallel_loop3A_1111 = arith.index_cast %parallel_loop3A_828 : i32 to index
        %parallel_loop3A_1112 = arith.index_cast %parallel_loop3A_1110 : i32 to index
        %parallel_loop3A_1113 = arith.constant 16 : index
        %parallel_loop3A_1114 = tpu.vector_load %arg8[%parallel_loop3A_1111, %parallel_loop3A_1112, %parallel_loop3A_1113] {strides = array<i32>} : memref<32x8x128xf32, #tpu.memory_space<vmem>>, vector<1x1x16xf32>,
        %parallel_loop3A_1115 = vector.shape_cast %parallel_loop3A_1114 : vector<1x1x16xf32> to vector<16xf32>
        %parallel_loop3A_1116 = arith.mulf %parallel_loop3A_834, %parallel_loop3A_1115 : vector<16xf32>
        %parallel_loop3A_1117 = arith.constant 400 : index
        %parallel_loop3A_1118 = tpu.vector_load %arg10[%parallel_loop3A_1117] {strides = array<i32>} : memref<1024xf32, #tpu.memory_space<vmem>>, vector<16xf32>,
        %parallel_loop3A_1119 = vector.shape_cast %parallel_loop3A_1118 : vector<16xf32> to vector<16xf32>
        %parallel_loop3A_1120 = vector.shape_cast %parallel_loop3A_1116 : vector<16xf32> to vector<16xf32>
        tpu.vector_store %arg10[%parallel_loop3A_1117], %parallel_loop3A_1120 {add = true, strides = array<i32>} : memref<1024xf32, #tpu.memory_space<vmem>>, vector<16xf32>,
        %parallel_loop3A_1121 = arith.constant 3 : i32
        %parallel_loop3A_1122 = arith.index_cast %parallel_loop3A_828 : i32 to index
        %parallel_loop3A_1123 = arith.index_cast %parallel_loop3A_1121 : i32 to index
        %parallel_loop3A_1124 = arith.constant 32 : index
        %parallel_loop3A_1125 = tpu.vector_load %arg8[%parallel_loop3A_1122, %parallel_loop3A_1123, %parallel_loop3A_1124] {strides = array<i32>} : memref<32x8x128xf32, #tpu.memory_space<vmem>>, vector<1x1x16xf32>,
        %parallel_loop3A_1126 = vector.shape_cast %parallel_loop3A_1125 : vector<1x1x16xf32> to vector<16xf32>
        %parallel_loop3A_1127 = arith.mulf %parallel_loop3A_834, %parallel_loop3A_1126 : vector<16xf32>
        %parallel_loop3A_1128 = arith.constant 416 : index
        %parallel_loop3A_1129 = tpu.vector_load %arg10[%parallel_loop3A_1128] {strides = array<i32>} : memref<1024xf32, #tpu.memory_space<vmem>>, vector<16xf32>,
        %parallel_loop3A_1130 = vector.shape_cast %parallel_loop3A_1129 : vector<16xf32> to vector<16xf32>
        %parallel_loop3A_1131 = vector.shape_cast %parallel_loop3A_1127 : vector<16xf32> to vector<16xf32>
        tpu.vector_store %arg10[%parallel_loop3A_1128], %parallel_loop3A_1131 {add = true, strides = array<i32>} : memref<1024xf32, #tpu.memory_space<vmem>>, vector<16xf32>,
        %parallel_loop3A_1132 = arith.constant 3 : i32
        %parallel_loop3A_1133 = arith.index_cast %parallel_loop3A_828 : i32 to index
        %parallel_loop3A_1134 = arith.index_cast %parallel_loop3A_1132 : i32 to index
        %parallel_loop3A_1135 = arith.constant 48 : index
        %parallel_loop3A_1136 = tpu.vector_load %arg8[%parallel_loop3A_1133, %parallel_loop3A_1134, %parallel_loop3A_1135] {strides = array<i32>} : memref<32x8x128xf32, #tpu.memory_space<vmem>>, vector<1x1x16xf32>,
        %parallel_loop3A_1137 = vector.shape_cast %parallel_loop3A_1136 : vector<1x1x16xf32> to vector<16xf32>
        %parallel_loop3A_1138 = arith.mulf %parallel_loop3A_834, %parallel_loop3A_1137 : vector<16xf32>
        %parallel_loop3A_1139 = arith.constant 432 : index
        %parallel_loop3A_1140 = tpu.vector_load %arg10[%parallel_loop3A_1139] {strides = array<i32>} : memref<1024xf32, #tpu.memory_space<vmem>>, vector<16xf32>,
        %parallel_loop3A_1141 = vector.shape_cast %parallel_loop3A_1140 : vector<16xf32> to vector<16xf32>
        %parallel_loop3A_1142 = vector.shape_cast %parallel_loop3A_1138 : vector<16xf32> to vector<16xf32>
        tpu.vector_store %arg10[%parallel_loop3A_1139], %parallel_loop3A_1142 {add = true, strides = array<i32>} : memref<1024xf32, #tpu.memory_space<vmem>>, vector<16xf32>,
        %parallel_loop3A_1143 = arith.constant 3 : i32
        %parallel_loop3A_1144 = arith.index_cast %parallel_loop3A_828 : i32 to index
        %parallel_loop3A_1145 = arith.index_cast %parallel_loop3A_1143 : i32 to index
        %parallel_loop3A_1146 = arith.constant 64 : index
        %parallel_loop3A_1147 = tpu.vector_load %arg8[%parallel_loop3A_1144, %parallel_loop3A_1145, %parallel_loop3A_1146] {strides = array<i32>} : memref<32x8x128xf32, #tpu.memory_space<vmem>>, vector<1x1x16xf32>,
        %parallel_loop3A_1148 = vector.shape_cast %parallel_loop3A_1147 : vector<1x1x16xf32> to vector<16xf32>
        %parallel_loop3A_1149 = arith.mulf %parallel_loop3A_834, %parallel_loop3A_1148 : vector<16xf32>
        %parallel_loop3A_1150 = arith.constant 448 : index
        %parallel_loop3A_1151 = tpu.vector_load %arg10[%parallel_loop3A_1150] {strides = array<i32>} : memref<1024xf32, #tpu.memory_space<vmem>>, vector<16xf32>,
        %parallel_loop3A_1152 = vector.shape_cast %parallel_loop3A_1151 : vector<16xf32> to vector<16xf32>
        %parallel_loop3A_1153 = vector.shape_cast %parallel_loop3A_1149 : vector<16xf32> to vector<16xf32>
        tpu.vector_store %arg10[%parallel_loop3A_1150], %parallel_loop3A_1153 {add = true, strides = array<i32>} : memref<1024xf32, #tpu.memory_space<vmem>>, vector<16xf32>,
        %parallel_loop3A_1154 = arith.constant 3 : i32
        %parallel_loop3A_1155 = arith.index_cast %parallel_loop3A_828 : i32 to index
        %parallel_loop3A_1156 = arith.index_cast %parallel_loop3A_1154 : i32 to index
        %parallel_loop3A_1157 = arith.constant 80 : index
        %parallel_loop3A_1158 = tpu.vector_load %arg8[%parallel_loop3A_1155, %parallel_loop3A_1156, %parallel_loop3A_1157] {strides = array<i32>} : memref<32x8x128xf32, #tpu.memory_space<vmem>>, vector<1x1x16xf32>,
        %parallel_loop3A_1159 = vector.shape_cast %parallel_loop3A_1158 : vector<1x1x16xf32> to vector<16xf32>
        %parallel_loop3A_1160 = arith.mulf %parallel_loop3A_834, %parallel_loop3A_1159 : vector<16xf32>
        %parallel_loop3A_1161 = arith.constant 464 : index
        %parallel_loop3A_1162 = tpu.vector_load %arg10[%parallel_loop3A_1161] {strides = array<i32>} : memref<1024xf32, #tpu.memory_space<vmem>>, vector<16xf32>,
        %parallel_loop3A_1163 = vector.shape_cast %parallel_loop3A_1162 : vector<16xf32> to vector<16xf32>
        %parallel_loop3A_1164 = vector.shape_cast %parallel_loop3A_1160 : vector<16xf32> to vector<16xf32>
        tpu.vector_store %arg10[%parallel_loop3A_1161], %parallel_loop3A_1164 {add = true, strides = array<i32>} : memref<1024xf32, #tpu.memory_space<vmem>>, vector<16xf32>,
        %parallel_loop3A_1165 = arith.constant 3 : i32
        %parallel_loop3A_1166 = arith.index_cast %parallel_loop3A_828 : i32 to index
        %parallel_loop3A_1167 = arith.index_cast %parallel_loop3A_1165 : i32 to index
        %parallel_loop3A_1168 = arith.constant 96 : index
        %parallel_loop3A_1169 = tpu.vector_load %arg8[%parallel_loop3A_1166, %parallel_loop3A_1167, %parallel_loop3A_1168] {strides = array<i32>} : memref<32x8x128xf32, #tpu.memory_space<vmem>>, vector<1x1x16xf32>,
        %parallel_loop3A_1170 = vector.shape_cast %parallel_loop3A_1169 : vector<1x1x16xf32> to vector<16xf32>
        %parallel_loop3A_1171 = arith.mulf %parallel_loop3A_834, %parallel_loop3A_1170 : vector<16xf32>
        %parallel_loop3A_1172 = arith.constant 480 : index
        %parallel_loop3A_1173 = tpu.vector_load %arg10[%parallel_loop3A_1172] {strides = array<i32>} : memref<1024xf32, #tpu.memory_space<vmem>>, vector<16xf32>,
        %parallel_loop3A_1174 = vector.shape_cast %parallel_loop3A_1173 : vector<16xf32> to vector<16xf32>
        %parallel_loop3A_1175 = vector.shape_cast %parallel_loop3A_1171 : vector<16xf32> to vector<16xf32>
        tpu.vector_store %arg10[%parallel_loop3A_1172], %parallel_loop3A_1175 {add = true, strides = array<i32>} : memref<1024xf32, #tpu.memory_space<vmem>>, vector<16xf32>,
        %parallel_loop3A_1176 = arith.constant 3 : i32
        %parallel_loop3A_1177 = arith.index_cast %parallel_loop3A_828 : i32 to index
        %parallel_loop3A_1178 = arith.index_cast %parallel_loop3A_1176 : i32 to index
        %parallel_loop3A_1179 = arith.constant 112 : index
        %parallel_loop3A_1180 = tpu.vector_load %arg8[%parallel_loop3A_1177, %parallel_loop3A_1178, %parallel_loop3A_1179] {strides = array<i32>} : memref<32x8x128xf32, #tpu.memory_space<vmem>>, vector<1x1x16xf32>,
        %parallel_loop3A_1181 = vector.shape_cast %parallel_loop3A_1180 : vector<1x1x16xf32> to vector<16xf32>
        %parallel_loop3A_1182 = arith.mulf %parallel_loop3A_834, %parallel_loop3A_1181 : vector<16xf32>
        %parallel_loop3A_1183 = arith.constant 496 : index
        %parallel_loop3A_1184 = tpu.vector_load %arg10[%parallel_loop3A_1183] {strides = array<i32>} : memref<1024xf32, #tpu.memory_space<vmem>>, vector<16xf32>,
        %parallel_loop3A_1185 = vector.shape_cast %parallel_loop3A_1184 : vector<16xf32> to vector<16xf32>
        %parallel_loop3A_1186 = vector.shape_cast %parallel_loop3A_1182 : vector<16xf32> to vector<16xf32>
        tpu.vector_store %arg10[%parallel_loop3A_1183], %parallel_loop3A_1186 {add = true, strides = array<i32>} : memref<1024xf32, #tpu.memory_space<vmem>>, vector<16xf32>,
        %parallel_loop3A_1187 = arith.constant 4 : i32
        %parallel_loop3A_1188 = arith.index_cast %parallel_loop3A_828 : i32 to index
        %parallel_loop3A_1189 = arith.index_cast %parallel_loop3A_1187 : i32 to index
        %parallel_loop3A_1190 = arith.constant 0 : index
        %parallel_loop3A_1191 = tpu.vector_load %arg8[%parallel_loop3A_1188, %parallel_loop3A_1189, %parallel_loop3A_1190] {strides = array<i32>} : memref<32x8x128xf32, #tpu.memory_space<vmem>>, vector<1x1x16xf32>,
        %parallel_loop3A_1192 = vector.shape_cast %parallel_loop3A_1191 : vector<1x1x16xf32> to vector<16xf32>
        %parallel_loop3A_1193 = arith.mulf %parallel_loop3A_834, %parallel_loop3A_1192 : vector<16xf32>
        %parallel_loop3A_1194 = arith.constant 512 : index
        %parallel_loop3A_1195 = tpu.vector_load %arg10[%parallel_loop3A_1194] {strides = array<i32>} : memref<1024xf32, #tpu.memory_space<vmem>>, vector<16xf32>,
        %parallel_loop3A_1196 = vector.shape_cast %parallel_loop3A_1195 : vector<16xf32> to vector<16xf32>
        %parallel_loop3A_1197 = vector.shape_cast %parallel_loop3A_1193 : vector<16xf32> to vector<16xf32>
        tpu.vector_store %arg10[%parallel_loop3A_1194], %parallel_loop3A_1197 {add = true, strides = array<i32>} : memref<1024xf32, #tpu.memory_space<vmem>>, vector<16xf32>,
        %parallel_loop3A_1198 = arith.constant 4 : i32
        %parallel_loop3A_1199 = arith.index_cast %parallel_loop3A_828 : i32 to index
        %parallel_loop3A_1200 = arith.index_cast %parallel_loop3A_1198 : i32 to index
        %parallel_loop3A_1201 = arith.constant 16 : index
        %parallel_loop3A_1202 = tpu.vector_load %arg8[%parallel_loop3A_1199, %parallel_loop3A_1200, %parallel_loop3A_1201] {strides = array<i32>} : memref<32x8x128xf32, #tpu.memory_space<vmem>>, vector<1x1x16xf32>,
        %parallel_loop3A_1203 = vector.shape_cast %parallel_loop3A_1202 : vector<1x1x16xf32> to vector<16xf32>
        %parallel_loop3A_1204 = arith.mulf %parallel_loop3A_834, %parallel_loop3A_1203 : vector<16xf32>
        %parallel_loop3A_1205 = arith.constant 528 : index
        %parallel_loop3A_1206 = tpu.vector_load %arg10[%parallel_loop3A_1205] {strides = array<i32>} : memref<1024xf32, #tpu.memory_space<vmem>>, vector<16xf32>,
        %parallel_loop3A_1207 = vector.shape_cast %parallel_loop3A_1206 : vector<16xf32> to vector<16xf32>
        %parallel_loop3A_1208 = vector.shape_cast %parallel_loop3A_1204 : vector<16xf32> to vector<16xf32>
        tpu.vector_store %arg10[%parallel_loop3A_1205], %parallel_loop3A_1208 {add = true, strides = array<i32>} : memref<1024xf32, #tpu.memory_space<vmem>>, vector<16xf32>,
        %parallel_loop3A_1209 = arith.constant 4 : i32
        %parallel_loop3A_1210 = arith.index_cast %parallel_loop3A_828 : i32 to index
        %parallel_loop3A_1211 = arith.index_cast %parallel_loop3A_1209 : i32 to index
        %parallel_loop3A_1212 = arith.constant 32 : index
        %parallel_loop3A_1213 = tpu.vector_load %arg8[%parallel_loop3A_1210, %parallel_loop3A_1211, %parallel_loop3A_1212] {strides = array<i32>} : memref<32x8x128xf32, #tpu.memory_space<vmem>>, vector<1x1x16xf32>,
        %parallel_loop3A_1214 = vector.shape_cast %parallel_loop3A_1213 : vector<1x1x16xf32> to vector<16xf32>
        %parallel_loop3A_1215 = arith.mulf %parallel_loop3A_834, %parallel_loop3A_1214 : vector<16xf32>
        %parallel_loop3A_1216 = arith.constant 544 : index
        %parallel_loop3A_1217 = tpu.vector_load %arg10[%parallel_loop3A_1216] {strides = array<i32>} : memref<1024xf32, #tpu.memory_space<vmem>>, vector<16xf32>,
        %parallel_loop3A_1218 = vector.shape_cast %parallel_loop3A_1217 : vector<16xf32> to vector<16xf32>
        %parallel_loop3A_1219 = vector.shape_cast %parallel_loop3A_1215 : vector<16xf32> to vector<16xf32>
        tpu.vector_store %arg10[%parallel_loop3A_1216], %parallel_loop3A_1219 {add = true, strides = array<i32>} : memref<1024xf32, #tpu.memory_space<vmem>>, vector<16xf32>,
        %parallel_loop3A_1220 = arith.constant 4 : i32
        %parallel_loop3A_1221 = arith.index_cast %parallel_loop3A_828 : i32 to index
        %parallel_loop3A_1222 = arith.index_cast %parallel_loop3A_1220 : i32 to index
        %parallel_loop3A_1223 = arith.constant 48 : index
        %parallel_loop3A_1224 = tpu.vector_load %arg8[%parallel_loop3A_1221, %parallel_loop3A_1222, %parallel_loop3A_1223] {strides = array<i32>} : memref<32x8x128xf32, #tpu.memory_space<vmem>>, vector<1x1x16xf32>,
        %parallel_loop3A_1225 = vector.shape_cast %parallel_loop3A_1224 : vector<1x1x16xf32> to vector<16xf32>
        %parallel_loop3A_1226 = arith.mulf %parallel_loop3A_834, %parallel_loop3A_1225 : vector<16xf32>
        %parallel_loop3A_1227 = arith.constant 560 : index
        %parallel_loop3A_1228 = tpu.vector_load %arg10[%parallel_loop3A_1227] {strides = array<i32>} : memref<1024xf32, #tpu.memory_space<vmem>>, vector<16xf32>,
        %parallel_loop3A_1229 = vector.shape_cast %parallel_loop3A_1228 : vector<16xf32> to vector<16xf32>
        %parallel_loop3A_1230 = vector.shape_cast %parallel_loop3A_1226 : vector<16xf32> to vector<16xf32>
        tpu.vector_store %arg10[%parallel_loop3A_1227], %parallel_loop3A_1230 {add = true, strides = array<i32>} : memref<1024xf32, #tpu.memory_space<vmem>>, vector<16xf32>,
        %parallel_loop3A_1231 = arith.constant 4 : i32
        %parallel_loop3A_1232 = arith.index_cast %parallel_loop3A_828 : i32 to index
        %parallel_loop3A_1233 = arith.index_cast %parallel_loop3A_1231 : i32 to index
        %parallel_loop3A_1234 = arith.constant 64 : index
        %parallel_loop3A_1235 = tpu.vector_load %arg8[%parallel_loop3A_1232, %parallel_loop3A_1233, %parallel_loop3A_1234] {strides = array<i32>} : memref<32x8x128xf32, #tpu.memory_space<vmem>>, vector<1x1x16xf32>,
        %parallel_loop3A_1236 = vector.shape_cast %parallel_loop3A_1235 : vector<1x1x16xf32> to vector<16xf32>
        %parallel_loop3A_1237 = arith.mulf %parallel_loop3A_834, %parallel_loop3A_1236 : vector<16xf32>
        %parallel_loop3A_1238 = arith.constant 576 : index
        %parallel_loop3A_1239 = tpu.vector_load %arg10[%parallel_loop3A_1238] {strides = array<i32>} : memref<1024xf32, #tpu.memory_space<vmem>>, vector<16xf32>,
        %parallel_loop3A_1240 = vector.shape_cast %parallel_loop3A_1239 : vector<16xf32> to vector<16xf32>
        %parallel_loop3A_1241 = vector.shape_cast %parallel_loop3A_1237 : vector<16xf32> to vector<16xf32>
        tpu.vector_store %arg10[%parallel_loop3A_1238], %parallel_loop3A_1241 {add = true, strides = array<i32>} : memref<1024xf32, #tpu.memory_space<vmem>>, vector<16xf32>,
        %parallel_loop3A_1242 = arith.constant 4 : i32
        %parallel_loop3A_1243 = arith.index_cast %parallel_loop3A_828 : i32 to index
        %parallel_loop3A_1244 = arith.index_cast %parallel_loop3A_1242 : i32 to index
        %parallel_loop3A_1245 = arith.constant 80 : index
        %parallel_loop3A_1246 = tpu.vector_load %arg8[%parallel_loop3A_1243, %parallel_loop3A_1244, %parallel_loop3A_1245] {strides = array<i32>} : memref<32x8x128xf32, #tpu.memory_space<vmem>>, vector<1x1x16xf32>,
        %parallel_loop3A_1247 = vector.shape_cast %parallel_loop3A_1246 : vector<1x1x16xf32> to vector<16xf32>
        %parallel_loop3A_1248 = arith.mulf %parallel_loop3A_834, %parallel_loop3A_1247 : vector<16xf32>
        %parallel_loop3A_1249 = arith.constant 592 : index
        %parallel_loop3A_1250 = tpu.vector_load %arg10[%parallel_loop3A_1249] {strides = array<i32>} : memref<1024xf32, #tpu.memory_space<vmem>>, vector<16xf32>,
        %parallel_loop3A_1251 = vector.shape_cast %parallel_loop3A_1250 : vector<16xf32> to vector<16xf32>
        %parallel_loop3A_1252 = vector.shape_cast %parallel_loop3A_1248 : vector<16xf32> to vector<16xf32>
        tpu.vector_store %arg10[%parallel_loop3A_1249], %parallel_loop3A_1252 {add = true, strides = array<i32>} : memref<1024xf32, #tpu.memory_space<vmem>>, vector<16xf32>,
        %parallel_loop3A_1253 = arith.constant 4 : i32
        %parallel_loop3A_1254 = arith.index_cast %parallel_loop3A_828 : i32 to index
        %parallel_loop3A_1255 = arith.index_cast %parallel_loop3A_1253 : i32 to index
        %parallel_loop3A_1256 = arith.constant 96 : index
        %parallel_loop3A_1257 = tpu.vector_load %arg8[%parallel_loop3A_1254, %parallel_loop3A_1255, %parallel_loop3A_1256] {strides = array<i32>} : memref<32x8x128xf32, #tpu.memory_space<vmem>>, vector<1x1x16xf32>,
        %parallel_loop3A_1258 = vector.shape_cast %parallel_loop3A_1257 : vector<1x1x16xf32> to vector<16xf32>
        %parallel_loop3A_1259 = arith.mulf %parallel_loop3A_834, %parallel_loop3A_1258 : vector<16xf32>
        %parallel_loop3A_1260 = arith.constant 608 : index
        %parallel_loop3A_1261 = tpu.vector_load %arg10[%parallel_loop3A_1260] {strides = array<i32>} : memref<1024xf32, #tpu.memory_space<vmem>>, vector<16xf32>,
        %parallel_loop3A_1262 = vector.shape_cast %parallel_loop3A_1261 : vector<16xf32> to vector<16xf32>
        %parallel_loop3A_1263 = vector.shape_cast %parallel_loop3A_1259 : vector<16xf32> to vector<16xf32>
        tpu.vector_store %arg10[%parallel_loop3A_1260], %parallel_loop3A_1263 {add = true, strides = array<i32>} : memref<1024xf32, #tpu.memory_space<vmem>>, vector<16xf32>,
        %parallel_loop3A_1264 = arith.constant 4 : i32
        %parallel_loop3A_1265 = arith.index_cast %parallel_loop3A_828 : i32 to index
        %parallel_loop3A_1266 = arith.index_cast %parallel_loop3A_1264 : i32 to index
        %parallel_loop3A_1267 = arith.constant 112 : index
        %parallel_loop3A_1268 = tpu.vector_load %arg8[%parallel_loop3A_1265, %parallel_loop3A_1266, %parallel_loop3A_1267] {strides = array<i32>} : memref<32x8x128xf32, #tpu.memory_space<vmem>>, vector<1x1x16xf32>,
        %parallel_loop3A_1269 = vector.shape_cast %parallel_loop3A_1268 : vector<1x1x16xf32> to vector<16xf32>
        %parallel_loop3A_1270 = arith.mulf %parallel_loop3A_834, %parallel_loop3A_1269 : vector<16xf32>
        %parallel_loop3A_1271 = arith.constant 624 : index
        %parallel_loop3A_1272 = tpu.vector_load %arg10[%parallel_loop3A_1271] {strides = array<i32>} : memref<1024xf32, #tpu.memory_space<vmem>>, vector<16xf32>,
        %parallel_loop3A_1273 = vector.shape_cast %parallel_loop3A_1272 : vector<16xf32> to vector<16xf32>
        %parallel_loop3A_1274 = vector.shape_cast %parallel_loop3A_1270 : vector<16xf32> to vector<16xf32>
        tpu.vector_store %arg10[%parallel_loop3A_1271], %parallel_loop3A_1274 {add = true, strides = array<i32>} : memref<1024xf32, #tpu.memory_space<vmem>>, vector<16xf32>,
        %parallel_loop3A_1275 = arith.constant 5 : i32
        %parallel_loop3A_1276 = arith.index_cast %parallel_loop3A_828 : i32 to index
        %parallel_loop3A_1277 = arith.index_cast %parallel_loop3A_1275 : i32 to index
        %parallel_loop3A_1278 = arith.constant 0 : index
        %parallel_loop3A_1279 = tpu.vector_load %arg8[%parallel_loop3A_1276, %parallel_loop3A_1277, %parallel_loop3A_1278] {strides = array<i32>} : memref<32x8x128xf32, #tpu.memory_space<vmem>>, vector<1x1x16xf32>,
        %parallel_loop3A_1280 = vector.shape_cast %parallel_loop3A_1279 : vector<1x1x16xf32> to vector<16xf32>
        %parallel_loop3A_1281 = arith.mulf %parallel_loop3A_834, %parallel_loop3A_1280 : vector<16xf32>
        %parallel_loop3A_1282 = arith.constant 640 : index
        %parallel_loop3A_1283 = tpu.vector_load %arg10[%parallel_loop3A_1282] {strides = array<i32>} : memref<1024xf32, #tpu.memory_space<vmem>>, vector<16xf32>,
        %parallel_loop3A_1284 = vector.shape_cast %parallel_loop3A_1283 : vector<16xf32> to vector<16xf32>
        %parallel_loop3A_1285 = vector.shape_cast %parallel_loop3A_1281 : vector<16xf32> to vector<16xf32>
        tpu.vector_store %arg10[%parallel_loop3A_1282], %parallel_loop3A_1285 {add = true, strides = array<i32>} : memref<1024xf32, #tpu.memory_space<vmem>>, vector<16xf32>,
        %parallel_loop3A_1286 = arith.constant 5 : i32
        %parallel_loop3A_1287 = arith.index_cast %parallel_loop3A_828 : i32 to index
        %parallel_loop3A_1288 = arith.index_cast %parallel_loop3A_1286 : i32 to index
        %parallel_loop3A_1289 = arith.constant 16 : index
        %parallel_loop3A_1290 = tpu.vector_load %arg8[%parallel_loop3A_1287, %parallel_loop3A_1288, %parallel_loop3A_1289] {strides = array<i32>} : memref<32x8x128xf32, #tpu.memory_space<vmem>>, vector<1x1x16xf32>,
        %parallel_loop3A_1291 = vector.shape_cast %parallel_loop3A_1290 : vector<1x1x16xf32> to vector<16xf32>
        %parallel_loop3A_1292 = arith.mulf %parallel_loop3A_834, %parallel_loop3A_1291 : vector<16xf32>
        %parallel_loop3A_1293 = arith.constant 656 : index
        %parallel_loop3A_1294 = tpu.vector_load %arg10[%parallel_loop3A_1293] {strides = array<i32>} : memref<1024xf32, #tpu.memory_space<vmem>>, vector<16xf32>,
        %parallel_loop3A_1295 = vector.shape_cast %parallel_loop3A_1294 : vector<16xf32> to vector<16xf32>
        %parallel_loop3A_1296 = vector.shape_cast %parallel_loop3A_1292 : vector<16xf32> to vector<16xf32>
        tpu.vector_store %arg10[%parallel_loop3A_1293], %parallel_loop3A_1296 {add = true, strides = array<i32>} : memref<1024xf32, #tpu.memory_space<vmem>>, vector<16xf32>,
        %parallel_loop3A_1297 = arith.constant 5 : i32
        %parallel_loop3A_1298 = arith.index_cast %parallel_loop3A_828 : i32 to index
        %parallel_loop3A_1299 = arith.index_cast %parallel_loop3A_1297 : i32 to index
        %parallel_loop3A_1300 = arith.constant 32 : index
        %parallel_loop3A_1301 = tpu.vector_load %arg8[%parallel_loop3A_1298, %parallel_loop3A_1299, %parallel_loop3A_1300] {strides = array<i32>} : memref<32x8x128xf32, #tpu.memory_space<vmem>>, vector<1x1x16xf32>,
        %parallel_loop3A_1302 = vector.shape_cast %parallel_loop3A_1301 : vector<1x1x16xf32> to vector<16xf32>
        %parallel_loop3A_1303 = arith.mulf %parallel_loop3A_834, %parallel_loop3A_1302 : vector<16xf32>
        %parallel_loop3A_1304 = arith.constant 672 : index
        %parallel_loop3A_1305 = tpu.vector_load %arg10[%parallel_loop3A_1304] {strides = array<i32>} : memref<1024xf32, #tpu.memory_space<vmem>>, vector<16xf32>,
        %parallel_loop3A_1306 = vector.shape_cast %parallel_loop3A_1305 : vector<16xf32> to vector<16xf32>
        %parallel_loop3A_1307 = vector.shape_cast %parallel_loop3A_1303 : vector<16xf32> to vector<16xf32>
        tpu.vector_store %arg10[%parallel_loop3A_1304], %parallel_loop3A_1307 {add = true, strides = array<i32>} : memref<1024xf32, #tpu.memory_space<vmem>>, vector<16xf32>,
        %parallel_loop3A_1308 = arith.constant 5 : i32
        %parallel_loop3A_1309 = arith.index_cast %parallel_loop3A_828 : i32 to index
        %parallel_loop3A_1310 = arith.index_cast %parallel_loop3A_1308 : i32 to index
        %parallel_loop3A_1311 = arith.constant 48 : index
        %parallel_loop3A_1312 = tpu.vector_load %arg8[%parallel_loop3A_1309, %parallel_loop3A_1310, %parallel_loop3A_1311] {strides = array<i32>} : memref<32x8x128xf32, #tpu.memory_space<vmem>>, vector<1x1x16xf32>,
        %parallel_loop3A_1313 = vector.shape_cast %parallel_loop3A_1312 : vector<1x1x16xf32> to vector<16xf32>
        %parallel_loop3A_1314 = arith.mulf %parallel_loop3A_834, %parallel_loop3A_1313 : vector<16xf32>
        %parallel_loop3A_1315 = arith.constant 688 : index
        %parallel_loop3A_1316 = tpu.vector_load %arg10[%parallel_loop3A_1315] {strides = array<i32>} : memref<1024xf32, #tpu.memory_space<vmem>>, vector<16xf32>,
        %parallel_loop3A_1317 = vector.shape_cast %parallel_loop3A_1316 : vector<16xf32> to vector<16xf32>
        %parallel_loop3A_1318 = vector.shape_cast %parallel_loop3A_1314 : vector<16xf32> to vector<16xf32>
        tpu.vector_store %arg10[%parallel_loop3A_1315], %parallel_loop3A_1318 {add = true, strides = array<i32>} : memref<1024xf32, #tpu.memory_space<vmem>>, vector<16xf32>,
        %parallel_loop3A_1319 = arith.constant 5 : i32
        %parallel_loop3A_1320 = arith.index_cast %parallel_loop3A_828 : i32 to index
        %parallel_loop3A_1321 = arith.index_cast %parallel_loop3A_1319 : i32 to index
        %parallel_loop3A_1322 = arith.constant 64 : index
        %parallel_loop3A_1323 = tpu.vector_load %arg8[%parallel_loop3A_1320, %parallel_loop3A_1321, %parallel_loop3A_1322] {strides = array<i32>} : memref<32x8x128xf32, #tpu.memory_space<vmem>>, vector<1x1x16xf32>,
        %parallel_loop3A_1324 = vector.shape_cast %parallel_loop3A_1323 : vector<1x1x16xf32> to vector<16xf32>
        %parallel_loop3A_1325 = arith.mulf %parallel_loop3A_834, %parallel_loop3A_1324 : vector<16xf32>
        %parallel_loop3A_1326 = arith.constant 704 : index
        %parallel_loop3A_1327 = tpu.vector_load %arg10[%parallel_loop3A_1326] {strides = array<i32>} : memref<1024xf32, #tpu.memory_space<vmem>>, vector<16xf32>,
        %parallel_loop3A_1328 = vector.shape_cast %parallel_loop3A_1327 : vector<16xf32> to vector<16xf32>
        %parallel_loop3A_1329 = vector.shape_cast %parallel_loop3A_1325 : vector<16xf32> to vector<16xf32>
        tpu.vector_store %arg10[%parallel_loop3A_1326], %parallel_loop3A_1329 {add = true, strides = array<i32>} : memref<1024xf32, #tpu.memory_space<vmem>>, vector<16xf32>,
        %parallel_loop3A_1330 = arith.constant 5 : i32
        %parallel_loop3A_1331 = arith.index_cast %parallel_loop3A_828 : i32 to index
        %parallel_loop3A_1332 = arith.index_cast %parallel_loop3A_1330 : i32 to index
        %parallel_loop3A_1333 = arith.constant 80 : index
        %parallel_loop3A_1334 = tpu.vector_load %arg8[%parallel_loop3A_1331, %parallel_loop3A_1332, %parallel_loop3A_1333] {strides = array<i32>} : memref<32x8x128xf32, #tpu.memory_space<vmem>>, vector<1x1x16xf32>,
        %parallel_loop3A_1335 = vector.shape_cast %parallel_loop3A_1334 : vector<1x1x16xf32> to vector<16xf32>
        %parallel_loop3A_1336 = arith.mulf %parallel_loop3A_834, %parallel_loop3A_1335 : vector<16xf32>
        %parallel_loop3A_1337 = arith.constant 720 : index
        %parallel_loop3A_1338 = tpu.vector_load %arg10[%parallel_loop3A_1337] {strides = array<i32>} : memref<1024xf32, #tpu.memory_space<vmem>>, vector<16xf32>,
        %parallel_loop3A_1339 = vector.shape_cast %parallel_loop3A_1338 : vector<16xf32> to vector<16xf32>
        %parallel_loop3A_1340 = vector.shape_cast %parallel_loop3A_1336 : vector<16xf32> to vector<16xf32>
        tpu.vector_store %arg10[%parallel_loop3A_1337], %parallel_loop3A_1340 {add = true, strides = array<i32>} : memref<1024xf32, #tpu.memory_space<vmem>>, vector<16xf32>,
        %parallel_loop3A_1341 = arith.constant 5 : i32
        %parallel_loop3A_1342 = arith.index_cast %parallel_loop3A_828 : i32 to index
        %parallel_loop3A_1343 = arith.index_cast %parallel_loop3A_1341 : i32 to index
        %parallel_loop3A_1344 = arith.constant 96 : index
        %parallel_loop3A_1345 = tpu.vector_load %arg8[%parallel_loop3A_1342, %parallel_loop3A_1343, %parallel_loop3A_1344] {strides = array<i32>} : memref<32x8x128xf32, #tpu.memory_space<vmem>>, vector<1x1x16xf32>,
        %parallel_loop3A_1346 = vector.shape_cast %parallel_loop3A_1345 : vector<1x1x16xf32> to vector<16xf32>
        %parallel_loop3A_1347 = arith.mulf %parallel_loop3A_834, %parallel_loop3A_1346 : vector<16xf32>
        %parallel_loop3A_1348 = arith.constant 736 : index
        %parallel_loop3A_1349 = tpu.vector_load %arg10[%parallel_loop3A_1348] {strides = array<i32>} : memref<1024xf32, #tpu.memory_space<vmem>>, vector<16xf32>,
        %parallel_loop3A_1350 = vector.shape_cast %parallel_loop3A_1349 : vector<16xf32> to vector<16xf32>
        %parallel_loop3A_1351 = vector.shape_cast %parallel_loop3A_1347 : vector<16xf32> to vector<16xf32>
        tpu.vector_store %arg10[%parallel_loop3A_1348], %parallel_loop3A_1351 {add = true, strides = array<i32>} : memref<1024xf32, #tpu.memory_space<vmem>>, vector<16xf32>,
        %parallel_loop3A_1352 = arith.constant 5 : i32
        %parallel_loop3A_1353 = arith.index_cast %parallel_loop3A_828 : i32 to index
        %parallel_loop3A_1354 = arith.index_cast %parallel_loop3A_1352 : i32 to index
        %parallel_loop3A_1355 = arith.constant 112 : index
        %parallel_loop3A_1356 = tpu.vector_load %arg8[%parallel_loop3A_1353, %parallel_loop3A_1354, %parallel_loop3A_1355] {strides = array<i32>} : memref<32x8x128xf32, #tpu.memory_space<vmem>>, vector<1x1x16xf32>,
        %parallel_loop3A_1357 = vector.shape_cast %parallel_loop3A_1356 : vector<1x1x16xf32> to vector<16xf32>
        %parallel_loop3A_1358 = arith.mulf %parallel_loop3A_834, %parallel_loop3A_1357 : vector<16xf32>
        %parallel_loop3A_1359 = arith.constant 752 : index
        %parallel_loop3A_1360 = tpu.vector_load %arg10[%parallel_loop3A_1359] {strides = array<i32>} : memref<1024xf32, #tpu.memory_space<vmem>>, vector<16xf32>,
        %parallel_loop3A_1361 = vector.shape_cast %parallel_loop3A_1360 : vector<16xf32> to vector<16xf32>
        %parallel_loop3A_1362 = vector.shape_cast %parallel_loop3A_1358 : vector<16xf32> to vector<16xf32>
        tpu.vector_store %arg10[%parallel_loop3A_1359], %parallel_loop3A_1362 {add = true, strides = array<i32>} : memref<1024xf32, #tpu.memory_space<vmem>>, vector<16xf32>,
        %parallel_loop3A_1363 = arith.constant 6 : i32
        %parallel_loop3A_1364 = arith.index_cast %parallel_loop3A_828 : i32 to index
        %parallel_loop3A_1365 = arith.index_cast %parallel_loop3A_1363 : i32 to index
        %parallel_loop3A_1366 = arith.constant 0 : index
        %parallel_loop3A_1367 = tpu.vector_load %arg8[%parallel_loop3A_1364, %parallel_loop3A_1365, %parallel_loop3A_1366] {strides = array<i32>} : memref<32x8x128xf32, #tpu.memory_space<vmem>>, vector<1x1x16xf32>,
        %parallel_loop3A_1368 = vector.shape_cast %parallel_loop3A_1367 : vector<1x1x16xf32> to vector<16xf32>
        %parallel_loop3A_1369 = arith.mulf %parallel_loop3A_834, %parallel_loop3A_1368 : vector<16xf32>
        %parallel_loop3A_1370 = arith.constant 768 : index
        %parallel_loop3A_1371 = tpu.vector_load %arg10[%parallel_loop3A_1370] {strides = array<i32>} : memref<1024xf32, #tpu.memory_space<vmem>>, vector<16xf32>,
        %parallel_loop3A_1372 = vector.shape_cast %parallel_loop3A_1371 : vector<16xf32> to vector<16xf32>
        %parallel_loop3A_1373 = vector.shape_cast %parallel_loop3A_1369 : vector<16xf32> to vector<16xf32>
        tpu.vector_store %arg10[%parallel_loop3A_1370], %parallel_loop3A_1373 {add = true, strides = array<i32>} : memref<1024xf32, #tpu.memory_space<vmem>>, vector<16xf32>,
        %parallel_loop3A_1374 = arith.constant 6 : i32
        %parallel_loop3A_1375 = arith.index_cast %parallel_loop3A_828 : i32 to index
        %parallel_loop3A_1376 = arith.index_cast %parallel_loop3A_1374 : i32 to index
        %parallel_loop3A_1377 = arith.constant 16 : index
        %parallel_loop3A_1378 = tpu.vector_load %arg8[%parallel_loop3A_1375, %parallel_loop3A_1376, %parallel_loop3A_1377] {strides = array<i32>} : memref<32x8x128xf32, #tpu.memory_space<vmem>>, vector<1x1x16xf32>,
        %parallel_loop3A_1379 = vector.shape_cast %parallel_loop3A_1378 : vector<1x1x16xf32> to vector<16xf32>
        %parallel_loop3A_1380 = arith.mulf %parallel_loop3A_834, %parallel_loop3A_1379 : vector<16xf32>
        %parallel_loop3A_1381 = arith.constant 784 : index
        %parallel_loop3A_1382 = tpu.vector_load %arg10[%parallel_loop3A_1381] {strides = array<i32>} : memref<1024xf32, #tpu.memory_space<vmem>>, vector<16xf32>,
        %parallel_loop3A_1383 = vector.shape_cast %parallel_loop3A_1382 : vector<16xf32> to vector<16xf32>
        %parallel_loop3A_1384 = vector.shape_cast %parallel_loop3A_1380 : vector<16xf32> to vector<16xf32>
        tpu.vector_store %arg10[%parallel_loop3A_1381], %parallel_loop3A_1384 {add = true, strides = array<i32>} : memref<1024xf32, #tpu.memory_space<vmem>>, vector<16xf32>,
        %parallel_loop3A_1385 = arith.constant 6 : i32
        %parallel_loop3A_1386 = arith.index_cast %parallel_loop3A_828 : i32 to index
        %parallel_loop3A_1387 = arith.index_cast %parallel_loop3A_1385 : i32 to index
        %parallel_loop3A_1388 = arith.constant 32 : index
        %parallel_loop3A_1389 = tpu.vector_load %arg8[%parallel_loop3A_1386, %parallel_loop3A_1387, %parallel_loop3A_1388] {strides = array<i32>} : memref<32x8x128xf32, #tpu.memory_space<vmem>>, vector<1x1x16xf32>,
        %parallel_loop3A_1390 = vector.shape_cast %parallel_loop3A_1389 : vector<1x1x16xf32> to vector<16xf32>
        %parallel_loop3A_1391 = arith.mulf %parallel_loop3A_834, %parallel_loop3A_1390 : vector<16xf32>
        %parallel_loop3A_1392 = arith.constant 800 : index
        %parallel_loop3A_1393 = tpu.vector_load %arg10[%parallel_loop3A_1392] {strides = array<i32>} : memref<1024xf32, #tpu.memory_space<vmem>>, vector<16xf32>,
        %parallel_loop3A_1394 = vector.shape_cast %parallel_loop3A_1393 : vector<16xf32> to vector<16xf32>
        %parallel_loop3A_1395 = vector.shape_cast %parallel_loop3A_1391 : vector<16xf32> to vector<16xf32>
        tpu.vector_store %arg10[%parallel_loop3A_1392], %parallel_loop3A_1395 {add = true, strides = array<i32>} : memref<1024xf32, #tpu.memory_space<vmem>>, vector<16xf32>,
        %parallel_loop3A_1396 = arith.constant 6 : i32
        %parallel_loop3A_1397 = arith.index_cast %parallel_loop3A_828 : i32 to index
        %parallel_loop3A_1398 = arith.index_cast %parallel_loop3A_1396 : i32 to index
        %parallel_loop3A_1399 = arith.constant 48 : index
        %parallel_loop3A_1400 = tpu.vector_load %arg8[%parallel_loop3A_1397, %parallel_loop3A_1398, %parallel_loop3A_1399] {strides = array<i32>} : memref<32x8x128xf32, #tpu.memory_space<vmem>>, vector<1x1x16xf32>,
        %parallel_loop3A_1401 = vector.shape_cast %parallel_loop3A_1400 : vector<1x1x16xf32> to vector<16xf32>
        %parallel_loop3A_1402 = arith.mulf %parallel_loop3A_834, %parallel_loop3A_1401 : vector<16xf32>
        %parallel_loop3A_1403 = arith.constant 816 : index
        %parallel_loop3A_1404 = tpu.vector_load %arg10[%parallel_loop3A_1403] {strides = array<i32>} : memref<1024xf32, #tpu.memory_space<vmem>>, vector<16xf32>,
        %parallel_loop3A_1405 = vector.shape_cast %parallel_loop3A_1404 : vector<16xf32> to vector<16xf32>
        %parallel_loop3A_1406 = vector.shape_cast %parallel_loop3A_1402 : vector<16xf32> to vector<16xf32>
        tpu.vector_store %arg10[%parallel_loop3A_1403], %parallel_loop3A_1406 {add = true, strides = array<i32>} : memref<1024xf32, #tpu.memory_space<vmem>>, vector<16xf32>,
        %parallel_loop3A_1407 = arith.constant 6 : i32
        %parallel_loop3A_1408 = arith.index_cast %parallel_loop3A_828 : i32 to index
        %parallel_loop3A_1409 = arith.index_cast %parallel_loop3A_1407 : i32 to index
        %parallel_loop3A_1410 = arith.constant 64 : index
        %parallel_loop3A_1411 = tpu.vector_load %arg8[%parallel_loop3A_1408, %parallel_loop3A_1409, %parallel_loop3A_1410] {strides = array<i32>} : memref<32x8x128xf32, #tpu.memory_space<vmem>>, vector<1x1x16xf32>,
        %parallel_loop3A_1412 = vector.shape_cast %parallel_loop3A_1411 : vector<1x1x16xf32> to vector<16xf32>
        %parallel_loop3A_1413 = arith.mulf %parallel_loop3A_834, %parallel_loop3A_1412 : vector<16xf32>
        %parallel_loop3A_1414 = arith.constant 832 : index
        %parallel_loop3A_1415 = tpu.vector_load %arg10[%parallel_loop3A_1414] {strides = array<i32>} : memref<1024xf32, #tpu.memory_space<vmem>>, vector<16xf32>,
        %parallel_loop3A_1416 = vector.shape_cast %parallel_loop3A_1415 : vector<16xf32> to vector<16xf32>
        %parallel_loop3A_1417 = vector.shape_cast %parallel_loop3A_1413 : vector<16xf32> to vector<16xf32>
        tpu.vector_store %arg10[%parallel_loop3A_1414], %parallel_loop3A_1417 {add = true, strides = array<i32>} : memref<1024xf32, #tpu.memory_space<vmem>>, vector<16xf32>,
        %parallel_loop3A_1418 = arith.constant 6 : i32
        %parallel_loop3A_1419 = arith.index_cast %parallel_loop3A_828 : i32 to index
        %parallel_loop3A_1420 = arith.index_cast %parallel_loop3A_1418 : i32 to index
        %parallel_loop3A_1421 = arith.constant 80 : index
        %parallel_loop3A_1422 = tpu.vector_load %arg8[%parallel_loop3A_1419, %parallel_loop3A_1420, %parallel_loop3A_1421] {strides = array<i32>} : memref<32x8x128xf32, #tpu.memory_space<vmem>>, vector<1x1x16xf32>,
        %parallel_loop3A_1423 = vector.shape_cast %parallel_loop3A_1422 : vector<1x1x16xf32> to vector<16xf32>
        %parallel_loop3A_1424 = arith.mulf %parallel_loop3A_834, %parallel_loop3A_1423 : vector<16xf32>
        %parallel_loop3A_1425 = arith.constant 848 : index
        %parallel_loop3A_1426 = tpu.vector_load %arg10[%parallel_loop3A_1425] {strides = array<i32>} : memref<1024xf32, #tpu.memory_space<vmem>>, vector<16xf32>,
        %parallel_loop3A_1427 = vector.shape_cast %parallel_loop3A_1426 : vector<16xf32> to vector<16xf32>
        %parallel_loop3A_1428 = vector.shape_cast %parallel_loop3A_1424 : vector<16xf32> to vector<16xf32>
        tpu.vector_store %arg10[%parallel_loop3A_1425], %parallel_loop3A_1428 {add = true, strides = array<i32>} : memref<1024xf32, #tpu.memory_space<vmem>>, vector<16xf32>,
        %parallel_loop3A_1429 = arith.constant 6 : i32
        %parallel_loop3A_1430 = arith.index_cast %parallel_loop3A_828 : i32 to index
        %parallel_loop3A_1431 = arith.index_cast %parallel_loop3A_1429 : i32 to index
        %parallel_loop3A_1432 = arith.constant 96 : index
        %parallel_loop3A_1433 = tpu.vector_load %arg8[%parallel_loop3A_1430, %parallel_loop3A_1431, %parallel_loop3A_1432] {strides = array<i32>} : memref<32x8x128xf32, #tpu.memory_space<vmem>>, vector<1x1x16xf32>,
        %parallel_loop3A_1434 = vector.shape_cast %parallel_loop3A_1433 : vector<1x1x16xf32> to vector<16xf32>
        %parallel_loop3A_1435 = arith.mulf %parallel_loop3A_834, %parallel_loop3A_1434 : vector<16xf32>
        %parallel_loop3A_1436 = arith.constant 864 : index
        %parallel_loop3A_1437 = tpu.vector_load %arg10[%parallel_loop3A_1436] {strides = array<i32>} : memref<1024xf32, #tpu.memory_space<vmem>>, vector<16xf32>,
        %parallel_loop3A_1438 = vector.shape_cast %parallel_loop3A_1437 : vector<16xf32> to vector<16xf32>
        %parallel_loop3A_1439 = vector.shape_cast %parallel_loop3A_1435 : vector<16xf32> to vector<16xf32>
        tpu.vector_store %arg10[%parallel_loop3A_1436], %parallel_loop3A_1439 {add = true, strides = array<i32>} : memref<1024xf32, #tpu.memory_space<vmem>>, vector<16xf32>,
        %parallel_loop3A_1440 = arith.constant 6 : i32
        %parallel_loop3A_1441 = arith.index_cast %parallel_loop3A_828 : i32 to index
        %parallel_loop3A_1442 = arith.index_cast %parallel_loop3A_1440 : i32 to index
        %parallel_loop3A_1443 = arith.constant 112 : index
        %parallel_loop3A_1444 = tpu.vector_load %arg8[%parallel_loop3A_1441, %parallel_loop3A_1442, %parallel_loop3A_1443] {strides = array<i32>} : memref<32x8x128xf32, #tpu.memory_space<vmem>>, vector<1x1x16xf32>,
        %parallel_loop3A_1445 = vector.shape_cast %parallel_loop3A_1444 : vector<1x1x16xf32> to vector<16xf32>
        %parallel_loop3A_1446 = arith.mulf %parallel_loop3A_834, %parallel_loop3A_1445 : vector<16xf32>
        %parallel_loop3A_1447 = arith.constant 880 : index
        %parallel_loop3A_1448 = tpu.vector_load %arg10[%parallel_loop3A_1447] {strides = array<i32>} : memref<1024xf32, #tpu.memory_space<vmem>>, vector<16xf32>,
        %parallel_loop3A_1449 = vector.shape_cast %parallel_loop3A_1448 : vector<16xf32> to vector<16xf32>
        %parallel_loop3A_1450 = vector.shape_cast %parallel_loop3A_1446 : vector<16xf32> to vector<16xf32>
        tpu.vector_store %arg10[%parallel_loop3A_1447], %parallel_loop3A_1450 {add = true, strides = array<i32>} : memref<1024xf32, #tpu.memory_space<vmem>>, vector<16xf32>,
        %parallel_loop3A_1451 = arith.constant 7 : i32
        %parallel_loop3A_1452 = arith.index_cast %parallel_loop3A_828 : i32 to index
        %parallel_loop3A_1453 = arith.index_cast %parallel_loop3A_1451 : i32 to index
        %parallel_loop3A_1454 = arith.constant 0 : index
        %parallel_loop3A_1455 = tpu.vector_load %arg8[%parallel_loop3A_1452, %parallel_loop3A_1453, %parallel_loop3A_1454] {strides = array<i32>} : memref<32x8x128xf32, #tpu.memory_space<vmem>>, vector<1x1x16xf32>,
        %parallel_loop3A_1456 = vector.shape_cast %parallel_loop3A_1455 : vector<1x1x16xf32> to vector<16xf32>
        %parallel_loop3A_1457 = arith.mulf %parallel_loop3A_834, %parallel_loop3A_1456 : vector<16xf32>
        %parallel_loop3A_1458 = arith.constant 896 : index
        %parallel_loop3A_1459 = tpu.vector_load %arg10[%parallel_loop3A_1458] {strides = array<i32>} : memref<1024xf32, #tpu.memory_space<vmem>>, vector<16xf32>,
        %parallel_loop3A_1460 = vector.shape_cast %parallel_loop3A_1459 : vector<16xf32> to vector<16xf32>
        %parallel_loop3A_1461 = vector.shape_cast %parallel_loop3A_1457 : vector<16xf32> to vector<16xf32>
        tpu.vector_store %arg10[%parallel_loop3A_1458], %parallel_loop3A_1461 {add = true, strides = array<i32>} : memref<1024xf32, #tpu.memory_space<vmem>>, vector<16xf32>,
        %parallel_loop3A_1462 = arith.constant 7 : i32
        %parallel_loop3A_1463 = arith.index_cast %parallel_loop3A_828 : i32 to index
        %parallel_loop3A_1464 = arith.index_cast %parallel_loop3A_1462 : i32 to index
        %parallel_loop3A_1465 = arith.constant 16 : index
        %parallel_loop3A_1466 = tpu.vector_load %arg8[%parallel_loop3A_1463, %parallel_loop3A_1464, %parallel_loop3A_1465] {strides = array<i32>} : memref<32x8x128xf32, #tpu.memory_space<vmem>>, vector<1x1x16xf32>,
        %parallel_loop3A_1467 = vector.shape_cast %parallel_loop3A_1466 : vector<1x1x16xf32> to vector<16xf32>
        %parallel_loop3A_1468 = arith.mulf %parallel_loop3A_834, %parallel_loop3A_1467 : vector<16xf32>
        %parallel_loop3A_1469 = arith.constant 912 : index
        %parallel_loop3A_1470 = tpu.vector_load %arg10[%parallel_loop3A_1469] {strides = array<i32>} : memref<1024xf32, #tpu.memory_space<vmem>>, vector<16xf32>,
        %parallel_loop3A_1471 = vector.shape_cast %parallel_loop3A_1470 : vector<16xf32> to vector<16xf32>
        %parallel_loop3A_1472 = vector.shape_cast %parallel_loop3A_1468 : vector<16xf32> to vector<16xf32>
        tpu.vector_store %arg10[%parallel_loop3A_1469], %parallel_loop3A_1472 {add = true, strides = array<i32>} : memref<1024xf32, #tpu.memory_space<vmem>>, vector<16xf32>,
        %parallel_loop3A_1473 = arith.constant 7 : i32
        %parallel_loop3A_1474 = arith.index_cast %parallel_loop3A_828 : i32 to index
        %parallel_loop3A_1475 = arith.index_cast %parallel_loop3A_1473 : i32 to index
        %parallel_loop3A_1476 = arith.constant 32 : index
        %parallel_loop3A_1477 = tpu.vector_load %arg8[%parallel_loop3A_1474, %parallel_loop3A_1475, %parallel_loop3A_1476] {strides = array<i32>} : memref<32x8x128xf32, #tpu.memory_space<vmem>>, vector<1x1x16xf32>,
        %parallel_loop3A_1478 = vector.shape_cast %parallel_loop3A_1477 : vector<1x1x16xf32> to vector<16xf32>
        %parallel_loop3A_1479 = arith.mulf %parallel_loop3A_834, %parallel_loop3A_1478 : vector<16xf32>
        %parallel_loop3A_1480 = arith.constant 928 : index
        %parallel_loop3A_1481 = tpu.vector_load %arg10[%parallel_loop3A_1480] {strides = array<i32>} : memref<1024xf32, #tpu.memory_space<vmem>>, vector<16xf32>,
        %parallel_loop3A_1482 = vector.shape_cast %parallel_loop3A_1481 : vector<16xf32> to vector<16xf32>
        %parallel_loop3A_1483 = vector.shape_cast %parallel_loop3A_1479 : vector<16xf32> to vector<16xf32>
        tpu.vector_store %arg10[%parallel_loop3A_1480], %parallel_loop3A_1483 {add = true, strides = array<i32>} : memref<1024xf32, #tpu.memory_space<vmem>>, vector<16xf32>,
        %parallel_loop3A_1484 = arith.constant 7 : i32
        %parallel_loop3A_1485 = arith.index_cast %parallel_loop3A_828 : i32 to index
        %parallel_loop3A_1486 = arith.index_cast %parallel_loop3A_1484 : i32 to index
        %parallel_loop3A_1487 = arith.constant 48 : index
        %parallel_loop3A_1488 = tpu.vector_load %arg8[%parallel_loop3A_1485, %parallel_loop3A_1486, %parallel_loop3A_1487] {strides = array<i32>} : memref<32x8x128xf32, #tpu.memory_space<vmem>>, vector<1x1x16xf32>,
        %parallel_loop3A_1489 = vector.shape_cast %parallel_loop3A_1488 : vector<1x1x16xf32> to vector<16xf32>
        %parallel_loop3A_1490 = arith.mulf %parallel_loop3A_834, %parallel_loop3A_1489 : vector<16xf32>
        %parallel_loop3A_1491 = arith.constant 944 : index
        %parallel_loop3A_1492 = tpu.vector_load %arg10[%parallel_loop3A_1491] {strides = array<i32>} : memref<1024xf32, #tpu.memory_space<vmem>>, vector<16xf32>,
        %parallel_loop3A_1493 = vector.shape_cast %parallel_loop3A_1492 : vector<16xf32> to vector<16xf32>
        %parallel_loop3A_1494 = vector.shape_cast %parallel_loop3A_1490 : vector<16xf32> to vector<16xf32>
        tpu.vector_store %arg10[%parallel_loop3A_1491], %parallel_loop3A_1494 {add = true, strides = array<i32>} : memref<1024xf32, #tpu.memory_space<vmem>>, vector<16xf32>,
        %parallel_loop3A_1495 = arith.constant 7 : i32
        %parallel_loop3A_1496 = arith.index_cast %parallel_loop3A_828 : i32 to index
        %parallel_loop3A_1497 = arith.index_cast %parallel_loop3A_1495 : i32 to index
        %parallel_loop3A_1498 = arith.constant 64 : index
        %parallel_loop3A_1499 = tpu.vector_load %arg8[%parallel_loop3A_1496, %parallel_loop3A_1497, %parallel_loop3A_1498] {strides = array<i32>} : memref<32x8x128xf32, #tpu.memory_space<vmem>>, vector<1x1x16xf32>,
        %parallel_loop3A_1500 = vector.shape_cast %parallel_loop3A_1499 : vector<1x1x16xf32> to vector<16xf32>
        %parallel_loop3A_1501 = arith.mulf %parallel_loop3A_834, %parallel_loop3A_1500 : vector<16xf32>
        %parallel_loop3A_1502 = arith.constant 960 : index
        %parallel_loop3A_1503 = tpu.vector_load %arg10[%parallel_loop3A_1502] {strides = array<i32>} : memref<1024xf32, #tpu.memory_space<vmem>>, vector<16xf32>,
        %parallel_loop3A_1504 = vector.shape_cast %parallel_loop3A_1503 : vector<16xf32> to vector<16xf32>
        %parallel_loop3A_1505 = vector.shape_cast %parallel_loop3A_1501 : vector<16xf32> to vector<16xf32>
        tpu.vector_store %arg10[%parallel_loop3A_1502], %parallel_loop3A_1505 {add = true, strides = array<i32>} : memref<1024xf32, #tpu.memory_space<vmem>>, vector<16xf32>,
        %parallel_loop3A_1506 = arith.constant 7 : i32
        %parallel_loop3A_1507 = arith.index_cast %parallel_loop3A_828 : i32 to index
        %parallel_loop3A_1508 = arith.index_cast %parallel_loop3A_1506 : i32 to index
        %parallel_loop3A_1509 = arith.constant 80 : index
        %parallel_loop3A_1510 = tpu.vector_load %arg8[%parallel_loop3A_1507, %parallel_loop3A_1508, %parallel_loop3A_1509] {strides = array<i32>} : memref<32x8x128xf32, #tpu.memory_space<vmem>>, vector<1x1x16xf32>,
        %parallel_loop3A_1511 = vector.shape_cast %parallel_loop3A_1510 : vector<1x1x16xf32> to vector<16xf32>
        %parallel_loop3A_1512 = arith.mulf %parallel_loop3A_834, %parallel_loop3A_1511 : vector<16xf32>
        %parallel_loop3A_1513 = arith.constant 976 : index
        %parallel_loop3A_1514 = tpu.vector_load %arg10[%parallel_loop3A_1513] {strides = array<i32>} : memref<1024xf32, #tpu.memory_space<vmem>>, vector<16xf32>,
        %parallel_loop3A_1515 = vector.shape_cast %parallel_loop3A_1514 : vector<16xf32> to vector<16xf32>
        %parallel_loop3A_1516 = vector.shape_cast %parallel_loop3A_1512 : vector<16xf32> to vector<16xf32>
        tpu.vector_store %arg10[%parallel_loop3A_1513], %parallel_loop3A_1516 {add = true, strides = array<i32>} : memref<1024xf32, #tpu.memory_space<vmem>>, vector<16xf32>,
        %parallel_loop3A_1517 = arith.constant 7 : i32
        %parallel_loop3A_1518 = arith.index_cast %parallel_loop3A_828 : i32 to index
        %parallel_loop3A_1519 = arith.index_cast %parallel_loop3A_1517 : i32 to index
        %parallel_loop3A_1520 = arith.constant 96 : index
        %parallel_loop3A_1521 = tpu.vector_load %arg8[%parallel_loop3A_1518, %parallel_loop3A_1519, %parallel_loop3A_1520] {strides = array<i32>} : memref<32x8x128xf32, #tpu.memory_space<vmem>>, vector<1x1x16xf32>,
        %parallel_loop3A_1522 = vector.shape_cast %parallel_loop3A_1521 : vector<1x1x16xf32> to vector<16xf32>
        %parallel_loop3A_1523 = arith.mulf %parallel_loop3A_834, %parallel_loop3A_1522 : vector<16xf32>
        %parallel_loop3A_1524 = arith.constant 992 : index
        %parallel_loop3A_1525 = tpu.vector_load %arg10[%parallel_loop3A_1524] {strides = array<i32>} : memref<1024xf32, #tpu.memory_space<vmem>>, vector<16xf32>,
        %parallel_loop3A_1526 = vector.shape_cast %parallel_loop3A_1525 : vector<16xf32> to vector<16xf32>
        %parallel_loop3A_1527 = vector.shape_cast %parallel_loop3A_1523 : vector<16xf32> to vector<16xf32>
        tpu.vector_store %arg10[%parallel_loop3A_1524], %parallel_loop3A_1527 {add = true, strides = array<i32>} : memref<1024xf32, #tpu.memory_space<vmem>>, vector<16xf32>,
        %parallel_loop3A_1528 = arith.constant 7 : i32
        %parallel_loop3A_1529 = arith.index_cast %parallel_loop3A_828 : i32 to index
        %parallel_loop3A_1530 = arith.index_cast %parallel_loop3A_1528 : i32 to index
        %parallel_loop3A_1531 = arith.constant 112 : index
        %parallel_loop3A_1532 = tpu.vector_load %arg8[%parallel_loop3A_1529, %parallel_loop3A_1530, %parallel_loop3A_1531] {strides = array<i32>} : memref<32x8x128xf32, #tpu.memory_space<vmem>>, vector<1x1x16xf32>,
        %parallel_loop3A_1533 = vector.shape_cast %parallel_loop3A_1532 : vector<1x1x16xf32> to vector<16xf32>
        %parallel_loop3A_1534 = arith.mulf %parallel_loop3A_834, %parallel_loop3A_1533 : vector<16xf32>
        %parallel_loop3A_1535 = arith.constant 1008 : index
        %parallel_loop3A_1536 = tpu.vector_load %arg10[%parallel_loop3A_1535] {strides = array<i32>} : memref<1024xf32, #tpu.memory_space<vmem>>, vector<16xf32>,
        %parallel_loop3A_1537 = vector.shape_cast %parallel_loop3A_1536 : vector<16xf32> to vector<16xf32>
        %parallel_loop3A_1538 = vector.shape_cast %parallel_loop3A_1534 : vector<16xf32> to vector<16xf32>
        tpu.vector_store %arg10[%parallel_loop3A_1535], %parallel_loop3A_1538 {add = true, strides = array<i32>} : memref<1024xf32, #tpu.memory_space<vmem>>, vector<16xf32>,
      } {sc.loop_unroll_factor = 2 : i64, sc.parallel_access}
      %add3A_809 = arith.constant 1 : i32
      %add3A_810 = arith.addi %scan3A_15, %add3A_809 : i32
      %lt3A = arith.constant 64 : i32
      %lt3A_811 = arith.cmpi slt, %add3A_810, %lt3A : i32
      %convert_element_type3A = arith.extui %lt3A_811 : i1 to i32
      %cond3A = arith.constant 0 : i32
      %cond3A_812 = arith.cmpi ne, %convert_element_type3A, %cond3A : i32
      scf.if %cond3A_812 {
        %add3A_828 = arith.constant 1 : i32
        %add3A_829 = arith.addi %scan3A_15, %add3A_828 : i32
        %mul3A_830 = arith.constant 64 : i32
        %mul3A_831 = arith.muli %add3A_829, %mul3A_830 : i32
        %add3A_832 = arith.constant 0 : i32
        %add3A_833 = arith.addi %mul3A_831, %add3A_832 : i32
        %dma_start3A_834 = tpu.memref_slice %arg6[%add3A_833] : memref<4096xi32, #tpu.memory_space<vmem>> -> memref<32xi32, #tpu.memory_space<vmem>>
        %dma_start3A_835 = arith.constant 0 : i32
        %dma_start3A_836 = arith.constant 0 : i32
        %dma_start3A_837 = arith.constant 0 : i32
        %dma_start3A_838 = tpu.memref_slice %arg2[%dma_start3A_835, %dma_start3A_836, %dma_start3A_837] : memref<65536x8x128xf32, #tpu.memory_space<hbm>> -> memref<65536x8x128xf32, #tpu.memory_space<hbm>>
        tpu.enqueue_indirect_dma source(%dma_start3A_838 : memref<65536x8x128xf32, #tpu.memory_space<hbm>>) target(%arg8 : memref<32x8x128xf32, #tpu.memory_space<vmem>>) offsets(%dma_start3A_834 : memref<32xi32, #tpu.memory_space<vmem>>) semaphore(%arg11 : memref<!tpu.dma_semaphore, #tpu.memory_space<semaphore_mem>>)
      } else {
      }
      %mul3A_813 = arith.constant 64 : i32
      %mul3A_814 = arith.muli %scan3A_15, %mul3A_813 : i32
      %add3A_815 = arith.constant 32 : i32
      %add3A_816 = arith.addi %mul3A_814, %add3A_815 : i32
      %dma_wait3A_817 = tpu.memref_slice %arg6[%add3A_816] : memref<4096xi32, #tpu.memory_space<vmem>> -> memref<32xi32, #tpu.memory_space<vmem>>
      %dma_wait3A_818 = arith.constant 0 : i32
      %dma_wait3A_819 = arith.constant 0 : i32
      %dma_wait3A_820 = arith.constant 0 : i32
      %dma_wait3A_821 = tpu.memref_slice %arg2[%dma_wait3A_818, %dma_wait3A_819, %dma_wait3A_820] : memref<65536x8x128xf32, #tpu.memory_space<hbm>> -> memref<65536x8x128xf32, #tpu.memory_space<hbm>>
      tpu.wait_indirect_dma semaphore(%arg12 : memref<!tpu.dma_semaphore, #tpu.memory_space<semaphore_mem>>) src(%dma_wait3A_821 : memref<65536x8x128xf32, #tpu.memory_space<hbm>>) dst(%arg9 : memref<32x8x128xf32, #tpu.memory_space<vmem>>)
      %parallel_loop3A_822 = arith.constant 0 : i32
      %parallel_loop3A_823 = arith.constant 32 : i32
      %parallel_loop3A_824 = arith.constant 1 : i32
      scf.for %parallel_loop3A_828 = %parallel_loop3A_822 to %parallel_loop3A_823 step %parallel_loop3A_824  : i32 {
        %parallel_loop3A_829 = arith.constant 32 : i32
        %parallel_loop3A_830 = arith.addi %parallel_loop3A_829, %parallel_loop3A_828 : i32
        %parallel_loop3A_831 = arith.index_cast %parallel_loop3A_830 : i32 to index
        %parallel_loop3A_832 = arith.constant 0 : index
        %parallel_loop3A_833 = tpu.vector_load %arg7[%parallel_loop3A_831, %parallel_loop3A_832] {strides = array<i32>} : memref<64x16xf32, #tpu.memory_space<vmem>>, vector<1x16xf32>,
        %parallel_loop3A_834 = vector.shape_cast %parallel_loop3A_833 : vector<1x16xf32> to vector<16xf32>
        %parallel_loop3A_835 = arith.constant 0 : i32
        %parallel_loop3A_836 = arith.index_cast %parallel_loop3A_828 : i32 to index
        %parallel_loop3A_837 = arith.index_cast %parallel_loop3A_835 : i32 to index
        %parallel_loop3A_838 = arith.constant 0 : index
        %parallel_loop3A_839 = tpu.vector_load %arg9[%parallel_loop3A_836, %parallel_loop3A_837, %parallel_loop3A_838] {strides = array<i32>} : memref<32x8x128xf32, #tpu.memory_space<vmem>>, vector<1x1x16xf32>,
        %parallel_loop3A_840 = vector.shape_cast %parallel_loop3A_839 : vector<1x1x16xf32> to vector<16xf32>
        %parallel_loop3A_841 = arith.mulf %parallel_loop3A_834, %parallel_loop3A_840 : vector<16xf32>
        %parallel_loop3A_842 = arith.constant 0 : index
        %parallel_loop3A_843 = tpu.vector_load %arg10[%parallel_loop3A_842] {strides = array<i32>} : memref<1024xf32, #tpu.memory_space<vmem>>, vector<16xf32>,
        %parallel_loop3A_844 = vector.shape_cast %parallel_loop3A_843 : vector<16xf32> to vector<16xf32>
        %parallel_loop3A_845 = vector.shape_cast %parallel_loop3A_841 : vector<16xf32> to vector<16xf32>
        tpu.vector_store %arg10[%parallel_loop3A_842], %parallel_loop3A_845 {add = true, strides = array<i32>} : memref<1024xf32, #tpu.memory_space<vmem>>, vector<16xf32>,
        %parallel_loop3A_846 = arith.constant 0 : i32
        %parallel_loop3A_847 = arith.index_cast %parallel_loop3A_828 : i32 to index
        %parallel_loop3A_848 = arith.index_cast %parallel_loop3A_846 : i32 to index
        %parallel_loop3A_849 = arith.constant 16 : index
        %parallel_loop3A_850 = tpu.vector_load %arg9[%parallel_loop3A_847, %parallel_loop3A_848, %parallel_loop3A_849] {strides = array<i32>} : memref<32x8x128xf32, #tpu.memory_space<vmem>>, vector<1x1x16xf32>,
        %parallel_loop3A_851 = vector.shape_cast %parallel_loop3A_850 : vector<1x1x16xf32> to vector<16xf32>
        %parallel_loop3A_852 = arith.mulf %parallel_loop3A_834, %parallel_loop3A_851 : vector<16xf32>
        %parallel_loop3A_853 = arith.constant 16 : index
        %parallel_loop3A_854 = tpu.vector_load %arg10[%parallel_loop3A_853] {strides = array<i32>} : memref<1024xf32, #tpu.memory_space<vmem>>, vector<16xf32>,
        %parallel_loop3A_855 = vector.shape_cast %parallel_loop3A_854 : vector<16xf32> to vector<16xf32>
        %parallel_loop3A_856 = vector.shape_cast %parallel_loop3A_852 : vector<16xf32> to vector<16xf32>
        tpu.vector_store %arg10[%parallel_loop3A_853], %parallel_loop3A_856 {add = true, strides = array<i32>} : memref<1024xf32, #tpu.memory_space<vmem>>, vector<16xf32>,
        %parallel_loop3A_857 = arith.constant 0 : i32
        %parallel_loop3A_858 = arith.index_cast %parallel_loop3A_828 : i32 to index
        %parallel_loop3A_859 = arith.index_cast %parallel_loop3A_857 : i32 to index
        %parallel_loop3A_860 = arith.constant 32 : index
        %parallel_loop3A_861 = tpu.vector_load %arg9[%parallel_loop3A_858, %parallel_loop3A_859, %parallel_loop3A_860] {strides = array<i32>} : memref<32x8x128xf32, #tpu.memory_space<vmem>>, vector<1x1x16xf32>,
        %parallel_loop3A_862 = vector.shape_cast %parallel_loop3A_861 : vector<1x1x16xf32> to vector<16xf32>
        %parallel_loop3A_863 = arith.mulf %parallel_loop3A_834, %parallel_loop3A_862 : vector<16xf32>
        %parallel_loop3A_864 = arith.constant 32 : index
        %parallel_loop3A_865 = tpu.vector_load %arg10[%parallel_loop3A_864] {strides = array<i32>} : memref<1024xf32, #tpu.memory_space<vmem>>, vector<16xf32>,
        %parallel_loop3A_866 = vector.shape_cast %parallel_loop3A_865 : vector<16xf32> to vector<16xf32>
        %parallel_loop3A_867 = vector.shape_cast %parallel_loop3A_863 : vector<16xf32> to vector<16xf32>
        tpu.vector_store %arg10[%parallel_loop3A_864], %parallel_loop3A_867 {add = true, strides = array<i32>} : memref<1024xf32, #tpu.memory_space<vmem>>, vector<16xf32>,
        %parallel_loop3A_868 = arith.constant 0 : i32
        %parallel_loop3A_869 = arith.index_cast %parallel_loop3A_828 : i32 to index
        %parallel_loop3A_870 = arith.index_cast %parallel_loop3A_868 : i32 to index
        %parallel_loop3A_871 = arith.constant 48 : index
        %parallel_loop3A_872 = tpu.vector_load %arg9[%parallel_loop3A_869, %parallel_loop3A_870, %parallel_loop3A_871] {strides = array<i32>} : memref<32x8x128xf32, #tpu.memory_space<vmem>>, vector<1x1x16xf32>,
        %parallel_loop3A_873 = vector.shape_cast %parallel_loop3A_872 : vector<1x1x16xf32> to vector<16xf32>
        %parallel_loop3A_874 = arith.mulf %parallel_loop3A_834, %parallel_loop3A_873 : vector<16xf32>
        %parallel_loop3A_875 = arith.constant 48 : index
        %parallel_loop3A_876 = tpu.vector_load %arg10[%parallel_loop3A_875] {strides = array<i32>} : memref<1024xf32, #tpu.memory_space<vmem>>, vector<16xf32>,
        %parallel_loop3A_877 = vector.shape_cast %parallel_loop3A_876 : vector<16xf32> to vector<16xf32>
        %parallel_loop3A_878 = vector.shape_cast %parallel_loop3A_874 : vector<16xf32> to vector<16xf32>
        tpu.vector_store %arg10[%parallel_loop3A_875], %parallel_loop3A_878 {add = true, strides = array<i32>} : memref<1024xf32, #tpu.memory_space<vmem>>, vector<16xf32>,
        %parallel_loop3A_879 = arith.constant 0 : i32
        %parallel_loop3A_880 = arith.index_cast %parallel_loop3A_828 : i32 to index
        %parallel_loop3A_881 = arith.index_cast %parallel_loop3A_879 : i32 to index
        %parallel_loop3A_882 = arith.constant 64 : index
        %parallel_loop3A_883 = tpu.vector_load %arg9[%parallel_loop3A_880, %parallel_loop3A_881, %parallel_loop3A_882] {strides = array<i32>} : memref<32x8x128xf32, #tpu.memory_space<vmem>>, vector<1x1x16xf32>,
        %parallel_loop3A_884 = vector.shape_cast %parallel_loop3A_883 : vector<1x1x16xf32> to vector<16xf32>
        %parallel_loop3A_885 = arith.mulf %parallel_loop3A_834, %parallel_loop3A_884 : vector<16xf32>
        %parallel_loop3A_886 = arith.constant 64 : index
        %parallel_loop3A_887 = tpu.vector_load %arg10[%parallel_loop3A_886] {strides = array<i32>} : memref<1024xf32, #tpu.memory_space<vmem>>, vector<16xf32>,
        %parallel_loop3A_888 = vector.shape_cast %parallel_loop3A_887 : vector<16xf32> to vector<16xf32>
        %parallel_loop3A_889 = vector.shape_cast %parallel_loop3A_885 : vector<16xf32> to vector<16xf32>
        tpu.vector_store %arg10[%parallel_loop3A_886], %parallel_loop3A_889 {add = true, strides = array<i32>} : memref<1024xf32, #tpu.memory_space<vmem>>, vector<16xf32>,
        %parallel_loop3A_890 = arith.constant 0 : i32
        %parallel_loop3A_891 = arith.index_cast %parallel_loop3A_828 : i32 to index
        %parallel_loop3A_892 = arith.index_cast %parallel_loop3A_890 : i32 to index
        %parallel_loop3A_893 = arith.constant 80 : index
        %parallel_loop3A_894 = tpu.vector_load %arg9[%parallel_loop3A_891, %parallel_loop3A_892, %parallel_loop3A_893] {strides = array<i32>} : memref<32x8x128xf32, #tpu.memory_space<vmem>>, vector<1x1x16xf32>,
        %parallel_loop3A_895 = vector.shape_cast %parallel_loop3A_894 : vector<1x1x16xf32> to vector<16xf32>
        %parallel_loop3A_896 = arith.mulf %parallel_loop3A_834, %parallel_loop3A_895 : vector<16xf32>
        %parallel_loop3A_897 = arith.constant 80 : index
        %parallel_loop3A_898 = tpu.vector_load %arg10[%parallel_loop3A_897] {strides = array<i32>} : memref<1024xf32, #tpu.memory_space<vmem>>, vector<16xf32>,
        %parallel_loop3A_899 = vector.shape_cast %parallel_loop3A_898 : vector<16xf32> to vector<16xf32>
        %parallel_loop3A_900 = vector.shape_cast %parallel_loop3A_896 : vector<16xf32> to vector<16xf32>
        tpu.vector_store %arg10[%parallel_loop3A_897], %parallel_loop3A_900 {add = true, strides = array<i32>} : memref<1024xf32, #tpu.memory_space<vmem>>, vector<16xf32>,
        %parallel_loop3A_901 = arith.constant 0 : i32
        %parallel_loop3A_902 = arith.index_cast %parallel_loop3A_828 : i32 to index
        %parallel_loop3A_903 = arith.index_cast %parallel_loop3A_901 : i32 to index
        %parallel_loop3A_904 = arith.constant 96 : index
        %parallel_loop3A_905 = tpu.vector_load %arg9[%parallel_loop3A_902, %parallel_loop3A_903, %parallel_loop3A_904] {strides = array<i32>} : memref<32x8x128xf32, #tpu.memory_space<vmem>>, vector<1x1x16xf32>,
        %parallel_loop3A_906 = vector.shape_cast %parallel_loop3A_905 : vector<1x1x16xf32> to vector<16xf32>
        %parallel_loop3A_907 = arith.mulf %parallel_loop3A_834, %parallel_loop3A_906 : vector<16xf32>
        %parallel_loop3A_908 = arith.constant 96 : index
        %parallel_loop3A_909 = tpu.vector_load %arg10[%parallel_loop3A_908] {strides = array<i32>} : memref<1024xf32, #tpu.memory_space<vmem>>, vector<16xf32>,
        %parallel_loop3A_910 = vector.shape_cast %parallel_loop3A_909 : vector<16xf32> to vector<16xf32>
        %parallel_loop3A_911 = vector.shape_cast %parallel_loop3A_907 : vector<16xf32> to vector<16xf32>
        tpu.vector_store %arg10[%parallel_loop3A_908], %parallel_loop3A_911 {add = true, strides = array<i32>} : memref<1024xf32, #tpu.memory_space<vmem>>, vector<16xf32>,
        %parallel_loop3A_912 = arith.constant 0 : i32
        %parallel_loop3A_913 = arith.index_cast %parallel_loop3A_828 : i32 to index
        %parallel_loop3A_914 = arith.index_cast %parallel_loop3A_912 : i32 to index
        %parallel_loop3A_915 = arith.constant 112 : index
        %parallel_loop3A_916 = tpu.vector_load %arg9[%parallel_loop3A_913, %parallel_loop3A_914, %parallel_loop3A_915] {strides = array<i32>} : memref<32x8x128xf32, #tpu.memory_space<vmem>>, vector<1x1x16xf32>,
        %parallel_loop3A_917 = vector.shape_cast %parallel_loop3A_916 : vector<1x1x16xf32> to vector<16xf32>
        %parallel_loop3A_918 = arith.mulf %parallel_loop3A_834, %parallel_loop3A_917 : vector<16xf32>
        %parallel_loop3A_919 = arith.constant 112 : index
        %parallel_loop3A_920 = tpu.vector_load %arg10[%parallel_loop3A_919] {strides = array<i32>} : memref<1024xf32, #tpu.memory_space<vmem>>, vector<16xf32>,
        %parallel_loop3A_921 = vector.shape_cast %parallel_loop3A_920 : vector<16xf32> to vector<16xf32>
        %parallel_loop3A_922 = vector.shape_cast %parallel_loop3A_918 : vector<16xf32> to vector<16xf32>
        tpu.vector_store %arg10[%parallel_loop3A_919], %parallel_loop3A_922 {add = true, strides = array<i32>} : memref<1024xf32, #tpu.memory_space<vmem>>, vector<16xf32>,
        %parallel_loop3A_923 = arith.constant 1 : i32
        %parallel_loop3A_924 = arith.index_cast %parallel_loop3A_828 : i32 to index
        %parallel_loop3A_925 = arith.index_cast %parallel_loop3A_923 : i32 to index
        %parallel_loop3A_926 = arith.constant 0 : index
        %parallel_loop3A_927 = tpu.vector_load %arg9[%parallel_loop3A_924, %parallel_loop3A_925, %parallel_loop3A_926] {strides = array<i32>} : memref<32x8x128xf32, #tpu.memory_space<vmem>>, vector<1x1x16xf32>,
        %parallel_loop3A_928 = vector.shape_cast %parallel_loop3A_927 : vector<1x1x16xf32> to vector<16xf32>
        %parallel_loop3A_929 = arith.mulf %parallel_loop3A_834, %parallel_loop3A_928 : vector<16xf32>
        %parallel_loop3A_930 = arith.constant 128 : index
        %parallel_loop3A_931 = tpu.vector_load %arg10[%parallel_loop3A_930] {strides = array<i32>} : memref<1024xf32, #tpu.memory_space<vmem>>, vector<16xf32>,
        %parallel_loop3A_932 = vector.shape_cast %parallel_loop3A_931 : vector<16xf32> to vector<16xf32>
        %parallel_loop3A_933 = vector.shape_cast %parallel_loop3A_929 : vector<16xf32> to vector<16xf32>
        tpu.vector_store %arg10[%parallel_loop3A_930], %parallel_loop3A_933 {add = true, strides = array<i32>} : memref<1024xf32, #tpu.memory_space<vmem>>, vector<16xf32>,
        %parallel_loop3A_934 = arith.constant 1 : i32
        %parallel_loop3A_935 = arith.index_cast %parallel_loop3A_828 : i32 to index
        %parallel_loop3A_936 = arith.index_cast %parallel_loop3A_934 : i32 to index
        %parallel_loop3A_937 = arith.constant 16 : index
        %parallel_loop3A_938 = tpu.vector_load %arg9[%parallel_loop3A_935, %parallel_loop3A_936, %parallel_loop3A_937] {strides = array<i32>} : memref<32x8x128xf32, #tpu.memory_space<vmem>>, vector<1x1x16xf32>,
        %parallel_loop3A_939 = vector.shape_cast %parallel_loop3A_938 : vector<1x1x16xf32> to vector<16xf32>
        %parallel_loop3A_940 = arith.mulf %parallel_loop3A_834, %parallel_loop3A_939 : vector<16xf32>
        %parallel_loop3A_941 = arith.constant 144 : index
        %parallel_loop3A_942 = tpu.vector_load %arg10[%parallel_loop3A_941] {strides = array<i32>} : memref<1024xf32, #tpu.memory_space<vmem>>, vector<16xf32>,
        %parallel_loop3A_943 = vector.shape_cast %parallel_loop3A_942 : vector<16xf32> to vector<16xf32>
        %parallel_loop3A_944 = vector.shape_cast %parallel_loop3A_940 : vector<16xf32> to vector<16xf32>
        tpu.vector_store %arg10[%parallel_loop3A_941], %parallel_loop3A_944 {add = true, strides = array<i32>} : memref<1024xf32, #tpu.memory_space<vmem>>, vector<16xf32>,
        %parallel_loop3A_945 = arith.constant 1 : i32
        %parallel_loop3A_946 = arith.index_cast %parallel_loop3A_828 : i32 to index
        %parallel_loop3A_947 = arith.index_cast %parallel_loop3A_945 : i32 to index
        %parallel_loop3A_948 = arith.constant 32 : index
        %parallel_loop3A_949 = tpu.vector_load %arg9[%parallel_loop3A_946, %parallel_loop3A_947, %parallel_loop3A_948] {strides = array<i32>} : memref<32x8x128xf32, #tpu.memory_space<vmem>>, vector<1x1x16xf32>,
        %parallel_loop3A_950 = vector.shape_cast %parallel_loop3A_949 : vector<1x1x16xf32> to vector<16xf32>
        %parallel_loop3A_951 = arith.mulf %parallel_loop3A_834, %parallel_loop3A_950 : vector<16xf32>
        %parallel_loop3A_952 = arith.constant 160 : index
        %parallel_loop3A_953 = tpu.vector_load %arg10[%parallel_loop3A_952] {strides = array<i32>} : memref<1024xf32, #tpu.memory_space<vmem>>, vector<16xf32>,
        %parallel_loop3A_954 = vector.shape_cast %parallel_loop3A_953 : vector<16xf32> to vector<16xf32>
        %parallel_loop3A_955 = vector.shape_cast %parallel_loop3A_951 : vector<16xf32> to vector<16xf32>
        tpu.vector_store %arg10[%parallel_loop3A_952], %parallel_loop3A_955 {add = true, strides = array<i32>} : memref<1024xf32, #tpu.memory_space<vmem>>, vector<16xf32>,
        %parallel_loop3A_956 = arith.constant 1 : i32
        %parallel_loop3A_957 = arith.index_cast %parallel_loop3A_828 : i32 to index
        %parallel_loop3A_958 = arith.index_cast %parallel_loop3A_956 : i32 to index
        %parallel_loop3A_959 = arith.constant 48 : index
        %parallel_loop3A_960 = tpu.vector_load %arg9[%parallel_loop3A_957, %parallel_loop3A_958, %parallel_loop3A_959] {strides = array<i32>} : memref<32x8x128xf32, #tpu.memory_space<vmem>>, vector<1x1x16xf32>,
        %parallel_loop3A_961 = vector.shape_cast %parallel_loop3A_960 : vector<1x1x16xf32> to vector<16xf32>
        %parallel_loop3A_962 = arith.mulf %parallel_loop3A_834, %parallel_loop3A_961 : vector<16xf32>
        %parallel_loop3A_963 = arith.constant 176 : index
        %parallel_loop3A_964 = tpu.vector_load %arg10[%parallel_loop3A_963] {strides = array<i32>} : memref<1024xf32, #tpu.memory_space<vmem>>, vector<16xf32>,
        %parallel_loop3A_965 = vector.shape_cast %parallel_loop3A_964 : vector<16xf32> to vector<16xf32>
        %parallel_loop3A_966 = vector.shape_cast %parallel_loop3A_962 : vector<16xf32> to vector<16xf32>
        tpu.vector_store %arg10[%parallel_loop3A_963], %parallel_loop3A_966 {add = true, strides = array<i32>} : memref<1024xf32, #tpu.memory_space<vmem>>, vector<16xf32>,
        %parallel_loop3A_967 = arith.constant 1 : i32
        %parallel_loop3A_968 = arith.index_cast %parallel_loop3A_828 : i32 to index
        %parallel_loop3A_969 = arith.index_cast %parallel_loop3A_967 : i32 to index
        %parallel_loop3A_970 = arith.constant 64 : index
        %parallel_loop3A_971 = tpu.vector_load %arg9[%parallel_loop3A_968, %parallel_loop3A_969, %parallel_loop3A_970] {strides = array<i32>} : memref<32x8x128xf32, #tpu.memory_space<vmem>>, vector<1x1x16xf32>,
        %parallel_loop3A_972 = vector.shape_cast %parallel_loop3A_971 : vector<1x1x16xf32> to vector<16xf32>
        %parallel_loop3A_973 = arith.mulf %parallel_loop3A_834, %parallel_loop3A_972 : vector<16xf32>
        %parallel_loop3A_974 = arith.constant 192 : index
        %parallel_loop3A_975 = tpu.vector_load %arg10[%parallel_loop3A_974] {strides = array<i32>} : memref<1024xf32, #tpu.memory_space<vmem>>, vector<16xf32>,
        %parallel_loop3A_976 = vector.shape_cast %parallel_loop3A_975 : vector<16xf32> to vector<16xf32>
        %parallel_loop3A_977 = vector.shape_cast %parallel_loop3A_973 : vector<16xf32> to vector<16xf32>
        tpu.vector_store %arg10[%parallel_loop3A_974], %parallel_loop3A_977 {add = true, strides = array<i32>} : memref<1024xf32, #tpu.memory_space<vmem>>, vector<16xf32>,
        %parallel_loop3A_978 = arith.constant 1 : i32
        %parallel_loop3A_979 = arith.index_cast %parallel_loop3A_828 : i32 to index
        %parallel_loop3A_980 = arith.index_cast %parallel_loop3A_978 : i32 to index
        %parallel_loop3A_981 = arith.constant 80 : index
        %parallel_loop3A_982 = tpu.vector_load %arg9[%parallel_loop3A_979, %parallel_loop3A_980, %parallel_loop3A_981] {strides = array<i32>} : memref<32x8x128xf32, #tpu.memory_space<vmem>>, vector<1x1x16xf32>,
        %parallel_loop3A_983 = vector.shape_cast %parallel_loop3A_982 : vector<1x1x16xf32> to vector<16xf32>
        %parallel_loop3A_984 = arith.mulf %parallel_loop3A_834, %parallel_loop3A_983 : vector<16xf32>
        %parallel_loop3A_985 = arith.constant 208 : index
        %parallel_loop3A_986 = tpu.vector_load %arg10[%parallel_loop3A_985] {strides = array<i32>} : memref<1024xf32, #tpu.memory_space<vmem>>, vector<16xf32>,
        %parallel_loop3A_987 = vector.shape_cast %parallel_loop3A_986 : vector<16xf32> to vector<16xf32>
        %parallel_loop3A_988 = vector.shape_cast %parallel_loop3A_984 : vector<16xf32> to vector<16xf32>
        tpu.vector_store %arg10[%parallel_loop3A_985], %parallel_loop3A_988 {add = true, strides = array<i32>} : memref<1024xf32, #tpu.memory_space<vmem>>, vector<16xf32>,
        %parallel_loop3A_989 = arith.constant 1 : i32
        %parallel_loop3A_990 = arith.index_cast %parallel_loop3A_828 : i32 to index
        %parallel_loop3A_991 = arith.index_cast %parallel_loop3A_989 : i32 to index
        %parallel_loop3A_992 = arith.constant 96 : index
        %parallel_loop3A_993 = tpu.vector_load %arg9[%parallel_loop3A_990, %parallel_loop3A_991, %parallel_loop3A_992] {strides = array<i32>} : memref<32x8x128xf32, #tpu.memory_space<vmem>>, vector<1x1x16xf32>,
        %parallel_loop3A_994 = vector.shape_cast %parallel_loop3A_993 : vector<1x1x16xf32> to vector<16xf32>
        %parallel_loop3A_995 = arith.mulf %parallel_loop3A_834, %parallel_loop3A_994 : vector<16xf32>
        %parallel_loop3A_996 = arith.constant 224 : index
        %parallel_loop3A_997 = tpu.vector_load %arg10[%parallel_loop3A_996] {strides = array<i32>} : memref<1024xf32, #tpu.memory_space<vmem>>, vector<16xf32>,
        %parallel_loop3A_998 = vector.shape_cast %parallel_loop3A_997 : vector<16xf32> to vector<16xf32>
        %parallel_loop3A_999 = vector.shape_cast %parallel_loop3A_995 : vector<16xf32> to vector<16xf32>
        tpu.vector_store %arg10[%parallel_loop3A_996], %parallel_loop3A_999 {add = true, strides = array<i32>} : memref<1024xf32, #tpu.memory_space<vmem>>, vector<16xf32>,
        %parallel_loop3A_1000 = arith.constant 1 : i32
        %parallel_loop3A_1001 = arith.index_cast %parallel_loop3A_828 : i32 to index
        %parallel_loop3A_1002 = arith.index_cast %parallel_loop3A_1000 : i32 to index
        %parallel_loop3A_1003 = arith.constant 112 : index
        %parallel_loop3A_1004 = tpu.vector_load %arg9[%parallel_loop3A_1001, %parallel_loop3A_1002, %parallel_loop3A_1003] {strides = array<i32>} : memref<32x8x128xf32, #tpu.memory_space<vmem>>, vector<1x1x16xf32>,
        %parallel_loop3A_1005 = vector.shape_cast %parallel_loop3A_1004 : vector<1x1x16xf32> to vector<16xf32>
        %parallel_loop3A_1006 = arith.mulf %parallel_loop3A_834, %parallel_loop3A_1005 : vector<16xf32>
        %parallel_loop3A_1007 = arith.constant 240 : index
        %parallel_loop3A_1008 = tpu.vector_load %arg10[%parallel_loop3A_1007] {strides = array<i32>} : memref<1024xf32, #tpu.memory_space<vmem>>, vector<16xf32>,
        %parallel_loop3A_1009 = vector.shape_cast %parallel_loop3A_1008 : vector<16xf32> to vector<16xf32>
        %parallel_loop3A_1010 = vector.shape_cast %parallel_loop3A_1006 : vector<16xf32> to vector<16xf32>
        tpu.vector_store %arg10[%parallel_loop3A_1007], %parallel_loop3A_1010 {add = true, strides = array<i32>} : memref<1024xf32, #tpu.memory_space<vmem>>, vector<16xf32>,
        %parallel_loop3A_1011 = arith.constant 2 : i32
        %parallel_loop3A_1012 = arith.index_cast %parallel_loop3A_828 : i32 to index
        %parallel_loop3A_1013 = arith.index_cast %parallel_loop3A_1011 : i32 to index
        %parallel_loop3A_1014 = arith.constant 0 : index
        %parallel_loop3A_1015 = tpu.vector_load %arg9[%parallel_loop3A_1012, %parallel_loop3A_1013, %parallel_loop3A_1014] {strides = array<i32>} : memref<32x8x128xf32, #tpu.memory_space<vmem>>, vector<1x1x16xf32>,
        %parallel_loop3A_1016 = vector.shape_cast %parallel_loop3A_1015 : vector<1x1x16xf32> to vector<16xf32>
        %parallel_loop3A_1017 = arith.mulf %parallel_loop3A_834, %parallel_loop3A_1016 : vector<16xf32>
        %parallel_loop3A_1018 = arith.constant 256 : index
        %parallel_loop3A_1019 = tpu.vector_load %arg10[%parallel_loop3A_1018] {strides = array<i32>} : memref<1024xf32, #tpu.memory_space<vmem>>, vector<16xf32>,
        %parallel_loop3A_1020 = vector.shape_cast %parallel_loop3A_1019 : vector<16xf32> to vector<16xf32>
        %parallel_loop3A_1021 = vector.shape_cast %parallel_loop3A_1017 : vector<16xf32> to vector<16xf32>
        tpu.vector_store %arg10[%parallel_loop3A_1018], %parallel_loop3A_1021 {add = true, strides = array<i32>} : memref<1024xf32, #tpu.memory_space<vmem>>, vector<16xf32>,
        %parallel_loop3A_1022 = arith.constant 2 : i32
        %parallel_loop3A_1023 = arith.index_cast %parallel_loop3A_828 : i32 to index
        %parallel_loop3A_1024 = arith.index_cast %parallel_loop3A_1022 : i32 to index
        %parallel_loop3A_1025 = arith.constant 16 : index
        %parallel_loop3A_1026 = tpu.vector_load %arg9[%parallel_loop3A_1023, %parallel_loop3A_1024, %parallel_loop3A_1025] {strides = array<i32>} : memref<32x8x128xf32, #tpu.memory_space<vmem>>, vector<1x1x16xf32>,
        %parallel_loop3A_1027 = vector.shape_cast %parallel_loop3A_1026 : vector<1x1x16xf32> to vector<16xf32>
        %parallel_loop3A_1028 = arith.mulf %parallel_loop3A_834, %parallel_loop3A_1027 : vector<16xf32>
        %parallel_loop3A_1029 = arith.constant 272 : index
        %parallel_loop3A_1030 = tpu.vector_load %arg10[%parallel_loop3A_1029] {strides = array<i32>} : memref<1024xf32, #tpu.memory_space<vmem>>, vector<16xf32>,
        %parallel_loop3A_1031 = vector.shape_cast %parallel_loop3A_1030 : vector<16xf32> to vector<16xf32>
        %parallel_loop3A_1032 = vector.shape_cast %parallel_loop3A_1028 : vector<16xf32> to vector<16xf32>
        tpu.vector_store %arg10[%parallel_loop3A_1029], %parallel_loop3A_1032 {add = true, strides = array<i32>} : memref<1024xf32, #tpu.memory_space<vmem>>, vector<16xf32>,
        %parallel_loop3A_1033 = arith.constant 2 : i32
        %parallel_loop3A_1034 = arith.index_cast %parallel_loop3A_828 : i32 to index
        %parallel_loop3A_1035 = arith.index_cast %parallel_loop3A_1033 : i32 to index
        %parallel_loop3A_1036 = arith.constant 32 : index
        %parallel_loop3A_1037 = tpu.vector_load %arg9[%parallel_loop3A_1034, %parallel_loop3A_1035, %parallel_loop3A_1036] {strides = array<i32>} : memref<32x8x128xf32, #tpu.memory_space<vmem>>, vector<1x1x16xf32>,
        %parallel_loop3A_1038 = vector.shape_cast %parallel_loop3A_1037 : vector<1x1x16xf32> to vector<16xf32>
        %parallel_loop3A_1039 = arith.mulf %parallel_loop3A_834, %parallel_loop3A_1038 : vector<16xf32>
        %parallel_loop3A_1040 = arith.constant 288 : index
        %parallel_loop3A_1041 = tpu.vector_load %arg10[%parallel_loop3A_1040] {strides = array<i32>} : memref<1024xf32, #tpu.memory_space<vmem>>, vector<16xf32>,
        %parallel_loop3A_1042 = vector.shape_cast %parallel_loop3A_1041 : vector<16xf32> to vector<16xf32>
        %parallel_loop3A_1043 = vector.shape_cast %parallel_loop3A_1039 : vector<16xf32> to vector<16xf32>
        tpu.vector_store %arg10[%parallel_loop3A_1040], %parallel_loop3A_1043 {add = true, strides = array<i32>} : memref<1024xf32, #tpu.memory_space<vmem>>, vector<16xf32>,
        %parallel_loop3A_1044 = arith.constant 2 : i32
        %parallel_loop3A_1045 = arith.index_cast %parallel_loop3A_828 : i32 to index
        %parallel_loop3A_1046 = arith.index_cast %parallel_loop3A_1044 : i32 to index
        %parallel_loop3A_1047 = arith.constant 48 : index
        %parallel_loop3A_1048 = tpu.vector_load %arg9[%parallel_loop3A_1045, %parallel_loop3A_1046, %parallel_loop3A_1047] {strides = array<i32>} : memref<32x8x128xf32, #tpu.memory_space<vmem>>, vector<1x1x16xf32>,
        %parallel_loop3A_1049 = vector.shape_cast %parallel_loop3A_1048 : vector<1x1x16xf32> to vector<16xf32>
        %parallel_loop3A_1050 = arith.mulf %parallel_loop3A_834, %parallel_loop3A_1049 : vector<16xf32>
        %parallel_loop3A_1051 = arith.constant 304 : index
        %parallel_loop3A_1052 = tpu.vector_load %arg10[%parallel_loop3A_1051] {strides = array<i32>} : memref<1024xf32, #tpu.memory_space<vmem>>, vector<16xf32>,
        %parallel_loop3A_1053 = vector.shape_cast %parallel_loop3A_1052 : vector<16xf32> to vector<16xf32>
        %parallel_loop3A_1054 = vector.shape_cast %parallel_loop3A_1050 : vector<16xf32> to vector<16xf32>
        tpu.vector_store %arg10[%parallel_loop3A_1051], %parallel_loop3A_1054 {add = true, strides = array<i32>} : memref<1024xf32, #tpu.memory_space<vmem>>, vector<16xf32>,
        %parallel_loop3A_1055 = arith.constant 2 : i32
        %parallel_loop3A_1056 = arith.index_cast %parallel_loop3A_828 : i32 to index
        %parallel_loop3A_1057 = arith.index_cast %parallel_loop3A_1055 : i32 to index
        %parallel_loop3A_1058 = arith.constant 64 : index
        %parallel_loop3A_1059 = tpu.vector_load %arg9[%parallel_loop3A_1056, %parallel_loop3A_1057, %parallel_loop3A_1058] {strides = array<i32>} : memref<32x8x128xf32, #tpu.memory_space<vmem>>, vector<1x1x16xf32>,
        %parallel_loop3A_1060 = vector.shape_cast %parallel_loop3A_1059 : vector<1x1x16xf32> to vector<16xf32>
        %parallel_loop3A_1061 = arith.mulf %parallel_loop3A_834, %parallel_loop3A_1060 : vector<16xf32>
        %parallel_loop3A_1062 = arith.constant 320 : index
        %parallel_loop3A_1063 = tpu.vector_load %arg10[%parallel_loop3A_1062] {strides = array<i32>} : memref<1024xf32, #tpu.memory_space<vmem>>, vector<16xf32>,
        %parallel_loop3A_1064 = vector.shape_cast %parallel_loop3A_1063 : vector<16xf32> to vector<16xf32>
        %parallel_loop3A_1065 = vector.shape_cast %parallel_loop3A_1061 : vector<16xf32> to vector<16xf32>
        tpu.vector_store %arg10[%parallel_loop3A_1062], %parallel_loop3A_1065 {add = true, strides = array<i32>} : memref<1024xf32, #tpu.memory_space<vmem>>, vector<16xf32>,
        %parallel_loop3A_1066 = arith.constant 2 : i32
        %parallel_loop3A_1067 = arith.index_cast %parallel_loop3A_828 : i32 to index
        %parallel_loop3A_1068 = arith.index_cast %parallel_loop3A_1066 : i32 to index
        %parallel_loop3A_1069 = arith.constant 80 : index
        %parallel_loop3A_1070 = tpu.vector_load %arg9[%parallel_loop3A_1067, %parallel_loop3A_1068, %parallel_loop3A_1069] {strides = array<i32>} : memref<32x8x128xf32, #tpu.memory_space<vmem>>, vector<1x1x16xf32>,
        %parallel_loop3A_1071 = vector.shape_cast %parallel_loop3A_1070 : vector<1x1x16xf32> to vector<16xf32>
        %parallel_loop3A_1072 = arith.mulf %parallel_loop3A_834, %parallel_loop3A_1071 : vector<16xf32>
        %parallel_loop3A_1073 = arith.constant 336 : index
        %parallel_loop3A_1074 = tpu.vector_load %arg10[%parallel_loop3A_1073] {strides = array<i32>} : memref<1024xf32, #tpu.memory_space<vmem>>, vector<16xf32>,
        %parallel_loop3A_1075 = vector.shape_cast %parallel_loop3A_1074 : vector<16xf32> to vector<16xf32>
        %parallel_loop3A_1076 = vector.shape_cast %parallel_loop3A_1072 : vector<16xf32> to vector<16xf32>
        tpu.vector_store %arg10[%parallel_loop3A_1073], %parallel_loop3A_1076 {add = true, strides = array<i32>} : memref<1024xf32, #tpu.memory_space<vmem>>, vector<16xf32>,
        %parallel_loop3A_1077 = arith.constant 2 : i32
        %parallel_loop3A_1078 = arith.index_cast %parallel_loop3A_828 : i32 to index
        %parallel_loop3A_1079 = arith.index_cast %parallel_loop3A_1077 : i32 to index
        %parallel_loop3A_1080 = arith.constant 96 : index
        %parallel_loop3A_1081 = tpu.vector_load %arg9[%parallel_loop3A_1078, %parallel_loop3A_1079, %parallel_loop3A_1080] {strides = array<i32>} : memref<32x8x128xf32, #tpu.memory_space<vmem>>, vector<1x1x16xf32>,
        %parallel_loop3A_1082 = vector.shape_cast %parallel_loop3A_1081 : vector<1x1x16xf32> to vector<16xf32>
        %parallel_loop3A_1083 = arith.mulf %parallel_loop3A_834, %parallel_loop3A_1082 : vector<16xf32>
        %parallel_loop3A_1084 = arith.constant 352 : index
        %parallel_loop3A_1085 = tpu.vector_load %arg10[%parallel_loop3A_1084] {strides = array<i32>} : memref<1024xf32, #tpu.memory_space<vmem>>, vector<16xf32>,
        %parallel_loop3A_1086 = vector.shape_cast %parallel_loop3A_1085 : vector<16xf32> to vector<16xf32>
        %parallel_loop3A_1087 = vector.shape_cast %parallel_loop3A_1083 : vector<16xf32> to vector<16xf32>
        tpu.vector_store %arg10[%parallel_loop3A_1084], %parallel_loop3A_1087 {add = true, strides = array<i32>} : memref<1024xf32, #tpu.memory_space<vmem>>, vector<16xf32>,
        %parallel_loop3A_1088 = arith.constant 2 : i32
        %parallel_loop3A_1089 = arith.index_cast %parallel_loop3A_828 : i32 to index
        %parallel_loop3A_1090 = arith.index_cast %parallel_loop3A_1088 : i32 to index
        %parallel_loop3A_1091 = arith.constant 112 : index
        %parallel_loop3A_1092 = tpu.vector_load %arg9[%parallel_loop3A_1089, %parallel_loop3A_1090, %parallel_loop3A_1091] {strides = array<i32>} : memref<32x8x128xf32, #tpu.memory_space<vmem>>, vector<1x1x16xf32>,
        %parallel_loop3A_1093 = vector.shape_cast %parallel_loop3A_1092 : vector<1x1x16xf32> to vector<16xf32>
        %parallel_loop3A_1094 = arith.mulf %parallel_loop3A_834, %parallel_loop3A_1093 : vector<16xf32>
        %parallel_loop3A_1095 = arith.constant 368 : index
        %parallel_loop3A_1096 = tpu.vector_load %arg10[%parallel_loop3A_1095] {strides = array<i32>} : memref<1024xf32, #tpu.memory_space<vmem>>, vector<16xf32>,
        %parallel_loop3A_1097 = vector.shape_cast %parallel_loop3A_1096 : vector<16xf32> to vector<16xf32>
        %parallel_loop3A_1098 = vector.shape_cast %parallel_loop3A_1094 : vector<16xf32> to vector<16xf32>
        tpu.vector_store %arg10[%parallel_loop3A_1095], %parallel_loop3A_1098 {add = true, strides = array<i32>} : memref<1024xf32, #tpu.memory_space<vmem>>, vector<16xf32>,
        %parallel_loop3A_1099 = arith.constant 3 : i32
        %parallel_loop3A_1100 = arith.index_cast %parallel_loop3A_828 : i32 to index
        %parallel_loop3A_1101 = arith.index_cast %parallel_loop3A_1099 : i32 to index
        %parallel_loop3A_1102 = arith.constant 0 : index
        %parallel_loop3A_1103 = tpu.vector_load %arg9[%parallel_loop3A_1100, %parallel_loop3A_1101, %parallel_loop3A_1102] {strides = array<i32>} : memref<32x8x128xf32, #tpu.memory_space<vmem>>, vector<1x1x16xf32>,
        %parallel_loop3A_1104 = vector.shape_cast %parallel_loop3A_1103 : vector<1x1x16xf32> to vector<16xf32>
        %parallel_loop3A_1105 = arith.mulf %parallel_loop3A_834, %parallel_loop3A_1104 : vector<16xf32>
        %parallel_loop3A_1106 = arith.constant 384 : index
        %parallel_loop3A_1107 = tpu.vector_load %arg10[%parallel_loop3A_1106] {strides = array<i32>} : memref<1024xf32, #tpu.memory_space<vmem>>, vector<16xf32>,
        %parallel_loop3A_1108 = vector.shape_cast %parallel_loop3A_1107 : vector<16xf32> to vector<16xf32>
        %parallel_loop3A_1109 = vector.shape_cast %parallel_loop3A_1105 : vector<16xf32> to vector<16xf32>
        tpu.vector_store %arg10[%parallel_loop3A_1106], %parallel_loop3A_1109 {add = true, strides = array<i32>} : memref<1024xf32, #tpu.memory_space<vmem>>, vector<16xf32>,
        %parallel_loop3A_1110 = arith.constant 3 : i32
        %parallel_loop3A_1111 = arith.index_cast %parallel_loop3A_828 : i32 to index
        %parallel_loop3A_1112 = arith.index_cast %parallel_loop3A_1110 : i32 to index
        %parallel_loop3A_1113 = arith.constant 16 : index
        %parallel_loop3A_1114 = tpu.vector_load %arg9[%parallel_loop3A_1111, %parallel_loop3A_1112, %parallel_loop3A_1113] {strides = array<i32>} : memref<32x8x128xf32, #tpu.memory_space<vmem>>, vector<1x1x16xf32>,
        %parallel_loop3A_1115 = vector.shape_cast %parallel_loop3A_1114 : vector<1x1x16xf32> to vector<16xf32>
        %parallel_loop3A_1116 = arith.mulf %parallel_loop3A_834, %parallel_loop3A_1115 : vector<16xf32>
        %parallel_loop3A_1117 = arith.constant 400 : index
        %parallel_loop3A_1118 = tpu.vector_load %arg10[%parallel_loop3A_1117] {strides = array<i32>} : memref<1024xf32, #tpu.memory_space<vmem>>, vector<16xf32>,
        %parallel_loop3A_1119 = vector.shape_cast %parallel_loop3A_1118 : vector<16xf32> to vector<16xf32>
        %parallel_loop3A_1120 = vector.shape_cast %parallel_loop3A_1116 : vector<16xf32> to vector<16xf32>
        tpu.vector_store %arg10[%parallel_loop3A_1117], %parallel_loop3A_1120 {add = true, strides = array<i32>} : memref<1024xf32, #tpu.memory_space<vmem>>, vector<16xf32>,
        %parallel_loop3A_1121 = arith.constant 3 : i32
        %parallel_loop3A_1122 = arith.index_cast %parallel_loop3A_828 : i32 to index
        %parallel_loop3A_1123 = arith.index_cast %parallel_loop3A_1121 : i32 to index
        %parallel_loop3A_1124 = arith.constant 32 : index
        %parallel_loop3A_1125 = tpu.vector_load %arg9[%parallel_loop3A_1122, %parallel_loop3A_1123, %parallel_loop3A_1124] {strides = array<i32>} : memref<32x8x128xf32, #tpu.memory_space<vmem>>, vector<1x1x16xf32>,
        %parallel_loop3A_1126 = vector.shape_cast %parallel_loop3A_1125 : vector<1x1x16xf32> to vector<16xf32>
        %parallel_loop3A_1127 = arith.mulf %parallel_loop3A_834, %parallel_loop3A_1126 : vector<16xf32>
        %parallel_loop3A_1128 = arith.constant 416 : index
        %parallel_loop3A_1129 = tpu.vector_load %arg10[%parallel_loop3A_1128] {strides = array<i32>} : memref<1024xf32, #tpu.memory_space<vmem>>, vector<16xf32>,
        %parallel_loop3A_1130 = vector.shape_cast %parallel_loop3A_1129 : vector<16xf32> to vector<16xf32>
        %parallel_loop3A_1131 = vector.shape_cast %parallel_loop3A_1127 : vector<16xf32> to vector<16xf32>
        tpu.vector_store %arg10[%parallel_loop3A_1128], %parallel_loop3A_1131 {add = true, strides = array<i32>} : memref<1024xf32, #tpu.memory_space<vmem>>, vector<16xf32>,
        %parallel_loop3A_1132 = arith.constant 3 : i32
        %parallel_loop3A_1133 = arith.index_cast %parallel_loop3A_828 : i32 to index
        %parallel_loop3A_1134 = arith.index_cast %parallel_loop3A_1132 : i32 to index
        %parallel_loop3A_1135 = arith.constant 48 : index
        %parallel_loop3A_1136 = tpu.vector_load %arg9[%parallel_loop3A_1133, %parallel_loop3A_1134, %parallel_loop3A_1135] {strides = array<i32>} : memref<32x8x128xf32, #tpu.memory_space<vmem>>, vector<1x1x16xf32>,
        %parallel_loop3A_1137 = vector.shape_cast %parallel_loop3A_1136 : vector<1x1x16xf32> to vector<16xf32>
        %parallel_loop3A_1138 = arith.mulf %parallel_loop3A_834, %parallel_loop3A_1137 : vector<16xf32>
        %parallel_loop3A_1139 = arith.constant 432 : index
        %parallel_loop3A_1140 = tpu.vector_load %arg10[%parallel_loop3A_1139] {strides = array<i32>} : memref<1024xf32, #tpu.memory_space<vmem>>, vector<16xf32>,
        %parallel_loop3A_1141 = vector.shape_cast %parallel_loop3A_1140 : vector<16xf32> to vector<16xf32>
        %parallel_loop3A_1142 = vector.shape_cast %parallel_loop3A_1138 : vector<16xf32> to vector<16xf32>
        tpu.vector_store %arg10[%parallel_loop3A_1139], %parallel_loop3A_1142 {add = true, strides = array<i32>} : memref<1024xf32, #tpu.memory_space<vmem>>, vector<16xf32>,
        %parallel_loop3A_1143 = arith.constant 3 : i32
        %parallel_loop3A_1144 = arith.index_cast %parallel_loop3A_828 : i32 to index
        %parallel_loop3A_1145 = arith.index_cast %parallel_loop3A_1143 : i32 to index
        %parallel_loop3A_1146 = arith.constant 64 : index
        %parallel_loop3A_1147 = tpu.vector_load %arg9[%parallel_loop3A_1144, %parallel_loop3A_1145, %parallel_loop3A_1146] {strides = array<i32>} : memref<32x8x128xf32, #tpu.memory_space<vmem>>, vector<1x1x16xf32>,
        %parallel_loop3A_1148 = vector.shape_cast %parallel_loop3A_1147 : vector<1x1x16xf32> to vector<16xf32>
        %parallel_loop3A_1149 = arith.mulf %parallel_loop3A_834, %parallel_loop3A_1148 : vector<16xf32>
        %parallel_loop3A_1150 = arith.constant 448 : index
        %parallel_loop3A_1151 = tpu.vector_load %arg10[%parallel_loop3A_1150] {strides = array<i32>} : memref<1024xf32, #tpu.memory_space<vmem>>, vector<16xf32>,
        %parallel_loop3A_1152 = vector.shape_cast %parallel_loop3A_1151 : vector<16xf32> to vector<16xf32>
        %parallel_loop3A_1153 = vector.shape_cast %parallel_loop3A_1149 : vector<16xf32> to vector<16xf32>
        tpu.vector_store %arg10[%parallel_loop3A_1150], %parallel_loop3A_1153 {add = true, strides = array<i32>} : memref<1024xf32, #tpu.memory_space<vmem>>, vector<16xf32>,
        %parallel_loop3A_1154 = arith.constant 3 : i32
        %parallel_loop3A_1155 = arith.index_cast %parallel_loop3A_828 : i32 to index
        %parallel_loop3A_1156 = arith.index_cast %parallel_loop3A_1154 : i32 to index
        %parallel_loop3A_1157 = arith.constant 80 : index
        %parallel_loop3A_1158 = tpu.vector_load %arg9[%parallel_loop3A_1155, %parallel_loop3A_1156, %parallel_loop3A_1157] {strides = array<i32>} : memref<32x8x128xf32, #tpu.memory_space<vmem>>, vector<1x1x16xf32>,
        %parallel_loop3A_1159 = vector.shape_cast %parallel_loop3A_1158 : vector<1x1x16xf32> to vector<16xf32>
        %parallel_loop3A_1160 = arith.mulf %parallel_loop3A_834, %parallel_loop3A_1159 : vector<16xf32>
        %parallel_loop3A_1161 = arith.constant 464 : index
        %parallel_loop3A_1162 = tpu.vector_load %arg10[%parallel_loop3A_1161] {strides = array<i32>} : memref<1024xf32, #tpu.memory_space<vmem>>, vector<16xf32>,
        %parallel_loop3A_1163 = vector.shape_cast %parallel_loop3A_1162 : vector<16xf32> to vector<16xf32>
        %parallel_loop3A_1164 = vector.shape_cast %parallel_loop3A_1160 : vector<16xf32> to vector<16xf32>
        tpu.vector_store %arg10[%parallel_loop3A_1161], %parallel_loop3A_1164 {add = true, strides = array<i32>} : memref<1024xf32, #tpu.memory_space<vmem>>, vector<16xf32>,
        %parallel_loop3A_1165 = arith.constant 3 : i32
        %parallel_loop3A_1166 = arith.index_cast %parallel_loop3A_828 : i32 to index
        %parallel_loop3A_1167 = arith.index_cast %parallel_loop3A_1165 : i32 to index
        %parallel_loop3A_1168 = arith.constant 96 : index
        %parallel_loop3A_1169 = tpu.vector_load %arg9[%parallel_loop3A_1166, %parallel_loop3A_1167, %parallel_loop3A_1168] {strides = array<i32>} : memref<32x8x128xf32, #tpu.memory_space<vmem>>, vector<1x1x16xf32>,
        %parallel_loop3A_1170 = vector.shape_cast %parallel_loop3A_1169 : vector<1x1x16xf32> to vector<16xf32>
        %parallel_loop3A_1171 = arith.mulf %parallel_loop3A_834, %parallel_loop3A_1170 : vector<16xf32>
        %parallel_loop3A_1172 = arith.constant 480 : index
        %parallel_loop3A_1173 = tpu.vector_load %arg10[%parallel_loop3A_1172] {strides = array<i32>} : memref<1024xf32, #tpu.memory_space<vmem>>, vector<16xf32>,
        %parallel_loop3A_1174 = vector.shape_cast %parallel_loop3A_1173 : vector<16xf32> to vector<16xf32>
        %parallel_loop3A_1175 = vector.shape_cast %parallel_loop3A_1171 : vector<16xf32> to vector<16xf32>
        tpu.vector_store %arg10[%parallel_loop3A_1172], %parallel_loop3A_1175 {add = true, strides = array<i32>} : memref<1024xf32, #tpu.memory_space<vmem>>, vector<16xf32>,
        %parallel_loop3A_1176 = arith.constant 3 : i32
        %parallel_loop3A_1177 = arith.index_cast %parallel_loop3A_828 : i32 to index
        %parallel_loop3A_1178 = arith.index_cast %parallel_loop3A_1176 : i32 to index
        %parallel_loop3A_1179 = arith.constant 112 : index
        %parallel_loop3A_1180 = tpu.vector_load %arg9[%parallel_loop3A_1177, %parallel_loop3A_1178, %parallel_loop3A_1179] {strides = array<i32>} : memref<32x8x128xf32, #tpu.memory_space<vmem>>, vector<1x1x16xf32>,
        %parallel_loop3A_1181 = vector.shape_cast %parallel_loop3A_1180 : vector<1x1x16xf32> to vector<16xf32>
        %parallel_loop3A_1182 = arith.mulf %parallel_loop3A_834, %parallel_loop3A_1181 : vector<16xf32>
        %parallel_loop3A_1183 = arith.constant 496 : index
        %parallel_loop3A_1184 = tpu.vector_load %arg10[%parallel_loop3A_1183] {strides = array<i32>} : memref<1024xf32, #tpu.memory_space<vmem>>, vector<16xf32>,
        %parallel_loop3A_1185 = vector.shape_cast %parallel_loop3A_1184 : vector<16xf32> to vector<16xf32>
        %parallel_loop3A_1186 = vector.shape_cast %parallel_loop3A_1182 : vector<16xf32> to vector<16xf32>
        tpu.vector_store %arg10[%parallel_loop3A_1183], %parallel_loop3A_1186 {add = true, strides = array<i32>} : memref<1024xf32, #tpu.memory_space<vmem>>, vector<16xf32>,
        %parallel_loop3A_1187 = arith.constant 4 : i32
        %parallel_loop3A_1188 = arith.index_cast %parallel_loop3A_828 : i32 to index
        %parallel_loop3A_1189 = arith.index_cast %parallel_loop3A_1187 : i32 to index
        %parallel_loop3A_1190 = arith.constant 0 : index
        %parallel_loop3A_1191 = tpu.vector_load %arg9[%parallel_loop3A_1188, %parallel_loop3A_1189, %parallel_loop3A_1190] {strides = array<i32>} : memref<32x8x128xf32, #tpu.memory_space<vmem>>, vector<1x1x16xf32>,
        %parallel_loop3A_1192 = vector.shape_cast %parallel_loop3A_1191 : vector<1x1x16xf32> to vector<16xf32>
        %parallel_loop3A_1193 = arith.mulf %parallel_loop3A_834, %parallel_loop3A_1192 : vector<16xf32>
        %parallel_loop3A_1194 = arith.constant 512 : index
        %parallel_loop3A_1195 = tpu.vector_load %arg10[%parallel_loop3A_1194] {strides = array<i32>} : memref<1024xf32, #tpu.memory_space<vmem>>, vector<16xf32>,
        %parallel_loop3A_1196 = vector.shape_cast %parallel_loop3A_1195 : vector<16xf32> to vector<16xf32>
        %parallel_loop3A_1197 = vector.shape_cast %parallel_loop3A_1193 : vector<16xf32> to vector<16xf32>
        tpu.vector_store %arg10[%parallel_loop3A_1194], %parallel_loop3A_1197 {add = true, strides = array<i32>} : memref<1024xf32, #tpu.memory_space<vmem>>, vector<16xf32>,
        %parallel_loop3A_1198 = arith.constant 4 : i32
        %parallel_loop3A_1199 = arith.index_cast %parallel_loop3A_828 : i32 to index
        %parallel_loop3A_1200 = arith.index_cast %parallel_loop3A_1198 : i32 to index
        %parallel_loop3A_1201 = arith.constant 16 : index
        %parallel_loop3A_1202 = tpu.vector_load %arg9[%parallel_loop3A_1199, %parallel_loop3A_1200, %parallel_loop3A_1201] {strides = array<i32>} : memref<32x8x128xf32, #tpu.memory_space<vmem>>, vector<1x1x16xf32>,
        %parallel_loop3A_1203 = vector.shape_cast %parallel_loop3A_1202 : vector<1x1x16xf32> to vector<16xf32>
        %parallel_loop3A_1204 = arith.mulf %parallel_loop3A_834, %parallel_loop3A_1203 : vector<16xf32>
        %parallel_loop3A_1205 = arith.constant 528 : index
        %parallel_loop3A_1206 = tpu.vector_load %arg10[%parallel_loop3A_1205] {strides = array<i32>} : memref<1024xf32, #tpu.memory_space<vmem>>, vector<16xf32>,
        %parallel_loop3A_1207 = vector.shape_cast %parallel_loop3A_1206 : vector<16xf32> to vector<16xf32>
        %parallel_loop3A_1208 = vector.shape_cast %parallel_loop3A_1204 : vector<16xf32> to vector<16xf32>
        tpu.vector_store %arg10[%parallel_loop3A_1205], %parallel_loop3A_1208 {add = true, strides = array<i32>} : memref<1024xf32, #tpu.memory_space<vmem>>, vector<16xf32>,
        %parallel_loop3A_1209 = arith.constant 4 : i32
        %parallel_loop3A_1210 = arith.index_cast %parallel_loop3A_828 : i32 to index
        %parallel_loop3A_1211 = arith.index_cast %parallel_loop3A_1209 : i32 to index
        %parallel_loop3A_1212 = arith.constant 32 : index
        %parallel_loop3A_1213 = tpu.vector_load %arg9[%parallel_loop3A_1210, %parallel_loop3A_1211, %parallel_loop3A_1212] {strides = array<i32>} : memref<32x8x128xf32, #tpu.memory_space<vmem>>, vector<1x1x16xf32>,
        %parallel_loop3A_1214 = vector.shape_cast %parallel_loop3A_1213 : vector<1x1x16xf32> to vector<16xf32>
        %parallel_loop3A_1215 = arith.mulf %parallel_loop3A_834, %parallel_loop3A_1214 : vector<16xf32>
        %parallel_loop3A_1216 = arith.constant 544 : index
        %parallel_loop3A_1217 = tpu.vector_load %arg10[%parallel_loop3A_1216] {strides = array<i32>} : memref<1024xf32, #tpu.memory_space<vmem>>, vector<16xf32>,
        %parallel_loop3A_1218 = vector.shape_cast %parallel_loop3A_1217 : vector<16xf32> to vector<16xf32>
        %parallel_loop3A_1219 = vector.shape_cast %parallel_loop3A_1215 : vector<16xf32> to vector<16xf32>
        tpu.vector_store %arg10[%parallel_loop3A_1216], %parallel_loop3A_1219 {add = true, strides = array<i32>} : memref<1024xf32, #tpu.memory_space<vmem>>, vector<16xf32>,
        %parallel_loop3A_1220 = arith.constant 4 : i32
        %parallel_loop3A_1221 = arith.index_cast %parallel_loop3A_828 : i32 to index
        %parallel_loop3A_1222 = arith.index_cast %parallel_loop3A_1220 : i32 to index
        %parallel_loop3A_1223 = arith.constant 48 : index
        %parallel_loop3A_1224 = tpu.vector_load %arg9[%parallel_loop3A_1221, %parallel_loop3A_1222, %parallel_loop3A_1223] {strides = array<i32>} : memref<32x8x128xf32, #tpu.memory_space<vmem>>, vector<1x1x16xf32>,
        %parallel_loop3A_1225 = vector.shape_cast %parallel_loop3A_1224 : vector<1x1x16xf32> to vector<16xf32>
        %parallel_loop3A_1226 = arith.mulf %parallel_loop3A_834, %parallel_loop3A_1225 : vector<16xf32>
        %parallel_loop3A_1227 = arith.constant 560 : index
        %parallel_loop3A_1228 = tpu.vector_load %arg10[%parallel_loop3A_1227] {strides = array<i32>} : memref<1024xf32, #tpu.memory_space<vmem>>, vector<16xf32>,
        %parallel_loop3A_1229 = vector.shape_cast %parallel_loop3A_1228 : vector<16xf32> to vector<16xf32>
        %parallel_loop3A_1230 = vector.shape_cast %parallel_loop3A_1226 : vector<16xf32> to vector<16xf32>
        tpu.vector_store %arg10[%parallel_loop3A_1227], %parallel_loop3A_1230 {add = true, strides = array<i32>} : memref<1024xf32, #tpu.memory_space<vmem>>, vector<16xf32>,
        %parallel_loop3A_1231 = arith.constant 4 : i32
        %parallel_loop3A_1232 = arith.index_cast %parallel_loop3A_828 : i32 to index
        %parallel_loop3A_1233 = arith.index_cast %parallel_loop3A_1231 : i32 to index
        %parallel_loop3A_1234 = arith.constant 64 : index
        %parallel_loop3A_1235 = tpu.vector_load %arg9[%parallel_loop3A_1232, %parallel_loop3A_1233, %parallel_loop3A_1234] {strides = array<i32>} : memref<32x8x128xf32, #tpu.memory_space<vmem>>, vector<1x1x16xf32>,
        %parallel_loop3A_1236 = vector.shape_cast %parallel_loop3A_1235 : vector<1x1x16xf32> to vector<16xf32>
        %parallel_loop3A_1237 = arith.mulf %parallel_loop3A_834, %parallel_loop3A_1236 : vector<16xf32>
        %parallel_loop3A_1238 = arith.constant 576 : index
        %parallel_loop3A_1239 = tpu.vector_load %arg10[%parallel_loop3A_1238] {strides = array<i32>} : memref<1024xf32, #tpu.memory_space<vmem>>, vector<16xf32>,
        %parallel_loop3A_1240 = vector.shape_cast %parallel_loop3A_1239 : vector<16xf32> to vector<16xf32>
        %parallel_loop3A_1241 = vector.shape_cast %parallel_loop3A_1237 : vector<16xf32> to vector<16xf32>
        tpu.vector_store %arg10[%parallel_loop3A_1238], %parallel_loop3A_1241 {add = true, strides = array<i32>} : memref<1024xf32, #tpu.memory_space<vmem>>, vector<16xf32>,
        %parallel_loop3A_1242 = arith.constant 4 : i32
        %parallel_loop3A_1243 = arith.index_cast %parallel_loop3A_828 : i32 to index
        %parallel_loop3A_1244 = arith.index_cast %parallel_loop3A_1242 : i32 to index
        %parallel_loop3A_1245 = arith.constant 80 : index
        %parallel_loop3A_1246 = tpu.vector_load %arg9[%parallel_loop3A_1243, %parallel_loop3A_1244, %parallel_loop3A_1245] {strides = array<i32>} : memref<32x8x128xf32, #tpu.memory_space<vmem>>, vector<1x1x16xf32>,
        %parallel_loop3A_1247 = vector.shape_cast %parallel_loop3A_1246 : vector<1x1x16xf32> to vector<16xf32>
        %parallel_loop3A_1248 = arith.mulf %parallel_loop3A_834, %parallel_loop3A_1247 : vector<16xf32>
        %parallel_loop3A_1249 = arith.constant 592 : index
        %parallel_loop3A_1250 = tpu.vector_load %arg10[%parallel_loop3A_1249] {strides = array<i32>} : memref<1024xf32, #tpu.memory_space<vmem>>, vector<16xf32>,
        %parallel_loop3A_1251 = vector.shape_cast %parallel_loop3A_1250 : vector<16xf32> to vector<16xf32>
        %parallel_loop3A_1252 = vector.shape_cast %parallel_loop3A_1248 : vector<16xf32> to vector<16xf32>
        tpu.vector_store %arg10[%parallel_loop3A_1249], %parallel_loop3A_1252 {add = true, strides = array<i32>} : memref<1024xf32, #tpu.memory_space<vmem>>, vector<16xf32>,
        %parallel_loop3A_1253 = arith.constant 4 : i32
        %parallel_loop3A_1254 = arith.index_cast %parallel_loop3A_828 : i32 to index
        %parallel_loop3A_1255 = arith.index_cast %parallel_loop3A_1253 : i32 to index
        %parallel_loop3A_1256 = arith.constant 96 : index
        %parallel_loop3A_1257 = tpu.vector_load %arg9[%parallel_loop3A_1254, %parallel_loop3A_1255, %parallel_loop3A_1256] {strides = array<i32>} : memref<32x8x128xf32, #tpu.memory_space<vmem>>, vector<1x1x16xf32>,
        %parallel_loop3A_1258 = vector.shape_cast %parallel_loop3A_1257 : vector<1x1x16xf32> to vector<16xf32>
        %parallel_loop3A_1259 = arith.mulf %parallel_loop3A_834, %parallel_loop3A_1258 : vector<16xf32>
        %parallel_loop3A_1260 = arith.constant 608 : index
        %parallel_loop3A_1261 = tpu.vector_load %arg10[%parallel_loop3A_1260] {strides = array<i32>} : memref<1024xf32, #tpu.memory_space<vmem>>, vector<16xf32>,
        %parallel_loop3A_1262 = vector.shape_cast %parallel_loop3A_1261 : vector<16xf32> to vector<16xf32>
        %parallel_loop3A_1263 = vector.shape_cast %parallel_loop3A_1259 : vector<16xf32> to vector<16xf32>
        tpu.vector_store %arg10[%parallel_loop3A_1260], %parallel_loop3A_1263 {add = true, strides = array<i32>} : memref<1024xf32, #tpu.memory_space<vmem>>, vector<16xf32>,
        %parallel_loop3A_1264 = arith.constant 4 : i32
        %parallel_loop3A_1265 = arith.index_cast %parallel_loop3A_828 : i32 to index
        %parallel_loop3A_1266 = arith.index_cast %parallel_loop3A_1264 : i32 to index
        %parallel_loop3A_1267 = arith.constant 112 : index
        %parallel_loop3A_1268 = tpu.vector_load %arg9[%parallel_loop3A_1265, %parallel_loop3A_1266, %parallel_loop3A_1267] {strides = array<i32>} : memref<32x8x128xf32, #tpu.memory_space<vmem>>, vector<1x1x16xf32>,
        %parallel_loop3A_1269 = vector.shape_cast %parallel_loop3A_1268 : vector<1x1x16xf32> to vector<16xf32>
        %parallel_loop3A_1270 = arith.mulf %parallel_loop3A_834, %parallel_loop3A_1269 : vector<16xf32>
        %parallel_loop3A_1271 = arith.constant 624 : index
        %parallel_loop3A_1272 = tpu.vector_load %arg10[%parallel_loop3A_1271] {strides = array<i32>} : memref<1024xf32, #tpu.memory_space<vmem>>, vector<16xf32>,
        %parallel_loop3A_1273 = vector.shape_cast %parallel_loop3A_1272 : vector<16xf32> to vector<16xf32>
        %parallel_loop3A_1274 = vector.shape_cast %parallel_loop3A_1270 : vector<16xf32> to vector<16xf32>
        tpu.vector_store %arg10[%parallel_loop3A_1271], %parallel_loop3A_1274 {add = true, strides = array<i32>} : memref<1024xf32, #tpu.memory_space<vmem>>, vector<16xf32>,
        %parallel_loop3A_1275 = arith.constant 5 : i32
        %parallel_loop3A_1276 = arith.index_cast %parallel_loop3A_828 : i32 to index
        %parallel_loop3A_1277 = arith.index_cast %parallel_loop3A_1275 : i32 to index
        %parallel_loop3A_1278 = arith.constant 0 : index
        %parallel_loop3A_1279 = tpu.vector_load %arg9[%parallel_loop3A_1276, %parallel_loop3A_1277, %parallel_loop3A_1278] {strides = array<i32>} : memref<32x8x128xf32, #tpu.memory_space<vmem>>, vector<1x1x16xf32>,
        %parallel_loop3A_1280 = vector.shape_cast %parallel_loop3A_1279 : vector<1x1x16xf32> to vector<16xf32>
        %parallel_loop3A_1281 = arith.mulf %parallel_loop3A_834, %parallel_loop3A_1280 : vector<16xf32>
        %parallel_loop3A_1282 = arith.constant 640 : index
        %parallel_loop3A_1283 = tpu.vector_load %arg10[%parallel_loop3A_1282] {strides = array<i32>} : memref<1024xf32, #tpu.memory_space<vmem>>, vector<16xf32>,
        %parallel_loop3A_1284 = vector.shape_cast %parallel_loop3A_1283 : vector<16xf32> to vector<16xf32>
        %parallel_loop3A_1285 = vector.shape_cast %parallel_loop3A_1281 : vector<16xf32> to vector<16xf32>
        tpu.vector_store %arg10[%parallel_loop3A_1282], %parallel_loop3A_1285 {add = true, strides = array<i32>} : memref<1024xf32, #tpu.memory_space<vmem>>, vector<16xf32>,
        %parallel_loop3A_1286 = arith.constant 5 : i32
        %parallel_loop3A_1287 = arith.index_cast %parallel_loop3A_828 : i32 to index
        %parallel_loop3A_1288 = arith.index_cast %parallel_loop3A_1286 : i32 to index
        %parallel_loop3A_1289 = arith.constant 16 : index
        %parallel_loop3A_1290 = tpu.vector_load %arg9[%parallel_loop3A_1287, %parallel_loop3A_1288, %parallel_loop3A_1289] {strides = array<i32>} : memref<32x8x128xf32, #tpu.memory_space<vmem>>, vector<1x1x16xf32>,
        %parallel_loop3A_1291 = vector.shape_cast %parallel_loop3A_1290 : vector<1x1x16xf32> to vector<16xf32>
        %parallel_loop3A_1292 = arith.mulf %parallel_loop3A_834, %parallel_loop3A_1291 : vector<16xf32>
        %parallel_loop3A_1293 = arith.constant 656 : index
        %parallel_loop3A_1294 = tpu.vector_load %arg10[%parallel_loop3A_1293] {strides = array<i32>} : memref<1024xf32, #tpu.memory_space<vmem>>, vector<16xf32>,
        %parallel_loop3A_1295 = vector.shape_cast %parallel_loop3A_1294 : vector<16xf32> to vector<16xf32>
        %parallel_loop3A_1296 = vector.shape_cast %parallel_loop3A_1292 : vector<16xf32> to vector<16xf32>
        tpu.vector_store %arg10[%parallel_loop3A_1293], %parallel_loop3A_1296 {add = true, strides = array<i32>} : memref<1024xf32, #tpu.memory_space<vmem>>, vector<16xf32>,
        %parallel_loop3A_1297 = arith.constant 5 : i32
        %parallel_loop3A_1298 = arith.index_cast %parallel_loop3A_828 : i32 to index
        %parallel_loop3A_1299 = arith.index_cast %parallel_loop3A_1297 : i32 to index
        %parallel_loop3A_1300 = arith.constant 32 : index
        %parallel_loop3A_1301 = tpu.vector_load %arg9[%parallel_loop3A_1298, %parallel_loop3A_1299, %parallel_loop3A_1300] {strides = array<i32>} : memref<32x8x128xf32, #tpu.memory_space<vmem>>, vector<1x1x16xf32>,
        %parallel_loop3A_1302 = vector.shape_cast %parallel_loop3A_1301 : vector<1x1x16xf32> to vector<16xf32>
        %parallel_loop3A_1303 = arith.mulf %parallel_loop3A_834, %parallel_loop3A_1302 : vector<16xf32>
        %parallel_loop3A_1304 = arith.constant 672 : index
        %parallel_loop3A_1305 = tpu.vector_load %arg10[%parallel_loop3A_1304] {strides = array<i32>} : memref<1024xf32, #tpu.memory_space<vmem>>, vector<16xf32>,
        %parallel_loop3A_1306 = vector.shape_cast %parallel_loop3A_1305 : vector<16xf32> to vector<16xf32>
        %parallel_loop3A_1307 = vector.shape_cast %parallel_loop3A_1303 : vector<16xf32> to vector<16xf32>
        tpu.vector_store %arg10[%parallel_loop3A_1304], %parallel_loop3A_1307 {add = true, strides = array<i32>} : memref<1024xf32, #tpu.memory_space<vmem>>, vector<16xf32>,
        %parallel_loop3A_1308 = arith.constant 5 : i32
        %parallel_loop3A_1309 = arith.index_cast %parallel_loop3A_828 : i32 to index
        %parallel_loop3A_1310 = arith.index_cast %parallel_loop3A_1308 : i32 to index
        %parallel_loop3A_1311 = arith.constant 48 : index
        %parallel_loop3A_1312 = tpu.vector_load %arg9[%parallel_loop3A_1309, %parallel_loop3A_1310, %parallel_loop3A_1311] {strides = array<i32>} : memref<32x8x128xf32, #tpu.memory_space<vmem>>, vector<1x1x16xf32>,
        %parallel_loop3A_1313 = vector.shape_cast %parallel_loop3A_1312 : vector<1x1x16xf32> to vector<16xf32>
        %parallel_loop3A_1314 = arith.mulf %parallel_loop3A_834, %parallel_loop3A_1313 : vector<16xf32>
        %parallel_loop3A_1315 = arith.constant 688 : index
        %parallel_loop3A_1316 = tpu.vector_load %arg10[%parallel_loop3A_1315] {strides = array<i32>} : memref<1024xf32, #tpu.memory_space<vmem>>, vector<16xf32>,
        %parallel_loop3A_1317 = vector.shape_cast %parallel_loop3A_1316 : vector<16xf32> to vector<16xf32>
        %parallel_loop3A_1318 = vector.shape_cast %parallel_loop3A_1314 : vector<16xf32> to vector<16xf32>
        tpu.vector_store %arg10[%parallel_loop3A_1315], %parallel_loop3A_1318 {add = true, strides = array<i32>} : memref<1024xf32, #tpu.memory_space<vmem>>, vector<16xf32>,
        %parallel_loop3A_1319 = arith.constant 5 : i32
        %parallel_loop3A_1320 = arith.index_cast %parallel_loop3A_828 : i32 to index
        %parallel_loop3A_1321 = arith.index_cast %parallel_loop3A_1319 : i32 to index
        %parallel_loop3A_1322 = arith.constant 64 : index
        %parallel_loop3A_1323 = tpu.vector_load %arg9[%parallel_loop3A_1320, %parallel_loop3A_1321, %parallel_loop3A_1322] {strides = array<i32>} : memref<32x8x128xf32, #tpu.memory_space<vmem>>, vector<1x1x16xf32>,
        %parallel_loop3A_1324 = vector.shape_cast %parallel_loop3A_1323 : vector<1x1x16xf32> to vector<16xf32>
        %parallel_loop3A_1325 = arith.mulf %parallel_loop3A_834, %parallel_loop3A_1324 : vector<16xf32>
        %parallel_loop3A_1326 = arith.constant 704 : index
        %parallel_loop3A_1327 = tpu.vector_load %arg10[%parallel_loop3A_1326] {strides = array<i32>} : memref<1024xf32, #tpu.memory_space<vmem>>, vector<16xf32>,
        %parallel_loop3A_1328 = vector.shape_cast %parallel_loop3A_1327 : vector<16xf32> to vector<16xf32>
        %parallel_loop3A_1329 = vector.shape_cast %parallel_loop3A_1325 : vector<16xf32> to vector<16xf32>
        tpu.vector_store %arg10[%parallel_loop3A_1326], %parallel_loop3A_1329 {add = true, strides = array<i32>} : memref<1024xf32, #tpu.memory_space<vmem>>, vector<16xf32>,
        %parallel_loop3A_1330 = arith.constant 5 : i32
        %parallel_loop3A_1331 = arith.index_cast %parallel_loop3A_828 : i32 to index
        %parallel_loop3A_1332 = arith.index_cast %parallel_loop3A_1330 : i32 to index
        %parallel_loop3A_1333 = arith.constant 80 : index
        %parallel_loop3A_1334 = tpu.vector_load %arg9[%parallel_loop3A_1331, %parallel_loop3A_1332, %parallel_loop3A_1333] {strides = array<i32>} : memref<32x8x128xf32, #tpu.memory_space<vmem>>, vector<1x1x16xf32>,
        %parallel_loop3A_1335 = vector.shape_cast %parallel_loop3A_1334 : vector<1x1x16xf32> to vector<16xf32>
        %parallel_loop3A_1336 = arith.mulf %parallel_loop3A_834, %parallel_loop3A_1335 : vector<16xf32>
        %parallel_loop3A_1337 = arith.constant 720 : index
        %parallel_loop3A_1338 = tpu.vector_load %arg10[%parallel_loop3A_1337] {strides = array<i32>} : memref<1024xf32, #tpu.memory_space<vmem>>, vector<16xf32>,
        %parallel_loop3A_1339 = vector.shape_cast %parallel_loop3A_1338 : vector<16xf32> to vector<16xf32>
        %parallel_loop3A_1340 = vector.shape_cast %parallel_loop3A_1336 : vector<16xf32> to vector<16xf32>
        tpu.vector_store %arg10[%parallel_loop3A_1337], %parallel_loop3A_1340 {add = true, strides = array<i32>} : memref<1024xf32, #tpu.memory_space<vmem>>, vector<16xf32>,
        %parallel_loop3A_1341 = arith.constant 5 : i32
        %parallel_loop3A_1342 = arith.index_cast %parallel_loop3A_828 : i32 to index
        %parallel_loop3A_1343 = arith.index_cast %parallel_loop3A_1341 : i32 to index
        %parallel_loop3A_1344 = arith.constant 96 : index
        %parallel_loop3A_1345 = tpu.vector_load %arg9[%parallel_loop3A_1342, %parallel_loop3A_1343, %parallel_loop3A_1344] {strides = array<i32>} : memref<32x8x128xf32, #tpu.memory_space<vmem>>, vector<1x1x16xf32>,
        %parallel_loop3A_1346 = vector.shape_cast %parallel_loop3A_1345 : vector<1x1x16xf32> to vector<16xf32>
        %parallel_loop3A_1347 = arith.mulf %parallel_loop3A_834, %parallel_loop3A_1346 : vector<16xf32>
        %parallel_loop3A_1348 = arith.constant 736 : index
        %parallel_loop3A_1349 = tpu.vector_load %arg10[%parallel_loop3A_1348] {strides = array<i32>} : memref<1024xf32, #tpu.memory_space<vmem>>, vector<16xf32>,
        %parallel_loop3A_1350 = vector.shape_cast %parallel_loop3A_1349 : vector<16xf32> to vector<16xf32>
        %parallel_loop3A_1351 = vector.shape_cast %parallel_loop3A_1347 : vector<16xf32> to vector<16xf32>
        tpu.vector_store %arg10[%parallel_loop3A_1348], %parallel_loop3A_1351 {add = true, strides = array<i32>} : memref<1024xf32, #tpu.memory_space<vmem>>, vector<16xf32>,
        %parallel_loop3A_1352 = arith.constant 5 : i32
        %parallel_loop3A_1353 = arith.index_cast %parallel_loop3A_828 : i32 to index
        %parallel_loop3A_1354 = arith.index_cast %parallel_loop3A_1352 : i32 to index
        %parallel_loop3A_1355 = arith.constant 112 : index
        %parallel_loop3A_1356 = tpu.vector_load %arg9[%parallel_loop3A_1353, %parallel_loop3A_1354, %parallel_loop3A_1355] {strides = array<i32>} : memref<32x8x128xf32, #tpu.memory_space<vmem>>, vector<1x1x16xf32>,
        %parallel_loop3A_1357 = vector.shape_cast %parallel_loop3A_1356 : vector<1x1x16xf32> to vector<16xf32>
        %parallel_loop3A_1358 = arith.mulf %parallel_loop3A_834, %parallel_loop3A_1357 : vector<16xf32>
        %parallel_loop3A_1359 = arith.constant 752 : index
        %parallel_loop3A_1360 = tpu.vector_load %arg10[%parallel_loop3A_1359] {strides = array<i32>} : memref<1024xf32, #tpu.memory_space<vmem>>, vector<16xf32>,
        %parallel_loop3A_1361 = vector.shape_cast %parallel_loop3A_1360 : vector<16xf32> to vector<16xf32>
        %parallel_loop3A_1362 = vector.shape_cast %parallel_loop3A_1358 : vector<16xf32> to vector<16xf32>
        tpu.vector_store %arg10[%parallel_loop3A_1359], %parallel_loop3A_1362 {add = true, strides = array<i32>} : memref<1024xf32, #tpu.memory_space<vmem>>, vector<16xf32>,
        %parallel_loop3A_1363 = arith.constant 6 : i32
        %parallel_loop3A_1364 = arith.index_cast %parallel_loop3A_828 : i32 to index
        %parallel_loop3A_1365 = arith.index_cast %parallel_loop3A_1363 : i32 to index
        %parallel_loop3A_1366 = arith.constant 0 : index
        %parallel_loop3A_1367 = tpu.vector_load %arg9[%parallel_loop3A_1364, %parallel_loop3A_1365, %parallel_loop3A_1366] {strides = array<i32>} : memref<32x8x128xf32, #tpu.memory_space<vmem>>, vector<1x1x16xf32>,
        %parallel_loop3A_1368 = vector.shape_cast %parallel_loop3A_1367 : vector<1x1x16xf32> to vector<16xf32>
        %parallel_loop3A_1369 = arith.mulf %parallel_loop3A_834, %parallel_loop3A_1368 : vector<16xf32>
        %parallel_loop3A_1370 = arith.constant 768 : index
        %parallel_loop3A_1371 = tpu.vector_load %arg10[%parallel_loop3A_1370] {strides = array<i32>} : memref<1024xf32, #tpu.memory_space<vmem>>, vector<16xf32>,
        %parallel_loop3A_1372 = vector.shape_cast %parallel_loop3A_1371 : vector<16xf32> to vector<16xf32>
        %parallel_loop3A_1373 = vector.shape_cast %parallel_loop3A_1369 : vector<16xf32> to vector<16xf32>
        tpu.vector_store %arg10[%parallel_loop3A_1370], %parallel_loop3A_1373 {add = true, strides = array<i32>} : memref<1024xf32, #tpu.memory_space<vmem>>, vector<16xf32>,
        %parallel_loop3A_1374 = arith.constant 6 : i32
        %parallel_loop3A_1375 = arith.index_cast %parallel_loop3A_828 : i32 to index
        %parallel_loop3A_1376 = arith.index_cast %parallel_loop3A_1374 : i32 to index
        %parallel_loop3A_1377 = arith.constant 16 : index
        %parallel_loop3A_1378 = tpu.vector_load %arg9[%parallel_loop3A_1375, %parallel_loop3A_1376, %parallel_loop3A_1377] {strides = array<i32>} : memref<32x8x128xf32, #tpu.memory_space<vmem>>, vector<1x1x16xf32>,
        %parallel_loop3A_1379 = vector.shape_cast %parallel_loop3A_1378 : vector<1x1x16xf32> to vector<16xf32>
        %parallel_loop3A_1380 = arith.mulf %parallel_loop3A_834, %parallel_loop3A_1379 : vector<16xf32>
        %parallel_loop3A_1381 = arith.constant 784 : index
        %parallel_loop3A_1382 = tpu.vector_load %arg10[%parallel_loop3A_1381] {strides = array<i32>} : memref<1024xf32, #tpu.memory_space<vmem>>, vector<16xf32>,
        %parallel_loop3A_1383 = vector.shape_cast %parallel_loop3A_1382 : vector<16xf32> to vector<16xf32>
        %parallel_loop3A_1384 = vector.shape_cast %parallel_loop3A_1380 : vector<16xf32> to vector<16xf32>
        tpu.vector_store %arg10[%parallel_loop3A_1381], %parallel_loop3A_1384 {add = true, strides = array<i32>} : memref<1024xf32, #tpu.memory_space<vmem>>, vector<16xf32>,
        %parallel_loop3A_1385 = arith.constant 6 : i32
        %parallel_loop3A_1386 = arith.index_cast %parallel_loop3A_828 : i32 to index
        %parallel_loop3A_1387 = arith.index_cast %parallel_loop3A_1385 : i32 to index
        %parallel_loop3A_1388 = arith.constant 32 : index
        %parallel_loop3A_1389 = tpu.vector_load %arg9[%parallel_loop3A_1386, %parallel_loop3A_1387, %parallel_loop3A_1388] {strides = array<i32>} : memref<32x8x128xf32, #tpu.memory_space<vmem>>, vector<1x1x16xf32>,
        %parallel_loop3A_1390 = vector.shape_cast %parallel_loop3A_1389 : vector<1x1x16xf32> to vector<16xf32>
        %parallel_loop3A_1391 = arith.mulf %parallel_loop3A_834, %parallel_loop3A_1390 : vector<16xf32>
        %parallel_loop3A_1392 = arith.constant 800 : index
        %parallel_loop3A_1393 = tpu.vector_load %arg10[%parallel_loop3A_1392] {strides = array<i32>} : memref<1024xf32, #tpu.memory_space<vmem>>, vector<16xf32>,
        %parallel_loop3A_1394 = vector.shape_cast %parallel_loop3A_1393 : vector<16xf32> to vector<16xf32>
        %parallel_loop3A_1395 = vector.shape_cast %parallel_loop3A_1391 : vector<16xf32> to vector<16xf32>
        tpu.vector_store %arg10[%parallel_loop3A_1392], %parallel_loop3A_1395 {add = true, strides = array<i32>} : memref<1024xf32, #tpu.memory_space<vmem>>, vector<16xf32>,
        %parallel_loop3A_1396 = arith.constant 6 : i32
        %parallel_loop3A_1397 = arith.index_cast %parallel_loop3A_828 : i32 to index
        %parallel_loop3A_1398 = arith.index_cast %parallel_loop3A_1396 : i32 to index
        %parallel_loop3A_1399 = arith.constant 48 : index
        %parallel_loop3A_1400 = tpu.vector_load %arg9[%parallel_loop3A_1397, %parallel_loop3A_1398, %parallel_loop3A_1399] {strides = array<i32>} : memref<32x8x128xf32, #tpu.memory_space<vmem>>, vector<1x1x16xf32>,
        %parallel_loop3A_1401 = vector.shape_cast %parallel_loop3A_1400 : vector<1x1x16xf32> to vector<16xf32>
        %parallel_loop3A_1402 = arith.mulf %parallel_loop3A_834, %parallel_loop3A_1401 : vector<16xf32>
        %parallel_loop3A_1403 = arith.constant 816 : index
        %parallel_loop3A_1404 = tpu.vector_load %arg10[%parallel_loop3A_1403] {strides = array<i32>} : memref<1024xf32, #tpu.memory_space<vmem>>, vector<16xf32>,
        %parallel_loop3A_1405 = vector.shape_cast %parallel_loop3A_1404 : vector<16xf32> to vector<16xf32>
        %parallel_loop3A_1406 = vector.shape_cast %parallel_loop3A_1402 : vector<16xf32> to vector<16xf32>
        tpu.vector_store %arg10[%parallel_loop3A_1403], %parallel_loop3A_1406 {add = true, strides = array<i32>} : memref<1024xf32, #tpu.memory_space<vmem>>, vector<16xf32>,
        %parallel_loop3A_1407 = arith.constant 6 : i32
        %parallel_loop3A_1408 = arith.index_cast %parallel_loop3A_828 : i32 to index
        %parallel_loop3A_1409 = arith.index_cast %parallel_loop3A_1407 : i32 to index
        %parallel_loop3A_1410 = arith.constant 64 : index
        %parallel_loop3A_1411 = tpu.vector_load %arg9[%parallel_loop3A_1408, %parallel_loop3A_1409, %parallel_loop3A_1410] {strides = array<i32>} : memref<32x8x128xf32, #tpu.memory_space<vmem>>, vector<1x1x16xf32>,
        %parallel_loop3A_1412 = vector.shape_cast %parallel_loop3A_1411 : vector<1x1x16xf32> to vector<16xf32>
        %parallel_loop3A_1413 = arith.mulf %parallel_loop3A_834, %parallel_loop3A_1412 : vector<16xf32>
        %parallel_loop3A_1414 = arith.constant 832 : index
        %parallel_loop3A_1415 = tpu.vector_load %arg10[%parallel_loop3A_1414] {strides = array<i32>} : memref<1024xf32, #tpu.memory_space<vmem>>, vector<16xf32>,
        %parallel_loop3A_1416 = vector.shape_cast %parallel_loop3A_1415 : vector<16xf32> to vector<16xf32>
        %parallel_loop3A_1417 = vector.shape_cast %parallel_loop3A_1413 : vector<16xf32> to vector<16xf32>
        tpu.vector_store %arg10[%parallel_loop3A_1414], %parallel_loop3A_1417 {add = true, strides = array<i32>} : memref<1024xf32, #tpu.memory_space<vmem>>, vector<16xf32>,
        %parallel_loop3A_1418 = arith.constant 6 : i32
        %parallel_loop3A_1419 = arith.index_cast %parallel_loop3A_828 : i32 to index
        %parallel_loop3A_1420 = arith.index_cast %parallel_loop3A_1418 : i32 to index
        %parallel_loop3A_1421 = arith.constant 80 : index
        %parallel_loop3A_1422 = tpu.vector_load %arg9[%parallel_loop3A_1419, %parallel_loop3A_1420, %parallel_loop3A_1421] {strides = array<i32>} : memref<32x8x128xf32, #tpu.memory_space<vmem>>, vector<1x1x16xf32>,
        %parallel_loop3A_1423 = vector.shape_cast %parallel_loop3A_1422 : vector<1x1x16xf32> to vector<16xf32>
        %parallel_loop3A_1424 = arith.mulf %parallel_loop3A_834, %parallel_loop3A_1423 : vector<16xf32>
        %parallel_loop3A_1425 = arith.constant 848 : index
        %parallel_loop3A_1426 = tpu.vector_load %arg10[%parallel_loop3A_1425] {strides = array<i32>} : memref<1024xf32, #tpu.memory_space<vmem>>, vector<16xf32>,
        %parallel_loop3A_1427 = vector.shape_cast %parallel_loop3A_1426 : vector<16xf32> to vector<16xf32>
        %parallel_loop3A_1428 = vector.shape_cast %parallel_loop3A_1424 : vector<16xf32> to vector<16xf32>
        tpu.vector_store %arg10[%parallel_loop3A_1425], %parallel_loop3A_1428 {add = true, strides = array<i32>} : memref<1024xf32, #tpu.memory_space<vmem>>, vector<16xf32>,
        %parallel_loop3A_1429 = arith.constant 6 : i32
        %parallel_loop3A_1430 = arith.index_cast %parallel_loop3A_828 : i32 to index
        %parallel_loop3A_1431 = arith.index_cast %parallel_loop3A_1429 : i32 to index
        %parallel_loop3A_1432 = arith.constant 96 : index
        %parallel_loop3A_1433 = tpu.vector_load %arg9[%parallel_loop3A_1430, %parallel_loop3A_1431, %parallel_loop3A_1432] {strides = array<i32>} : memref<32x8x128xf32, #tpu.memory_space<vmem>>, vector<1x1x16xf32>,
        %parallel_loop3A_1434 = vector.shape_cast %parallel_loop3A_1433 : vector<1x1x16xf32> to vector<16xf32>
        %parallel_loop3A_1435 = arith.mulf %parallel_loop3A_834, %parallel_loop3A_1434 : vector<16xf32>
        %parallel_loop3A_1436 = arith.constant 864 : index
        %parallel_loop3A_1437 = tpu.vector_load %arg10[%parallel_loop3A_1436] {strides = array<i32>} : memref<1024xf32, #tpu.memory_space<vmem>>, vector<16xf32>,
        %parallel_loop3A_1438 = vector.shape_cast %parallel_loop3A_1437 : vector<16xf32> to vector<16xf32>
        %parallel_loop3A_1439 = vector.shape_cast %parallel_loop3A_1435 : vector<16xf32> to vector<16xf32>
        tpu.vector_store %arg10[%parallel_loop3A_1436], %parallel_loop3A_1439 {add = true, strides = array<i32>} : memref<1024xf32, #tpu.memory_space<vmem>>, vector<16xf32>,
        %parallel_loop3A_1440 = arith.constant 6 : i32
        %parallel_loop3A_1441 = arith.index_cast %parallel_loop3A_828 : i32 to index
        %parallel_loop3A_1442 = arith.index_cast %parallel_loop3A_1440 : i32 to index
        %parallel_loop3A_1443 = arith.constant 112 : index
        %parallel_loop3A_1444 = tpu.vector_load %arg9[%parallel_loop3A_1441, %parallel_loop3A_1442, %parallel_loop3A_1443] {strides = array<i32>} : memref<32x8x128xf32, #tpu.memory_space<vmem>>, vector<1x1x16xf32>,
        %parallel_loop3A_1445 = vector.shape_cast %parallel_loop3A_1444 : vector<1x1x16xf32> to vector<16xf32>
        %parallel_loop3A_1446 = arith.mulf %parallel_loop3A_834, %parallel_loop3A_1445 : vector<16xf32>
        %parallel_loop3A_1447 = arith.constant 880 : index
        %parallel_loop3A_1448 = tpu.vector_load %arg10[%parallel_loop3A_1447] {strides = array<i32>} : memref<1024xf32, #tpu.memory_space<vmem>>, vector<16xf32>,
        %parallel_loop3A_1449 = vector.shape_cast %parallel_loop3A_1448 : vector<16xf32> to vector<16xf32>
        %parallel_loop3A_1450 = vector.shape_cast %parallel_loop3A_1446 : vector<16xf32> to vector<16xf32>
        tpu.vector_store %arg10[%parallel_loop3A_1447], %parallel_loop3A_1450 {add = true, strides = array<i32>} : memref<1024xf32, #tpu.memory_space<vmem>>, vector<16xf32>,
        %parallel_loop3A_1451 = arith.constant 7 : i32
        %parallel_loop3A_1452 = arith.index_cast %parallel_loop3A_828 : i32 to index
        %parallel_loop3A_1453 = arith.index_cast %parallel_loop3A_1451 : i32 to index
        %parallel_loop3A_1454 = arith.constant 0 : index
        %parallel_loop3A_1455 = tpu.vector_load %arg9[%parallel_loop3A_1452, %parallel_loop3A_1453, %parallel_loop3A_1454] {strides = array<i32>} : memref<32x8x128xf32, #tpu.memory_space<vmem>>, vector<1x1x16xf32>,
        %parallel_loop3A_1456 = vector.shape_cast %parallel_loop3A_1455 : vector<1x1x16xf32> to vector<16xf32>
        %parallel_loop3A_1457 = arith.mulf %parallel_loop3A_834, %parallel_loop3A_1456 : vector<16xf32>
        %parallel_loop3A_1458 = arith.constant 896 : index
        %parallel_loop3A_1459 = tpu.vector_load %arg10[%parallel_loop3A_1458] {strides = array<i32>} : memref<1024xf32, #tpu.memory_space<vmem>>, vector<16xf32>,
        %parallel_loop3A_1460 = vector.shape_cast %parallel_loop3A_1459 : vector<16xf32> to vector<16xf32>
        %parallel_loop3A_1461 = vector.shape_cast %parallel_loop3A_1457 : vector<16xf32> to vector<16xf32>
        tpu.vector_store %arg10[%parallel_loop3A_1458], %parallel_loop3A_1461 {add = true, strides = array<i32>} : memref<1024xf32, #tpu.memory_space<vmem>>, vector<16xf32>,
        %parallel_loop3A_1462 = arith.constant 7 : i32
        %parallel_loop3A_1463 = arith.index_cast %parallel_loop3A_828 : i32 to index
        %parallel_loop3A_1464 = arith.index_cast %parallel_loop3A_1462 : i32 to index
        %parallel_loop3A_1465 = arith.constant 16 : index
        %parallel_loop3A_1466 = tpu.vector_load %arg9[%parallel_loop3A_1463, %parallel_loop3A_1464, %parallel_loop3A_1465] {strides = array<i32>} : memref<32x8x128xf32, #tpu.memory_space<vmem>>, vector<1x1x16xf32>,
        %parallel_loop3A_1467 = vector.shape_cast %parallel_loop3A_1466 : vector<1x1x16xf32> to vector<16xf32>
        %parallel_loop3A_1468 = arith.mulf %parallel_loop3A_834, %parallel_loop3A_1467 : vector<16xf32>
        %parallel_loop3A_1469 = arith.constant 912 : index
        %parallel_loop3A_1470 = tpu.vector_load %arg10[%parallel_loop3A_1469] {strides = array<i32>} : memref<1024xf32, #tpu.memory_space<vmem>>, vector<16xf32>,
        %parallel_loop3A_1471 = vector.shape_cast %parallel_loop3A_1470 : vector<16xf32> to vector<16xf32>
        %parallel_loop3A_1472 = vector.shape_cast %parallel_loop3A_1468 : vector<16xf32> to vector<16xf32>
        tpu.vector_store %arg10[%parallel_loop3A_1469], %parallel_loop3A_1472 {add = true, strides = array<i32>} : memref<1024xf32, #tpu.memory_space<vmem>>, vector<16xf32>,
        %parallel_loop3A_1473 = arith.constant 7 : i32
        %parallel_loop3A_1474 = arith.index_cast %parallel_loop3A_828 : i32 to index
        %parallel_loop3A_1475 = arith.index_cast %parallel_loop3A_1473 : i32 to index
        %parallel_loop3A_1476 = arith.constant 32 : index
        %parallel_loop3A_1477 = tpu.vector_load %arg9[%parallel_loop3A_1474, %parallel_loop3A_1475, %parallel_loop3A_1476] {strides = array<i32>} : memref<32x8x128xf32, #tpu.memory_space<vmem>>, vector<1x1x16xf32>,
        %parallel_loop3A_1478 = vector.shape_cast %parallel_loop3A_1477 : vector<1x1x16xf32> to vector<16xf32>
        %parallel_loop3A_1479 = arith.mulf %parallel_loop3A_834, %parallel_loop3A_1478 : vector<16xf32>
        %parallel_loop3A_1480 = arith.constant 928 : index
        %parallel_loop3A_1481 = tpu.vector_load %arg10[%parallel_loop3A_1480] {strides = array<i32>} : memref<1024xf32, #tpu.memory_space<vmem>>, vector<16xf32>,
        %parallel_loop3A_1482 = vector.shape_cast %parallel_loop3A_1481 : vector<16xf32> to vector<16xf32>
        %parallel_loop3A_1483 = vector.shape_cast %parallel_loop3A_1479 : vector<16xf32> to vector<16xf32>
        tpu.vector_store %arg10[%parallel_loop3A_1480], %parallel_loop3A_1483 {add = true, strides = array<i32>} : memref<1024xf32, #tpu.memory_space<vmem>>, vector<16xf32>,
        %parallel_loop3A_1484 = arith.constant 7 : i32
        %parallel_loop3A_1485 = arith.index_cast %parallel_loop3A_828 : i32 to index
        %parallel_loop3A_1486 = arith.index_cast %parallel_loop3A_1484 : i32 to index
        %parallel_loop3A_1487 = arith.constant 48 : index
        %parallel_loop3A_1488 = tpu.vector_load %arg9[%parallel_loop3A_1485, %parallel_loop3A_1486, %parallel_loop3A_1487] {strides = array<i32>} : memref<32x8x128xf32, #tpu.memory_space<vmem>>, vector<1x1x16xf32>,
        %parallel_loop3A_1489 = vector.shape_cast %parallel_loop3A_1488 : vector<1x1x16xf32> to vector<16xf32>
        %parallel_loop3A_1490 = arith.mulf %parallel_loop3A_834, %parallel_loop3A_1489 : vector<16xf32>
        %parallel_loop3A_1491 = arith.constant 944 : index
        %parallel_loop3A_1492 = tpu.vector_load %arg10[%parallel_loop3A_1491] {strides = array<i32>} : memref<1024xf32, #tpu.memory_space<vmem>>, vector<16xf32>,
        %parallel_loop3A_1493 = vector.shape_cast %parallel_loop3A_1492 : vector<16xf32> to vector<16xf32>
        %parallel_loop3A_1494 = vector.shape_cast %parallel_loop3A_1490 : vector<16xf32> to vector<16xf32>
        tpu.vector_store %arg10[%parallel_loop3A_1491], %parallel_loop3A_1494 {add = true, strides = array<i32>} : memref<1024xf32, #tpu.memory_space<vmem>>, vector<16xf32>,
        %parallel_loop3A_1495 = arith.constant 7 : i32
        %parallel_loop3A_1496 = arith.index_cast %parallel_loop3A_828 : i32 to index
        %parallel_loop3A_1497 = arith.index_cast %parallel_loop3A_1495 : i32 to index
        %parallel_loop3A_1498 = arith.constant 64 : index
        %parallel_loop3A_1499 = tpu.vector_load %arg9[%parallel_loop3A_1496, %parallel_loop3A_1497, %parallel_loop3A_1498] {strides = array<i32>} : memref<32x8x128xf32, #tpu.memory_space<vmem>>, vector<1x1x16xf32>,
        %parallel_loop3A_1500 = vector.shape_cast %parallel_loop3A_1499 : vector<1x1x16xf32> to vector<16xf32>
        %parallel_loop3A_1501 = arith.mulf %parallel_loop3A_834, %parallel_loop3A_1500 : vector<16xf32>
        %parallel_loop3A_1502 = arith.constant 960 : index
        %parallel_loop3A_1503 = tpu.vector_load %arg10[%parallel_loop3A_1502] {strides = array<i32>} : memref<1024xf32, #tpu.memory_space<vmem>>, vector<16xf32>,
        %parallel_loop3A_1504 = vector.shape_cast %parallel_loop3A_1503 : vector<16xf32> to vector<16xf32>
        %parallel_loop3A_1505 = vector.shape_cast %parallel_loop3A_1501 : vector<16xf32> to vector<16xf32>
        tpu.vector_store %arg10[%parallel_loop3A_1502], %parallel_loop3A_1505 {add = true, strides = array<i32>} : memref<1024xf32, #tpu.memory_space<vmem>>, vector<16xf32>,
        %parallel_loop3A_1506 = arith.constant 7 : i32
        %parallel_loop3A_1507 = arith.index_cast %parallel_loop3A_828 : i32 to index
        %parallel_loop3A_1508 = arith.index_cast %parallel_loop3A_1506 : i32 to index
        %parallel_loop3A_1509 = arith.constant 80 : index
        %parallel_loop3A_1510 = tpu.vector_load %arg9[%parallel_loop3A_1507, %parallel_loop3A_1508, %parallel_loop3A_1509] {strides = array<i32>} : memref<32x8x128xf32, #tpu.memory_space<vmem>>, vector<1x1x16xf32>,
        %parallel_loop3A_1511 = vector.shape_cast %parallel_loop3A_1510 : vector<1x1x16xf32> to vector<16xf32>
        %parallel_loop3A_1512 = arith.mulf %parallel_loop3A_834, %parallel_loop3A_1511 : vector<16xf32>
        %parallel_loop3A_1513 = arith.constant 976 : index
        %parallel_loop3A_1514 = tpu.vector_load %arg10[%parallel_loop3A_1513] {strides = array<i32>} : memref<1024xf32, #tpu.memory_space<vmem>>, vector<16xf32>,
        %parallel_loop3A_1515 = vector.shape_cast %parallel_loop3A_1514 : vector<16xf32> to vector<16xf32>
        %parallel_loop3A_1516 = vector.shape_cast %parallel_loop3A_1512 : vector<16xf32> to vector<16xf32>
        tpu.vector_store %arg10[%parallel_loop3A_1513], %parallel_loop3A_1516 {add = true, strides = array<i32>} : memref<1024xf32, #tpu.memory_space<vmem>>, vector<16xf32>,
        %parallel_loop3A_1517 = arith.constant 7 : i32
        %parallel_loop3A_1518 = arith.index_cast %parallel_loop3A_828 : i32 to index
        %parallel_loop3A_1519 = arith.index_cast %parallel_loop3A_1517 : i32 to index
        %parallel_loop3A_1520 = arith.constant 96 : index
        %parallel_loop3A_1521 = tpu.vector_load %arg9[%parallel_loop3A_1518, %parallel_loop3A_1519, %parallel_loop3A_1520] {strides = array<i32>} : memref<32x8x128xf32, #tpu.memory_space<vmem>>, vector<1x1x16xf32>,
        %parallel_loop3A_1522 = vector.shape_cast %parallel_loop3A_1521 : vector<1x1x16xf32> to vector<16xf32>
        %parallel_loop3A_1523 = arith.mulf %parallel_loop3A_834, %parallel_loop3A_1522 : vector<16xf32>
        %parallel_loop3A_1524 = arith.constant 992 : index
        %parallel_loop3A_1525 = tpu.vector_load %arg10[%parallel_loop3A_1524] {strides = array<i32>} : memref<1024xf32, #tpu.memory_space<vmem>>, vector<16xf32>,
        %parallel_loop3A_1526 = vector.shape_cast %parallel_loop3A_1525 : vector<16xf32> to vector<16xf32>
        %parallel_loop3A_1527 = vector.shape_cast %parallel_loop3A_1523 : vector<16xf32> to vector<16xf32>
        tpu.vector_store %arg10[%parallel_loop3A_1524], %parallel_loop3A_1527 {add = true, strides = array<i32>} : memref<1024xf32, #tpu.memory_space<vmem>>, vector<16xf32>,
        %parallel_loop3A_1528 = arith.constant 7 : i32
        %parallel_loop3A_1529 = arith.index_cast %parallel_loop3A_828 : i32 to index
        %parallel_loop3A_1530 = arith.index_cast %parallel_loop3A_1528 : i32 to index
        %parallel_loop3A_1531 = arith.constant 112 : index
        %parallel_loop3A_1532 = tpu.vector_load %arg9[%parallel_loop3A_1529, %parallel_loop3A_1530, %parallel_loop3A_1531] {strides = array<i32>} : memref<32x8x128xf32, #tpu.memory_space<vmem>>, vector<1x1x16xf32>,
        %parallel_loop3A_1533 = vector.shape_cast %parallel_loop3A_1532 : vector<1x1x16xf32> to vector<16xf32>
        %parallel_loop3A_1534 = arith.mulf %parallel_loop3A_834, %parallel_loop3A_1533 : vector<16xf32>
        %parallel_loop3A_1535 = arith.constant 1008 : index
        %parallel_loop3A_1536 = tpu.vector_load %arg10[%parallel_loop3A_1535] {strides = array<i32>} : memref<1024xf32, #tpu.memory_space<vmem>>, vector<16xf32>,
        %parallel_loop3A_1537 = vector.shape_cast %parallel_loop3A_1536 : vector<16xf32> to vector<16xf32>
        %parallel_loop3A_1538 = vector.shape_cast %parallel_loop3A_1534 : vector<16xf32> to vector<16xf32>
        tpu.vector_store %arg10[%parallel_loop3A_1535], %parallel_loop3A_1538 {add = true, strides = array<i32>} : memref<1024xf32, #tpu.memory_space<vmem>>, vector<16xf32>,
      } {sc.loop_unroll_factor = 2 : i64, sc.parallel_access}
      %add3A_825 = arith.addi %mul3A_2, %scan3A_15 : i32
      %mul3A_826 = arith.constant 1024 : i32
      %mul3A_827 = arith.muli %add3A_825, %mul3A_826 : i32
      "tpu.region"() ({
        %run_scoped3A = tpu.sem_alloc : memref<!tpu.dma_semaphore, #tpu.memory_space<semaphore_mem>>
        %dma_start3A_828 = tpu.memref_slice %arg5[%mul3A_827] : memref<2097152xf32, #tpu.memory_space<hbm>> -> memref<1024xf32, #tpu.memory_space<hbm>>
        %dma_start3A_829 = tpu.memref_slice %arg5[%mul3A_827] : memref<2097152xf32, #tpu.memory_space<hbm>> -> memref<1024xf32, #tpu.memory_space<hbm>>
        tpu.enqueue_dma source(%arg10 : memref<1024xf32, #tpu.memory_space<vmem>>) target(%dma_start3A_829 : memref<1024xf32, #tpu.memory_space<hbm>>) target_semaphore(%run_scoped3A : memref<!tpu.dma_semaphore, #tpu.memory_space<semaphore_mem>>)
        %dma_wait3A_830 = tpu.memref_slice %arg5[%mul3A_827] : memref<2097152xf32, #tpu.memory_space<hbm>> -> memref<1024xf32, #tpu.memory_space<hbm>>
        %dma_wait3A_831 = tpu.memref_slice %arg5[%mul3A_827] : memref<2097152xf32, #tpu.memory_space<hbm>> -> memref<1024xf32, #tpu.memory_space<hbm>>
        tpu.wait_dma2 semaphore(%run_scoped3A : memref<!tpu.dma_semaphore, #tpu.memory_space<semaphore_mem>>) src(%arg10 : memref<1024xf32, #tpu.memory_space<vmem>>) dst(%dma_wait3A_831 : memref<1024xf32, #tpu.memory_space<hbm>>)
        tpu.yield
      }) : () -> ()
    }
    %scan3A_14 = arith.constant 64 : i32
    return
  }
}

module attributes {stable_mosaic.version = 14 : i64} {
  func.func @_phase_a_body(%arg0: i32, %arg1: i32, %arg2: memref<256x128xf32, #tpu.memory_space<vmem>>, %arg3: memref<1x8192x128xf32, #tpu.memory_space<vmem>>, %arg4: memref<8x128xf32, #tpu.memory_space<vmem>>, %arg5: memref<128x32xf32, #tpu.memory_space<vmem>>, %arg6: memref<1x32xf32, #tpu.memory_space<vmem>>, %arg7: memref<256x8xf32, #tpu.memory_space<vmem>>, %arg8: memref<256x32xf32, #tpu.memory_space<vmem>>, %arg9: memref<1x256x8xi32, #tpu.memory_space<vmem>>, %arg10: memref<1x256x8xf32, #tpu.memory_space<vmem>>) attributes {dimension_semantics = [#tpu.dimension_semantics<arbitrary>, #tpu.dimension_semantics<arbitrary>], iteration_bounds = array<i64: 8, 8>, scalar_prefetch = 0 : i64, scratch_operands = 0 : i64, tpu.core_type = #tpu.core_type<tc>, window_params = [{transform_indices = @transform_0, window_bounds = array<i64: 256, 128>}, {transform_indices = @transform_1, window_bounds = array<i64: 1, 8192, 128>}, {pipeline_mode = #tpu.pipeline_mode<synchronous>, transform_indices = @transform_2, window_bounds = array<i64: 8, 128>}, {pipeline_mode = #tpu.pipeline_mode<synchronous>, transform_indices = @transform_3, window_bounds = array<i64: 128, 32>}, {pipeline_mode = #tpu.pipeline_mode<synchronous>, transform_indices = @transform_4, window_bounds = array<i64: 1, 32>}, {transform_indices = @transform_5, window_bounds = array<i64: 256, 8>}, {transform_indices = @transform_6, window_bounds = array<i64: 256, 32>}, {transform_indices = @transform_7, window_bounds = array<i64: 1, 256, 8>}, {transform_indices = @transform_8, window_bounds = array<i64: 1, 256, 8>}]} {
    %get3A = arith.constant 0 : index
    %get3A_0 = arith.constant 0 : index
    %get3A_1 = vector.load %arg2[%get3A, %get3A_0] : memref<256x128xf32, #tpu.memory_space<vmem>>, vector<256x128xf32>
    %get3A_2 = arith.constant 0 : index
    %get3A_3 = arith.constant 0 : index
    %get3A_4 = vector.load %arg4[%get3A_2, %get3A_3] : memref<8x128xf32, #tpu.memory_space<vmem>>, vector<8x128xf32>
    %dot_general3A = arith.constant dense<0.000000e+00> : vector<256x8xf32>
    %dot_general3A_5 = tpu.matmul %get3A_1, %get3A_4, %dot_general3A {dimension_numbers = #tpu.dot_dimension_numbers<[1], [1], [0], [0], [0, 0, 1, 0], [], []>, transpose_lhs_hint = false} : vector<256x128xf32>, vector<8x128xf32>, vector<256x8xf32> -> vector<256x8xf32>
    %reduce_max3A = arith.constant dense<0xFF800000> : vector<256xf32>
    %reduce_max3A_6 = vector.multi_reduction <maximumf>, %dot_general3A_5, %reduce_max3A [1] : vector<256x8xf32> to vector<256xf32>
    %broadcast_in_dim3A = vector.shape_cast %reduce_max3A_6 : vector<256xf32> to vector<256x1xf32>
    %sub3A = vector.broadcast %broadcast_in_dim3A : vector<256x1xf32> to vector<256x8xf32>
    %sub3A_7 = arith.subf %dot_general3A_5, %sub3A : vector<256x8xf32>
    %exp3A = math.exp %sub3A_7 : vector<256x8xf32>
    %reduce_sum3A = arith.constant dense<0.000000e+00> : vector<256xf32>
    %reduce_sum3A_8 = vector.multi_reduction <add>, %exp3A, %reduce_sum3A [1] : vector<256x8xf32> to vector<256xf32>
    %broadcast_in_dim3A_9 = vector.shape_cast %reduce_sum3A_8 : vector<256xf32> to vector<256x1xf32>
    %div3A = vector.broadcast %broadcast_in_dim3A_9 : vector<256x1xf32> to vector<256x8xf32>
    %div3A_10 = arith.divf %exp3A, %div3A : vector<256x8xf32>
    %swap3A = arith.constant 0 : index
    %swap3A_11 = arith.constant 0 : index
    %swap3A_12 = vector.load %arg7[%swap3A, %swap3A_11] : memref<256x8xf32, #tpu.memory_space<vmem>>, vector<256x8xf32>
    tpu.vector_store %arg7[%swap3A, %swap3A_11], %div3A_10 {strides = array<i32>} : memref<256x8xf32, #tpu.memory_space<vmem>>, vector<256x8xf32>,
    %get3A_13 = arith.constant 0 : index
    %get3A_14 = arith.constant 0 : index
    %get3A_15 = vector.load %arg5[%get3A_13, %get3A_14] : memref<128x32xf32, #tpu.memory_space<vmem>>, vector<128x32xf32>
    %dot_general3A_16 = arith.constant dense<0.000000e+00> : vector<256x32xf32>
    %dot_general3A_17 = tpu.matmul %get3A_1, %get3A_15, %dot_general3A_16 {dimension_numbers = #tpu.dot_dimension_numbers<[1], [0], [0], [1], [0, 0, 1, 1], [], []>, transpose_lhs_hint = false} : vector<256x128xf32>, vector<128x32xf32>, vector<256x32xf32> -> vector<256x32xf32>
    %get3A_18 = arith.constant 0 : index
    %get3A_19 = arith.constant 0 : index
    %get3A_20 = vector.load %arg6[%get3A_18, %get3A_19] : memref<1x32xf32, #tpu.memory_space<vmem>>, vector<1x32xf32>
    %add3A = vector.broadcast %get3A_20 : vector<1x32xf32> to vector<256x32xf32>
    %add3A_21 = arith.addf %dot_general3A_17, %add3A : vector<256x32xf32>
    %swap3A_22 = arith.constant 0 : index
    %swap3A_23 = arith.constant 0 : index
    %swap3A_24 = vector.load %arg8[%swap3A_22, %swap3A_23] : memref<256x32xf32, #tpu.memory_space<vmem>>, vector<256x32xf32>
    tpu.vector_store %arg8[%swap3A_22, %swap3A_23], %add3A_21 {strides = array<i32>} : memref<256x32xf32, #tpu.memory_space<vmem>>, vector<256x32xf32>,
    %get3A_25 = arith.constant 0 : index
    %get3A_26 = arith.constant 0 : index
    %get3A_27 = arith.constant 0 : index
    %get3A_28 = vector.load %arg3[%get3A_25, %get3A_26, %get3A_27] : memref<1x8192x128xf32, #tpu.memory_space<vmem>>, vector<1x8192x128xf32>
    %get3A_29 = vector.shape_cast %get3A_28 : vector<1x8192x128xf32> to vector<8192x128xf32>
    %dot_general3A_30 = arith.constant dense<0.000000e+00> : vector<256x8192xf32>
    %dot_general3A_31 = tpu.matmul %get3A_1, %get3A_29, %dot_general3A_30 {dimension_numbers = #tpu.dot_dimension_numbers<[1], [1], [0], [0], [0, 0, 1, 0], [], []>, transpose_lhs_hint = false} : vector<256x128xf32>, vector<8192x128xf32>, vector<256x8192xf32> -> vector<256x8192xf32>
    %bitcast_convert_type3A = tpu.bitcast %dot_general3A_31 : vector<256x8192xf32> -> vector<256x8192xi32>
    %lt3A = arith.constant 0 : i32
    %lt3A_32 = vector.broadcast %lt3A : i32 to vector<256x8192xi32>
    %lt3A_33 = arith.cmpi slt, %bitcast_convert_type3A, %lt3A_32 : vector<256x8192xi32>
    %xor3A = arith.constant 2147483647 : i32
    %xor3A_34 = vector.broadcast %xor3A : i32 to vector<256x8192xi32>
    %xor3A_35 = arith.xori %bitcast_convert_type3A, %xor3A_34 : vector<256x8192xi32>
    %select_n3A = arith.select %lt3A_33, %xor3A_35, %bitcast_convert_type3A : vector<256x8192xi1>, vector<256x8192xi32>
    %iota3A = tpu.iota {dimensions = array<i32: 1>} : vector<256x8192xi32>
    %and3A = arith.constant -8192 : i32
    %and3A_36 = vector.broadcast %and3A : i32 to vector<256x8192xi32>
    %and3A_37 = arith.andi %select_n3A, %and3A_36 : vector<256x8192xi32>
    %or3A = arith.ori %and3A_37, %iota3A : vector<256x8192xi32>
    %slice3A = vector.extract_strided_slice %or3A {offsets = [0, 0], sizes = [256, 4096], strides = [1, 1]} : vector<256x8192xi32> to vector<256x4096xi32>
    %slice3A_38 = vector.extract_strided_slice %or3A {offsets = [0, 4096], sizes = [256, 4096], strides = [1, 1]} : vector<256x8192xi32> to vector<256x4096xi32>
    %max3A = arith.maxsi %slice3A, %slice3A_38 : vector<256x4096xi32>
    %slice3A_39 = vector.extract_strided_slice %max3A {offsets = [0, 0], sizes = [256, 2048], strides = [1, 1]} : vector<256x4096xi32> to vector<256x2048xi32>
    %slice3A_40 = vector.extract_strided_slice %max3A {offsets = [0, 2048], sizes = [256, 2048], strides = [1, 1]} : vector<256x4096xi32> to vector<256x2048xi32>
    %max3A_41 = arith.maxsi %slice3A_39, %slice3A_40 : vector<256x2048xi32>
    %slice3A_42 = vector.extract_strided_slice %max3A_41 {offsets = [0, 0], sizes = [256, 1024], strides = [1, 1]} : vector<256x2048xi32> to vector<256x1024xi32>
    %slice3A_43 = vector.extract_strided_slice %max3A_41 {offsets = [0, 1024], sizes = [256, 1024], strides = [1, 1]} : vector<256x2048xi32> to vector<256x1024xi32>
    %max3A_44 = arith.maxsi %slice3A_42, %slice3A_43 : vector<256x1024xi32>
    %reduce_max3A_45 = arith.constant dense<-2147483648> : vector<256xi32>
    %reduce_max3A_46 = vector.multi_reduction <maxsi>, %max3A_44, %reduce_max3A_45 [1] : vector<256x1024xi32> to vector<256xi32>
    %broadcast_in_dim3A_47 = vector.shape_cast %reduce_max3A_46 : vector<256xi32> to vector<256x1xi32>
    %eq3A = vector.broadcast %broadcast_in_dim3A_47 : vector<256x1xi32> to vector<256x1024xi32>
    %eq3A_48 = arith.cmpi eq, %max3A_44, %eq3A : vector<256x1024xi32>
    %jit3A = arith.constant -2147483648 : i32
    %broadcast_in_dim3A_49 = vector.broadcast %jit3A : i32 to vector<256x1024xi32>
    %select_n3A_50 = arith.select %eq3A_48, %broadcast_in_dim3A_49, %max3A_44 : vector<256x1024xi1>, vector<256x1024xi32>
    %reduce_max3A_51 = arith.constant dense<-2147483648> : vector<256xi32>
    %reduce_max3A_52 = vector.multi_reduction <maxsi>, %select_n3A_50, %reduce_max3A_51 [1] : vector<256x1024xi32> to vector<256xi32>
    %broadcast_in_dim3A_53 = vector.shape_cast %reduce_max3A_52 : vector<256xi32> to vector<256x1xi32>
    %eq3A_54 = vector.broadcast %broadcast_in_dim3A_53 : vector<256x1xi32> to vector<256x1024xi32>
    %eq3A_55 = arith.cmpi eq, %select_n3A_50, %eq3A_54 : vector<256x1024xi32>
    %jit3A_56 = arith.constant -2147483648 : i32
    %broadcast_in_dim3A_57 = vector.broadcast %jit3A_56 : i32 to vector<256x1024xi32>
    %select_n3A_58 = arith.select %eq3A_55, %broadcast_in_dim3A_57, %select_n3A_50 : vector<256x1024xi1>, vector<256x1024xi32>
    %reduce_max3A_59 = arith.constant dense<-2147483648> : vector<256xi32>
    %reduce_max3A_60 = vector.multi_reduction <maxsi>, %select_n3A_58, %reduce_max3A_59 [1] : vector<256x1024xi32> to vector<256xi32>
    %broadcast_in_dim3A_61 = vector.shape_cast %reduce_max3A_60 : vector<256xi32> to vector<256x1xi32>
    %eq3A_62 = vector.broadcast %broadcast_in_dim3A_61 : vector<256x1xi32> to vector<256x1024xi32>
    %eq3A_63 = arith.cmpi eq, %select_n3A_58, %eq3A_62 : vector<256x1024xi32>
    %jit3A_64 = arith.constant -2147483648 : i32
    %broadcast_in_dim3A_65 = vector.broadcast %jit3A_64 : i32 to vector<256x1024xi32>
    %select_n3A_66 = arith.select %eq3A_63, %broadcast_in_dim3A_65, %select_n3A_58 : vector<256x1024xi1>, vector<256x1024xi32>
    %reduce_max3A_67 = arith.constant dense<-2147483648> : vector<256xi32>
    %reduce_max3A_68 = vector.multi_reduction <maxsi>, %select_n3A_66, %reduce_max3A_67 [1] : vector<256x1024xi32> to vector<256xi32>
    %broadcast_in_dim3A_69 = vector.shape_cast %reduce_max3A_68 : vector<256xi32> to vector<256x1xi32>
    %eq3A_70 = vector.broadcast %broadcast_in_dim3A_69 : vector<256x1xi32> to vector<256x1024xi32>
    %eq3A_71 = arith.cmpi eq, %select_n3A_66, %eq3A_70 : vector<256x1024xi32>
    %jit3A_72 = arith.constant -2147483648 : i32
    %broadcast_in_dim3A_73 = vector.broadcast %jit3A_72 : i32 to vector<256x1024xi32>
    %select_n3A_74 = arith.select %eq3A_71, %broadcast_in_dim3A_73, %select_n3A_66 : vector<256x1024xi1>, vector<256x1024xi32>
    %reduce_max3A_75 = arith.constant dense<-2147483648> : vector<256xi32>
    %reduce_max3A_76 = vector.multi_reduction <maxsi>, %select_n3A_74, %reduce_max3A_75 [1] : vector<256x1024xi32> to vector<256xi32>
    %broadcast_in_dim3A_77 = vector.shape_cast %reduce_max3A_76 : vector<256xi32> to vector<256x1xi32>
    %eq3A_78 = vector.broadcast %broadcast_in_dim3A_77 : vector<256x1xi32> to vector<256x1024xi32>
    %eq3A_79 = arith.cmpi eq, %select_n3A_74, %eq3A_78 : vector<256x1024xi32>
    %jit3A_80 = arith.constant -2147483648 : i32
    %broadcast_in_dim3A_81 = vector.broadcast %jit3A_80 : i32 to vector<256x1024xi32>
    %select_n3A_82 = arith.select %eq3A_79, %broadcast_in_dim3A_81, %select_n3A_74 : vector<256x1024xi1>, vector<256x1024xi32>
    %reduce_max3A_83 = arith.constant dense<-2147483648> : vector<256xi32>
    %reduce_max3A_84 = vector.multi_reduction <maxsi>, %select_n3A_82, %reduce_max3A_83 [1] : vector<256x1024xi32> to vector<256xi32>
    %broadcast_in_dim3A_85 = vector.shape_cast %reduce_max3A_84 : vector<256xi32> to vector<256x1xi32>
    %eq3A_86 = vector.broadcast %broadcast_in_dim3A_85 : vector<256x1xi32> to vector<256x1024xi32>
    %eq3A_87 = arith.cmpi eq, %select_n3A_82, %eq3A_86 : vector<256x1024xi32>
    %jit3A_88 = arith.constant -2147483648 : i32
    %broadcast_in_dim3A_89 = vector.broadcast %jit3A_88 : i32 to vector<256x1024xi32>
    %select_n3A_90 = arith.select %eq3A_87, %broadcast_in_dim3A_89, %select_n3A_82 : vector<256x1024xi1>, vector<256x1024xi32>
    %reduce_max3A_91 = arith.constant dense<-2147483648> : vector<256xi32>
    %reduce_max3A_92 = vector.multi_reduction <maxsi>, %select_n3A_90, %reduce_max3A_91 [1] : vector<256x1024xi32> to vector<256xi32>
    %broadcast_in_dim3A_93 = vector.shape_cast %reduce_max3A_92 : vector<256xi32> to vector<256x1xi32>
    %eq3A_94 = vector.broadcast %broadcast_in_dim3A_93 : vector<256x1xi32> to vector<256x1024xi32>
    %eq3A_95 = arith.cmpi eq, %select_n3A_90, %eq3A_94 : vector<256x1024xi32>
    %jit3A_96 = arith.constant -2147483648 : i32
    %broadcast_in_dim3A_97 = vector.broadcast %jit3A_96 : i32 to vector<256x1024xi32>
    %select_n3A_98 = arith.select %eq3A_95, %broadcast_in_dim3A_97, %select_n3A_90 : vector<256x1024xi1>, vector<256x1024xi32>
    %reduce_max3A_99 = arith.constant dense<-2147483648> : vector<256xi32>
    %reduce_max3A_100 = vector.multi_reduction <maxsi>, %select_n3A_98, %reduce_max3A_99 [1] : vector<256x1024xi32> to vector<256xi32>
    %broadcast_in_dim3A_101 = vector.shape_cast %reduce_max3A_100 : vector<256xi32> to vector<256x1xi32>
    %concatenate3A = tpu.concatenate %broadcast_in_dim3A_47, %broadcast_in_dim3A_53, %broadcast_in_dim3A_61, %broadcast_in_dim3A_69, %broadcast_in_dim3A_77, %broadcast_in_dim3A_85, %broadcast_in_dim3A_93, %broadcast_in_dim3A_101 in 1 : vector<256x1xi32>, vector<256x1xi32>, vector<256x1xi32>, vector<256x1xi32>, vector<256x1xi32>, vector<256x1xi32>, vector<256x1xi32>, vector<256x1xi32> -> vector<256x8xi32>
    %and3A_102 = arith.constant 8191 : i32
    %and3A_103 = vector.broadcast %and3A_102 : i32 to vector<256x8xi32>
    %and3A_104 = arith.andi %concatenate3A, %and3A_103 : vector<256x8xi32>
    %and3A_105 = arith.constant -8192 : i32
    %and3A_106 = vector.broadcast %and3A_105 : i32 to vector<256x8xi32>
    %and3A_107 = arith.andi %concatenate3A, %and3A_106 : vector<256x8xi32>
    %lt3A_108 = arith.constant 0 : i32
    %lt3A_109 = vector.broadcast %lt3A_108 : i32 to vector<256x8xi32>
    %lt3A_110 = arith.cmpi slt, %and3A_107, %lt3A_109 : vector<256x8xi32>
    %xor3A_111 = arith.constant 2147483647 : i32
    %xor3A_112 = vector.broadcast %xor3A_111 : i32 to vector<256x8xi32>
    %xor3A_113 = arith.xori %and3A_107, %xor3A_112 : vector<256x8xi32>
    %select_n3A_114 = arith.select %lt3A_110, %xor3A_113, %and3A_107 : vector<256x8xi1>, vector<256x8xi32>
    %bitcast_convert_type3A_115 = tpu.bitcast %select_n3A_114 : vector<256x8xi32> -> vector<256x8xf32>
    %slice3A_116 = vector.extract_strided_slice %bitcast_convert_type3A_115 {offsets = [0, 0], sizes = [256, 1], strides = [1, 1]} : vector<256x8xf32> to vector<256x1xf32>
    %sub3A_117 = vector.broadcast %slice3A_116 : vector<256x1xf32> to vector<256x8xf32>
    %sub3A_118 = arith.subf %bitcast_convert_type3A_115, %sub3A_117 : vector<256x8xf32>
    %exp3A_119 = math.exp %sub3A_118 : vector<256x8xf32>
    %reduce_sum3A_120 = arith.constant dense<0.000000e+00> : vector<256xf32>
    %reduce_sum3A_121 = vector.multi_reduction <add>, %exp3A_119, %reduce_sum3A_120 [1] : vector<256x8xf32> to vector<256xf32>
    %broadcast_in_dim3A_122 = vector.shape_cast %reduce_sum3A_121 : vector<256xf32> to vector<256x1xf32>
    %div3A_123 = vector.broadcast %broadcast_in_dim3A_122 : vector<256x1xf32> to vector<256x8xf32>
    %div3A_124 = arith.divf %exp3A_119, %div3A_123 : vector<256x8xf32>
    %iota3A_125 = tpu.iota {dimensions = array<i32: 1>} : vector<256x8xi32>
    %eq3A_126 = vector.broadcast %arg0 : i32 to vector<256x8xi32>
    %eq3A_127 = arith.cmpi eq, %iota3A_125, %eq3A_126 : vector<256x8xi32>
    %jit3A_128 = arith.constant 0.000000e+00 : f32
    %broadcast_in_dim3A_129 = vector.broadcast %jit3A_128 : f32 to vector<256x8xf32>
    %select_n3A_130 = arith.select %eq3A_127, %div3A_10, %broadcast_in_dim3A_129 : vector<256x8xi1>, vector<256x8xf32>
    %reduce_sum3A_131 = arith.constant dense<0.000000e+00> : vector<256xf32>
    %reduce_sum3A_132 = vector.multi_reduction <add>, %select_n3A_130, %reduce_sum3A_131 [1] : vector<256x8xf32> to vector<256xf32>
    %broadcast_in_dim3A_133 = vector.shape_cast %reduce_sum3A_132 : vector<256xf32> to vector<256x1xf32>
    %mul3A = vector.broadcast %broadcast_in_dim3A_133 : vector<256x1xf32> to vector<256x8xf32>
    %mul3A_134 = arith.mulf %div3A_124, %mul3A : vector<256x8xf32>
    %swap3A_135 = arith.constant 0 : index
    %swap3A_136 = arith.constant 0 : index
    %swap3A_137 = arith.constant 0 : index
    %swap3A_138 = vector.load %arg10[%swap3A_135, %swap3A_136, %swap3A_137] : memref<1x256x8xf32, #tpu.memory_space<vmem>>, vector<1x256x8xf32>
    %swap3A_139 = vector.shape_cast %swap3A_138 : vector<1x256x8xf32> to vector<256x8xf32>
    %swap3A_140 = vector.shape_cast %mul3A_134 : vector<256x8xf32> to vector<1x256x8xf32>
    tpu.vector_store %arg10[%swap3A_135, %swap3A_136, %swap3A_137], %swap3A_140 {strides = array<i32>} : memref<1x256x8xf32, #tpu.memory_space<vmem>>, vector<1x256x8xf32>,
    %mul3A_141 = arith.constant 8192 : i32
    %mul3A_142 = arith.muli %arg0, %mul3A_141 : i32
    %add3A_143 = vector.broadcast %mul3A_142 : i32 to vector<256x8xi32>
    %add3A_144 = arith.addi %and3A_104, %add3A_143 : vector<256x8xi32>
    %swap3A_145 = arith.constant 0 : index
    %swap3A_146 = arith.constant 0 : index
    %swap3A_147 = arith.constant 0 : index
    %swap3A_148 = vector.load %arg9[%swap3A_145, %swap3A_146, %swap3A_147] : memref<1x256x8xi32, #tpu.memory_space<vmem>>, vector<1x256x8xi32>
    %swap3A_149 = vector.shape_cast %swap3A_148 : vector<1x256x8xi32> to vector<256x8xi32>
    %swap3A_150 = vector.shape_cast %add3A_144 : vector<256x8xi32> to vector<1x256x8xi32>
    tpu.vector_store %arg9[%swap3A_145, %swap3A_146, %swap3A_147], %swap3A_150 {strides = array<i32>} : memref<1x256x8xi32, #tpu.memory_space<vmem>>, vector<1x256x8xi32>,
    return
  }
  func.func @transform_0(%arg0: i32, %arg1: i32) -> (i32, i32) {
    %c0_i32 = arith.constant 0 : i32
    %c0_i32_0 = arith.constant 0 : i32
    return %arg1, %c0_i32 : i32, i32
  }
  func.func @transform_1(%arg0: i32, %arg1: i32) -> (i32, i32, i32) {
    %c0_i32 = arith.constant 0 : i32
    %c0_i32_0 = arith.constant 0 : i32
    %c0_i32_1 = arith.constant 0 : i32
    return %arg0, %c0_i32, %c0_i32_0 : i32, i32, i32
  }
  func.func @transform_2(%arg0: i32, %arg1: i32) -> (i32, i32) {
    %c0_i32 = arith.constant 0 : i32
    %c0_i32_0 = arith.constant 0 : i32
    %c0_i32_1 = arith.constant 0 : i32
    return %c0_i32, %c0_i32_0 : i32, i32
  }
  func.func @transform_3(%arg0: i32, %arg1: i32) -> (i32, i32) {
    %c0_i32 = arith.constant 0 : i32
    %c0_i32_0 = arith.constant 0 : i32
    %c0_i32_1 = arith.constant 0 : i32
    return %c0_i32, %c0_i32_0 : i32, i32
  }
  func.func @transform_4(%arg0: i32, %arg1: i32) -> (i32, i32) {
    %c0_i32 = arith.constant 0 : i32
    %c0_i32_0 = arith.constant 0 : i32
    %c0_i32_1 = arith.constant 0 : i32
    return %c0_i32, %c0_i32_0 : i32, i32
  }
  func.func @transform_5(%arg0: i32, %arg1: i32) -> (i32, i32) {
    %c0_i32 = arith.constant 0 : i32
    %c0_i32_0 = arith.constant 0 : i32
    return %arg1, %c0_i32 : i32, i32
  }
  func.func @transform_6(%arg0: i32, %arg1: i32) -> (i32, i32) {
    %c0_i32 = arith.constant 0 : i32
    %c0_i32_0 = arith.constant 0 : i32
    return %arg1, %c0_i32 : i32, i32
  }
  func.func @transform_7(%arg0: i32, %arg1: i32) -> (i32, i32, i32) {
    %c0_i32 = arith.constant 0 : i32
    %c0_i32_0 = arith.constant 0 : i32
    return %arg0, %arg1, %c0_i32 : i32, i32, i32
  }
  func.func @transform_8(%arg0: i32, %arg1: i32) -> (i32, i32, i32) {
    %c0_i32 = arith.constant 0 : i32
    %c0_i32_0 = arith.constant 0 : i32
    return %arg0, %arg1, %c0_i32 : i32, i32, i32
  }
}

module attributes {stable_mosaic.version = 14 : i64} {
  func.func @_phase_b_body(%arg0: i32, %arg1: memref<512x1024xf32, #tpu.memory_space<vmem>>, %arg2: memref<512x32xf32, #tpu.memory_space<vmem>>, %arg3: memref<512x128xf32, #tpu.memory_space<vmem>>, %arg4: memref<32x128xf32, #tpu.memory_space<vmem>>, %arg5: memref<1x128xf32, #tpu.memory_space<vmem>>, %arg6: memref<1x128xf32, #tpu.memory_space<vmem>>, %arg7: memref<1x128xf32, #tpu.memory_space<vmem>>, %arg8: memref<512x128xf32, #tpu.memory_space<vmem>>) attributes {dimension_semantics = [#tpu.dimension_semantics<arbitrary>], iteration_bounds = array<i64: 4>, scalar_prefetch = 0 : i64, scratch_operands = 0 : i64, tpu.core_type = #tpu.core_type<tc>, window_params = [{transform_indices = @transform_0, window_bounds = array<i64: 512, 1024>}, {transform_indices = @transform_1, window_bounds = array<i64: 512, 32>}, {transform_indices = @transform_2, window_bounds = array<i64: 512, 128>}, {pipeline_mode = #tpu.pipeline_mode<synchronous>, transform_indices = @transform_3, window_bounds = array<i64: 32, 128>}, {pipeline_mode = #tpu.pipeline_mode<synchronous>, transform_indices = @transform_4, window_bounds = array<i64: 1, 128>}, {pipeline_mode = #tpu.pipeline_mode<synchronous>, transform_indices = @transform_5, window_bounds = array<i64: 1, 128>}, {pipeline_mode = #tpu.pipeline_mode<synchronous>, transform_indices = @transform_6, window_bounds = array<i64: 1, 128>}, {transform_indices = @transform_7, window_bounds = array<i64: 512, 128>}]} {
    %get3A = arith.constant 0 : index
    %get3A_0 = arith.constant 0 : index
    %get3A_1 = vector.load %arg1[%get3A, %get3A_0] : memref<512x1024xf32, #tpu.memory_space<vmem>>, vector<512x1024xf32>
    %get3A_2 = arith.constant 0 : index
    %get3A_3 = arith.constant 0 : index
    %get3A_4 = vector.load %arg2[%get3A_2, %get3A_3] : memref<512x32xf32, #tpu.memory_space<vmem>>, vector<512x32xf32>
    %slice3A = vector.extract_strided_slice %get3A_4 {offsets = [0, 0], sizes = [512, 1], strides = [1, 1]} : vector<512x32xf32> to vector<512x1xf32>
    %slice3A_5 = vector.extract_strided_slice %get3A_1 {offsets = [0, 0], sizes = [512, 32], strides = [1, 1]} : vector<512x1024xf32> to vector<512x32xf32>
    %mul3A = vector.broadcast %slice3A : vector<512x1xf32> to vector<512x32xf32>
    %mul3A_6 = arith.mulf %mul3A, %slice3A_5 : vector<512x32xf32>
    %slice3A_7 = vector.extract_strided_slice %get3A_4 {offsets = [0, 1], sizes = [512, 1], strides = [1, 1]} : vector<512x32xf32> to vector<512x1xf32>
    %slice3A_8 = vector.extract_strided_slice %get3A_1 {offsets = [0, 32], sizes = [512, 32], strides = [1, 1]} : vector<512x1024xf32> to vector<512x32xf32>
    %mul3A_9 = vector.broadcast %slice3A_7 : vector<512x1xf32> to vector<512x32xf32>
    %mul3A_10 = arith.mulf %mul3A_9, %slice3A_8 : vector<512x32xf32>
    %add3A = arith.addf %mul3A_6, %mul3A_10 : vector<512x32xf32>
    %slice3A_11 = vector.extract_strided_slice %get3A_4 {offsets = [0, 2], sizes = [512, 1], strides = [1, 1]} : vector<512x32xf32> to vector<512x1xf32>
    %slice3A_12 = vector.extract_strided_slice %get3A_1 {offsets = [0, 64], sizes = [512, 32], strides = [1, 1]} : vector<512x1024xf32> to vector<512x32xf32>
    %mul3A_13 = vector.broadcast %slice3A_11 : vector<512x1xf32> to vector<512x32xf32>
    %mul3A_14 = arith.mulf %mul3A_13, %slice3A_12 : vector<512x32xf32>
    %add3A_15 = arith.addf %add3A, %mul3A_14 : vector<512x32xf32>
    %slice3A_16 = vector.extract_strided_slice %get3A_4 {offsets = [0, 3], sizes = [512, 1], strides = [1, 1]} : vector<512x32xf32> to vector<512x1xf32>
    %slice3A_17 = vector.extract_strided_slice %get3A_1 {offsets = [0, 96], sizes = [512, 32], strides = [1, 1]} : vector<512x1024xf32> to vector<512x32xf32>
    %mul3A_18 = vector.broadcast %slice3A_16 : vector<512x1xf32> to vector<512x32xf32>
    %mul3A_19 = arith.mulf %mul3A_18, %slice3A_17 : vector<512x32xf32>
    %add3A_20 = arith.addf %add3A_15, %mul3A_19 : vector<512x32xf32>
    %slice3A_21 = vector.extract_strided_slice %get3A_4 {offsets = [0, 4], sizes = [512, 1], strides = [1, 1]} : vector<512x32xf32> to vector<512x1xf32>
    %slice3A_22 = vector.extract_strided_slice %get3A_1 {offsets = [0, 128], sizes = [512, 32], strides = [1, 1]} : vector<512x1024xf32> to vector<512x32xf32>
    %mul3A_23 = vector.broadcast %slice3A_21 : vector<512x1xf32> to vector<512x32xf32>
    %mul3A_24 = arith.mulf %mul3A_23, %slice3A_22 : vector<512x32xf32>
    %add3A_25 = arith.addf %add3A_20, %mul3A_24 : vector<512x32xf32>
    %slice3A_26 = vector.extract_strided_slice %get3A_4 {offsets = [0, 5], sizes = [512, 1], strides = [1, 1]} : vector<512x32xf32> to vector<512x1xf32>
    %slice3A_27 = vector.extract_strided_slice %get3A_1 {offsets = [0, 160], sizes = [512, 32], strides = [1, 1]} : vector<512x1024xf32> to vector<512x32xf32>
    %mul3A_28 = vector.broadcast %slice3A_26 : vector<512x1xf32> to vector<512x32xf32>
    %mul3A_29 = arith.mulf %mul3A_28, %slice3A_27 : vector<512x32xf32>
    %add3A_30 = arith.addf %add3A_25, %mul3A_29 : vector<512x32xf32>
    %slice3A_31 = vector.extract_strided_slice %get3A_4 {offsets = [0, 6], sizes = [512, 1], strides = [1, 1]} : vector<512x32xf32> to vector<512x1xf32>
    %slice3A_32 = vector.extract_strided_slice %get3A_1 {offsets = [0, 192], sizes = [512, 32], strides = [1, 1]} : vector<512x1024xf32> to vector<512x32xf32>
    %mul3A_33 = vector.broadcast %slice3A_31 : vector<512x1xf32> to vector<512x32xf32>
    %mul3A_34 = arith.mulf %mul3A_33, %slice3A_32 : vector<512x32xf32>
    %add3A_35 = arith.addf %add3A_30, %mul3A_34 : vector<512x32xf32>
    %slice3A_36 = vector.extract_strided_slice %get3A_4 {offsets = [0, 7], sizes = [512, 1], strides = [1, 1]} : vector<512x32xf32> to vector<512x1xf32>
    %slice3A_37 = vector.extract_strided_slice %get3A_1 {offsets = [0, 224], sizes = [512, 32], strides = [1, 1]} : vector<512x1024xf32> to vector<512x32xf32>
    %mul3A_38 = vector.broadcast %slice3A_36 : vector<512x1xf32> to vector<512x32xf32>
    %mul3A_39 = arith.mulf %mul3A_38, %slice3A_37 : vector<512x32xf32>
    %add3A_40 = arith.addf %add3A_35, %mul3A_39 : vector<512x32xf32>
    %slice3A_41 = vector.extract_strided_slice %get3A_4 {offsets = [0, 8], sizes = [512, 1], strides = [1, 1]} : vector<512x32xf32> to vector<512x1xf32>
    %slice3A_42 = vector.extract_strided_slice %get3A_1 {offsets = [0, 256], sizes = [512, 32], strides = [1, 1]} : vector<512x1024xf32> to vector<512x32xf32>
    %mul3A_43 = vector.broadcast %slice3A_41 : vector<512x1xf32> to vector<512x32xf32>
    %mul3A_44 = arith.mulf %mul3A_43, %slice3A_42 : vector<512x32xf32>
    %add3A_45 = arith.addf %add3A_40, %mul3A_44 : vector<512x32xf32>
    %slice3A_46 = vector.extract_strided_slice %get3A_4 {offsets = [0, 9], sizes = [512, 1], strides = [1, 1]} : vector<512x32xf32> to vector<512x1xf32>
    %slice3A_47 = vector.extract_strided_slice %get3A_1 {offsets = [0, 288], sizes = [512, 32], strides = [1, 1]} : vector<512x1024xf32> to vector<512x32xf32>
    %mul3A_48 = vector.broadcast %slice3A_46 : vector<512x1xf32> to vector<512x32xf32>
    %mul3A_49 = arith.mulf %mul3A_48, %slice3A_47 : vector<512x32xf32>
    %add3A_50 = arith.addf %add3A_45, %mul3A_49 : vector<512x32xf32>
    %slice3A_51 = vector.extract_strided_slice %get3A_4 {offsets = [0, 10], sizes = [512, 1], strides = [1, 1]} : vector<512x32xf32> to vector<512x1xf32>
    %slice3A_52 = vector.extract_strided_slice %get3A_1 {offsets = [0, 320], sizes = [512, 32], strides = [1, 1]} : vector<512x1024xf32> to vector<512x32xf32>
    %mul3A_53 = vector.broadcast %slice3A_51 : vector<512x1xf32> to vector<512x32xf32>
    %mul3A_54 = arith.mulf %mul3A_53, %slice3A_52 : vector<512x32xf32>
    %add3A_55 = arith.addf %add3A_50, %mul3A_54 : vector<512x32xf32>
    %slice3A_56 = vector.extract_strided_slice %get3A_4 {offsets = [0, 11], sizes = [512, 1], strides = [1, 1]} : vector<512x32xf32> to vector<512x1xf32>
    %slice3A_57 = vector.extract_strided_slice %get3A_1 {offsets = [0, 352], sizes = [512, 32], strides = [1, 1]} : vector<512x1024xf32> to vector<512x32xf32>
    %mul3A_58 = vector.broadcast %slice3A_56 : vector<512x1xf32> to vector<512x32xf32>
    %mul3A_59 = arith.mulf %mul3A_58, %slice3A_57 : vector<512x32xf32>
    %add3A_60 = arith.addf %add3A_55, %mul3A_59 : vector<512x32xf32>
    %slice3A_61 = vector.extract_strided_slice %get3A_4 {offsets = [0, 12], sizes = [512, 1], strides = [1, 1]} : vector<512x32xf32> to vector<512x1xf32>
    %slice3A_62 = vector.extract_strided_slice %get3A_1 {offsets = [0, 384], sizes = [512, 32], strides = [1, 1]} : vector<512x1024xf32> to vector<512x32xf32>
    %mul3A_63 = vector.broadcast %slice3A_61 : vector<512x1xf32> to vector<512x32xf32>
    %mul3A_64 = arith.mulf %mul3A_63, %slice3A_62 : vector<512x32xf32>
    %add3A_65 = arith.addf %add3A_60, %mul3A_64 : vector<512x32xf32>
    %slice3A_66 = vector.extract_strided_slice %get3A_4 {offsets = [0, 13], sizes = [512, 1], strides = [1, 1]} : vector<512x32xf32> to vector<512x1xf32>
    %slice3A_67 = vector.extract_strided_slice %get3A_1 {offsets = [0, 416], sizes = [512, 32], strides = [1, 1]} : vector<512x1024xf32> to vector<512x32xf32>
    %mul3A_68 = vector.broadcast %slice3A_66 : vector<512x1xf32> to vector<512x32xf32>
    %mul3A_69 = arith.mulf %mul3A_68, %slice3A_67 : vector<512x32xf32>
    %add3A_70 = arith.addf %add3A_65, %mul3A_69 : vector<512x32xf32>
    %slice3A_71 = vector.extract_strided_slice %get3A_4 {offsets = [0, 14], sizes = [512, 1], strides = [1, 1]} : vector<512x32xf32> to vector<512x1xf32>
    %slice3A_72 = vector.extract_strided_slice %get3A_1 {offsets = [0, 448], sizes = [512, 32], strides = [1, 1]} : vector<512x1024xf32> to vector<512x32xf32>
    %mul3A_73 = vector.broadcast %slice3A_71 : vector<512x1xf32> to vector<512x32xf32>
    %mul3A_74 = arith.mulf %mul3A_73, %slice3A_72 : vector<512x32xf32>
    %add3A_75 = arith.addf %add3A_70, %mul3A_74 : vector<512x32xf32>
    %slice3A_76 = vector.extract_strided_slice %get3A_4 {offsets = [0, 15], sizes = [512, 1], strides = [1, 1]} : vector<512x32xf32> to vector<512x1xf32>
    %slice3A_77 = vector.extract_strided_slice %get3A_1 {offsets = [0, 480], sizes = [512, 32], strides = [1, 1]} : vector<512x1024xf32> to vector<512x32xf32>
    %mul3A_78 = vector.broadcast %slice3A_76 : vector<512x1xf32> to vector<512x32xf32>
    %mul3A_79 = arith.mulf %mul3A_78, %slice3A_77 : vector<512x32xf32>
    %add3A_80 = arith.addf %add3A_75, %mul3A_79 : vector<512x32xf32>
    %slice3A_81 = vector.extract_strided_slice %get3A_4 {offsets = [0, 16], sizes = [512, 1], strides = [1, 1]} : vector<512x32xf32> to vector<512x1xf32>
    %slice3A_82 = vector.extract_strided_slice %get3A_1 {offsets = [0, 512], sizes = [512, 32], strides = [1, 1]} : vector<512x1024xf32> to vector<512x32xf32>
    %mul3A_83 = vector.broadcast %slice3A_81 : vector<512x1xf32> to vector<512x32xf32>
    %mul3A_84 = arith.mulf %mul3A_83, %slice3A_82 : vector<512x32xf32>
    %add3A_85 = arith.addf %add3A_80, %mul3A_84 : vector<512x32xf32>
    %slice3A_86 = vector.extract_strided_slice %get3A_4 {offsets = [0, 17], sizes = [512, 1], strides = [1, 1]} : vector<512x32xf32> to vector<512x1xf32>
    %slice3A_87 = vector.extract_strided_slice %get3A_1 {offsets = [0, 544], sizes = [512, 32], strides = [1, 1]} : vector<512x1024xf32> to vector<512x32xf32>
    %mul3A_88 = vector.broadcast %slice3A_86 : vector<512x1xf32> to vector<512x32xf32>
    %mul3A_89 = arith.mulf %mul3A_88, %slice3A_87 : vector<512x32xf32>
    %add3A_90 = arith.addf %add3A_85, %mul3A_89 : vector<512x32xf32>
    %slice3A_91 = vector.extract_strided_slice %get3A_4 {offsets = [0, 18], sizes = [512, 1], strides = [1, 1]} : vector<512x32xf32> to vector<512x1xf32>
    %slice3A_92 = vector.extract_strided_slice %get3A_1 {offsets = [0, 576], sizes = [512, 32], strides = [1, 1]} : vector<512x1024xf32> to vector<512x32xf32>
    %mul3A_93 = vector.broadcast %slice3A_91 : vector<512x1xf32> to vector<512x32xf32>
    %mul3A_94 = arith.mulf %mul3A_93, %slice3A_92 : vector<512x32xf32>
    %add3A_95 = arith.addf %add3A_90, %mul3A_94 : vector<512x32xf32>
    %slice3A_96 = vector.extract_strided_slice %get3A_4 {offsets = [0, 19], sizes = [512, 1], strides = [1, 1]} : vector<512x32xf32> to vector<512x1xf32>
    %slice3A_97 = vector.extract_strided_slice %get3A_1 {offsets = [0, 608], sizes = [512, 32], strides = [1, 1]} : vector<512x1024xf32> to vector<512x32xf32>
    %mul3A_98 = vector.broadcast %slice3A_96 : vector<512x1xf32> to vector<512x32xf32>
    %mul3A_99 = arith.mulf %mul3A_98, %slice3A_97 : vector<512x32xf32>
    %add3A_100 = arith.addf %add3A_95, %mul3A_99 : vector<512x32xf32>
    %slice3A_101 = vector.extract_strided_slice %get3A_4 {offsets = [0, 20], sizes = [512, 1], strides = [1, 1]} : vector<512x32xf32> to vector<512x1xf32>
    %slice3A_102 = vector.extract_strided_slice %get3A_1 {offsets = [0, 640], sizes = [512, 32], strides = [1, 1]} : vector<512x1024xf32> to vector<512x32xf32>
    %mul3A_103 = vector.broadcast %slice3A_101 : vector<512x1xf32> to vector<512x32xf32>
    %mul3A_104 = arith.mulf %mul3A_103, %slice3A_102 : vector<512x32xf32>
    %add3A_105 = arith.addf %add3A_100, %mul3A_104 : vector<512x32xf32>
    %slice3A_106 = vector.extract_strided_slice %get3A_4 {offsets = [0, 21], sizes = [512, 1], strides = [1, 1]} : vector<512x32xf32> to vector<512x1xf32>
    %slice3A_107 = vector.extract_strided_slice %get3A_1 {offsets = [0, 672], sizes = [512, 32], strides = [1, 1]} : vector<512x1024xf32> to vector<512x32xf32>
    %mul3A_108 = vector.broadcast %slice3A_106 : vector<512x1xf32> to vector<512x32xf32>
    %mul3A_109 = arith.mulf %mul3A_108, %slice3A_107 : vector<512x32xf32>
    %add3A_110 = arith.addf %add3A_105, %mul3A_109 : vector<512x32xf32>
    %slice3A_111 = vector.extract_strided_slice %get3A_4 {offsets = [0, 22], sizes = [512, 1], strides = [1, 1]} : vector<512x32xf32> to vector<512x1xf32>
    %slice3A_112 = vector.extract_strided_slice %get3A_1 {offsets = [0, 704], sizes = [512, 32], strides = [1, 1]} : vector<512x1024xf32> to vector<512x32xf32>
    %mul3A_113 = vector.broadcast %slice3A_111 : vector<512x1xf32> to vector<512x32xf32>
    %mul3A_114 = arith.mulf %mul3A_113, %slice3A_112 : vector<512x32xf32>
    %add3A_115 = arith.addf %add3A_110, %mul3A_114 : vector<512x32xf32>
    %slice3A_116 = vector.extract_strided_slice %get3A_4 {offsets = [0, 23], sizes = [512, 1], strides = [1, 1]} : vector<512x32xf32> to vector<512x1xf32>
    %slice3A_117 = vector.extract_strided_slice %get3A_1 {offsets = [0, 736], sizes = [512, 32], strides = [1, 1]} : vector<512x1024xf32> to vector<512x32xf32>
    %mul3A_118 = vector.broadcast %slice3A_116 : vector<512x1xf32> to vector<512x32xf32>
    %mul3A_119 = arith.mulf %mul3A_118, %slice3A_117 : vector<512x32xf32>
    %add3A_120 = arith.addf %add3A_115, %mul3A_119 : vector<512x32xf32>
    %slice3A_121 = vector.extract_strided_slice %get3A_4 {offsets = [0, 24], sizes = [512, 1], strides = [1, 1]} : vector<512x32xf32> to vector<512x1xf32>
    %slice3A_122 = vector.extract_strided_slice %get3A_1 {offsets = [0, 768], sizes = [512, 32], strides = [1, 1]} : vector<512x1024xf32> to vector<512x32xf32>
    %mul3A_123 = vector.broadcast %slice3A_121 : vector<512x1xf32> to vector<512x32xf32>
    %mul3A_124 = arith.mulf %mul3A_123, %slice3A_122 : vector<512x32xf32>
    %add3A_125 = arith.addf %add3A_120, %mul3A_124 : vector<512x32xf32>
    %slice3A_126 = vector.extract_strided_slice %get3A_4 {offsets = [0, 25], sizes = [512, 1], strides = [1, 1]} : vector<512x32xf32> to vector<512x1xf32>
    %slice3A_127 = vector.extract_strided_slice %get3A_1 {offsets = [0, 800], sizes = [512, 32], strides = [1, 1]} : vector<512x1024xf32> to vector<512x32xf32>
    %mul3A_128 = vector.broadcast %slice3A_126 : vector<512x1xf32> to vector<512x32xf32>
    %mul3A_129 = arith.mulf %mul3A_128, %slice3A_127 : vector<512x32xf32>
    %add3A_130 = arith.addf %add3A_125, %mul3A_129 : vector<512x32xf32>
    %slice3A_131 = vector.extract_strided_slice %get3A_4 {offsets = [0, 26], sizes = [512, 1], strides = [1, 1]} : vector<512x32xf32> to vector<512x1xf32>
    %slice3A_132 = vector.extract_strided_slice %get3A_1 {offsets = [0, 832], sizes = [512, 32], strides = [1, 1]} : vector<512x1024xf32> to vector<512x32xf32>
    %mul3A_133 = vector.broadcast %slice3A_131 : vector<512x1xf32> to vector<512x32xf32>
    %mul3A_134 = arith.mulf %mul3A_133, %slice3A_132 : vector<512x32xf32>
    %add3A_135 = arith.addf %add3A_130, %mul3A_134 : vector<512x32xf32>
    %slice3A_136 = vector.extract_strided_slice %get3A_4 {offsets = [0, 27], sizes = [512, 1], strides = [1, 1]} : vector<512x32xf32> to vector<512x1xf32>
    %slice3A_137 = vector.extract_strided_slice %get3A_1 {offsets = [0, 864], sizes = [512, 32], strides = [1, 1]} : vector<512x1024xf32> to vector<512x32xf32>
    %mul3A_138 = vector.broadcast %slice3A_136 : vector<512x1xf32> to vector<512x32xf32>
    %mul3A_139 = arith.mulf %mul3A_138, %slice3A_137 : vector<512x32xf32>
    %add3A_140 = arith.addf %add3A_135, %mul3A_139 : vector<512x32xf32>
    %slice3A_141 = vector.extract_strided_slice %get3A_4 {offsets = [0, 28], sizes = [512, 1], strides = [1, 1]} : vector<512x32xf32> to vector<512x1xf32>
    %slice3A_142 = vector.extract_strided_slice %get3A_1 {offsets = [0, 896], sizes = [512, 32], strides = [1, 1]} : vector<512x1024xf32> to vector<512x32xf32>
    %mul3A_143 = vector.broadcast %slice3A_141 : vector<512x1xf32> to vector<512x32xf32>
    %mul3A_144 = arith.mulf %mul3A_143, %slice3A_142 : vector<512x32xf32>
    %add3A_145 = arith.addf %add3A_140, %mul3A_144 : vector<512x32xf32>
    %slice3A_146 = vector.extract_strided_slice %get3A_4 {offsets = [0, 29], sizes = [512, 1], strides = [1, 1]} : vector<512x32xf32> to vector<512x1xf32>
    %slice3A_147 = vector.extract_strided_slice %get3A_1 {offsets = [0, 928], sizes = [512, 32], strides = [1, 1]} : vector<512x1024xf32> to vector<512x32xf32>
    %mul3A_148 = vector.broadcast %slice3A_146 : vector<512x1xf32> to vector<512x32xf32>
    %mul3A_149 = arith.mulf %mul3A_148, %slice3A_147 : vector<512x32xf32>
    %add3A_150 = arith.addf %add3A_145, %mul3A_149 : vector<512x32xf32>
    %slice3A_151 = vector.extract_strided_slice %get3A_4 {offsets = [0, 30], sizes = [512, 1], strides = [1, 1]} : vector<512x32xf32> to vector<512x1xf32>
    %slice3A_152 = vector.extract_strided_slice %get3A_1 {offsets = [0, 960], sizes = [512, 32], strides = [1, 1]} : vector<512x1024xf32> to vector<512x32xf32>
    %mul3A_153 = vector.broadcast %slice3A_151 : vector<512x1xf32> to vector<512x32xf32>
    %mul3A_154 = arith.mulf %mul3A_153, %slice3A_152 : vector<512x32xf32>
    %add3A_155 = arith.addf %add3A_150, %mul3A_154 : vector<512x32xf32>
    %slice3A_156 = vector.extract_strided_slice %get3A_4 {offsets = [0, 31], sizes = [512, 1], strides = [1, 1]} : vector<512x32xf32> to vector<512x1xf32>
    %slice3A_157 = vector.extract_strided_slice %get3A_1 {offsets = [0, 992], sizes = [512, 32], strides = [1, 1]} : vector<512x1024xf32> to vector<512x32xf32>
    %mul3A_158 = vector.broadcast %slice3A_156 : vector<512x1xf32> to vector<512x32xf32>
    %mul3A_159 = arith.mulf %mul3A_158, %slice3A_157 : vector<512x32xf32>
    %add3A_160 = arith.addf %add3A_155, %mul3A_159 : vector<512x32xf32>
    %get3A_161 = arith.constant 0 : index
    %get3A_162 = arith.constant 0 : index
    %get3A_163 = vector.load %arg4[%get3A_161, %get3A_162] : memref<32x128xf32, #tpu.memory_space<vmem>>, vector<32x128xf32>
    %dot_general3A = arith.constant dense<0.000000e+00> : vector<512x128xf32>
    %dot_general3A_164 = tpu.matmul %add3A_160, %get3A_163, %dot_general3A {dimension_numbers = #tpu.dot_dimension_numbers<[1], [0], [0], [1], [0, 0, 1, 1], [], []>, transpose_lhs_hint = false} : vector<512x32xf32>, vector<32x128xf32>, vector<512x128xf32> -> vector<512x128xf32>
    %get3A_165 = arith.constant 0 : index
    %get3A_166 = arith.constant 0 : index
    %get3A_167 = vector.load %arg5[%get3A_165, %get3A_166] : memref<1x128xf32, #tpu.memory_space<vmem>>, vector<1x128xf32>
    %add3A_168 = vector.broadcast %get3A_167 : vector<1x128xf32> to vector<512x128xf32>
    %add3A_169 = arith.addf %dot_general3A_164, %add3A_168 : vector<512x128xf32>
    %get3A_170 = arith.constant 0 : index
    %get3A_171 = arith.constant 0 : index
    %get3A_172 = vector.load %arg3[%get3A_170, %get3A_171] : memref<512x128xf32, #tpu.memory_space<vmem>>, vector<512x128xf32>
    %add3A_173 = arith.addf %get3A_172, %add3A_169 : vector<512x128xf32>
    %reduce_sum3A = arith.constant dense<0.000000e+00> : vector<512xf32>
    %reduce_sum3A_174 = vector.multi_reduction <add>, %add3A_173, %reduce_sum3A [1] : vector<512x128xf32> to vector<512xf32>
    %broadcast_in_dim3A = vector.shape_cast %reduce_sum3A_174 : vector<512xf32> to vector<512x1xf32>
    %div3A = arith.constant 1.280000e+02 : f32
    %div3A_175 = vector.broadcast %div3A : f32 to vector<512x1xf32>
    %div3A_176 = arith.divf %broadcast_in_dim3A, %div3A_175 : vector<512x1xf32>
    %sub3A = vector.broadcast %div3A_176 : vector<512x1xf32> to vector<512x128xf32>
    %sub3A_177 = arith.subf %add3A_173, %sub3A : vector<512x128xf32>
    %mul3A_178 = arith.mulf %sub3A_177, %sub3A_177 : vector<512x128xf32>
    %reduce_sum3A_179 = arith.constant dense<0.000000e+00> : vector<512xf32>
    %reduce_sum3A_180 = vector.multi_reduction <add>, %mul3A_178, %reduce_sum3A_179 [1] : vector<512x128xf32> to vector<512xf32>
    %broadcast_in_dim3A_181 = vector.shape_cast %reduce_sum3A_180 : vector<512xf32> to vector<512x1xf32>
    %div3A_182 = arith.constant 1.280000e+02 : f32
    %div3A_183 = vector.broadcast %div3A_182 : f32 to vector<512x1xf32>
    %div3A_184 = arith.divf %broadcast_in_dim3A_181, %div3A_183 : vector<512x1xf32>
    %add3A_185 = arith.constant 9.99999974E-6 : f32
    %add3A_186 = vector.broadcast %add3A_185 : f32 to vector<512x1xf32>
    %add3A_187 = arith.addf %div3A_184, %add3A_186 : vector<512x1xf32>
    %rsqrt3A = math.rsqrt %add3A_187 : vector<512x1xf32>
    %mul3A_188 = vector.broadcast %rsqrt3A : vector<512x1xf32> to vector<512x128xf32>
    %mul3A_189 = arith.mulf %sub3A_177, %mul3A_188 : vector<512x128xf32>
    %get3A_190 = arith.constant 0 : index
    %get3A_191 = arith.constant 0 : index
    %get3A_192 = vector.load %arg6[%get3A_190, %get3A_191] : memref<1x128xf32, #tpu.memory_space<vmem>>, vector<1x128xf32>
    %mul3A_193 = vector.broadcast %get3A_192 : vector<1x128xf32> to vector<512x128xf32>
    %mul3A_194 = arith.mulf %mul3A_189, %mul3A_193 : vector<512x128xf32>
    %get3A_195 = arith.constant 0 : index
    %get3A_196 = arith.constant 0 : index
    %get3A_197 = vector.load %arg7[%get3A_195, %get3A_196] : memref<1x128xf32, #tpu.memory_space<vmem>>, vector<1x128xf32>
    %add3A_198 = vector.broadcast %get3A_197 : vector<1x128xf32> to vector<512x128xf32>
    %add3A_199 = arith.addf %mul3A_194, %add3A_198 : vector<512x128xf32>
    %swap3A = arith.constant 0 : index
    %swap3A_200 = arith.constant 0 : index
    %swap3A_201 = vector.load %arg8[%swap3A, %swap3A_200] : memref<512x128xf32, #tpu.memory_space<vmem>>, vector<512x128xf32>
    tpu.vector_store %arg8[%swap3A, %swap3A_200], %add3A_199 {strides = array<i32>} : memref<512x128xf32, #tpu.memory_space<vmem>>, vector<512x128xf32>,
    return
  }
  func.func @transform_0(%arg0: i32) -> (i32, i32) {
    %c0_i32 = arith.constant 0 : i32
    %c0_i32_0 = arith.constant 0 : i32
    return %arg0, %c0_i32 : i32, i32
  }
  func.func @transform_1(%arg0: i32) -> (i32, i32) {
    %c0_i32 = arith.constant 0 : i32
    %c0_i32_0 = arith.constant 0 : i32
    return %arg0, %c0_i32 : i32, i32
  }
  func.func @transform_2(%arg0: i32) -> (i32, i32) {
    %c0_i32 = arith.constant 0 : i32
    %c0_i32_0 = arith.constant 0 : i32
    return %arg0, %c0_i32 : i32, i32
  }
  func.func @transform_3(%arg0: i32) -> (i32, i32) {
    %c0_i32 = arith.constant 0 : i32
    %c0_i32_0 = arith.constant 0 : i32
    %c0_i32_1 = arith.constant 0 : i32
    return %c0_i32, %c0_i32_0 : i32, i32
  }
  func.func @transform_4(%arg0: i32) -> (i32, i32) {
    %c0_i32 = arith.constant 0 : i32
    %c0_i32_0 = arith.constant 0 : i32
    %c0_i32_1 = arith.constant 0 : i32
    return %c0_i32, %c0_i32_0 : i32, i32
  }
  func.func @transform_5(%arg0: i32) -> (i32, i32) {
    %c0_i32 = arith.constant 0 : i32
    %c0_i32_0 = arith.constant 0 : i32
    %c0_i32_1 = arith.constant 0 : i32
    return %c0_i32, %c0_i32_0 : i32, i32
  }
  func.func @transform_6(%arg0: i32) -> (i32, i32) {
    %c0_i32 = arith.constant 0 : i32
    %c0_i32_0 = arith.constant 0 : i32
    %c0_i32_1 = arith.constant 0 : i32
    return %c0_i32, %c0_i32_0 : i32, i32
  }
  func.func @transform_7(%arg0: i32) -> (i32, i32) {
    %c0_i32 = arith.constant 0 : i32
    %c0_i32_0 = arith.constant 0 : i32
    return %arg0, %c0_i32 : i32, i32
  }
}

</mosaic_0001>

<sc_bundles>
// kernel: kernel.6.cloned.1.call-start
scs
__scs_entry_jumppad:
0x0: {  	(pc) =	sbr.rel $0x88, $3  }
0x1: {  	(tag) =	ssettag $0x0;
	lr =	simm.s32 $0x1  }
0x2: {  	[smem:$0x3F96] =	sst lr;
	_ =	strace $0xD0000000  }
0x3: {  	_ = 	snop  }
0x4: {  	_ = 	snop  }
0x5: {  	_ = 	snop  }
0x6: {  	_ = 	snop  }
0x7: {  	_ = 	snop  }
__scs_overlays_trampoline_lowered:
0x8: {  	[smem:$0x3FA5] =	sst s0  }
0x9: {  	[smem:$0x3FA6] =	sst s1  }
0xa: {  	[smem:$0x3FA7] =	sst s2  }
0xb: {  	[smem:$0x3FA8] =	sst s3  }
0xc: {  	[smem:$0x3FA9] =	sst s4  }
0xd: {  	[smem:$0x3FAA] =	sst s5  }
0xe: {  	[smem:$0x3FAB] =	sst s6  }
0xf: {  	[smem:$0x3FAC] =	sst s7  }
0x10: {  	[smem:$0x3FAD] =	sst s8  }
0x11: {  	[smem:$0x3FAE] =	sst s9;
	s0 =	simm.s32 @!p0 $0x0  }
0x12: {  	s1 =	sld [smem:$0x3F94];
	s0 =	simm.s32 @p0 $0x1  }
0x13: {  	[smem:$0x3FAF] =	sst s0;
	s0 =	simm.s32 @!p1 $0x0  }
0x14: {  	s2 =	sld [smem:$0x3F93];
	s0 =	simm.s32 @p1 $0x1  }
0x15: {  	[smem:$0x3FB0] =	sst s0;
	s0 =	simm.s32 @!p2 $0x0  }
0x16: {  	s3 =	sld [smem:$0x3FDB];
	s0 =	simm.s32 @p2 $0x1  }
0x17: {  	s4 =	simm.s32 $0x1BF5;
	[smem:$0x3FB2] =	sst s0  }
0x18: {  	s0 =	sld [smem:$0x3F95];
	_ =	swait.ge [sflag:s4], $0x0  }
0x19: {  	s7 =	sld [smem:$0x3F96]  }
0x1a: {  	s8 =	sadd.s32 $0xFFFFE003, lr  }
0x1b: {  	s9 =	sadd.s32 $0xFFFFFEF7, lr;
	s5 =	simm.s32 $0xFFFFFFFF;
	p2 =	slt.u32 s8, $0xFFFFF086  }
0x1c: {  	p1 =	slt.u32 s9, $0xF7A;
	s5 =	simm.s32 @!p2 $0x0  }
0x1d: {  	s5 =	simm.s32 @p1 $0x1;
	p0 =	seq.s32 s7, s2  }
0x1e: {  	s7 =	smul.u32 @!p0 $0xF7A, s2;
	p2 =	seq.s32 @!p0 s5, $0x0  }
0x1f: {  	s9 =	smul.u32 $0xF7A, s1;
	s8 =	simm.s32 @!p0 $0x1BF5;
	p2 =	por !p2, p0  }
0x20: {  	[sflag:s8] =	ssyncset.s32 @!p0 $0xFFFFF086;
	s6 =	sadd.s32 @!p0 s3, s7;
	s7 =	simm.s32 @!p0 $0x108  }
0x21: {  	s3 =	sadd.s32 s3, s9;
	s6 =	sadd.s32 @!p0 $0x88, s6;
	s7 =	simm.s32 @p2 $0x1082  }
0x22: {  	[simem:s7], [sflag:s8] =	dma.local @!p0 [hbm:s6], $0xF7A  }
0x23: {  	s9 =	sor.u32 $0xD0000000, s2;
	s6 =	simm.s32 $0x108;
	_ =	swait.ge @!p0 [sflag:s8], $0x0  }
0x24: {  	s3 =	sadd.s32 $0x88, s3;
	s6 =	simm.s32 @!p1 $0x1082;
	[sflag:s4] =	ssyncset.s32 $0xFFFFF086  }
0x25: {  	[simem:s6], [sflag:s4] =	dma.local [hbm:s3], $0xF7A  }
0x26: {  	[smem:$0x3F96] =	sst s1;
	(tag) =	ssettag s2;
	_ =	strace s9  }
0x27: {  	s1 =	sld [smem:$0x3FA6]  }
0x28: {  	s2 =	sld [smem:$0x3FA7]  }
0x29: {  	s4 =	sld [smem:$0x3FA9]  }
0x2a: {  	p0 =	seq.s32 s5, $0x0;
	s5 =	sld [smem:$0x3FAA]  }
0x2b: {  	s6 =	sld [smem:$0x3FAB]  }
0x2c: {  	s7 =	sld [smem:$0x3FAC]  }
0x2d: {  	s3 =	simm.s32 $0x108;
	s8 =	sld [smem:$0x3FAD]  }
0x2e: {  	s3 =	simm.s32 @!p0 $0x1082;
	s9 =	sld [smem:$0x3FAE]  }
0x2f: {  	lr =	sadd.s32 s0, s3;
	s0 =	sld [smem:$0x3FA5]  }
0x30: {  	s3 =	sld [smem:$0x3FA8]  }
0x31: {  	[smem:$0x3FB1] =	sst s10  }
0x32: {  	s10 =	sld [smem:$0x3FAF];
	_ =	sdelay $0x3  }
0x33: {  	p0 =	seq.s32 s10, $0x1;
	s10 =	sld [smem:$0x3FB1];
	_ =	sdelay $0x3  }
0x34: {  	[smem:$0x3FB1] =	sst s10  }
0x35: {  	s10 =	sld [smem:$0x3FB0];
	_ =	sdelay $0x3  }
0x36: {  	p1 =	seq.s32 s10, $0x1;
	s10 =	sld [smem:$0x3FB1];
	_ =	sdelay $0x3  }
0x37: {  	[smem:$0x3FB1] =	sst s10  }
0x38: {  	s10 =	sld [smem:$0x3FB2]  }
0x39: {  	_ = 	snop;
	(pc) =	sbr.ind lr, $3  }
0x3a: {  	_ = 	snop  }
0x3b: {  	_ = 	snop  }
0x3c: {  	p2 =	seq.s32 s10, $0x1;
	s10 =	sld [smem:$0x3FB1]  }
0x3d: {  	_ =	shalt  }
0x3e: {  	_ =	shalt  }
0x3f: {  	_ =	shalt  }
0x40: {  	_ =	shalt  }
0x41: {  	_ =	shalt  }
0x42: {  	_ =	shalt  }
0x43: {  	_ =	shalt  }
0x44: {  	_ =	shalt  }
0x45: {  	_ =	shalt  }
0x46: {  	_ =	shalt  }
0x47: {  	_ =	shalt  }
0x48: {  	_ =	shalt  }
0x49: {  	_ =	shalt  }
0x4a: {  	_ =	shalt  }
0x4b: {  	_ =	shalt  }
0x4c: {  	_ =	shalt  }
0x4d: {  	_ =	shalt  }
0x4e: {  	_ =	shalt  }
0x4f: {  	_ =	shalt  }
0x50: {  	_ =	shalt  }
0x51: {  	_ =	shalt  }
0x52: {  	_ =	shalt  }
0x53: {  	_ =	shalt  }
0x54: {  	_ =	shalt  }
0x55: {  	_ =	shalt  }
0x56: {  	_ =	shalt  }
0x57: {  	_ =	shalt  }
0x58: {  	_ =	shalt  }
0x59: {  	_ =	shalt  }
0x5a: {  	_ =	shalt  }
0x5b: {  	_ =	shalt  }
0x5c: {  	_ =	shalt  }
0x5d: {  	_ =	shalt  }
0x5e: {  	_ =	shalt  }
0x5f: {  	_ =	shalt  }
0x60: {  	_ =	shalt  }
0x61: {  	_ =	shalt  }
0x62: {  	_ =	shalt  }
0x63: {  	_ =	shalt  }
0x64: {  	_ =	shalt  }
0x65: {  	_ =	shalt  }
0x66: {  	_ =	shalt  }
0x67: {  	_ =	shalt  }
0x68: {  	_ =	shalt  }
0x69: {  	_ =	shalt  }
0x6a: {  	_ =	shalt  }
0x6b: {  	_ =	shalt  }
0x6c: {  	_ =	shalt  }
0x6d: {  	_ =	shalt  }
0x6e: {  	_ =	shalt  }
0x6f: {  	_ =	shalt  }
0x70: {  	_ =	shalt  }
0x71: {  	_ =	shalt  }
0x72: {  	_ =	shalt  }
0x73: {  	_ =	shalt  }
0x74: {  	_ =	shalt  }
0x75: {  	_ =	shalt  }
0x76: {  	_ =	shalt  }
0x77: {  	_ =	shalt  }
0x78: {  	_ =	shalt  }
0x79: {  	_ =	shalt  }
0x7a: {  	_ =	shalt  }
0x7b: {  	_ =	shalt  }
0x7c: {  	_ =	shalt  }
0x7d: {  	_ =	shalt  }
0x7e: {  	_ =	shalt  }
0x7f: {  	_ =	shalt  }
0x80: {  	_ =	shalt  }
0x81: {  	_ =	shalt  }
0x82: {  	_ =	shalt  }
0x83: {  	_ =	shalt  }
0x84: {  	_ =	shalt  }
0x85: {  	_ =	shalt  }
0x86: {  	_ =	shalt  }
0x87: {  	_ =	shalt  }
.Lfunc_end0:
.L_simem_size_0:
called_computation_lowered:
.L_overlay_start_0:
0x88: {  	s2 =	sld [smem:$0x3FD9]  }
0x89: {  	s3 =	sld [smem:$0x3FFE];
	_ =	sdelay $0x1  }
0x8a: {  	s1 =	srdreg.scid  }
0x8b: {  	s0 =	sand.u32 $0x1, s1  }
0x8c: {  	s17 =	sshll.u32 s0, $0xA;
	s2 =	sadd.s32 s3, s2  }
0x8d: {  	s2 =	sadd.s32 s2, s17  }
0x8e: {  	[smem:$0x3FBD] =	sst s2  }
0x8f: {  	_ = 	snop  }
0x90: {  	s2 =	sld [smem:$0x3FC9]  }
0x91: {  	s18 =	sld [smem:$0x3FC8];
	(tm) =	ssettm $0x1  }
0x92: {  	s4 =	sld [smem:$0x3FFB];
	_ =	sdelay $0x3  }
0x93: {  	_ =	strace s4  }
0x94: {  	s4 =	sld [smem:$0x3FFC];
	_ =	sdelay $0x3  }
0x95: {  	_ =	strace s4  }
0x96: {  	s4 =	sld [smem:$0x3FFD];
	_ =	sdelay $0x3  }
0x97: {  	_ =	strace s4  }
0x98: {  	_ =	strace $0x8FFFFFFF  }
0x99: {  	s19 =	sld [smem:$0x3FDB];
	_ =	sdelay $0x1  }
0x9a: {  	s5 =	simm.s32 $_scs_section_size  }
0x9b: {  	s6 =	simm.s32 $_size__tile_overlayer_lowered;
	s7 =	simm.s32 $_tile_overlayer_lowered  }
0x9c: {  	s22 =	simm.s32 $0x1BFF;
	s21 =	sshll.u32 s7, $0x1;
	s4 =	sadd.s32 s5, s19  }
0x9d: {  	s8 =	simm.s32 $0x0;
	s20 =	sshll.u32 s6, $0x1;
	s6 =	sadd.s32 s21, s4  }
0x9e: {  	[timem:s8], [sflag:s22] =	dma.local [hbm:s6], s20  }
0x9f: {  	_ =	swait.ge [sflag:s22], s20  }
0xa0: {  	s5 =	ssub.s32 $0x0, s20;
	[sflag:s22] =	ssyncset.done $0x0  }
0xa1: {  	[sflag:s22] =	ssyncadd.s32 s5;
	_ =	sdelay $0x1  }
0xa2: {  	s23 =	simm.s32 $0x1B8B  }
0xa3: {  	_ =	swait.ge [sflag:s23], $0x1  }
0xa4: {  	[sflag:s23] =	ssyncset.done $0x0  }
0xa5: {  	s25 =	simm.s32 $0x1B8E;
	s24 =	sld [smem:$0x3FFE];
	[sflag:s23] =	ssyncadd.s32 $0xFFFFFFFF  }
0xa6: {  	s26 =	simm.s32 $execute0_lowered;
	[smem:$0x3FD2] =	sst s25  }
0xa7: {  	s6 =	sshll.u32 s26, $0x1;
	_ =	strace $0x80000046;
	[dreg:$0x1] =	wrdreg $0xFFFFFFFF  }
0xa8: {  	s28 =	simm.s32 $_size_execute0_lowered;
	s4 =	sadd.s32 s4, s6;
	[dreg:$0x0] =	wrdreg $0x0  }
0xa9: {  	s6 =	sshll.u32 s28, $0x1;
	[dreg:$0x2] =	wrdreg s4  }
0xaa: {  	[dreg:$0x3] =	wrdreg s6  }
0xab: {  	[dreg:$0x4] =	wrdreg $0xC0  }
0xac: {  	_ =	task [dreg:s8], $0x5FFFF  }
0xad: {  	[dreg:$0x1] =	wrdreg $0xFFFFFFFF  }
0xae: {  	[dreg:$0x0] =	wrdreg $0x60  }
0xaf: {  	[dreg:$0x2] =	wrdreg s2  }
0xb0: {  	[dreg:$0x3] =	wrdreg s18  }
0xb1: {  	[dreg:$0x4] =	wrdreg s24  }
0xb2: {  	[dreg:$0x5] =	wrdreg $0x9  }
0xb3: {  	_ =	task.clear_ibuf [dreg:s8], $0x6FFFF;
	_ =	strace $0x90000046  }
0xb4: {  	s29 =	simm.s32 $0x9;
	_ =	strace $0x80000048  }
0xb5: {  	_ =	swait.ge [sflag:s29], $0x1  }
0xb6: {  	[sflag:s29] =	ssyncadd.s32 $0xFFFFFFFF  }
0xb7: {  	_ =	strace $0x90000048  }
0xb8: {  	_ =	sfence  }
0xb9: {  	s30 =	sld [smem:$0x0];
	_ =	sdelay $0x2  }
0xba: {  	s31 =	sshll.u32 s1, $0xD;
	s1 =	sshrl.u32 s1, $0x2  }
0xbb: {  	s3 =	sand.u32 $0x4000, s31;
	s1 =	sadd.s32 s1, s30  }
0xbc: {  	s0 =	sor.u32 s3, s0;
	s1 =	sshll.u32 s1, $0x11  }
0xbd: {  	s0 =	sor.u32 s1, s0  }
0xbe: {  	s0 =	sadd.s32 $0x8F2B, s0  }
0xbf: {  	[sflag:s0] =	ssyncadd.remote.s32 $0x1  }
0xc0: {  	_ =	sfence.sel $0xFFFF  }
0xc1: {  	[dreg:$0x0] =	wrdreg $0xFFFFFFFF;
	(pc) =	sbr.abs _section_cstart, $3  }
0xc2: {  	[dreg:$0x1] =	wrdreg $0xFFFFFFFF  }
0xc3: {  	_ =	task.clear_ibuf [dreg:s8], $0x2FFFF;
	_ =	strace $0x9FFFFFFF  }
0xc4: {  	(tm) =	ssettm $0x7FFFFFFF  }
0xc5: {  	_ =	shalt  }
tec
execute0_lowered:
.L_overlay_start_1:
0x0: {  	(tag) =	ssettag $0x1  }
0x1: {  	s4 =	rddreg [dreg:$0x0];
	s1 =	srdreg.scid  }
0x2: {  	s2 =	rddreg [dreg:$0x1];
	s0 =	stileid.u32  }
0x3: {  	s9 =	rddreg [dreg:$0x2];
	s3 =	simm.s32 $0x0;
	s6 =	sand.u32 $0x1, s1  }
0x4: {  	s5 =	sshll.u32 s0, $0x7;
	s1 =	rddreg [dreg:$0x3];
	s7 =	sshll.u32 s6, $0x6  }
0x5: {  	s8 =	simm.s32 $0x1;
	[smem:$0x7FF] =	sst s3;
	s10 =	sor.u32 s7, s5  }
0x6: {  	_ =	strace $0x80000047;
	s11 =	ssub.s32 $0x2, s6;
	s5 =	sshrl.u32 s10, $0x3  }
0x7: {  	s6 =	simm.s32 $0x40;
	s5 =	sadd.s32 s4, s5;
	s4 =	simm.s32 $0x2  }
0x8: {  	[tilespmem:s3], [sflag:$0x2] =	stream.linear.gather [hbm4b:s5+s3], $0x40, $0x38;
	[tilespmem:$0x2080] =	vst v63  }
0x9: {  	s7 =	simm.s32 $0x80;
	s12 =	sshrl.u32 s11, $0x1;
	_ =	swait.ge [sflag:s4], $0x40  }
0xa: {  	s10 =	sshll.u32 s10, $0x4;
	s31 =	ssub.s32 s11, s12;
	[sflag:s4] =	ssyncset.done $0x0  }
0xb: {  	s9 =	sadd.s32 s10, s9;
	s10 =	smax.u32 s31, $0x1;
	[sflag:s4] =	ssyncadd.s32 $0xFFFFFFC0  }
0xc: {  	[tilespmem:s7], [sflag:$0x1] =	stream.indirect.gather [hbm4b:s2+s6], $0x80, s3, s6, $0xb8;
	[tilespmem:$0x2080] =	vst v63  }
0xd: {  	p0 =	sne.s32 s10, $0x1;
	_ =	swait.ge [sflag:s8], $0x2000  }
.Ltmp0:
0xe: {  	[sflag:s8] =	ssyncset.done $0x0;
	(pc) =	sbr.rel @!p0 .LBB2_2-.Ltmp0, $4  }
0xf: {  	s9 =	sadd.s32 $0x2400, s9;
	[sflag:s8] =	ssyncadd.s32 $0xFFFFE000  }
0x10: {  	[hbm4b:s9+s3] =	stream.linear.scatter [tilespmem:s7], [sflag:$0x2], $0x2000, $0x38;
	[tilespmem:$0x2080] =	vst v63  }
0x11: {  	_ =	swait.ge [sflag:s4], $0x2000  }
0x12: {  	s10 =	sadd.s32 $0xFFFFFFFF, s10;
	[sflag:s4] =	ssyncset.done $0x0  }
.LBB2_1:
0x13: {  	p0 =	sne.s32 s10, $0x1;
	s10 =	sadd.s32 $0xFFFFFFFF, s10;
	[sflag:s4] =	ssyncadd.s32 $0xFFFFE000  }
0x14: {  	[tilespmem:s3], [sflag:$0x2] =	stream.linear.gather [hbm4b:s5+s3], $0x40, $0x38;
	[tilespmem:$0x2080] =	vst v63  }
0x15: {  	_ =	swait.ge [sflag:s4], $0x40  }
0x16: {  	[sflag:s4] =	ssyncset.done $0x0  }
0x17: {  	[sflag:s4] =	ssyncadd.s32 $0xFFFFFFC0  }
0x18: {  	[tilespmem:s7], [sflag:$0x1] =	stream.indirect.gather [hbm4b:s2+s6], $0x80, s3, s6, $0xb8;
	[tilespmem:$0x2080] =	vst v63  }
0x19: {  	_ =	swait.ge [sflag:s8], $0x2000  }
.Ltmp1:
0x1a: {  	[sflag:s8] =	ssyncset.done $0x0;
	(pc) =	sbr.rel @p0 .LBB2_1-.Ltmp1, $4  }
0x1b: {  	[sflag:s8] =	ssyncadd.s32 $0xFFFFE000  }
0x1c: {  	[hbm4b:s9+s3] =	stream.linear.scatter [tilespmem:s7], [sflag:$0x2], $0x2000, $0x38;
	[tilespmem:$0x2080] =	vst v63  }
0x1d: {  	_ =	swait.ge [sflag:s4], $0x2000  }
0x1e: {  	[sflag:s4] =	ssyncset.done $0x0  }
.LBB2_2:
0x1f: {  	[sflag:s4] =	ssyncadd.s32 $0xFFFFE000  }
0x20: {  	_ =	sfence.sel $0x180000  }
0x21: {  	[bflag:$0x0] =	sbarrier.arrive $0xFFFF  }
0x22: {  	p0 =	sne.s32 s0, $0x0;
	_ =	strace $0x90000047  }
0x23: {  	s0 =	sadd.s32 @!p0 $0x100000, s1;
	[bflag:$0x2] =	sbarrier.arrive $0xFFFF  }
0x24: {  	[sflag:s0] =	ssyncadd.tile.s32 @!p0 $0x1;
	_ =	shalt  }
.Lfunc_end2:
_tile_overlayer_lowered:
.L_overlay_start_2:
0x25: {  	(tag) =	ssettag $0x2  }
0x26: {  	s0 =	rddreg [dreg:$0x0];
	s2 =	stileid.u32  }
0x27: {  	s1 =	rddreg [dreg:$0x1];
	p0 =	sne.s32 s2, $0x0  }
0x28: {  	s3 =	rddreg [dreg:$0x2];
	[bflag:$0x3] =	sbarrier.arrive $0xFFFF;
	s2 =	simm.s32 @!p0 $0x1C02  }
0x29: {  	[timem:s3], [sflag:s2] =	dma.local @!p0 [hbm:s0], s1  }
0x2a: {  	s0 =	simm.s32 @!p0 $0x2  }
0x2b: {  	_ =	swait.ge @!p0 [sflag:s0], s1  }
0x2c: {  	s1 =	ssub.s32 @!p0 $0x0, s1;
	[sflag:s0] =	ssyncset.done @!p0 $0x0  }
0x2d: {  	[sflag:s0] =	ssyncadd.s32 @!p0 s1  }
0x2e: {  	[bflag:$0x3] =	sbarrier.arrive $0xFFFF  }
0x2f: {  	_ =	shalt  }

// kernel: kernel.9.cloned.1.call-start
scs
__scs_entry_jumppad:
0x0: {  	(pc) =	sbr.rel $0x88, $3  }
0x1: {  	(tag) =	ssettag $0x0;
	lr =	simm.s32 $0x1  }
0x2: {  	[smem:$0x3F96] =	sst lr;
	_ =	strace $0xD0000000  }
0x3: {  	_ = 	snop  }
0x4: {  	_ = 	snop  }
0x5: {  	_ = 	snop  }
0x6: {  	_ = 	snop  }
0x7: {  	_ = 	snop  }
__scs_overlays_trampoline_lowered:
0x8: {  	[smem:$0x3FA5] =	sst s0  }
0x9: {  	[smem:$0x3FA6] =	sst s1  }
0xa: {  	[smem:$0x3FA7] =	sst s2  }
0xb: {  	[smem:$0x3FA8] =	sst s3  }
0xc: {  	[smem:$0x3FA9] =	sst s4  }
0xd: {  	[smem:$0x3FAA] =	sst s5  }
0xe: {  	[smem:$0x3FAB] =	sst s6  }
0xf: {  	[smem:$0x3FAC] =	sst s7  }
0x10: {  	[smem:$0x3FAD] =	sst s8  }
0x11: {  	[smem:$0x3FAE] =	sst s9;
	s0 =	simm.s32 @!p0 $0x0  }
0x12: {  	s1 =	sld [smem:$0x3F94];
	s0 =	simm.s32 @p0 $0x1  }
0x13: {  	[smem:$0x3FAF] =	sst s0;
	s0 =	simm.s32 @!p1 $0x0  }
0x14: {  	s2 =	sld [smem:$0x3F93];
	s0 =	simm.s32 @p1 $0x1  }
0x15: {  	[smem:$0x3FB0] =	sst s0;
	s0 =	simm.s32 @!p2 $0x0  }
0x16: {  	s3 =	sld [smem:$0x3FDB];
	s0 =	simm.s32 @p2 $0x1  }
0x17: {  	s4 =	simm.s32 $0x1BF5;
	[smem:$0x3FB2] =	sst s0  }
0x18: {  	s0 =	sld [smem:$0x3F95];
	_ =	swait.ge [sflag:s4], $0x0  }
0x19: {  	s7 =	sld [smem:$0x3F96]  }
0x1a: {  	s8 =	sadd.s32 $0xFFFFE003, lr  }
0x1b: {  	s9 =	sadd.s32 $0xFFFFFEF7, lr;
	s5 =	simm.s32 $0xFFFFFFFF;
	p2 =	slt.u32 s8, $0xFFFFF086  }
0x1c: {  	p1 =	slt.u32 s9, $0xF7A;
	s5 =	simm.s32 @!p2 $0x0  }
0x1d: {  	s5 =	simm.s32 @p1 $0x1;
	p0 =	seq.s32 s7, s2  }
0x1e: {  	s7 =	smul.u32 @!p0 $0xF7A, s2;
	p2 =	seq.s32 @!p0 s5, $0x0  }
0x1f: {  	s9 =	smul.u32 $0xF7A, s1;
	s8 =	simm.s32 @!p0 $0x1BF5;
	p2 =	por !p2, p0  }
0x20: {  	[sflag:s8] =	ssyncset.s32 @!p0 $0xFFFFF086;
	s6 =	sadd.s32 @!p0 s3, s7;
	s7 =	simm.s32 @!p0 $0x108  }
0x21: {  	s3 =	sadd.s32 s3, s9;
	s6 =	sadd.s32 @!p0 $0x88, s6;
	s7 =	simm.s32 @p2 $0x1082  }
0x22: {  	[simem:s7], [sflag:s8] =	dma.local @!p0 [hbm:s6], $0xF7A  }
0x23: {  	s9 =	sor.u32 $0xD0000000, s2;
	s6 =	simm.s32 $0x108;
	_ =	swait.ge @!p0 [sflag:s8], $0x0  }
0x24: {  	s3 =	sadd.s32 $0x88, s3;
	s6 =	simm.s32 @!p1 $0x1082;
	[sflag:s4] =	ssyncset.s32 $0xFFFFF086  }
0x25: {  	[simem:s6], [sflag:s4] =	dma.local [hbm:s3], $0xF7A  }
0x26: {  	[smem:$0x3F96] =	sst s1;
	(tag) =	ssettag s2;
	_ =	strace s9  }
0x27: {  	s1 =	sld [smem:$0x3FA6]  }
0x28: {  	s2 =	sld [smem:$0x3FA7]  }
0x29: {  	s4 =	sld [smem:$0x3FA9]  }
0x2a: {  	p0 =	seq.s32 s5, $0x0;
	s5 =	sld [smem:$0x3FAA]  }
0x2b: {  	s6 =	sld [smem:$0x3FAB]  }
0x2c: {  	s7 =	sld [smem:$0x3FAC]  }
0x2d: {  	s3 =	simm.s32 $0x108;
	s8 =	sld [smem:$0x3FAD]  }
0x2e: {  	s3 =	simm.s32 @!p0 $0x1082;
	s9 =	sld [smem:$0x3FAE]  }
0x2f: {  	lr =	sadd.s32 s0, s3;
	s0 =	sld [smem:$0x3FA5]  }
0x30: {  	s3 =	sld [smem:$0x3FA8]  }
0x31: {  	[smem:$0x3FB1] =	sst s10  }
0x32: {  	s10 =	sld [smem:$0x3FAF];
	_ =	sdelay $0x3  }
0x33: {  	p0 =	seq.s32 s10, $0x1;
	s10 =	sld [smem:$0x3FB1];
	_ =	sdelay $0x3  }
0x34: {  	[smem:$0x3FB1] =	sst s10  }
0x35: {  	s10 =	sld [smem:$0x3FB0];
	_ =	sdelay $0x3  }
0x36: {  	p1 =	seq.s32 s10, $0x1;
	s10 =	sld [smem:$0x3FB1];
	_ =	sdelay $0x3  }
0x37: {  	[smem:$0x3FB1] =	sst s10  }
0x38: {  	s10 =	sld [smem:$0x3FB2]  }
0x39: {  	_ = 	snop;
	(pc) =	sbr.ind lr, $3  }
0x3a: {  	_ = 	snop  }
0x3b: {  	_ = 	snop  }
0x3c: {  	p2 =	seq.s32 s10, $0x1;
	s10 =	sld [smem:$0x3FB1]  }
0x3d: {  	_ =	shalt  }
0x3e: {  	_ =	shalt  }
0x3f: {  	_ =	shalt  }
0x40: {  	_ =	shalt  }
0x41: {  	_ =	shalt  }
0x42: {  	_ =	shalt  }
0x43: {  	_ =	shalt  }
0x44: {  	_ =	shalt  }
0x45: {  	_ =	shalt  }
0x46: {  	_ =	shalt  }
0x47: {  	_ =	shalt  }
0x48: {  	_ =	shalt  }
0x49: {  	_ =	shalt  }
0x4a: {  	_ =	shalt  }
0x4b: {  	_ =	shalt  }
0x4c: {  	_ =	shalt  }
0x4d: {  	_ =	shalt  }
0x4e: {  	_ =	shalt  }
0x4f: {  	_ =	shalt  }
0x50: {  	_ =	shalt  }
0x51: {  	_ =	shalt  }
0x52: {  	_ =	shalt  }
0x53: {  	_ =	shalt  }
0x54: {  	_ =	shalt  }
0x55: {  	_ =	shalt  }
0x56: {  	_ =	shalt  }
0x57: {  	_ =	shalt  }
0x58: {  	_ =	shalt  }
0x59: {  	_ =	shalt  }
0x5a: {  	_ =	shalt  }
0x5b: {  	_ =	shalt  }
0x5c: {  	_ =	shalt  }
0x5d: {  	_ =	shalt  }
0x5e: {  	_ =	shalt  }
0x5f: {  	_ =	shalt  }
0x60: {  	_ =	shalt  }
0x61: {  	_ =	shalt  }
0x62: {  	_ =	shalt  }
0x63: {  	_ =	shalt  }
0x64: {  	_ =	shalt  }
0x65: {  	_ =	shalt  }
0x66: {  	_ =	shalt  }
0x67: {  	_ =	shalt  }
0x68: {  	_ =	shalt  }
0x69: {  	_ =	shalt  }
0x6a: {  	_ =	shalt  }
0x6b: {  	_ =	shalt  }
0x6c: {  	_ =	shalt  }
0x6d: {  	_ =	shalt  }
0x6e: {  	_ =	shalt  }
0x6f: {  	_ =	shalt  }
0x70: {  	_ =	shalt  }
0x71: {  	_ =	shalt  }
0x72: {  	_ =	shalt  }
0x73: {  	_ =	shalt  }
0x74: {  	_ =	shalt  }
0x75: {  	_ =	shalt  }
0x76: {  	_ =	shalt  }
0x77: {  	_ =	shalt  }
0x78: {  	_ =	shalt  }
0x79: {  	_ =	shalt  }
0x7a: {  	_ =	shalt  }
0x7b: {  	_ =	shalt  }
0x7c: {  	_ =	shalt  }
0x7d: {  	_ =	shalt  }
0x7e: {  	_ =	shalt  }
0x7f: {  	_ =	shalt  }
0x80: {  	_ =	shalt  }
0x81: {  	_ =	shalt  }
0x82: {  	_ =	shalt  }
0x83: {  	_ =	shalt  }
0x84: {  	_ =	shalt  }
0x85: {  	_ =	shalt  }
0x86: {  	_ =	shalt  }
0x87: {  	_ =	shalt  }
.Lfunc_end0:
.L_simem_size_0:
called_computation.1_lowered:
.L_overlay_start_0:
0x88: {  	s2 =	sld [smem:$0x3FD9]  }
0x89: {  	s3 =	sld [smem:$0x3FFE];
	_ =	sdelay $0x1  }
0x8a: {  	s1 =	srdreg.scid  }
0x8b: {  	s0 =	sand.u32 $0x1, s1  }
0x8c: {  	s16 =	sshll.u32 s0, $0xA;
	s2 =	sadd.s32 s3, s2  }
0x8d: {  	s2 =	sadd.s32 s2, s16  }
0x8e: {  	[smem:$0x3FBD] =	sst s2  }
0x8f: {  	_ = 	snop  }
0x90: {  	(tm) =	ssettm $0x1  }
0x91: {  	s17 =	sld [smem:$0x3FFB];
	_ =	sdelay $0x3  }
0x92: {  	_ =	strace s17  }
0x93: {  	s2 =	sld [smem:$0x3FFC];
	_ =	sdelay $0x3  }
0x94: {  	_ =	strace s2  }
0x95: {  	s2 =	sld [smem:$0x3FFD];
	_ =	sdelay $0x3  }
0x96: {  	_ =	strace s2  }
0x97: {  	_ =	strace $0x8FFFFFFF  }
0x98: {  	s18 =	sld [smem:$0x3FDB];
	_ =	sdelay $0x1  }
0x99: {  	s19 =	simm.s32 $_scs_section_size  }
0x9a: {  	s4 =	simm.s32 $_size__tile_overlayer_lowered;
	s5 =	simm.s32 $_tile_overlayer_lowered  }
0x9b: {  	s22 =	simm.s32 $0x1BFF;
	s21 =	sshll.u32 s5, $0x1;
	s2 =	sadd.s32 s19, s18  }
0x9c: {  	s6 =	simm.s32 $0x0;
	s20 =	sshll.u32 s4, $0x1;
	s4 =	sadd.s32 s21, s2  }
0x9d: {  	[timem:s6], [sflag:s22] =	dma.local [hbm:s4], s20  }
0x9e: {  	_ =	swait.ge [sflag:s22], s20  }
0x9f: {  	s3 =	ssub.s32 $0x0, s20;
	[sflag:s22] =	ssyncset.done $0x0  }
0xa0: {  	[sflag:s22] =	ssyncadd.s32 s3;
	_ =	sdelay $0x1  }
0xa1: {  	s23 =	simm.s32 $0x1B8B  }
0xa2: {  	_ =	swait.ge [sflag:s23], $0x1  }
0xa3: {  	[sflag:s23] =	ssyncset.done $0x0  }
0xa4: {  	s25 =	simm.s32 $0x1B8E;
	s24 =	sld [smem:$0x3FFE];
	[sflag:s23] =	ssyncadd.s32 $0xFFFFFFFF  }
0xa5: {  	s26 =	simm.s32 $execute0_lowered;
	[smem:$0x3FD2] =	sst s25  }
0xa6: {  	s4 =	sshll.u32 s26, $0x1;
	_ =	strace $0x80000049;
	[dreg:$0x1] =	wrdreg $0xFFFFFFFF  }
0xa7: {  	s28 =	simm.s32 $_size_execute0_lowered;
	s2 =	sadd.s32 s2, s4;
	[dreg:$0x0] =	wrdreg $0x0  }
0xa8: {  	s4 =	sshll.u32 s28, $0x1;
	[dreg:$0x2] =	wrdreg s2  }
0xa9: {  	[dreg:$0x3] =	wrdreg s4  }
0xaa: {  	[dreg:$0x4] =	wrdreg $0xC0  }
0xab: {  	_ =	task [dreg:s6], $0x5FFFF  }
0xac: {  	[dreg:$0x1] =	wrdreg $0xFFFFFFFF  }
0xad: {  	[dreg:$0x0] =	wrdreg $0x60  }
0xae: {  	[dreg:$0x2] =	wrdreg s24  }
0xaf: {  	[dreg:$0x3] =	wrdreg $0x9  }
0xb0: {  	_ =	task.clear_ibuf [dreg:s6], $0x4FFFF;
	_ =	strace $0x90000049  }
0xb1: {  	s29 =	simm.s32 $0x9;
	_ =	strace $0x8000004B  }
0xb2: {  	_ =	swait.ge [sflag:s29], $0x1  }
0xb3: {  	[sflag:s29] =	ssyncadd.s32 $0xFFFFFFFF  }
0xb4: {  	_ =	strace $0x9000004B  }
0xb5: {  	_ =	sfence  }
0xb6: {  	s30 =	sld [smem:$0x0];
	_ =	sdelay $0x2  }
0xb7: {  	s31 =	sshll.u32 s1, $0xD;
	s1 =	sshrl.u32 s1, $0x2  }
0xb8: {  	s3 =	sand.u32 $0x4000, s31;
	s1 =	sadd.s32 s1, s30  }
0xb9: {  	s0 =	sor.u32 s3, s0;
	s1 =	sshll.u32 s1, $0x11  }
0xba: {  	s0 =	sor.u32 s1, s0  }
0xbb: {  	s0 =	sadd.s32 $0x8F2B, s0  }
0xbc: {  	[sflag:s0] =	ssyncadd.remote.s32 $0x1  }
0xbd: {  	_ =	sfence.sel $0xFFFF  }
0xbe: {  	[dreg:$0x0] =	wrdreg $0xFFFFFFFF;
	(pc) =	sbr.abs _section_cstart, $3  }
0xbf: {  	[dreg:$0x1] =	wrdreg $0xFFFFFFFF  }
0xc0: {  	_ =	task.clear_ibuf [dreg:s6], $0x2FFFF;
	_ =	strace $0x9FFFFFFF  }
0xc1: {  	(tm) =	ssettm $0x7FFFFFFF  }
tec
execute0_lowered:
.L_overlay_start_1:
0x0: {  	(tag) =	ssettag $0x1  }
0x1: {  	s0 =	rddreg [dreg:$0x0]  }
0x2: {  	s1 =	srdreg.scid;
	s2 =	stileid.u32  }
0x3: {  	s6 =	simm.s32 $0x0;
	s16 =	simm.s32 $0x131A0;
	s21 =	simm.s32 $0x131B0  }
0x4: {  	s22 =	simm.s32 $0x131C0;
	s23 =	simm.s32 $0x131D0;
	s1 =	sand.u32 $0x1, s1  }
0x5: {  	s2 =	sshll.u32 s2, $0x1;
	[smem:$0x7FF] =	sst s6;
	s4 =	sadd.s32 $0xA400, s0  }
0x6: {  	s5 =	sadd.s32 $0x816400, s0;
	_ =	strace $0x8000004A;
	[dreg:$0x2] =	wrdreg s4  }
0x7: {  	s2 =	sor.u32 s1, s2;
	s1 =	ssub.s32 $0x2, s1;
	[dreg:$0x3] =	wrdreg s5  }
0x8: {  	s3 =	sshll.u32 s2, $0x9;
	s28 =	sshrl.u32 s1, $0x1;
	s30 =	sshll.u32 s2, $0x6  }
0x9: {  	s3 =	sadd.s32 s3, s0;
	s0 =	sadd.s32 $0xA16400, s0;
	[dreg:$0x5] =	wrdreg s30  }
0xa: {  	s29 =	ssub.s32 s1, s28;
	[dreg:$0x4] =	wrdreg s0;
	s31 =	sadd.s32 $0x812400, s3  }
0xb: {  	s24 =	simm.s32 $0x131E0;
	s0 =	smax.u32 s29, $0x1;
	[dreg:$0x6] =	wrdreg s31  }
0xc: {  	s1 =	simm.s32 $0x3;
	[dreg:$0x7] =	wrdreg s0;
	s0 =	simm.s32 $0x0  }
.LBB2_1:
0xd: {  	[dreg:$0x8] =	wrdreg s0  }
0xe: {  	s17 =	rddreg [dreg:$0x6]  }
0xf: {  	[tilespmem:s6], [sflag:$0x3] =	stream.linear.gather [hbm4b:s17+s6], $0x1000, $0x38;
	[tilespmem:$0x13400] =	vst v63  }
0x10: {  	_ =	swait.ge [sflag:s1], $0x1000  }
0x11: {  	s19 =	simm.s32 $0x20;
	s18 =	simm.s32 $0x3000;
	[sflag:s1] =	ssyncset.done $0x0  }
0x12: {  	s0 =	simm.s32 $0x0;
	s31 =	rddreg [dreg:$0x2];
	[sflag:s1] =	ssyncadd.s32 $0xFFFFF000  }
0x13: {  	[tilespmem:s18], [sflag:$0x1] =	stream.indirect.gather [hbm4b:s31+s19], $0x400, s6, s19, $0xb8;
	[tilespmem:$0x13400] =	vst v63  }
.LBB2_2:
0x14: {  	s17 =	sshll.u32 s0, $0x6;
	s19 =	rddreg [dreg:$0x2];
	s18 =	simm.s32 $0x20  }
0x15: {  	s20 =	simm.s32 $0xB000;
	s2 =	rddreg [dreg:$0x5];
	s17 =	sand.u32 $0x3FFFFFC0, s17  }
0x16: {  	[dreg:$0xa] =	wrdreg s0;
	s3 =	sadd.s32 s2, s0;
	s17 =	sor.u32 $0x20, s17  }
0x17: {  	[tilespmem:s20], [sflag:$0x2] =	stream.indirect.gather [hbm4b:s19+s18], $0x400, s17, s18, $0xb8;
	[tilespmem:$0x13400] =	vst v63  }
0x18: {  	s4 =	rddreg [dreg:$0x3];
	s17 =	sshll.u32 s3, $0xA  }
0x19: {  	s5 =	simm.s32 $0x1000;
	[dreg:$0x9] =	wrdreg s3;
	s17 =	sadd.s32 s4, s17  }
0x1a: {  	[tilespmem:s5], [sflag:$0x3] =	stream.linear.gather [hbm4b:s17+s6], $0x2000, $0x38;
	[tilespmem:$0x13400] =	vst v63  }
0x1b: {  	_ =	swait.ge [sflag:s1], $0x2000  }
0x1c: {  	[sflag:s1] =	ssyncset.done $0x0  }
0x1d: {  	s7 =	simm.s32 $0x1;
	[sflag:s1] =	ssyncadd.s32 $0xFFFFE000  }
0x1e: {  	_ =	swait.ge [sflag:s7], $0x8000  }
0x1f: {  	[sflag:s7] =	ssyncset.done $0x0  }
0x20: {  	[sflag:s7] =	ssyncadd.s32 $0xFFFF8000  }
0x21: {  	v0 =	vld [tilespmem:$0x1000]  }
0x22: {  	v1 =	vld [tilespmem:$0x3000]  }
0x23: {  	v2 =	vld [tilespmem:$0x3010]  }
0x24: {  	v3 =	vld [tilespmem:$0x3020]  }
0x25: {  	v4 =	vld [tilespmem:$0x3030]  }
0x26: {  	v5 =	vld [tilespmem:$0x3040]  }
0x27: {  	v6 =	vld [tilespmem:$0x3050];
	v1 =	vmul.f32 v1, v0  }
0x28: {  	v7 =	vld [tilespmem:$0x3060];
	v2 =	vmul.f32 v2, v0  }
0x29: {  	[tilespmem:$0x13000] =	vst v1;
	v1 =	vmul.f32 v3, v0;
	v3 =	vld [tilespmem:$0x3070]  }
0x2a: {  	[tilespmem:$0x13010] =	vst v2;
	v2 =	vmul.f32 v4, v0  }
0x2b: {  	[tilespmem:$0x13020] =	vst v1;
	v1 =	vmul.f32 v5, v0  }
0x2c: {  	[tilespmem:$0x13030] =	vst v2;
	v2 =	vmul.f32 v6, v0  }
0x2d: {  	[tilespmem:$0x13040] =	vst v1;
	v1 =	vmul.f32 v7, v0  }
0x2e: {  	[tilespmem:$0x13050] =	vst v2;
	v2 =	vmul.f32 v3, v0  }
0x2f: {  	[tilespmem:$0x13060] =	vst v1  }
0x30: {  	[tilespmem:$0x13070] =	vst v2  }
0x31: {  	v1 =	vld [tilespmem:$0x3080]  }
0x32: {  	v2 =	vld [tilespmem:$0x3090]  }
0x33: {  	v3 =	vld [tilespmem:$0x30A0]  }
0x34: {  	v4 =	vld [tilespmem:$0x30B0]  }
0x35: {  	v5 =	vld [tilespmem:$0x30C0]  }
0x36: {  	v6 =	vld [tilespmem:$0x30D0];
	v1 =	vmul.f32 v1, v0  }
0x37: {  	v7 =	vld [tilespmem:$0x30E0];
	v2 =	vmul.f32 v2, v0  }
0x38: {  	[tilespmem:$0x13080] =	vst v1;
	v1 =	vmul.f32 v3, v0;
	v3 =	vld [tilespmem:$0x30F0]  }
0x39: {  	[tilespmem:$0x13090] =	vst v2;
	v2 =	vmul.f32 v4, v0;
	v4 =	vld [tilespmem:$0x3100]  }
0x3a: {  	[tilespmem:$0x130A0] =	vst v1;
	v1 =	vmul.f32 v5, v0;
	v5 =	vld [tilespmem:$0x3110]  }
0x3b: {  	[tilespmem:$0x130B0] =	vst v2;
	v2 =	vmul.f32 v6, v0;
	v6 =	vld [tilespmem:$0x3120]  }
0x3c: {  	[tilespmem:$0x130C0] =	vst v1;
	v1 =	vmul.f32 v7, v0;
	v7 =	vld [tilespmem:$0x3130]  }
0x3d: {  	[tilespmem:$0x130D0] =	vst v2;
	v2 =	vmul.f32 v3, v0;
	v3 =	vld [tilespmem:$0x3140]  }
0x3e: {  	[tilespmem:$0x130E0] =	vst v1;
	v1 =	vmul.f32 v4, v0;
	v4 =	vld [tilespmem:$0x3150]  }
0x3f: {  	[tilespmem:$0x130F0] =	vst v2;
	v2 =	vmul.f32 v5, v0;
	v5 =	vld [tilespmem:$0x3160]  }
0x40: {  	[tilespmem:$0x13100] =	vst v1;
	v1 =	vmul.f32 v6, v0;
	v6 =	vld [tilespmem:$0x3170]  }
0x41: {  	[tilespmem:$0x13110] =	vst v2;
	v2 =	vmul.f32 v7, v0;
	v7 =	vld [tilespmem:$0x3180]  }
0x42: {  	[tilespmem:$0x13120] =	vst v1;
	v1 =	vmul.f32 v3, v0;
	v3 =	vld [tilespmem:$0x3190]  }
0x43: {  	[tilespmem:$0x13130] =	vst v2;
	v2 =	vmul.f32 v4, v0;
	v4 =	vld [tilespmem:$0x31A0]  }
0x44: {  	[tilespmem:$0x13140] =	vst v1;
	v1 =	vmul.f32 v5, v0;
	v5 =	vld [tilespmem:$0x31B0]  }
0x45: {  	[tilespmem:$0x13150] =	vst v2;
	v2 =	vmul.f32 v6, v0;
	v6 =	vld [tilespmem:$0x31C0]  }
0x46: {  	[tilespmem:$0x13160] =	vst v1;
	v1 =	vmul.f32 v7, v0;
	v7 =	vld [tilespmem:$0x31D0]  }
0x47: {  	[tilespmem:$0x13170] =	vst v2;
	v2 =	vmul.f32 v3, v0;
	v3 =	vld [tilespmem:$0x31E0]  }
0x48: {  	[tilespmem:$0x13180] =	vst v1;
	v1 =	vmul.f32 v4, v0;
	v4 =	vld [tilespmem:$0x31F0]  }
0x49: {  	[tilespmem:$0x13190] =	vst v2;
	v2 =	vmul.f32 v5, v0;
	v5 =	vld [tilespmem:$0x3200]  }
0x4a: {  	[tilespmem:$0x131A0] =	vst v1;
	v1 =	vmul.f32 v6, v0;
	v6 =	vld [tilespmem:$0x3210]  }
0x4b: {  	[tilespmem:$0x131B0] =	vst v2;
	v2 =	vmul.f32 v7, v0;
	v7 =	vld [tilespmem:$0x3220]  }
0x4c: {  	[tilespmem:$0x131C0] =	vst v1;
	v1 =	vmul.f32 v3, v0;
	v3 =	vld [tilespmem:$0x3230]  }
0x4d: {  	[tilespmem:$0x131D0] =	vst v2;
	v2 =	vmul.f32 v4, v0;
	v4 =	vld [tilespmem:$0x3240]  }
0x4e: {  	[tilespmem:$0x131E0] =	vst v1;
	v1 =	vmul.f32 v5, v0;
	v5 =	vld [tilespmem:$0x3250]  }
0x4f: {  	[tilespmem:$0x131F0] =	vst v2;
	v2 =	vmul.f32 v6, v0;
	v6 =	vld [tilespmem:$0x3260]  }
0x50: {  	[tilespmem:$0x13200] =	vst v1;
	v1 =	vmul.f32 v7, v0;
	v7 =	vld [tilespmem:$0x3270]  }
0x51: {  	[tilespmem:$0x13210] =	vst v2;
	v2 =	vmul.f32 v3, v0;
	v3 =	vld [tilespmem:$0x3280]  }
0x52: {  	[tilespmem:$0x13220] =	vst v1;
	v1 =	vmul.f32 v4, v0;
	v4 =	vld [tilespmem:$0x3290]  }
0x53: {  	[tilespmem:$0x13230] =	vst v2;
	v2 =	vmul.f32 v5, v0;
	v5 =	vld [tilespmem:$0x32A0]  }
0x54: {  	[tilespmem:$0x13240] =	vst v1;
	v1 =	vmul.f32 v6, v0;
	v6 =	vld [tilespmem:$0x32B0]  }
0x55: {  	[tilespmem:$0x13250] =	vst v2;
	v2 =	vmul.f32 v7, v0;
	v7 =	vld [tilespmem:$0x32C0]  }
0x56: {  	[tilespmem:$0x13260] =	vst v1;
	v1 =	vmul.f32 v3, v0;
	v3 =	vld [tilespmem:$0x32D0]  }
0x57: {  	[tilespmem:$0x13270] =	vst v2;
	v2 =	vmul.f32 v4, v0;
	v4 =	vld [tilespmem:$0x32E0]  }
0x58: {  	[tilespmem:$0x13280] =	vst v1;
	v1 =	vmul.f32 v5, v0;
	v5 =	vld [tilespmem:$0x32F0]  }
0x59: {  	[tilespmem:$0x13290] =	vst v2;
	v2 =	vmul.f32 v6, v0;
	v6 =	vld [tilespmem:$0x3300]  }
0x5a: {  	[tilespmem:$0x132A0] =	vst v1;
	v1 =	vmul.f32 v7, v0;
	v7 =	vld [tilespmem:$0x3310]  }
0x5b: {  	[tilespmem:$0x132B0] =	vst v2;
	v2 =	vmul.f32 v3, v0;
	v3 =	vld [tilespmem:$0x3320]  }
0x5c: {  	[tilespmem:$0x132C0] =	vst v1;
	v1 =	vmul.f32 v4, v0;
	v4 =	vld [tilespmem:$0x3330]  }
0x5d: {  	[tilespmem:$0x132D0] =	vst v2;
	v2 =	vmul.f32 v5, v0;
	v5 =	vld [tilespmem:$0x3340]  }
0x5e: {  	[tilespmem:$0x132E0] =	vst v1;
	v1 =	vmul.f32 v6, v0;
	v6 =	vld [tilespmem:$0x3350]  }
0x5f: {  	[tilespmem:$0x132F0] =	vst v2;
	v2 =	vmul.f32 v7, v0;
	v7 =	vld [tilespmem:$0x3360]  }
0x60: {  	[tilespmem:$0x13300] =	vst v1;
	v1 =	vmul.f32 v3, v0;
	v3 =	vld [tilespmem:$0x3370]  }
0x61: {  	[tilespmem:$0x13310] =	vst v2;
	v2 =	vmul.f32 v4, v0;
	v4 =	vld [tilespmem:$0x3380]  }
0x62: {  	[tilespmem:$0x13320] =	vst v1;
	v1 =	vmul.f32 v5, v0;
	v5 =	vld [tilespmem:$0x3390]  }
0x63: {  	[tilespmem:$0x13330] =	vst v2;
	v2 =	vmul.f32 v6, v0;
	v6 =	vld [tilespmem:$0x33A0]  }
0x64: {  	[tilespmem:$0x13340] =	vst v1;
	v1 =	vmul.f32 v7, v0;
	v7 =	vld [tilespmem:$0x33B0]  }
0x65: {  	[tilespmem:$0x13350] =	vst v2;
	v2 =	vmul.f32 v3, v0;
	v3 =	vld [tilespmem:$0x33C0]  }
0x66: {  	[tilespmem:$0x13360] =	vst v1;
	v1 =	vmul.f32 v4, v0;
	v4 =	vld [tilespmem:$0x33D0]  }
0x67: {  	[tilespmem:$0x13370] =	vst v2;
	v2 =	vmul.f32 v5, v0;
	v5 =	vld [tilespmem:$0x33E0]  }
0x68: {  	[tilespmem:$0x13380] =	vst v1;
	v1 =	vmul.f32 v6, v0;
	v6 =	vld [tilespmem:$0x33F0]  }
0x69: {  	[tilespmem:$0x13390] =	vst v2;
	v2 =	vmul.f32 v7, v0  }
0x6a: {  	[tilespmem:$0x133A0] =	vst v1;
	v1 =	vmul.f32 v3, v0  }
0x6b: {  	[tilespmem:$0x133B0] =	vst v2;
	v2 =	vmul.f32 v4, v0  }
0x6c: {  	[tilespmem:$0x133C0] =	vst v1;
	v1 =	vmul.f32 v5, v0  }
0x6d: {  	[tilespmem:$0x133D0] =	vst v2;
	v0 =	vmul.f32 v6, v0  }
0x6e: {  	[tilespmem:$0x133E0] =	vst v1  }
0x6f: {  	s8 =	simm.s32 $0x1100;
	[tilespmem:$0x133F0] =	vst v0  }
0x70: {  	s18 =	simm.s32 $0x3600;
	v3 =	vld [tilespmem:s8+$0x0]  }
0x71: {  	v0 =	vld [tilespmem:s18+$0x200];
	_ =	sdelay $0x4  }
0x72: {  	v1 =	vld [tilespmem:s18+$0xFFFFFE00];
	v2 =	vmul.f32 v0, v3  }
0x73: {  	s9 =	simm.s32 $0x13000;
	v0 =	vld [tilespmem:s8+$0xFFFFFF80]  }
0x74: {  	[tilespmem:s9+$0x0] =	vst.add.f32.msk $0xffff, v2  }
0x75: {  	v2 =	vld [tilespmem:s18+$0x210];
	_ =	sdelay $0x2  }
0x76: {  	v1 =	vmul.f32 v1, v0;
	_ =	sdelay $0x1  }
0x77: {  	[tilespmem:s9+$0x0] =	vst.add.f32.msk $0xffff, v1;
	v1 =	vmul.f32 v2, v3  }
0x78: {  	s20 =	simm.s32 $0x13010;
	v2 =	vld [tilespmem:s18+$0xFFFFFE10]  }
0x79: {  	[tilespmem:s20+$0x0] =	vst.add.f32.msk $0xffff, v1  }
0x7a: {  	v1 =	vld [tilespmem:s18+$0x220];
	_ =	sdelay $0x2  }
0x7b: {  	v2 =	vmul.f32 v2, v0;
	_ =	sdelay $0x1  }
0x7c: {  	[tilespmem:s20+$0x0] =	vst.add.f32.msk $0xffff, v2;
	v1 =	vmul.f32 v1, v3  }
0x7d: {  	s28 =	simm.s32 $0x13020;
	v2 =	vld [tilespmem:s18+$0xFFFFFE20]  }
0x7e: {  	[tilespmem:s28+$0x0] =	vst.add.f32.msk $0xffff, v1  }
0x7f: {  	v1 =	vld [tilespmem:s18+$0x230];
	_ =	sdelay $0x2  }
0x80: {  	v2 =	vmul.f32 v2, v0;
	_ =	sdelay $0x1  }
0x81: {  	[tilespmem:s28+$0x0] =	vst.add.f32.msk $0xffff, v2;
	v1 =	vmul.f32 v1, v3  }
0x82: {  	s10 =	simm.s32 $0x13030;
	v2 =	vld [tilespmem:s18+$0xFFFFFE30]  }
0x83: {  	[tilespmem:s10+$0x0] =	vst.add.f32.msk $0xffff, v1  }
0x84: {  	v1 =	vld [tilespmem:s18+$0x240];
	_ =	sdelay $0x2  }
0x85: {  	v2 =	vmul.f32 v2, v0;
	_ =	sdelay $0x1  }
0x86: {  	[tilespmem:s10+$0x0] =	vst.add.f32.msk $0xffff, v2;
	v1 =	vmul.f32 v1, v3  }
0x87: {  	s11 =	simm.s32 $0x13040;
	v2 =	vld [tilespmem:s18+$0xFFFFFE40]  }
0x88: {  	[tilespmem:s11+$0x0] =	vst.add.f32.msk $0xffff, v1  }
0x89: {  	v1 =	vld [tilespmem:s18+$0x250];
	_ =	sdelay $0x2  }
0x8a: {  	v2 =	vmul.f32 v2, v0;
	_ =	sdelay $0x1  }
0x8b: {  	[tilespmem:s11+$0x0] =	vst.add.f32.msk $0xffff, v2;
	v1 =	vmul.f32 v1, v3  }
0x8c: {  	s12 =	simm.s32 $0x13050;
	v2 =	vld [tilespmem:s18+$0xFFFFFE50]  }
0x8d: {  	[tilespmem:s12+$0x0] =	vst.add.f32.msk $0xffff, v1  }
0x8e: {  	v1 =	vld [tilespmem:s18+$0x260];
	_ =	sdelay $0x2  }
0x8f: {  	v2 =	vmul.f32 v2, v0;
	_ =	sdelay $0x1  }
0x90: {  	[tilespmem:s12+$0x0] =	vst.add.f32.msk $0xffff, v2;
	v1 =	vmul.f32 v1, v3  }
0x91: {  	s29 =	simm.s32 $0x13060;
	v2 =	vld [tilespmem:s18+$0xFFFFFE60]  }
0x92: {  	[tilespmem:s29+$0x0] =	vst.add.f32.msk $0xffff, v1  }
0x93: {  	v1 =	vld [tilespmem:s18+$0x270];
	_ =	sdelay $0x2  }
0x94: {  	v2 =	vmul.f32 v2, v0;
	_ =	sdelay $0x1  }
0x95: {  	[tilespmem:s29+$0x0] =	vst.add.f32.msk $0xffff, v2;
	v1 =	vmul.f32 v1, v3  }
0x96: {  	s13 =	simm.s32 $0x13070;
	v2 =	vld [tilespmem:s18+$0xFFFFFE70]  }
0x97: {  	[tilespmem:s13+$0x0] =	vst.add.f32.msk $0xffff, v1  }
0x98: {  	v1 =	vld [tilespmem:s18+$0x280];
	_ =	sdelay $0x2  }
0x99: {  	v2 =	vmul.f32 v2, v0;
	_ =	sdelay $0x1  }
0x9a: {  	[tilespmem:s13+$0x0] =	vst.add.f32.msk $0xffff, v2;
	v1 =	vmul.f32 v1, v3  }
0x9b: {  	s15 =	simm.s32 $0x13080;
	v2 =	vld [tilespmem:s18+$0xFFFFFE80]  }
0x9c: {  	[tilespmem:s15+$0x0] =	vst.add.f32.msk $0xffff, v1  }
0x9d: {  	v1 =	vld [tilespmem:s18+$0x290];
	_ =	sdelay $0x2  }
0x9e: {  	v2 =	vmul.f32 v2, v0;
	_ =	sdelay $0x1  }
0x9f: {  	[tilespmem:s15+$0x0] =	vst.add.f32.msk $0xffff, v2;
	v1 =	vmul.f32 v1, v3  }
0xa0: {  	s14 =	simm.s32 $0x13090;
	v2 =	vld [tilespmem:s18+$0xFFFFFE90]  }
0xa1: {  	[tilespmem:s14+$0x0] =	vst.add.f32.msk $0xffff, v1  }
0xa2: {  	v1 =	vld [tilespmem:s18+$0x2A0];
	_ =	sdelay $0x2  }
0xa3: {  	v2 =	vmul.f32 v2, v0;
	_ =	sdelay $0x1  }
0xa4: {  	[tilespmem:s14+$0x0] =	vst.add.f32.msk $0xffff, v2;
	v1 =	vmul.f32 v1, v3  }
0xa5: {  	s10 =	simm.s32 $0x130A0;
	v2 =	vld [tilespmem:s18+$0xFFFFFEA0]  }
0xa6: {  	[tilespmem:s10+$0x0] =	vst.add.f32.msk $0xffff, v1  }
0xa7: {  	v1 =	vld [tilespmem:s18+$0x2B0];
	_ =	sdelay $0x2  }
0xa8: {  	v2 =	vmul.f32 v2, v0;
	_ =	sdelay $0x1  }
0xa9: {  	[tilespmem:s10+$0x0] =	vst.add.f32.msk $0xffff, v2;
	v1 =	vmul.f32 v1, v3  }
0xaa: {  	s9 =	simm.s32 $0x130B0;
	v2 =	vld [tilespmem:s18+$0xFFFFFEB0]  }
0xab: {  	[tilespmem:s9+$0x0] =	vst.add.f32.msk $0xffff, v1  }
0xac: {  	v1 =	vld [tilespmem:s18+$0x2C0];
	_ =	sdelay $0x2  }
0xad: {  	v2 =	vmul.f32 v2, v0;
	_ =	sdelay $0x1  }
0xae: {  	[tilespmem:s9+$0x0] =	vst.add.f32.msk $0xffff, v2;
	v1 =	vmul.f32 v1, v3  }
0xaf: {  	s17 =	simm.s32 $0x130C0;
	v2 =	vld [tilespmem:s18+$0xFFFFFEC0]  }
0xb0: {  	[tilespmem:s17+$0x0] =	vst.add.f32.msk $0xffff, v1  }
0xb1: {  	v1 =	vld [tilespmem:s18+$0x2D0];
	_ =	sdelay $0x2  }
0xb2: {  	v2 =	vmul.f32 v2, v0;
	_ =	sdelay $0x1  }
0xb3: {  	[tilespmem:s17+$0x0] =	vst.add.f32.msk $0xffff, v2;
	v1 =	vmul.f32 v1, v3  }
0xb4: {  	s19 =	simm.s32 $0x130D0;
	v2 =	vld [tilespmem:s18+$0xFFFFFED0]  }
0xb5: {  	[tilespmem:s19+$0x0] =	vst.add.f32.msk $0xffff, v1  }
0xb6: {  	v1 =	vld [tilespmem:s18+$0x2E0];
	_ =	sdelay $0x2  }
0xb7: {  	v2 =	vmul.f32 v2, v0;
	_ =	sdelay $0x1  }
0xb8: {  	[tilespmem:s19+$0x0] =	vst.add.f32.msk $0xffff, v2;
	v1 =	vmul.f32 v1, v3  }
0xb9: {  	s17 =	simm.s32 $0x130E0;
	v2 =	vld [tilespmem:s18+$0xFFFFFEE0]  }
0xba: {  	[tilespmem:s17+$0x0] =	vst.add.f32.msk $0xffff, v1  }
0xbb: {  	v1 =	vld [tilespmem:s18+$0x2F0];
	_ =	sdelay $0x2  }
0xbc: {  	v2 =	vmul.f32 v2, v0;
	_ =	sdelay $0x1  }
0xbd: {  	[tilespmem:s17+$0x0] =	vst.add.f32.msk $0xffff, v2;
	v1 =	vmul.f32 v1, v3  }
0xbe: {  	s19 =	simm.s32 $0x130F0;
	v2 =	vld [tilespmem:s18+$0xFFFFFEF0]  }
0xbf: {  	[tilespmem:s19+$0x0] =	vst.add.f32.msk $0xffff, v1  }
0xc0: {  	v1 =	vld [tilespmem:s18+$0x300];
	_ =	sdelay $0x2  }
0xc1: {  	v2 =	vmul.f32 v2, v0;
	_ =	sdelay $0x1  }
0xc2: {  	[tilespmem:s19+$0x0] =	vst.add.f32.msk $0xffff, v2;
	v1 =	vmul.f32 v1, v3  }
0xc3: {  	s17 =	simm.s32 $0x13100;
	v2 =	vld [tilespmem:s18+$0xFFFFFF00]  }
0xc4: {  	[tilespmem:s17+$0x0] =	vst.add.f32.msk $0xffff, v1  }
0xc5: {  	v1 =	vld [tilespmem:s18+$0x310];
	_ =	sdelay $0x2  }
0xc6: {  	v2 =	vmul.f32 v2, v0;
	_ =	sdelay $0x1  }
0xc7: {  	[tilespmem:s17+$0x0] =	vst.add.f32.msk $0xffff, v2;
	v1 =	vmul.f32 v1, v3  }
0xc8: {  	s19 =	simm.s32 $0x13110;
	v2 =	vld [tilespmem:s18+$0xFFFFFF10]  }
0xc9: {  	[tilespmem:s19+$0x0] =	vst.add.f32.msk $0xffff, v1  }
0xca: {  	v1 =	vld [tilespmem:s18+$0x320];
	_ =	sdelay $0x2  }
0xcb: {  	v2 =	vmul.f32 v2, v0;
	_ =	sdelay $0x1  }
0xcc: {  	[tilespmem:s19+$0x0] =	vst.add.f32.msk $0xffff, v2;
	v1 =	vmul.f32 v1, v3  }
0xcd: {  	s17 =	simm.s32 $0x13120;
	v2 =	vld [tilespmem:s18+$0xFFFFFF20]  }
0xce: {  	[tilespmem:s17+$0x0] =	vst.add.f32.msk $0xffff, v1  }
0xcf: {  	v1 =	vld [tilespmem:s18+$0x330];
	_ =	sdelay $0x2  }
0xd0: {  	v2 =	vmul.f32 v2, v0;
	_ =	sdelay $0x1  }
0xd1: {  	[tilespmem:s17+$0x0] =	vst.add.f32.msk $0xffff, v2;
	v1 =	vmul.f32 v1, v3  }
0xd2: {  	s19 =	simm.s32 $0x13130;
	v2 =	vld [tilespmem:s18+$0xFFFFFF30]  }
0xd3: {  	[tilespmem:s19+$0x0] =	vst.add.f32.msk $0xffff, v1  }
0xd4: {  	v1 =	vld [tilespmem:s18+$0x340];
	_ =	sdelay $0x2  }
0xd5: {  	v2 =	vmul.f32 v2, v0;
	_ =	sdelay $0x1  }
0xd6: {  	[tilespmem:s19+$0x0] =	vst.add.f32.msk $0xffff, v2;
	v1 =	vmul.f32 v1, v3  }
0xd7: {  	s17 =	simm.s32 $0x13140;
	v2 =	vld [tilespmem:s18+$0xFFFFFF40]  }
0xd8: {  	[tilespmem:s17+$0x0] =	vst.add.f32.msk $0xffff, v1  }
0xd9: {  	v1 =	vld [tilespmem:s18+$0x350];
	_ =	sdelay $0x2  }
0xda: {  	v2 =	vmul.f32 v2, v0;
	_ =	sdelay $0x1  }
0xdb: {  	[tilespmem:s17+$0x0] =	vst.add.f32.msk $0xffff, v2;
	v1 =	vmul.f32 v1, v3  }
0xdc: {  	s19 =	simm.s32 $0x13150;
	v2 =	vld [tilespmem:s18+$0xFFFFFF50]  }
0xdd: {  	[tilespmem:s19+$0x0] =	vst.add.f32.msk $0xffff, v1  }
0xde: {  	v1 =	vld [tilespmem:s18+$0x360];
	_ =	sdelay $0x2  }
0xdf: {  	v2 =	vmul.f32 v2, v0;
	_ =	sdelay $0x1  }
0xe0: {  	[tilespmem:s19+$0x0] =	vst.add.f32.msk $0xffff, v2;
	v1 =	vmul.f32 v1, v3  }
0xe1: {  	s17 =	simm.s32 $0x13160;
	v2 =	vld [tilespmem:s18+$0xFFFFFF60]  }
0xe2: {  	[tilespmem:s17+$0x0] =	vst.add.f32.msk $0xffff, v1  }
0xe3: {  	v1 =	vld [tilespmem:s18+$0x370];
	_ =	sdelay $0x2  }
0xe4: {  	v2 =	vmul.f32 v2, v0;
	_ =	sdelay $0x1  }
0xe5: {  	[tilespmem:s17+$0x0] =	vst.add.f32.msk $0xffff, v2;
	v1 =	vmul.f32 v1, v3  }
0xe6: {  	s19 =	simm.s32 $0x13170;
	v2 =	vld [tilespmem:s18+$0xFFFFFF70]  }
0xe7: {  	[tilespmem:s19+$0x0] =	vst.add.f32.msk $0xffff, v1  }
0xe8: {  	v1 =	vld [tilespmem:s18+$0x380];
	_ =	sdelay $0x2  }
0xe9: {  	v2 =	vmul.f32 v2, v0;
	_ =	sdelay $0x1  }
0xea: {  	[tilespmem:s19+$0x0] =	vst.add.f32.msk $0xffff, v2;
	v1 =	vmul.f32 v1, v3  }
0xeb: {  	s17 =	simm.s32 $0x13180;
	v2 =	vld [tilespmem:s18+$0xFFFFFF80]  }
0xec: {  	[tilespmem:s17+$0x0] =	vst.add.f32.msk $0xffff, v1  }
0xed: {  	v1 =	vld [tilespmem:s18+$0x390];
	_ =	sdelay $0x2  }
0xee: {  	v2 =	vmul.f32 v2, v0;
	_ =	sdelay $0x1  }
0xef: {  	[tilespmem:s17+$0x0] =	vst.add.f32.msk $0xffff, v2;
	v1 =	vmul.f32 v1, v3  }
0xf0: {  	s19 =	simm.s32 $0x13190;
	v2 =	vld [tilespmem:s18+$0xFFFFFF90]  }
0xf1: {  	[tilespmem:s19+$0x0] =	vst.add.f32.msk $0xffff, v1  }
0xf2: {  	v1 =	vld [tilespmem:s18+$0x3A0];
	_ =	sdelay $0x2  }
0xf3: {  	v2 =	vmul.f32 v2, v0;
	_ =	sdelay $0x1  }
0xf4: {  	[tilespmem:s19+$0x0] =	vst.add.f32.msk $0xffff, v2;
	v1 =	vmul.f32 v1, v3  }
0xf5: {  	v2 =	vld [tilespmem:s18+$0xFFFFFFA0]  }
0xf6: {  	[tilespmem:s16+$0x0] =	vst.add.f32.msk $0xffff, v1  }
0xf7: {  	v1 =	vld [tilespmem:s18+$0x3B0];
	_ =	sdelay $0x2  }
0xf8: {  	v2 =	vmul.f32 v2, v0;
	_ =	sdelay $0x1  }
0xf9: {  	[tilespmem:s16+$0x0] =	vst.add.f32.msk $0xffff, v2;
	v1 =	vmul.f32 v1, v3  }
0xfa: {  	v2 =	vld [tilespmem:s18+$0xFFFFFFB0]  }
0xfb: {  	[tilespmem:s21+$0x0] =	vst.add.f32.msk $0xffff, v1  }
0xfc: {  	v1 =	vld [tilespmem:s18+$0x3C0];
	_ =	sdelay $0x2  }
0xfd: {  	v2 =	vmul.f32 v2, v0;
	_ =	sdelay $0x1  }
0xfe: {  	[tilespmem:s21+$0x0] =	vst.add.f32.msk $0xffff, v2;
	v1 =	vmul.f32 v1, v3  }
0xff: {  	v2 =	vld [tilespmem:s18+$0xFFFFFFC0]  }
0x100: {  	[tilespmem:s22+$0x0] =	vst.add.f32.msk $0xffff, v1  }
0x101: {  	v1 =	vld [tilespmem:s18+$0x3D0];
	_ =	sdelay $0x2  }
0x102: {  	v2 =	vmul.f32 v2, v0;
	_ =	sdelay $0x1  }
0x103: {  	[tilespmem:s22+$0x0] =	vst.add.f32.msk $0xffff, v2;
	v1 =	vmul.f32 v1, v3  }
0x104: {  	v2 =	vld [tilespmem:s18+$0xFFFFFFD0]  }
0x105: {  	[tilespmem:s23+$0x0] =	vst.add.f32.msk $0xffff, v1  }
0x106: {  	v1 =	vld [tilespmem:s18+$0x3E0];
	_ =	sdelay $0x2  }
0x107: {  	v2 =	vmul.f32 v2, v0;
	_ =	sdelay $0x1  }
0x108: {  	[tilespmem:s23+$0x0] =	vst.add.f32.msk $0xffff, v2;
	v1 =	vmul.f32 v1, v3  }
0x109: {  	v2 =	vld [tilespmem:s18+$0xFFFFFFE0]  }
0x10a: {  	[tilespmem:s24+$0x0] =	vst.add.f32.msk $0xffff, v1  }
0x10b: {  	v1 =	vld [tilespmem:s18+$0x3F0];
	_ =	sdelay $0x2  }
0x10c: {  	s17 =	simm.s32 $0x3E00;
	v2 =	vmul.f32 v2, v0  }
0x10d: {  	v5 =	vld [tilespmem:s17+$0x200]  }
0x10e: {  	[tilespmem:s24+$0x0] =	vst.add.f32.msk $0xffff, v2;
	v1 =	vmul.f32 v1, v3  }
0x10f: {  	s9 =	simm.s32 $0x131F0;
	v2 =	vld [tilespmem:s18+$0xFFFFFFF0]  }
0x110: {  	s19 =	simm.s32 $0x1200;
	[tilespmem:s9+$0x0] =	vst.add.f32.msk $0xffff, v1  }
0x111: {  	v1 =	vld [tilespmem:s19+$0x0]  }
0x112: {  	v4 =	vld [tilespmem:s18+$0x400];
	_ =	sdelay $0x1  }
0x113: {  	v7 =	vld [tilespmem:s17+$0xFFFFFE00];
	v6 =	vmul.f32 v2, v0  }
0x114: {  	v2 =	vld [tilespmem:s19+$0xFFFFFF80]  }
0x115: {  	[tilespmem:s9+$0x0] =	vst.add.f32.msk $0xffff, v6;
	v5 =	vmul.f32 v5, v1  }
0x116: {  	s9 =	simm.s32 $0x13000;
	v4 =	vmul.f32 v4, v3;
	v6 =	vld [tilespmem:s18+$0x0]  }
0x117: {  	s3 =	simm.s32 $0x13200;
	[tilespmem:s9+$0x0] =	vst.add.f32.msk $0xffff, v5  }
0x118: {  	[tilespmem:s3+$0x0] =	vst.add.f32.msk $0xffff, v4  }
0x119: {  	v5 =	vld [tilespmem:s17+$0x210]  }
0x11a: {  	v7 =	vmul.f32 v7, v2;
	v4 =	vld [tilespmem:s18+$0x410];
	_ =	sdelay $0x1  }
0x11b: {  	[tilespmem:s9+$0x0] =	vst.add.f32.msk $0xffff, v7;
	v6 =	vmul.f32 v6, v0  }
0x11c: {  	v7 =	vld [tilespmem:s17+$0xFFFFFE10]  }
0x11d: {  	[tilespmem:s3+$0x0] =	vst.add.f32.msk $0xffff, v6;
	v5 =	vmul.f32 v5, v1  }
0x11e: {  	v4 =	vmul.f32 v4, v3;
	v6 =	vld [tilespmem:s18+$0x10]  }
0x11f: {  	s9 =	simm.s32 $0x13210;
	[tilespmem:s20+$0x0] =	vst.add.f32.msk $0xffff, v5  }
0x120: {  	[tilespmem:s9+$0x0] =	vst.add.f32.msk $0xffff, v4  }
0x121: {  	v5 =	vld [tilespmem:s17+$0x220]  }
0x122: {  	v7 =	vmul.f32 v7, v2;
	v4 =	vld [tilespmem:s18+$0x420];
	_ =	sdelay $0x1  }
0x123: {  	[tilespmem:s20+$0x0] =	vst.add.f32.msk $0xffff, v7;
	v6 =	vmul.f32 v6, v0  }
0x124: {  	v7 =	vld [tilespmem:s17+$0xFFFFFE20]  }
0x125: {  	[tilespmem:s9+$0x0] =	vst.add.f32.msk $0xffff, v6;
	v5 =	vmul.f32 v5, v1  }
0x126: {  	v4 =	vmul.f32 v4, v3;
	v6 =	vld [tilespmem:s18+$0x20]  }
0x127: {  	s14 =	simm.s32 $0x13220;
	[tilespmem:s28+$0x0] =	vst.add.f32.msk $0xffff, v5  }
0x128: {  	[tilespmem:s14+$0x0] =	vst.add.f32.msk $0xffff, v4  }
0x129: {  	v5 =	vld [tilespmem:s17+$0x230]  }
0x12a: {  	v7 =	vmul.f32 v7, v2;
	v4 =	vld [tilespmem:s18+$0x430];
	_ =	sdelay $0x1  }
0x12b: {  	[tilespmem:s28+$0x0] =	vst.add.f32.msk $0xffff, v7;
	v6 =	vmul.f32 v6, v0  }
0x12c: {  	v7 =	vld [tilespmem:s17+$0xFFFFFE30]  }
0x12d: {  	[tilespmem:s14+$0x0] =	vst.add.f32.msk $0xffff, v6;
	v5 =	vmul.f32 v5, v1  }
0x12e: {  	s28 =	simm.s32 $0x13030;
	v4 =	vmul.f32 v4, v3;
	v6 =	vld [tilespmem:s18+$0x30]  }
0x12f: {  	s20 =	simm.s32 $0x13230;
	[tilespmem:s28+$0x0] =	vst.add.f32.msk $0xffff, v5  }
0x130: {  	[tilespmem:s20+$0x0] =	vst.add.f32.msk $0xffff, v4  }
0x131: {  	v5 =	vld [tilespmem:s17+$0x240]  }
0x132: {  	v7 =	vmul.f32 v7, v2;
	v4 =	vld [tilespmem:s18+$0x440];
	_ =	sdelay $0x1  }
0x133: {  	[tilespmem:s28+$0x0] =	vst.add.f32.msk $0xffff, v7;
	v6 =	vmul.f32 v6, v0  }
0x134: {  	v7 =	vld [tilespmem:s17+$0xFFFFFE40]  }
0x135: {  	[tilespmem:s20+$0x0] =	vst.add.f32.msk $0xffff, v6;
	v5 =	vmul.f32 v5, v1  }
0x136: {  	s20 =	simm.s32 $0x13040;
	v4 =	vmul.f32 v4, v3;
	v6 =	vld [tilespmem:s18+$0x40]  }
0x137: {  	s2 =	simm.s32 $0x13240;
	[tilespmem:s20+$0x0] =	vst.add.f32.msk $0xffff, v5  }
0x138: {  	[tilespmem:s2+$0x0] =	vst.add.f32.msk $0xffff, v4  }
0x139: {  	v5 =	vld [tilespmem:s17+$0x250]  }
0x13a: {  	v7 =	vmul.f32 v7, v2;
	v4 =	vld [tilespmem:s18+$0x450];
	_ =	sdelay $0x1  }
0x13b: {  	[tilespmem:s20+$0x0] =	vst.add.f32.msk $0xffff, v7;
	v6 =	vmul.f32 v6, v0  }
0x13c: {  	v7 =	vld [tilespmem:s17+$0xFFFFFE50]  }
0x13d: {  	[tilespmem:s2+$0x0] =	vst.add.f32.msk $0xffff, v6;
	v5 =	vmul.f32 v5, v1  }
0x13e: {  	s28 =	simm.s32 $0x13050;
	v4 =	vmul.f32 v4, v3;
	v6 =	vld [tilespmem:s18+$0x50]  }
0x13f: {  	s6 =	simm.s32 $0x13250;
	[tilespmem:s28+$0x0] =	vst.add.f32.msk $0xffff, v5  }
0x140: {  	[tilespmem:s6+$0x0] =	vst.add.f32.msk $0xffff, v4  }
0x141: {  	v5 =	vld [tilespmem:s17+$0x260]  }
0x142: {  	v7 =	vmul.f32 v7, v2;
	v4 =	vld [tilespmem:s18+$0x460];
	_ =	sdelay $0x1  }
0x143: {  	[tilespmem:s28+$0x0] =	vst.add.f32.msk $0xffff, v7;
	v6 =	vmul.f32 v6, v0  }
0x144: {  	v7 =	vld [tilespmem:s17+$0xFFFFFE60]  }
0x145: {  	[tilespmem:s6+$0x0] =	vst.add.f32.msk $0xffff, v6;
	v5 =	vmul.f32 v5, v1  }
0x146: {  	v4 =	vmul.f32 v4, v3;
	v6 =	vld [tilespmem:s18+$0x60]  }
0x147: {  	s5 =	simm.s32 $0x13260;
	[tilespmem:s29+$0x0] =	vst.add.f32.msk $0xffff, v5  }
0x148: {  	[tilespmem:s5+$0x0] =	vst.add.f32.msk $0xffff, v4  }
0x149: {  	v5 =	vld [tilespmem:s17+$0x270]  }
0x14a: {  	v7 =	vmul.f32 v7, v2;
	v4 =	vld [tilespmem:s18+$0x470];
	_ =	sdelay $0x1  }
0x14b: {  	[tilespmem:s29+$0x0] =	vst.add.f32.msk $0xffff, v7;
	v6 =	vmul.f32 v6, v0  }
0x14c: {  	v7 =	vld [tilespmem:s17+$0xFFFFFE70]  }
0x14d: {  	[tilespmem:s5+$0x0] =	vst.add.f32.msk $0xffff, v6;
	v5 =	vmul.f32 v5, v1  }
0x14e: {  	s29 =	simm.s32 $0x13070;
	v4 =	vmul.f32 v4, v3;
	v6 =	vld [tilespmem:s18+$0x70]  }
0x14f: {  	s4 =	simm.s32 $0x13270;
	[tilespmem:s29+$0x0] =	vst.add.f32.msk $0xffff, v5  }
0x150: {  	[tilespmem:s4+$0x0] =	vst.add.f32.msk $0xffff, v4  }
0x151: {  	v5 =	vld [tilespmem:s17+$0x280]  }
0x152: {  	v7 =	vmul.f32 v7, v2;
	v4 =	vld [tilespmem:s18+$0x480];
	_ =	sdelay $0x1  }
0x153: {  	[tilespmem:s29+$0x0] =	vst.add.f32.msk $0xffff, v7;
	v6 =	vmul.f32 v6, v0  }
0x154: {  	v7 =	vld [tilespmem:s17+$0xFFFFFE80]  }
0x155: {  	[tilespmem:s4+$0x0] =	vst.add.f32.msk $0xffff, v6;
	v5 =	vmul.f32 v5, v1  }
0x156: {  	v4 =	vmul.f32 v4, v3;
	v6 =	vld [tilespmem:s18+$0x80]  }
0x157: {  	s20 =	simm.s32 $0x13280;
	[tilespmem:s15+$0x0] =	vst.add.f32.msk $0xffff, v5  }
0x158: {  	[tilespmem:s20+$0x0] =	vst.add.f32.msk $0xffff, v4  }
0x159: {  	v5 =	vld [tilespmem:s17+$0x290]  }
0x15a: {  	v7 =	vmul.f32 v7, v2;
	v4 =	vld [tilespmem:s18+$0x490];
	_ =	sdelay $0x1  }
0x15b: {  	[tilespmem:s15+$0x0] =	vst.add.f32.msk $0xffff, v7;
	v6 =	vmul.f32 v6, v0  }
0x15c: {  	v7 =	vld [tilespmem:s17+$0xFFFFFE90]  }
0x15d: {  	[tilespmem:s20+$0x0] =	vst.add.f32.msk $0xffff, v6;
	v5 =	vmul.f32 v5, v1  }
0x15e: {  	s28 =	simm.s32 $0x13090;
	v4 =	vmul.f32 v4, v3;
	v6 =	vld [tilespmem:s18+$0x90]  }
0x15f: {  	s13 =	simm.s32 $0x13290;
	[tilespmem:s28+$0x0] =	vst.add.f32.msk $0xffff, v5  }
0x160: {  	[tilespmem:s13+$0x0] =	vst.add.f32.msk $0xffff, v4  }
0x161: {  	v5 =	vld [tilespmem:s17+$0x2A0]  }
0x162: {  	v7 =	vmul.f32 v7, v2;
	v4 =	vld [tilespmem:s18+$0x4A0];
	_ =	sdelay $0x1  }
0x163: {  	[tilespmem:s28+$0x0] =	vst.add.f32.msk $0xffff, v7;
	v6 =	vmul.f32 v6, v0  }
0x164: {  	v7 =	vld [tilespmem:s17+$0xFFFFFEA0]  }
0x165: {  	[tilespmem:s13+$0x0] =	vst.add.f32.msk $0xffff, v6;
	v5 =	vmul.f32 v5, v1  }
0x166: {  	v4 =	vmul.f32 v4, v3;
	v6 =	vld [tilespmem:s18+$0xA0]  }
0x167: {  	s29 =	simm.s32 $0x132A0;
	[tilespmem:s10+$0x0] =	vst.add.f32.msk $0xffff, v5  }
0x168: {  	[tilespmem:s29+$0x0] =	vst.add.f32.msk $0xffff, v4  }
0x169: {  	v5 =	vld [tilespmem:s17+$0x2B0]  }
0x16a: {  	v7 =	vmul.f32 v7, v2;
	v4 =	vld [tilespmem:s18+$0x4B0];
	_ =	sdelay $0x1  }
0x16b: {  	[tilespmem:s10+$0x0] =	vst.add.f32.msk $0xffff, v7;
	v6 =	vmul.f32 v6, v0  }
0x16c: {  	v7 =	vld [tilespmem:s17+$0xFFFFFEB0]  }
0x16d: {  	[tilespmem:s29+$0x0] =	vst.add.f32.msk $0xffff, v6;
	v5 =	vmul.f32 v5, v1  }
0x16e: {  	s20 =	simm.s32 $0x130B0;
	v4 =	vmul.f32 v4, v3;
	v6 =	vld [tilespmem:s18+$0xB0]  }
0x16f: {  	s12 =	simm.s32 $0x132B0;
	[tilespmem:s20+$0x0] =	vst.add.f32.msk $0xffff, v5  }
0x170: {  	[tilespmem:s12+$0x0] =	vst.add.f32.msk $0xffff, v4  }
0x171: {  	v5 =	vld [tilespmem:s17+$0x2C0]  }
0x172: {  	v7 =	vmul.f32 v7, v2;
	v4 =	vld [tilespmem:s18+$0x4C0];
	_ =	sdelay $0x1  }
0x173: {  	[tilespmem:s20+$0x0] =	vst.add.f32.msk $0xffff, v7;
	v6 =	vmul.f32 v6, v0  }
0x174: {  	v7 =	vld [tilespmem:s17+$0xFFFFFEC0]  }
0x175: {  	[tilespmem:s12+$0x0] =	vst.add.f32.msk $0xffff, v6;
	v5 =	vmul.f32 v5, v1  }
0x176: {  	s29 =	simm.s32 $0x130C0;
	v4 =	vmul.f32 v4, v3;
	v6 =	vld [tilespmem:s18+$0xC0]  }
0x177: {  	s28 =	simm.s32 $0x132C0;
	[tilespmem:s29+$0x0] =	vst.add.f32.msk $0xffff, v5  }
0x178: {  	[tilespmem:s28+$0x0] =	vst.add.f32.msk $0xffff, v4  }
0x179: {  	v5 =	vld [tilespmem:s17+$0x2D0]  }
0x17a: {  	v7 =	vmul.f32 v7, v2;
	v4 =	vld [tilespmem:s18+$0x4D0];
	_ =	sdelay $0x1  }
0x17b: {  	[tilespmem:s29+$0x0] =	vst.add.f32.msk $0xffff, v7;
	v6 =	vmul.f32 v6, v0  }
0x17c: {  	v7 =	vld [tilespmem:s17+$0xFFFFFED0]  }
0x17d: {  	[tilespmem:s28+$0x0] =	vst.add.f32.msk $0xffff, v6;
	v5 =	vmul.f32 v5, v1  }
0x17e: {  	s20 =	simm.s32 $0x130D0;
	v4 =	vmul.f32 v4, v3;
	v6 =	vld [tilespmem:s18+$0xD0]  }
0x17f: {  	s8 =	simm.s32 $0x132D0;
	[tilespmem:s20+$0x0] =	vst.add.f32.msk $0xffff, v5  }
0x180: {  	[tilespmem:s8+$0x0] =	vst.add.f32.msk $0xffff, v4  }
0x181: {  	v5 =	vld [tilespmem:s17+$0x2E0]  }
0x182: {  	v7 =	vmul.f32 v7, v2;
	v4 =	vld [tilespmem:s18+$0x4E0];
	_ =	sdelay $0x1  }
0x183: {  	[tilespmem:s20+$0x0] =	vst.add.f32.msk $0xffff, v7;
	v6 =	vmul.f32 v6, v0  }
0x184: {  	v7 =	vld [tilespmem:s17+$0xFFFFFEE0]  }
0x185: {  	[tilespmem:s8+$0x0] =	vst.add.f32.msk $0xffff, v6;
	v5 =	vmul.f32 v5, v1  }
0x186: {  	s29 =	simm.s32 $0x130E0;
	v4 =	vmul.f32 v4, v3;
	v6 =	vld [tilespmem:s18+$0xE0]  }
0x187: {  	s28 =	simm.s32 $0x132E0;
	[tilespmem:s29+$0x0] =	vst.add.f32.msk $0xffff, v5  }
0x188: {  	[tilespmem:s28+$0x0] =	vst.add.f32.msk $0xffff, v4  }
0x189: {  	v5 =	vld [tilespmem:s17+$0x2F0]  }
0x18a: {  	v7 =	vmul.f32 v7, v2;
	v4 =	vld [tilespmem:s18+$0x4F0];
	_ =	sdelay $0x1  }
0x18b: {  	[tilespmem:s29+$0x0] =	vst.add.f32.msk $0xffff, v7;
	v6 =	vmul.f32 v6, v0  }
0x18c: {  	v7 =	vld [tilespmem:s17+$0xFFFFFEF0]  }
0x18d: {  	[tilespmem:s28+$0x0] =	vst.add.f32.msk $0xffff, v6;
	v5 =	vmul.f32 v5, v1  }
0x18e: {  	s20 =	simm.s32 $0x130F0;
	v4 =	vmul.f32 v4, v3;
	v6 =	vld [tilespmem:s18+$0xF0]  }
0x18f: {  	s7 =	simm.s32 $0x132F0;
	[tilespmem:s20+$0x0] =	vst.add.f32.msk $0xffff, v5  }
0x190: {  	[tilespmem:s7+$0x0] =	vst.add.f32.msk $0xffff, v4  }
0x191: {  	v5 =	vld [tilespmem:s17+$0x300]  }
0x192: {  	v7 =	vmul.f32 v7, v2;
	v4 =	vld [tilespmem:s18+$0x500];
	_ =	sdelay $0x1  }
0x193: {  	[tilespmem:s20+$0x0] =	vst.add.f32.msk $0xffff, v7;
	v6 =	vmul.f32 v6, v0  }
0x194: {  	v7 =	vld [tilespmem:s17+$0xFFFFFF00]  }
0x195: {  	[tilespmem:s7+$0x0] =	vst.add.f32.msk $0xffff, v6;
	v5 =	vmul.f32 v5, v1  }
0x196: {  	s29 =	simm.s32 $0x13100;
	v4 =	vmul.f32 v4, v3;
	v6 =	vld [tilespmem:s18+$0x100]  }
0x197: {  	s28 =	simm.s32 $0x13300;
	[tilespmem:s29+$0x0] =	vst.add.f32.msk $0xffff, v5  }
0x198: {  	[tilespmem:s28+$0x0] =	vst.add.f32.msk $0xffff, v4  }
0x199: {  	v5 =	vld [tilespmem:s17+$0x310]  }
0x19a: {  	v7 =	vmul.f32 v7, v2;
	v4 =	vld [tilespmem:s18+$0x510];
	_ =	sdelay $0x1  }
0x19b: {  	[tilespmem:s29+$0x0] =	vst.add.f32.msk $0xffff, v7;
	v6 =	vmul.f32 v6, v0  }
0x19c: {  	v7 =	vld [tilespmem:s17+$0xFFFFFF10]  }
0x19d: {  	[tilespmem:s28+$0x0] =	vst.add.f32.msk $0xffff, v6;
	v5 =	vmul.f32 v5, v1  }
0x19e: {  	s20 =	simm.s32 $0x13110;
	v4 =	vmul.f32 v4, v3;
	v6 =	vld [tilespmem:s18+$0x110]  }
0x19f: {  	s11 =	simm.s32 $0x13310;
	[tilespmem:s20+$0x0] =	vst.add.f32.msk $0xffff, v5  }
0x1a0: {  	[tilespmem:s11+$0x0] =	vst.add.f32.msk $0xffff, v4  }
0x1a1: {  	v5 =	vld [tilespmem:s17+$0x320]  }
0x1a2: {  	v7 =	vmul.f32 v7, v2;
	v4 =	vld [tilespmem:s18+$0x520];
	_ =	sdelay $0x1  }
0x1a3: {  	[tilespmem:s20+$0x0] =	vst.add.f32.msk $0xffff, v7;
	v6 =	vmul.f32 v6, v0  }
0x1a4: {  	v7 =	vld [tilespmem:s17+$0xFFFFFF20]  }
0x1a5: {  	[tilespmem:s11+$0x0] =	vst.add.f32.msk $0xffff, v6;
	v5 =	vmul.f32 v5, v1  }
0x1a6: {  	s29 =	simm.s32 $0x13120;
	v4 =	vmul.f32 v4, v3;
	v6 =	vld [tilespmem:s18+$0x120]  }
0x1a7: {  	s28 =	simm.s32 $0x13320;
	[tilespmem:s29+$0x0] =	vst.add.f32.msk $0xffff, v5  }
0x1a8: {  	[tilespmem:s28+$0x0] =	vst.add.f32.msk $0xffff, v4  }
0x1a9: {  	v5 =	vld [tilespmem:s17+$0x330]  }
0x1aa: {  	v7 =	vmul.f32 v7, v2;
	v4 =	vld [tilespmem:s18+$0x530];
	_ =	sdelay $0x1  }
0x1ab: {  	[tilespmem:s29+$0x0] =	vst.add.f32.msk $0xffff, v7;
	v6 =	vmul.f32 v6, v0  }
0x1ac: {  	v7 =	vld [tilespmem:s17+$0xFFFFFF30]  }
0x1ad: {  	[tilespmem:s28+$0x0] =	vst.add.f32.msk $0xffff, v6;
	v5 =	vmul.f32 v5, v1  }
0x1ae: {  	s20 =	simm.s32 $0x13130;
	v4 =	vmul.f32 v4, v3;
	v6 =	vld [tilespmem:s18+$0x130]  }
0x1af: {  	s1 =	simm.s32 $0x13330;
	[tilespmem:s20+$0x0] =	vst.add.f32.msk $0xffff, v5  }
0x1b0: {  	[tilespmem:s1+$0x0] =	vst.add.f32.msk $0xffff, v4  }
0x1b1: {  	v5 =	vld [tilespmem:s17+$0x340]  }
0x1b2: {  	v7 =	vmul.f32 v7, v2;
	v4 =	vld [tilespmem:s18+$0x540];
	_ =	sdelay $0x1  }
0x1b3: {  	[tilespmem:s20+$0x0] =	vst.add.f32.msk $0xffff, v7;
	v6 =	vmul.f32 v6, v0  }
0x1b4: {  	v7 =	vld [tilespmem:s17+$0xFFFFFF40]  }
0x1b5: {  	[tilespmem:s1+$0x0] =	vst.add.f32.msk $0xffff, v6;
	v5 =	vmul.f32 v5, v1  }
0x1b6: {  	s29 =	simm.s32 $0x13140;
	v4 =	vmul.f32 v4, v3;
	v6 =	vld [tilespmem:s18+$0x140]  }
0x1b7: {  	s28 =	simm.s32 $0x13340;
	[tilespmem:s29+$0x0] =	vst.add.f32.msk $0xffff, v5  }
0x1b8: {  	[tilespmem:s28+$0x0] =	vst.add.f32.msk $0xffff, v4  }
0x1b9: {  	v5 =	vld [tilespmem:s17+$0x350]  }
0x1ba: {  	v7 =	vmul.f32 v7, v2;
	v4 =	vld [tilespmem:s18+$0x550];
	_ =	sdelay $0x1  }
0x1bb: {  	[tilespmem:s29+$0x0] =	vst.add.f32.msk $0xffff, v7;
	v6 =	vmul.f32 v6, v0  }
0x1bc: {  	v7 =	vld [tilespmem:s17+$0xFFFFFF50]  }
0x1bd: {  	[tilespmem:s28+$0x0] =	vst.add.f32.msk $0xffff, v6;
	v5 =	vmul.f32 v5, v1  }
0x1be: {  	s20 =	simm.s32 $0x13150;
	v4 =	vmul.f32 v4, v3;
	v6 =	vld [tilespmem:s18+$0x150]  }
0x1bf: {  	s0 =	simm.s32 $0x13350;
	[tilespmem:s20+$0x0] =	vst.add.f32.msk $0xffff, v5  }
0x1c0: {  	[tilespmem:s0+$0x0] =	vst.add.f32.msk $0xffff, v4  }
0x1c1: {  	v5 =	vld [tilespmem:s17+$0x360]  }
0x1c2: {  	v7 =	vmul.f32 v7, v2;
	v4 =	vld [tilespmem:s18+$0x560];
	_ =	sdelay $0x1  }
0x1c3: {  	[tilespmem:s20+$0x0] =	vst.add.f32.msk $0xffff, v7;
	v6 =	vmul.f32 v6, v0  }
0x1c4: {  	v7 =	vld [tilespmem:s17+$0xFFFFFF60]  }
0x1c5: {  	[tilespmem:s0+$0x0] =	vst.add.f32.msk $0xffff, v6;
	v5 =	vmul.f32 v5, v1  }
0x1c6: {  	s29 =	simm.s32 $0x13160;
	v4 =	vmul.f32 v4, v3;
	v6 =	vld [tilespmem:s18+$0x160]  }
0x1c7: {  	s28 =	simm.s32 $0x13360;
	[tilespmem:s29+$0x0] =	vst.add.f32.msk $0xffff, v5  }
0x1c8: {  	[tilespmem:s28+$0x0] =	vst.add.f32.msk $0xffff, v4  }
0x1c9: {  	v5 =	vld [tilespmem:s17+$0x370]  }
0x1ca: {  	v7 =	vmul.f32 v7, v2;
	v4 =	vld [tilespmem:s18+$0x570];
	_ =	sdelay $0x1  }
0x1cb: {  	[tilespmem:s29+$0x0] =	vst.add.f32.msk $0xffff, v7;
	v6 =	vmul.f32 v6, v0  }
0x1cc: {  	v7 =	vld [tilespmem:s17+$0xFFFFFF70]  }
0x1cd: {  	[tilespmem:s28+$0x0] =	vst.add.f32.msk $0xffff, v6;
	v5 =	vmul.f32 v5, v1  }
0x1ce: {  	s10 =	simm.s32 $0x13170;
	v4 =	vmul.f32 v4, v3;
	v6 =	vld [tilespmem:s18+$0x170]  }
0x1cf: {  	s31 =	simm.s32 $0x13370;
	[tilespmem:s10+$0x0] =	vst.add.f32.msk $0xffff, v5  }
0x1d0: {  	[tilespmem:s31+$0x0] =	vst.add.f32.msk $0xffff, v4  }
0x1d1: {  	v5 =	vld [tilespmem:s17+$0x380]  }
0x1d2: {  	v7 =	vmul.f32 v7, v2;
	v4 =	vld [tilespmem:s18+$0x580];
	_ =	sdelay $0x1  }
0x1d3: {  	[tilespmem:s10+$0x0] =	vst.add.f32.msk $0xffff, v7;
	v6 =	vmul.f32 v6, v0  }
0x1d4: {  	v7 =	vld [tilespmem:s17+$0xFFFFFF80]  }
0x1d5: {  	[tilespmem:s31+$0x0] =	vst.add.f32.msk $0xffff, v6;
	v5 =	vmul.f32 v5, v1  }
0x1d6: {  	s28 =	simm.s32 $0x13180;
	v4 =	vmul.f32 v4, v3;
	v6 =	vld [tilespmem:s18+$0x180]  }
0x1d7: {  	s20 =	simm.s32 $0x13380;
	[tilespmem:s28+$0x0] =	vst.add.f32.msk $0xffff, v5  }
0x1d8: {  	[tilespmem:s20+$0x0] =	vst.add.f32.msk $0xffff, v4  }
0x1d9: {  	v5 =	vld [tilespmem:s17+$0x390]  }
0x1da: {  	v7 =	vmul.f32 v7, v2;
	v4 =	vld [tilespmem:s18+$0x590];
	_ =	sdelay $0x1  }
0x1db: {  	[tilespmem:s28+$0x0] =	vst.add.f32.msk $0xffff, v7;
	v6 =	vmul.f32 v6, v0  }
0x1dc: {  	v7 =	vld [tilespmem:s17+$0xFFFFFF90]  }
0x1dd: {  	[tilespmem:s20+$0x0] =	vst.add.f32.msk $0xffff, v6;
	v5 =	vmul.f32 v5, v1  }
0x1de: {  	s29 =	simm.s32 $0x13190;
	v4 =	vmul.f32 v4, v3;
	v6 =	vld [tilespmem:s18+$0x190]  }
0x1df: {  	s30 =	simm.s32 $0x13390;
	[tilespmem:s29+$0x0] =	vst.add.f32.msk $0xffff, v5  }
0x1e0: {  	[tilespmem:s30+$0x0] =	vst.add.f32.msk $0xffff, v4  }
0x1e1: {  	v5 =	vld [tilespmem:s17+$0x3A0]  }
0x1e2: {  	v7 =	vmul.f32 v7, v2;
	v4 =	vld [tilespmem:s18+$0x5A0];
	_ =	sdelay $0x1  }
0x1e3: {  	[tilespmem:s29+$0x0] =	vst.add.f32.msk $0xffff, v7;
	v6 =	vmul.f32 v6, v0  }
0x1e4: {  	v7 =	vld [tilespmem:s17+$0xFFFFFFA0]  }
0x1e5: {  	[tilespmem:s30+$0x0] =	vst.add.f32.msk $0xffff, v6;
	v5 =	vmul.f32 v5, v1  }
0x1e6: {  	v4 =	vmul.f32 v4, v3;
	v6 =	vld [tilespmem:s18+$0x1A0]  }
0x1e7: {  	s10 =	simm.s32 $0x133A0;
	[tilespmem:s16+$0x0] =	vst.add.f32.msk $0xffff, v5  }
0x1e8: {  	[tilespmem:s10+$0x0] =	vst.add.f32.msk $0xffff, v4  }
0x1e9: {  	v5 =	vld [tilespmem:s17+$0x3B0]  }
0x1ea: {  	v7 =	vmul.f32 v7, v2;
	v4 =	vld [tilespmem:s18+$0x5B0];
	_ =	sdelay $0x1  }
0x1eb: {  	[tilespmem:s16+$0x0] =	vst.add.f32.msk $0xffff, v7;
	v6 =	vmul.f32 v6, v0  }
0x1ec: {  	v7 =	vld [tilespmem:s17+$0xFFFFFFB0]  }
0x1ed: {  	[tilespmem:s10+$0x0] =	vst.add.f32.msk $0xffff, v6;
	v5 =	vmul.f32 v5, v1  }
0x1ee: {  	v4 =	vmul.f32 v4, v3;
	v6 =	vld [tilespmem:s18+$0x1B0]  }
0x1ef: {  	s25 =	simm.s32 $0x133B0;
	[tilespmem:s21+$0x0] =	vst.add.f32.msk $0xffff, v5  }
0x1f0: {  	[tilespmem:s25+$0x0] =	vst.add.f32.msk $0xffff, v4  }
0x1f1: {  	v5 =	vld [tilespmem:s17+$0x3C0]  }
0x1f2: {  	v7 =	vmul.f32 v7, v2;
	v4 =	vld [tilespmem:s18+$0x5C0];
	_ =	sdelay $0x1  }
0x1f3: {  	[tilespmem:s21+$0x0] =	vst.add.f32.msk $0xffff, v7;
	v6 =	vmul.f32 v6, v0  }
0x1f4: {  	v7 =	vld [tilespmem:s17+$0xFFFFFFC0]  }
0x1f5: {  	[tilespmem:s25+$0x0] =	vst.add.f32.msk $0xffff, v6;
	v5 =	vmul.f32 v5, v1  }
0x1f6: {  	v4 =	vmul.f32 v4, v3;
	v6 =	vld [tilespmem:s18+$0x1C0]  }
0x1f7: {  	s20 =	simm.s32 $0x133C0;
	[tilespmem:s22+$0x0] =	vst.add.f32.msk $0xffff, v5  }
0x1f8: {  	[tilespmem:s20+$0x0] =	vst.add.f32.msk $0xffff, v4  }
0x1f9: {  	v5 =	vld [tilespmem:s17+$0x3D0]  }
0x1fa: {  	v7 =	vmul.f32 v7, v2;
	v4 =	vld [tilespmem:s18+$0x5D0];
	_ =	sdelay $0x1  }
0x1fb: {  	[tilespmem:s22+$0x0] =	vst.add.f32.msk $0xffff, v7;
	v6 =	vmul.f32 v6, v0  }
0x1fc: {  	v7 =	vld [tilespmem:s17+$0xFFFFFFD0]  }
0x1fd: {  	[tilespmem:s20+$0x0] =	vst.add.f32.msk $0xffff, v6;
	v5 =	vmul.f32 v5, v1  }
0x1fe: {  	v4 =	vmul.f32 v4, v3;
	v6 =	vld [tilespmem:s18+$0x1D0]  }
0x1ff: {  	s26 =	simm.s32 $0x133D0;
	[tilespmem:s23+$0x0] =	vst.add.f32.msk $0xffff, v5  }
0x200: {  	[tilespmem:s26+$0x0] =	vst.add.f32.msk $0xffff, v4  }
0x201: {  	v5 =	vld [tilespmem:s17+$0x3E0]  }
0x202: {  	v7 =	vmul.f32 v7, v2;
	v4 =	vld [tilespmem:s18+$0x5E0];
	_ =	sdelay $0x1  }
0x203: {  	[tilespmem:s23+$0x0] =	vst.add.f32.msk $0xffff, v7;
	v6 =	vmul.f32 v6, v0  }
0x204: {  	v7 =	vld [tilespmem:s17+$0xFFFFFFE0]  }
0x205: {  	[tilespmem:s26+$0x0] =	vst.add.f32.msk $0xffff, v6;
	v5 =	vmul.f32 v5, v1  }
0x206: {  	v4 =	vmul.f32 v4, v3;
	v6 =	vld [tilespmem:s18+$0x1E0]  }
0x207: {  	s28 =	simm.s32 $0x133E0;
	[tilespmem:s24+$0x0] =	vst.add.f32.msk $0xffff, v5  }
0x208: {  	[tilespmem:s28+$0x0] =	vst.add.f32.msk $0xffff, v4  }
0x209: {  	v5 =	vmul.f32 v7, v2;
	v4 =	vld [tilespmem:s18+$0x5F0]  }
0x20a: {  	v7 =	vld [tilespmem:s17+$0x3F0]  }
0x20b: {  	[tilespmem:s24+$0x0] =	vst.add.f32.msk $0xffff, v5;
	v5 =	vmul.f32 v6, v0  }
0x20c: {  	v6 =	vld [tilespmem:s17+$0xFFFFFFF0]  }
0x20d: {  	[tilespmem:s28+$0x0] =	vst.add.f32.msk $0xffff, v5  }
0x20e: {  	v3 =	vmul.f32 v4, v3;
	v5 =	vld [tilespmem:s18+$0x1F0]  }
0x20f: {  	s29 =	simm.s32 $0x133F0;
	v4 =	vmul.f32 v7, v1  }
0x210: {  	s19 =	simm.s32 $0x131F0;
	[tilespmem:s29+$0x0] =	vst.add.f32.msk $0xffff, v3  }
0x211: {  	[tilespmem:s19+$0x0] =	vst.add.f32.msk $0xffff, v4  }
0x212: {  	s20 =	simm.s32 $0x1300;
	s18 =	simm.s32 $0x3E00;
	s19 =	simm.s32 $0x3;
	v6 =	vmul.f32 v6, v2;
	v7 =	vld [tilespmem:s17+$0x400]  }
.LBB2_3:
0x213: {  	v4 =	vld [tilespmem:s20+$0x0];
	s17 =	sadd.s32 $0x800, s17;
	v3 =	vmul.f32 v5, v0;
	v0 =	vmov v2  }
0x214: {  	s19 =	sadd.s32 $0x2, s19;
	v5 =	vld [tilespmem:s17+$0x200]  }
0x215: {  	p0 =	slt.u32 s19, $0x1D;
	v8 =	vld [tilespmem:s17+$0xFFFFFE00]  }
0x216: {  	s10 =	simm.s32 $0x131F0;
	v2 =	vld [tilespmem:s20+$0xFFFFFF80]  }
0x217: {  	[tilespmem:s10+$0x0] =	vst.add.f32.msk $0xffff, v6;
	v6 =	vmul.f32 v7, v1  }
0x218: {  	v7 =	vld [tilespmem:s18+$0x0]  }
0x219: {  	v5 =	vmul.f32 v5, v4;
	[tilespmem:s3+$0x0] =	vst.add.f32.msk $0xffff, v6  }
0x21a: {  	s28 =	simm.s32 $0x13000;
	v6 =	vld [tilespmem:s18+$0x410]  }
0x21b: {  	v8 =	vmul.f32 v8, v2;
	[tilespmem:s28+$0x0] =	vst.add.f32.msk $0xffff, v5  }
0x21c: {  	v5 =	vld [tilespmem:s17+$0x210]  }
0x21d: {  	[tilespmem:s28+$0x0] =	vst.add.f32.msk $0xffff, v8;
	v7 =	vmul.f32 v7, v0  }
0x21e: {  	v8 =	vld [tilespmem:s17+$0xFFFFFE10]  }
0x21f: {  	[tilespmem:s3+$0x0] =	vst.add.f32.msk $0xffff, v7;
	v6 =	vmul.f32 v6, v1  }
0x220: {  	s29 =	simm.s32 $0x13210;
	v7 =	vld [tilespmem:s18+$0x10]  }
0x221: {  	v5 =	vmul.f32 v5, v4;
	[tilespmem:s29+$0x0] =	vst.add.f32.msk $0xffff, v6  }
0x222: {  	s28 =	simm.s32 $0x13010;
	v6 =	vld [tilespmem:s18+$0x420]  }
0x223: {  	v8 =	vmul.f32 v8, v2;
	[tilespmem:s28+$0x0] =	vst.add.f32.msk $0xffff, v5  }
0x224: {  	v5 =	vld [tilespmem:s17+$0x220]  }
0x225: {  	[tilespmem:s28+$0x0] =	vst.add.f32.msk $0xffff, v8;
	v7 =	vmul.f32 v7, v0  }
0x226: {  	v8 =	vld [tilespmem:s17+$0xFFFFFE20]  }
0x227: {  	[tilespmem:s29+$0x0] =	vst.add.f32.msk $0xffff, v7;
	v6 =	vmul.f32 v6, v1  }
0x228: {  	v7 =	vld [tilespmem:s18+$0x20]  }
0x229: {  	v5 =	vmul.f32 v5, v4;
	[tilespmem:s14+$0x0] =	vst.add.f32.msk $0xffff, v6  }
0x22a: {  	s28 =	simm.s32 $0x13020;
	v6 =	vld [tilespmem:s18+$0x430]  }
0x22b: {  	v8 =	vmul.f32 v8, v2;
	[tilespmem:s28+$0x0] =	vst.add.f32.msk $0xffff, v5  }
0x22c: {  	v5 =	vld [tilespmem:s17+$0x230]  }
0x22d: {  	[tilespmem:s28+$0x0] =	vst.add.f32.msk $0xffff, v8;
	v7 =	vmul.f32 v7, v0  }
0x22e: {  	v8 =	vld [tilespmem:s17+$0xFFFFFE30]  }
0x22f: {  	[tilespmem:s14+$0x0] =	vst.add.f32.msk $0xffff, v7;
	v6 =	vmul.f32 v6, v1  }
0x230: {  	s29 =	simm.s32 $0x13230;
	v7 =	vld [tilespmem:s18+$0x30]  }
0x231: {  	v5 =	vmul.f32 v5, v4;
	[tilespmem:s29+$0x0] =	vst.add.f32.msk $0xffff, v6  }
0x232: {  	s28 =	simm.s32 $0x13030;
	v6 =	vld [tilespmem:s18+$0x440]  }
0x233: {  	v8 =	vmul.f32 v8, v2;
	[tilespmem:s28+$0x0] =	vst.add.f32.msk $0xffff, v5  }
0x234: {  	v5 =	vld [tilespmem:s17+$0x240]  }
0x235: {  	[tilespmem:s28+$0x0] =	vst.add.f32.msk $0xffff, v8;
	v7 =	vmul.f32 v7, v0  }
0x236: {  	v8 =	vld [tilespmem:s17+$0xFFFFFE40]  }
0x237: {  	[tilespmem:s29+$0x0] =	vst.add.f32.msk $0xffff, v7;
	v6 =	vmul.f32 v6, v1  }
0x238: {  	v7 =	vld [tilespmem:s18+$0x40]  }
0x239: {  	v5 =	vmul.f32 v5, v4;
	[tilespmem:s2+$0x0] =	vst.add.f32.msk $0xffff, v6  }
0x23a: {  	s28 =	simm.s32 $0x13040;
	v6 =	vld [tilespmem:s18+$0x450]  }
0x23b: {  	v8 =	vmul.f32 v8, v2;
	[tilespmem:s28+$0x0] =	vst.add.f32.msk $0xffff, v5  }
0x23c: {  	v5 =	vld [tilespmem:s17+$0x250]  }
0x23d: {  	[tilespmem:s28+$0x0] =	vst.add.f32.msk $0xffff, v8;
	v7 =	vmul.f32 v7, v0  }
0x23e: {  	v8 =	vld [tilespmem:s17+$0xFFFFFE50]  }
0x23f: {  	[tilespmem:s2+$0x0] =	vst.add.f32.msk $0xffff, v7;
	v6 =	vmul.f32 v6, v1  }
0x240: {  	v7 =	vld [tilespmem:s18+$0x50]  }
0x241: {  	v5 =	vmul.f32 v5, v4;
	[tilespmem:s6+$0x0] =	vst.add.f32.msk $0xffff, v6  }
0x242: {  	s28 =	simm.s32 $0x13050;
	v6 =	vld [tilespmem:s18+$0x460]  }
0x243: {  	v8 =	vmul.f32 v8, v2;
	[tilespmem:s28+$0x0] =	vst.add.f32.msk $0xffff, v5  }
0x244: {  	v5 =	vld [tilespmem:s17+$0x260]  }
0x245: {  	[tilespmem:s28+$0x0] =	vst.add.f32.msk $0xffff, v8;
	v7 =	vmul.f32 v7, v0  }
0x246: {  	v8 =	vld [tilespmem:s17+$0xFFFFFE60]  }
0x247: {  	[tilespmem:s6+$0x0] =	vst.add.f32.msk $0xffff, v7;
	v6 =	vmul.f32 v6, v1  }
0x248: {  	v7 =	vld [tilespmem:s18+$0x60]  }
0x249: {  	v5 =	vmul.f32 v5, v4;
	[tilespmem:s5+$0x0] =	vst.add.f32.msk $0xffff, v6  }
0x24a: {  	s28 =	simm.s32 $0x13060;
	v6 =	vld [tilespmem:s18+$0x470]  }
0x24b: {  	v8 =	vmul.f32 v8, v2;
	[tilespmem:s28+$0x0] =	vst.add.f32.msk $0xffff, v5  }
0x24c: {  	v5 =	vld [tilespmem:s17+$0x270]  }
0x24d: {  	[tilespmem:s28+$0x0] =	vst.add.f32.msk $0xffff, v8;
	v7 =	vmul.f32 v7, v0  }
0x24e: {  	v8 =	vld [tilespmem:s17+$0xFFFFFE70]  }
0x24f: {  	[tilespmem:s5+$0x0] =	vst.add.f32.msk $0xffff, v7;
	v6 =	vmul.f32 v6, v1  }
0x250: {  	v7 =	vld [tilespmem:s18+$0x70]  }
0x251: {  	v5 =	vmul.f32 v5, v4;
	[tilespmem:s4+$0x0] =	vst.add.f32.msk $0xffff, v6  }
0x252: {  	s28 =	simm.s32 $0x13070;
	v6 =	vld [tilespmem:s18+$0x480]  }
0x253: {  	v8 =	vmul.f32 v8, v2;
	[tilespmem:s28+$0x0] =	vst.add.f32.msk $0xffff, v5  }
0x254: {  	v5 =	vld [tilespmem:s17+$0x280]  }
0x255: {  	[tilespmem:s28+$0x0] =	vst.add.f32.msk $0xffff, v8;
	v7 =	vmul.f32 v7, v0  }
0x256: {  	v8 =	vld [tilespmem:s17+$0xFFFFFE80]  }
0x257: {  	[tilespmem:s4+$0x0] =	vst.add.f32.msk $0xffff, v7;
	v6 =	vmul.f32 v6, v1  }
0x258: {  	s9 =	simm.s32 $0x13280;
	v7 =	vld [tilespmem:s18+$0x80]  }
0x259: {  	v5 =	vmul.f32 v5, v4;
	[tilespmem:s9+$0x0] =	vst.add.f32.msk $0xffff, v6  }
0x25a: {  	v6 =	vld [tilespmem:s18+$0x490]  }
0x25b: {  	v8 =	vmul.f32 v8, v2;
	[tilespmem:s15+$0x0] =	vst.add.f32.msk $0xffff, v5  }
0x25c: {  	v5 =	vld [tilespmem:s17+$0x290]  }
0x25d: {  	[tilespmem:s15+$0x0] =	vst.add.f32.msk $0xffff, v8;
	v7 =	vmul.f32 v7, v0  }
0x25e: {  	v8 =	vld [tilespmem:s17+$0xFFFFFE90]  }
0x25f: {  	[tilespmem:s9+$0x0] =	vst.add.f32.msk $0xffff, v7;
	v6 =	vmul.f32 v6, v1  }
0x260: {  	v7 =	vld [tilespmem:s18+$0x90]  }
0x261: {  	v5 =	vmul.f32 v5, v4;
	[tilespmem:s13+$0x0] =	vst.add.f32.msk $0xffff, v6  }
0x262: {  	s9 =	simm.s32 $0x13090;
	v6 =	vld [tilespmem:s18+$0x4A0]  }
0x263: {  	v8 =	vmul.f32 v8, v2;
	[tilespmem:s9+$0x0] =	vst.add.f32.msk $0xffff, v5  }
0x264: {  	v5 =	vld [tilespmem:s17+$0x2A0]  }
0x265: {  	[tilespmem:s9+$0x0] =	vst.add.f32.msk $0xffff, v8;
	v7 =	vmul.f32 v7, v0  }
0x266: {  	v8 =	vld [tilespmem:s17+$0xFFFFFEA0]  }
0x267: {  	[tilespmem:s13+$0x0] =	vst.add.f32.msk $0xffff, v7;
	v6 =	vmul.f32 v6, v1  }
0x268: {  	s28 =	simm.s32 $0x132A0;
	v7 =	vld [tilespmem:s18+$0xA0]  }
0x269: {  	v5 =	vmul.f32 v5, v4;
	[tilespmem:s28+$0x0] =	vst.add.f32.msk $0xffff, v6  }
0x26a: {  	s9 =	simm.s32 $0x130A0;
	v6 =	vld [tilespmem:s18+$0x4B0]  }
0x26b: {  	v8 =	vmul.f32 v8, v2;
	[tilespmem:s9+$0x0] =	vst.add.f32.msk $0xffff, v5  }
0x26c: {  	v5 =	vld [tilespmem:s17+$0x2B0]  }
0x26d: {  	[tilespmem:s9+$0x0] =	vst.add.f32.msk $0xffff, v8;
	v7 =	vmul.f32 v7, v0  }
0x26e: {  	v8 =	vld [tilespmem:s17+$0xFFFFFEB0]  }
0x26f: {  	[tilespmem:s28+$0x0] =	vst.add.f32.msk $0xffff, v7;
	v6 =	vmul.f32 v6, v1  }
0x270: {  	v7 =	vld [tilespmem:s18+$0xB0]  }
0x271: {  	v5 =	vmul.f32 v5, v4;
	[tilespmem:s12+$0x0] =	vst.add.f32.msk $0xffff, v6  }
0x272: {  	s9 =	simm.s32 $0x130B0;
	v6 =	vld [tilespmem:s18+$0x4C0]  }
0x273: {  	v8 =	vmul.f32 v8, v2;
	[tilespmem:s9+$0x0] =	vst.add.f32.msk $0xffff, v5  }
0x274: {  	v5 =	vld [tilespmem:s17+$0x2C0]  }
0x275: {  	[tilespmem:s9+$0x0] =	vst.add.f32.msk $0xffff, v8;
	v7 =	vmul.f32 v7, v0  }
0x276: {  	v8 =	vld [tilespmem:s17+$0xFFFFFEC0]  }
0x277: {  	[tilespmem:s12+$0x0] =	vst.add.f32.msk $0xffff, v7;
	v6 =	vmul.f32 v6, v1  }
0x278: {  	s28 =	simm.s32 $0x132C0;
	v7 =	vld [tilespmem:s18+$0xC0]  }
0x279: {  	v5 =	vmul.f32 v5, v4;
	[tilespmem:s28+$0x0] =	vst.add.f32.msk $0xffff, v6  }
0x27a: {  	s9 =	simm.s32 $0x130C0;
	v6 =	vld [tilespmem:s18+$0x4D0]  }
0x27b: {  	v8 =	vmul.f32 v8, v2;
	[tilespmem:s9+$0x0] =	vst.add.f32.msk $0xffff, v5  }
0x27c: {  	v5 =	vld [tilespmem:s17+$0x2D0]  }
0x27d: {  	[tilespmem:s9+$0x0] =	vst.add.f32.msk $0xffff, v8;
	v7 =	vmul.f32 v7, v0  }
0x27e: {  	v8 =	vld [tilespmem:s17+$0xFFFFFED0]  }
0x27f: {  	[tilespmem:s28+$0x0] =	vst.add.f32.msk $0xffff, v7;
	v6 =	vmul.f32 v6, v1  }
0x280: {  	v7 =	vld [tilespmem:s18+$0xD0]  }
0x281: {  	v5 =	vmul.f32 v5, v4;
	[tilespmem:s8+$0x0] =	vst.add.f32.msk $0xffff, v6  }
0x282: {  	s9 =	simm.s32 $0x130D0;
	v6 =	vld [tilespmem:s18+$0x4E0]  }
0x283: {  	v8 =	vmul.f32 v8, v2;
	[tilespmem:s9+$0x0] =	vst.add.f32.msk $0xffff, v5  }
0x284: {  	v5 =	vld [tilespmem:s17+$0x2E0]  }
0x285: {  	[tilespmem:s9+$0x0] =	vst.add.f32.msk $0xffff, v8;
	v7 =	vmul.f32 v7, v0  }
0x286: {  	v8 =	vld [tilespmem:s17+$0xFFFFFEE0]  }
0x287: {  	[tilespmem:s8+$0x0] =	vst.add.f32.msk $0xffff, v7;
	v6 =	vmul.f32 v6, v1  }
0x288: {  	s28 =	simm.s32 $0x132E0;
	v7 =	vld [tilespmem:s18+$0xE0]  }
0x289: {  	v5 =	vmul.f32 v5, v4;
	[tilespmem:s28+$0x0] =	vst.add.f32.msk $0xffff, v6  }
0x28a: {  	s9 =	simm.s32 $0x130E0;
	v6 =	vld [tilespmem:s18+$0x4F0]  }
0x28b: {  	v8 =	vmul.f32 v8, v2;
	[tilespmem:s9+$0x0] =	vst.add.f32.msk $0xffff, v5  }
0x28c: {  	v5 =	vld [tilespmem:s17+$0x2F0]  }
0x28d: {  	[tilespmem:s9+$0x0] =	vst.add.f32.msk $0xffff, v8;
	v7 =	vmul.f32 v7, v0  }
0x28e: {  	v8 =	vld [tilespmem:s17+$0xFFFFFEF0]  }
0x28f: {  	[tilespmem:s28+$0x0] =	vst.add.f32.msk $0xffff, v7;
	v6 =	vmul.f32 v6, v1  }
0x290: {  	v7 =	vld [tilespmem:s18+$0xF0]  }
0x291: {  	v5 =	vmul.f32 v5, v4;
	[tilespmem:s7+$0x0] =	vst.add.f32.msk $0xffff, v6  }
0x292: {  	s9 =	simm.s32 $0x130F0;
	v6 =	vld [tilespmem:s18+$0x500]  }
0x293: {  	v8 =	vmul.f32 v8, v2;
	[tilespmem:s9+$0x0] =	vst.add.f32.msk $0xffff, v5  }
0x294: {  	v5 =	vld [tilespmem:s17+$0x300]  }
0x295: {  	[tilespmem:s9+$0x0] =	vst.add.f32.msk $0xffff, v8;
	v7 =	vmul.f32 v7, v0  }
0x296: {  	v8 =	vld [tilespmem:s17+$0xFFFFFF00]  }
0x297: {  	[tilespmem:s7+$0x0] =	vst.add.f32.msk $0xffff, v7;
	v6 =	vmul.f32 v6, v1  }
0x298: {  	s28 =	simm.s32 $0x13300;
	v7 =	vld [tilespmem:s18+$0x100]  }
0x299: {  	v5 =	vmul.f32 v5, v4;
	[tilespmem:s28+$0x0] =	vst.add.f32.msk $0xffff, v6  }
0x29a: {  	s9 =	simm.s32 $0x13100;
	v6 =	vld [tilespmem:s18+$0x510]  }
0x29b: {  	v8 =	vmul.f32 v8, v2;
	[tilespmem:s9+$0x0] =	vst.add.f32.msk $0xffff, v5  }
0x29c: {  	v5 =	vld [tilespmem:s17+$0x310]  }
0x29d: {  	[tilespmem:s9+$0x0] =	vst.add.f32.msk $0xffff, v8;
	v7 =	vmul.f32 v7, v0  }
0x29e: {  	v8 =	vld [tilespmem:s17+$0xFFFFFF10]  }
0x29f: {  	[tilespmem:s28+$0x0] =	vst.add.f32.msk $0xffff, v7;
	v6 =	vmul.f32 v6, v1  }
0x2a0: {  	v7 =	vld [tilespmem:s18+$0x110]  }
0x2a1: {  	v5 =	vmul.f32 v5, v4;
	[tilespmem:s11+$0x0] =	vst.add.f32.msk $0xffff, v6  }
0x2a2: {  	s9 =	simm.s32 $0x13110;
	v6 =	vld [tilespmem:s18+$0x520]  }
0x2a3: {  	v8 =	vmul.f32 v8, v2;
	[tilespmem:s9+$0x0] =	vst.add.f32.msk $0xffff, v5  }
0x2a4: {  	v5 =	vld [tilespmem:s17+$0x320]  }
0x2a5: {  	[tilespmem:s9+$0x0] =	vst.add.f32.msk $0xffff, v8;
	v7 =	vmul.f32 v7, v0  }
0x2a6: {  	v8 =	vld [tilespmem:s17+$0xFFFFFF20]  }
0x2a7: {  	[tilespmem:s11+$0x0] =	vst.add.f32.msk $0xffff, v7;
	v6 =	vmul.f32 v6, v1  }
0x2a8: {  	s28 =	simm.s32 $0x13320;
	v7 =	vld [tilespmem:s18+$0x120]  }
0x2a9: {  	v5 =	vmul.f32 v5, v4;
	[tilespmem:s28+$0x0] =	vst.add.f32.msk $0xffff, v6  }
0x2aa: {  	s9 =	simm.s32 $0x13120;
	v6 =	vld [tilespmem:s18+$0x530]  }
0x2ab: {  	v8 =	vmul.f32 v8, v2;
	[tilespmem:s9+$0x0] =	vst.add.f32.msk $0xffff, v5  }
0x2ac: {  	v5 =	vld [tilespmem:s17+$0x330]  }
0x2ad: {  	[tilespmem:s9+$0x0] =	vst.add.f32.msk $0xffff, v8;
	v7 =	vmul.f32 v7, v0  }
0x2ae: {  	v8 =	vld [tilespmem:s17+$0xFFFFFF30]  }
0x2af: {  	[tilespmem:s28+$0x0] =	vst.add.f32.msk $0xffff, v7;
	v6 =	vmul.f32 v6, v1  }
0x2b0: {  	v7 =	vld [tilespmem:s18+$0x130]  }
0x2b1: {  	v5 =	vmul.f32 v5, v4;
	[tilespmem:s1+$0x0] =	vst.add.f32.msk $0xffff, v6  }
0x2b2: {  	s9 =	simm.s32 $0x13130;
	v6 =	vld [tilespmem:s18+$0x540]  }
0x2b3: {  	v8 =	vmul.f32 v8, v2;
	[tilespmem:s9+$0x0] =	vst.add.f32.msk $0xffff, v5  }
0x2b4: {  	v5 =	vld [tilespmem:s17+$0x340]  }
0x2b5: {  	[tilespmem:s9+$0x0] =	vst.add.f32.msk $0xffff, v8;
	v7 =	vmul.f32 v7, v0  }
0x2b6: {  	v8 =	vld [tilespmem:s17+$0xFFFFFF40]  }
0x2b7: {  	[tilespmem:s1+$0x0] =	vst.add.f32.msk $0xffff, v7;
	v6 =	vmul.f32 v6, v1  }
0x2b8: {  	s28 =	simm.s32 $0x13340;
	v7 =	vld [tilespmem:s18+$0x140]  }
0x2b9: {  	v5 =	vmul.f32 v5, v4;
	[tilespmem:s28+$0x0] =	vst.add.f32.msk $0xffff, v6  }
0x2ba: {  	s9 =	simm.s32 $0x13140;
	v6 =	vld [tilespmem:s18+$0x550]  }
0x2bb: {  	v8 =	vmul.f32 v8, v2;
	[tilespmem:s9+$0x0] =	vst.add.f32.msk $0xffff, v5  }
0x2bc: {  	v5 =	vld [tilespmem:s17+$0x350]  }
0x2bd: {  	[tilespmem:s9+$0x0] =	vst.add.f32.msk $0xffff, v8;
	v7 =	vmul.f32 v7, v0  }
0x2be: {  	v8 =	vld [tilespmem:s17+$0xFFFFFF50]  }
0x2bf: {  	[tilespmem:s28+$0x0] =	vst.add.f32.msk $0xffff, v7;
	v6 =	vmul.f32 v6, v1  }
0x2c0: {  	v7 =	vld [tilespmem:s18+$0x150]  }
0x2c1: {  	v5 =	vmul.f32 v5, v4;
	[tilespmem:s0+$0x0] =	vst.add.f32.msk $0xffff, v6  }
0x2c2: {  	s9 =	simm.s32 $0x13150;
	v6 =	vld [tilespmem:s18+$0x560]  }
0x2c3: {  	v8 =	vmul.f32 v8, v2;
	[tilespmem:s9+$0x0] =	vst.add.f32.msk $0xffff, v5  }
0x2c4: {  	v5 =	vld [tilespmem:s17+$0x360]  }
0x2c5: {  	[tilespmem:s9+$0x0] =	vst.add.f32.msk $0xffff, v8;
	v7 =	vmul.f32 v7, v0  }
0x2c6: {  	v8 =	vld [tilespmem:s17+$0xFFFFFF60]  }
0x2c7: {  	[tilespmem:s0+$0x0] =	vst.add.f32.msk $0xffff, v7;
	v6 =	vmul.f32 v6, v1  }
0x2c8: {  	s28 =	simm.s32 $0x13360;
	v7 =	vld [tilespmem:s18+$0x160]  }
0x2c9: {  	v5 =	vmul.f32 v5, v4;
	[tilespmem:s28+$0x0] =	vst.add.f32.msk $0xffff, v6  }
0x2ca: {  	s9 =	simm.s32 $0x13160;
	v6 =	vld [tilespmem:s18+$0x570]  }
0x2cb: {  	v8 =	vmul.f32 v8, v2;
	[tilespmem:s9+$0x0] =	vst.add.f32.msk $0xffff, v5  }
0x2cc: {  	v5 =	vld [tilespmem:s17+$0x370]  }
0x2cd: {  	[tilespmem:s9+$0x0] =	vst.add.f32.msk $0xffff, v8;
	v7 =	vmul.f32 v7, v0  }
0x2ce: {  	v8 =	vld [tilespmem:s17+$0xFFFFFF70]  }
0x2cf: {  	[tilespmem:s28+$0x0] =	vst.add.f32.msk $0xffff, v7;
	v6 =	vmul.f32 v6, v1  }
0x2d0: {  	v7 =	vld [tilespmem:s18+$0x170]  }
0x2d1: {  	v5 =	vmul.f32 v5, v4;
	[tilespmem:s31+$0x0] =	vst.add.f32.msk $0xffff, v6  }
0x2d2: {  	s9 =	simm.s32 $0x13170;
	v6 =	vld [tilespmem:s18+$0x580]  }
0x2d3: {  	v8 =	vmul.f32 v8, v2;
	[tilespmem:s9+$0x0] =	vst.add.f32.msk $0xffff, v5  }
0x2d4: {  	v5 =	vld [tilespmem:s17+$0x380]  }
0x2d5: {  	[tilespmem:s9+$0x0] =	vst.add.f32.msk $0xffff, v8;
	v7 =	vmul.f32 v7, v0  }
0x2d6: {  	v8 =	vld [tilespmem:s17+$0xFFFFFF80]  }
0x2d7: {  	[tilespmem:s31+$0x0] =	vst.add.f32.msk $0xffff, v7;
	v6 =	vmul.f32 v6, v1  }
0x2d8: {  	s28 =	simm.s32 $0x13380;
	v7 =	vld [tilespmem:s18+$0x180]  }
0x2d9: {  	v5 =	vmul.f32 v5, v4;
	[tilespmem:s28+$0x0] =	vst.add.f32.msk $0xffff, v6  }
0x2da: {  	s9 =	simm.s32 $0x13180;
	v6 =	vld [tilespmem:s18+$0x590]  }
0x2db: {  	v8 =	vmul.f32 v8, v2;
	[tilespmem:s9+$0x0] =	vst.add.f32.msk $0xffff, v5  }
0x2dc: {  	v5 =	vld [tilespmem:s17+$0x390]  }
0x2dd: {  	[tilespmem:s9+$0x0] =	vst.add.f32.msk $0xffff, v8;
	v7 =	vmul.f32 v7, v0  }
0x2de: {  	v8 =	vld [tilespmem:s17+$0xFFFFFF90]  }
0x2df: {  	[tilespmem:s28+$0x0] =	vst.add.f32.msk $0xffff, v7;
	v6 =	vmul.f32 v6, v1  }
0x2e0: {  	v7 =	vld [tilespmem:s18+$0x190]  }
0x2e1: {  	v5 =	vmul.f32 v5, v4;
	[tilespmem:s30+$0x0] =	vst.add.f32.msk $0xffff, v6  }
0x2e2: {  	s9 =	simm.s32 $0x13190;
	v6 =	vld [tilespmem:s18+$0x5A0]  }
0x2e3: {  	v8 =	vmul.f32 v8, v2;
	[tilespmem:s9+$0x0] =	vst.add.f32.msk $0xffff, v5  }
0x2e4: {  	v5 =	vld [tilespmem:s17+$0x3A0]  }
0x2e5: {  	[tilespmem:s9+$0x0] =	vst.add.f32.msk $0xffff, v8;
	v7 =	vmul.f32 v7, v0  }
0x2e6: {  	v8 =	vld [tilespmem:s17+$0xFFFFFFA0]  }
0x2e7: {  	[tilespmem:s30+$0x0] =	vst.add.f32.msk $0xffff, v7;
	v6 =	vmul.f32 v6, v1  }
0x2e8: {  	s28 =	simm.s32 $0x133A0;
	v7 =	vld [tilespmem:s18+$0x1A0]  }
0x2e9: {  	v5 =	vmul.f32 v5, v4;
	[tilespmem:s28+$0x0] =	vst.add.f32.msk $0xffff, v6  }
0x2ea: {  	v6 =	vld [tilespmem:s18+$0x5B0]  }
0x2eb: {  	v8 =	vmul.f32 v8, v2;
	[tilespmem:s16+$0x0] =	vst.add.f32.msk $0xffff, v5  }
0x2ec: {  	v5 =	vld [tilespmem:s17+$0x3B0]  }
0x2ed: {  	[tilespmem:s16+$0x0] =	vst.add.f32.msk $0xffff, v8;
	v7 =	vmul.f32 v7, v0  }
0x2ee: {  	v8 =	vld [tilespmem:s17+$0xFFFFFFB0]  }
0x2ef: {  	[tilespmem:s28+$0x0] =	vst.add.f32.msk $0xffff, v7;
	v6 =	vmul.f32 v6, v1  }
0x2f0: {  	v7 =	vld [tilespmem:s18+$0x1B0]  }
0x2f1: {  	v5 =	vmul.f32 v5, v4;
	[tilespmem:s25+$0x0] =	vst.add.f32.msk $0xffff, v6  }
0x2f2: {  	v6 =	vld [tilespmem:s18+$0x5C0]  }
0x2f3: {  	v8 =	vmul.f32 v8, v2;
	[tilespmem:s21+$0x0] =	vst.add.f32.msk $0xffff, v5  }
0x2f4: {  	v5 =	vld [tilespmem:s17+$0x3C0]  }
0x2f5: {  	[tilespmem:s21+$0x0] =	vst.add.f32.msk $0xffff, v8;
	v7 =	vmul.f32 v7, v0  }
0x2f6: {  	v8 =	vld [tilespmem:s17+$0xFFFFFFC0]  }
0x2f7: {  	[tilespmem:s25+$0x0] =	vst.add.f32.msk $0xffff, v7;
	v6 =	vmul.f32 v6, v1  }
0x2f8: {  	s28 =	simm.s32 $0x133C0;
	v7 =	vld [tilespmem:s18+$0x1C0]  }
0x2f9: {  	v5 =	vmul.f32 v5, v4;
	[tilespmem:s28+$0x0] =	vst.add.f32.msk $0xffff, v6  }
0x2fa: {  	v6 =	vld [tilespmem:s18+$0x5D0]  }
0x2fb: {  	v8 =	vmul.f32 v8, v2;
	[tilespmem:s22+$0x0] =	vst.add.f32.msk $0xffff, v5  }
0x2fc: {  	v5 =	vld [tilespmem:s17+$0x3D0]  }
0x2fd: {  	[tilespmem:s22+$0x0] =	vst.add.f32.msk $0xffff, v8;
	v7 =	vmul.f32 v7, v0  }
0x2fe: {  	v8 =	vld [tilespmem:s17+$0xFFFFFFD0]  }
0x2ff: {  	[tilespmem:s28+$0x0] =	vst.add.f32.msk $0xffff, v7;
	v6 =	vmul.f32 v6, v1  }
0x300: {  	v7 =	vld [tilespmem:s18+$0x1D0]  }
0x301: {  	v5 =	vmul.f32 v5, v4;
	[tilespmem:s26+$0x0] =	vst.add.f32.msk $0xffff, v6  }
0x302: {  	v6 =	vld [tilespmem:s18+$0x5E0]  }
0x303: {  	v8 =	vmul.f32 v8, v2;
	[tilespmem:s23+$0x0] =	vst.add.f32.msk $0xffff, v5  }
0x304: {  	v5 =	vld [tilespmem:s17+$0x3E0]  }
0x305: {  	[tilespmem:s23+$0x0] =	vst.add.f32.msk $0xffff, v8;
	v7 =	vmul.f32 v7, v0  }
0x306: {  	v8 =	vld [tilespmem:s17+$0xFFFFFFE0]  }
0x307: {  	[tilespmem:s26+$0x0] =	vst.add.f32.msk $0xffff, v7;
	v6 =	vmul.f32 v6, v1  }
0x308: {  	s28 =	simm.s32 $0x133E0;
	v7 =	vld [tilespmem:s18+$0x1E0]  }
0x309: {  	v5 =	vmul.f32 v5, v4;
	[tilespmem:s28+$0x0] =	vst.add.f32.msk $0xffff, v6  }
0x30a: {  	v6 =	vld [tilespmem:s18+$0x5F0]  }
0x30b: {  	v8 =	vmul.f32 v8, v2;
	[tilespmem:s24+$0x0] =	vst.add.f32.msk $0xffff, v5  }
0x30c: {  	v9 =	vld [tilespmem:s17+$0x3F0]  }
0x30d: {  	[tilespmem:s24+$0x0] =	vst.add.f32.msk $0xffff, v8;
	v5 =	vmul.f32 v7, v0  }
0x30e: {  	v7 =	vld [tilespmem:s17+$0xFFFFFFF0]  }
0x30f: {  	[tilespmem:s28+$0x0] =	vst.add.f32.msk $0xffff, v5;
	v6 =	vmul.f32 v6, v1;
	v1 =	vmov v4  }
.Ltmp0:
0x310: {  	s9 =	simm.s32 $0x133F0;
	v5 =	vld [tilespmem:s18+$0x1F0];
	s18 =	smov.u32 s17;
	(pc) =	sbr.rel @p0 .LBB2_3-.Ltmp0, $4  }
0x311: {  	v4 =	vmul.f32 v9, v1;
	[tilespmem:s9+$0x0] =	vst.add.f32.msk $0xffff, v6  }
0x312: {  	[tilespmem:s9+$0x0] =	vst.add.f32.msk $0xffff, v3  }
0x313: {  	v6 =	vmul.f32 v7, v2;
	[tilespmem:s10+$0x0] =	vst.add.f32.msk $0xffff, v4  }
0x314: {  	s20 =	sadd.s32 $0x100, s20;
	v7 =	vld [tilespmem:s17+$0x400]  }
0x315: {  	s9 =	simm.s32 $0x131F0  }
0x316: {  	[tilespmem:s9+$0x0] =	vst.add.f32.msk $0xffff, v6  }
0x317: {  	v3 =	vld [tilespmem:s18+$0x0];
	_ =	sdelay $0x2  }
0x318: {  	v4 =	vmul.f32 v7, v1;
	_ =	sdelay $0x1  }
0x319: {  	[tilespmem:s3+$0x0] =	vst.add.f32.msk $0xffff, v4;
	v3 =	vmul.f32 v3, v2  }
0x31a: {  	v4 =	vld [tilespmem:s18+$0x410]  }
0x31b: {  	[tilespmem:s3+$0x0] =	vst.add.f32.msk $0xffff, v3  }
0x31c: {  	v3 =	vld [tilespmem:s18+$0x10];
	_ =	sdelay $0x2  }
0x31d: {  	v4 =	vmul.f32 v4, v1  }
0x31e: {  	s19 =	simm.s32 $0x13210  }
0x31f: {  	[tilespmem:s19+$0x0] =	vst.add.f32.msk $0xffff, v4;
	v3 =	vmul.f32 v3, v2  }
0x320: {  	v4 =	vld [tilespmem:s18+$0x420]  }
0x321: {  	[tilespmem:s19+$0x0] =	vst.add.f32.msk $0xffff, v3  }
0x322: {  	v3 =	vld [tilespmem:s18+$0x20];
	_ =	sdelay $0x2  }
0x323: {  	v4 =	vmul.f32 v4, v1;
	_ =	sdelay $0x1  }
0x324: {  	[tilespmem:s14+$0x0] =	vst.add.f32.msk $0xffff, v4;
	v3 =	vmul.f32 v3, v2  }
0x325: {  	v4 =	vld [tilespmem:s18+$0x430]  }
0x326: {  	[tilespmem:s14+$0x0] =	vst.add.f32.msk $0xffff, v3  }
0x327: {  	v3 =	vld [tilespmem:s18+$0x30];
	_ =	sdelay $0x2  }
0x328: {  	v4 =	vmul.f32 v4, v1  }
0x329: {  	s20 =	simm.s32 $0x13230  }
0x32a: {  	[tilespmem:s20+$0x0] =	vst.add.f32.msk $0xffff, v4;
	v3 =	vmul.f32 v3, v2  }
0x32b: {  	v4 =	vld [tilespmem:s18+$0x440]  }
0x32c: {  	[tilespmem:s20+$0x0] =	vst.add.f32.msk $0xffff, v3  }
0x32d: {  	v3 =	vld [tilespmem:s18+$0x40];
	_ =	sdelay $0x2  }
0x32e: {  	v4 =	vmul.f32 v4, v1;
	_ =	sdelay $0x1  }
0x32f: {  	[tilespmem:s2+$0x0] =	vst.add.f32.msk $0xffff, v4;
	v3 =	vmul.f32 v3, v2  }
0x330: {  	v4 =	vld [tilespmem:s18+$0x450]  }
0x331: {  	[tilespmem:s2+$0x0] =	vst.add.f32.msk $0xffff, v3  }
0x332: {  	v3 =	vld [tilespmem:s18+$0x50];
	_ =	sdelay $0x2  }
0x333: {  	v4 =	vmul.f32 v4, v1;
	_ =	sdelay $0x1  }
0x334: {  	[tilespmem:s6+$0x0] =	vst.add.f32.msk $0xffff, v4;
	v3 =	vmul.f32 v3, v2  }
0x335: {  	v4 =	vld [tilespmem:s18+$0x460]  }
0x336: {  	[tilespmem:s6+$0x0] =	vst.add.f32.msk $0xffff, v3  }
0x337: {  	v3 =	vld [tilespmem:s18+$0x60];
	_ =	sdelay $0x2  }
0x338: {  	v4 =	vmul.f32 v4, v1;
	_ =	sdelay $0x1  }
0x339: {  	[tilespmem:s5+$0x0] =	vst.add.f32.msk $0xffff, v4;
	v3 =	vmul.f32 v3, v2  }
0x33a: {  	v4 =	vld [tilespmem:s18+$0x470]  }
0x33b: {  	[tilespmem:s5+$0x0] =	vst.add.f32.msk $0xffff, v3  }
0x33c: {  	v3 =	vld [tilespmem:s18+$0x70];
	_ =	sdelay $0x2  }
0x33d: {  	v4 =	vmul.f32 v4, v1;
	_ =	sdelay $0x1  }
0x33e: {  	[tilespmem:s4+$0x0] =	vst.add.f32.msk $0xffff, v4;
	v3 =	vmul.f32 v3, v2  }
0x33f: {  	v4 =	vld [tilespmem:s18+$0x480]  }
0x340: {  	[tilespmem:s4+$0x0] =	vst.add.f32.msk $0xffff, v3  }
0x341: {  	v3 =	vld [tilespmem:s18+$0x80];
	_ =	sdelay $0x2  }
0x342: {  	v4 =	vmul.f32 v4, v1  }
0x343: {  	s28 =	simm.s32 $0x13280  }
0x344: {  	[tilespmem:s28+$0x0] =	vst.add.f32.msk $0xffff, v4;
	v3 =	vmul.f32 v3, v2  }
0x345: {  	v4 =	vld [tilespmem:s18+$0x490]  }
0x346: {  	[tilespmem:s28+$0x0] =	vst.add.f32.msk $0xffff, v3  }
0x347: {  	v3 =	vld [tilespmem:s18+$0x90];
	_ =	sdelay $0x2  }
0x348: {  	v4 =	vmul.f32 v4, v1;
	_ =	sdelay $0x1  }
0x349: {  	[tilespmem:s13+$0x0] =	vst.add.f32.msk $0xffff, v4;
	v3 =	vmul.f32 v3, v2  }
0x34a: {  	v4 =	vld [tilespmem:s18+$0x4A0]  }
0x34b: {  	[tilespmem:s13+$0x0] =	vst.add.f32.msk $0xffff, v3  }
0x34c: {  	v3 =	vld [tilespmem:s18+$0xA0];
	_ =	sdelay $0x2  }
0x34d: {  	v4 =	vmul.f32 v4, v1  }
0x34e: {  	s17 =	simm.s32 $0x132A0  }
0x34f: {  	[tilespmem:s17+$0x0] =	vst.add.f32.msk $0xffff, v4;
	v3 =	vmul.f32 v3, v2  }
0x350: {  	v4 =	vld [tilespmem:s18+$0x4B0]  }
0x351: {  	[tilespmem:s17+$0x0] =	vst.add.f32.msk $0xffff, v3  }
0x352: {  	v3 =	vld [tilespmem:s18+$0xB0];
	_ =	sdelay $0x2  }
0x353: {  	v4 =	vmul.f32 v4, v1;
	_ =	sdelay $0x1  }
0x354: {  	[tilespmem:s12+$0x0] =	vst.add.f32.msk $0xffff, v4;
	v3 =	vmul.f32 v3, v2  }
0x355: {  	v4 =	vld [tilespmem:s18+$0x4C0]  }
0x356: {  	[tilespmem:s12+$0x0] =	vst.add.f32.msk $0xffff, v3  }
0x357: {  	v3 =	vld [tilespmem:s18+$0xC0];
	_ =	sdelay $0x2  }
0x358: {  	v4 =	vmul.f32 v4, v1  }
0x359: {  	s19 =	simm.s32 $0x132C0  }
0x35a: {  	[tilespmem:s19+$0x0] =	vst.add.f32.msk $0xffff, v4;
	v3 =	vmul.f32 v3, v2  }
0x35b: {  	v4 =	vld [tilespmem:s18+$0x4D0]  }
0x35c: {  	[tilespmem:s19+$0x0] =	vst.add.f32.msk $0xffff, v3  }
0x35d: {  	v3 =	vld [tilespmem:s18+$0xD0];
	_ =	sdelay $0x2  }
0x35e: {  	v4 =	vmul.f32 v4, v1;
	_ =	sdelay $0x1  }
0x35f: {  	[tilespmem:s8+$0x0] =	vst.add.f32.msk $0xffff, v4;
	v3 =	vmul.f32 v3, v2  }
0x360: {  	v4 =	vld [tilespmem:s18+$0x4E0]  }
0x361: {  	[tilespmem:s8+$0x0] =	vst.add.f32.msk $0xffff, v3  }
0x362: {  	v3 =	vld [tilespmem:s18+$0xE0];
	_ =	sdelay $0x2  }
0x363: {  	v4 =	vmul.f32 v4, v1  }
0x364: {  	s20 =	simm.s32 $0x132E0  }
0x365: {  	[tilespmem:s20+$0x0] =	vst.add.f32.msk $0xffff, v4;
	v3 =	vmul.f32 v3, v2  }
0x366: {  	v4 =	vld [tilespmem:s18+$0x4F0]  }
0x367: {  	[tilespmem:s20+$0x0] =	vst.add.f32.msk $0xffff, v3  }
0x368: {  	v3 =	vld [tilespmem:s18+$0xF0];
	_ =	sdelay $0x2  }
0x369: {  	v4 =	vmul.f32 v4, v1;
	_ =	sdelay $0x1  }
0x36a: {  	[tilespmem:s7+$0x0] =	vst.add.f32.msk $0xffff, v4;
	v3 =	vmul.f32 v3, v2  }
0x36b: {  	v4 =	vld [tilespmem:s18+$0x500]  }
0x36c: {  	[tilespmem:s7+$0x0] =	vst.add.f32.msk $0xffff, v3  }
0x36d: {  	v3 =	vld [tilespmem:s18+$0x100];
	_ =	sdelay $0x2  }
0x36e: {  	v4 =	vmul.f32 v4, v1  }
0x36f: {  	s28 =	simm.s32 $0x13300  }
0x370: {  	[tilespmem:s28+$0x0] =	vst.add.f32.msk $0xffff, v4;
	v3 =	vmul.f32 v3, v2  }
0x371: {  	v4 =	vld [tilespmem:s18+$0x510]  }
0x372: {  	[tilespmem:s28+$0x0] =	vst.add.f32.msk $0xffff, v3  }
0x373: {  	v3 =	vld [tilespmem:s18+$0x110];
	_ =	sdelay $0x2  }
0x374: {  	v4 =	vmul.f32 v4, v1;
	_ =	sdelay $0x1  }
0x375: {  	[tilespmem:s11+$0x0] =	vst.add.f32.msk $0xffff, v4;
	v3 =	vmul.f32 v3, v2  }
0x376: {  	v4 =	vld [tilespmem:s18+$0x520]  }
0x377: {  	[tilespmem:s11+$0x0] =	vst.add.f32.msk $0xffff, v3  }
0x378: {  	v3 =	vld [tilespmem:s18+$0x120];
	_ =	sdelay $0x2  }
0x379: {  	v4 =	vmul.f32 v4, v1  }
0x37a: {  	s17 =	simm.s32 $0x13320  }
0x37b: {  	[tilespmem:s17+$0x0] =	vst.add.f32.msk $0xffff, v4;
	v3 =	vmul.f32 v3, v2  }
0x37c: {  	v4 =	vld [tilespmem:s18+$0x530]  }
0x37d: {  	[tilespmem:s17+$0x0] =	vst.add.f32.msk $0xffff, v3  }
0x37e: {  	v3 =	vld [tilespmem:s18+$0x130];
	_ =	sdelay $0x2  }
0x37f: {  	v4 =	vmul.f32 v4, v1;
	_ =	sdelay $0x1  }
0x380: {  	[tilespmem:s1+$0x0] =	vst.add.f32.msk $0xffff, v4;
	v3 =	vmul.f32 v3, v2  }
0x381: {  	v4 =	vld [tilespmem:s18+$0x540]  }
0x382: {  	[tilespmem:s1+$0x0] =	vst.add.f32.msk $0xffff, v3  }
0x383: {  	v3 =	vld [tilespmem:s18+$0x140];
	_ =	sdelay $0x2  }
0x384: {  	v4 =	vmul.f32 v4, v1  }
0x385: {  	s19 =	simm.s32 $0x13340  }
0x386: {  	[tilespmem:s19+$0x0] =	vst.add.f32.msk $0xffff, v4;
	v3 =	vmul.f32 v3, v2  }
0x387: {  	v4 =	vld [tilespmem:s18+$0x550]  }
0x388: {  	[tilespmem:s19+$0x0] =	vst.add.f32.msk $0xffff, v3  }
0x389: {  	v3 =	vld [tilespmem:s18+$0x150];
	_ =	sdelay $0x2  }
0x38a: {  	v4 =	vmul.f32 v4, v1;
	_ =	sdelay $0x1  }
0x38b: {  	[tilespmem:s0+$0x0] =	vst.add.f32.msk $0xffff, v4;
	v3 =	vmul.f32 v3, v2  }
0x38c: {  	v4 =	vld [tilespmem:s18+$0x560]  }
0x38d: {  	[tilespmem:s0+$0x0] =	vst.add.f32.msk $0xffff, v3  }
0x38e: {  	v3 =	vld [tilespmem:s18+$0x160];
	_ =	sdelay $0x2  }
0x38f: {  	v4 =	vmul.f32 v4, v1  }
0x390: {  	s20 =	simm.s32 $0x13360  }
0x391: {  	[tilespmem:s20+$0x0] =	vst.add.f32.msk $0xffff, v4;
	v3 =	vmul.f32 v3, v2  }
0x392: {  	v4 =	vld [tilespmem:s18+$0x570]  }
0x393: {  	[tilespmem:s20+$0x0] =	vst.add.f32.msk $0xffff, v3  }
0x394: {  	v3 =	vld [tilespmem:s18+$0x170];
	_ =	sdelay $0x2  }
0x395: {  	v4 =	vmul.f32 v4, v1;
	_ =	sdelay $0x1  }
0x396: {  	[tilespmem:s31+$0x0] =	vst.add.f32.msk $0xffff, v4;
	v3 =	vmul.f32 v3, v2  }
0x397: {  	v4 =	vld [tilespmem:s18+$0x580]  }
0x398: {  	[tilespmem:s31+$0x0] =	vst.add.f32.msk $0xffff, v3  }
0x399: {  	v3 =	vld [tilespmem:s18+$0x180];
	_ =	sdelay $0x2  }
0x39a: {  	v4 =	vmul.f32 v4, v1  }
0x39b: {  	s28 =	simm.s32 $0x13380  }
0x39c: {  	[tilespmem:s28+$0x0] =	vst.add.f32.msk $0xffff, v4;
	v3 =	vmul.f32 v3, v2  }
0x39d: {  	v4 =	vld [tilespmem:s18+$0x590]  }
0x39e: {  	[tilespmem:s28+$0x0] =	vst.add.f32.msk $0xffff, v3  }
0x39f: {  	v3 =	vld [tilespmem:s18+$0x190];
	_ =	sdelay $0x2  }
0x3a0: {  	v4 =	vmul.f32 v4, v1;
	_ =	sdelay $0x1  }
0x3a1: {  	[tilespmem:s30+$0x0] =	vst.add.f32.msk $0xffff, v4;
	v3 =	vmul.f32 v3, v2  }
0x3a2: {  	v4 =	vld [tilespmem:s18+$0x5A0]  }
0x3a3: {  	[tilespmem:s30+$0x0] =	vst.add.f32.msk $0xffff, v3  }
0x3a4: {  	v3 =	vld [tilespmem:s18+$0x1A0];
	_ =	sdelay $0x2  }
0x3a5: {  	v4 =	vmul.f32 v4, v1  }
0x3a6: {  	s17 =	simm.s32 $0x133A0  }
0x3a7: {  	[tilespmem:s17+$0x0] =	vst.add.f32.msk $0xffff, v4;
	v3 =	vmul.f32 v3, v2  }
0x3a8: {  	v4 =	vld [tilespmem:s18+$0x5B0]  }
0x3a9: {  	[tilespmem:s17+$0x0] =	vst.add.f32.msk $0xffff, v3  }
0x3aa: {  	v3 =	vld [tilespmem:s18+$0x1B0];
	_ =	sdelay $0x2  }
0x3ab: {  	v4 =	vmul.f32 v4, v1;
	_ =	sdelay $0x1  }
0x3ac: {  	[tilespmem:s25+$0x0] =	vst.add.f32.msk $0xffff, v4;
	v3 =	vmul.f32 v3, v2  }
0x3ad: {  	v4 =	vld [tilespmem:s18+$0x5C0]  }
0x3ae: {  	[tilespmem:s25+$0x0] =	vst.add.f32.msk $0xffff, v3  }
0x3af: {  	v3 =	vld [tilespmem:s18+$0x1C0];
	_ =	sdelay $0x2  }
0x3b0: {  	v4 =	vmul.f32 v4, v1  }
0x3b1: {  	s19 =	simm.s32 $0x133C0  }
0x3b2: {  	[tilespmem:s19+$0x0] =	vst.add.f32.msk $0xffff, v4;
	v3 =	vmul.f32 v3, v2  }
0x3b3: {  	v4 =	vld [tilespmem:s18+$0x5D0]  }
0x3b4: {  	[tilespmem:s19+$0x0] =	vst.add.f32.msk $0xffff, v3  }
0x3b5: {  	v3 =	vld [tilespmem:s18+$0x1D0];
	_ =	sdelay $0x2  }
0x3b6: {  	v4 =	vmul.f32 v4, v1;
	_ =	sdelay $0x1  }
0x3b7: {  	[tilespmem:s26+$0x0] =	vst.add.f32.msk $0xffff, v4;
	v3 =	vmul.f32 v3, v2  }
0x3b8: {  	v4 =	vld [tilespmem:s18+$0x5E0]  }
0x3b9: {  	[tilespmem:s26+$0x0] =	vst.add.f32.msk $0xffff, v3  }
0x3ba: {  	v3 =	vld [tilespmem:s18+$0x1E0];
	_ =	sdelay $0x2  }
0x3bb: {  	v4 =	vmul.f32 v4, v1  }
0x3bc: {  	s20 =	simm.s32 $0x133E0  }
0x3bd: {  	[tilespmem:s20+$0x0] =	vst.add.f32.msk $0xffff, v4;
	v3 =	vmul.f32 v3, v2  }
0x3be: {  	v4 =	vld [tilespmem:s18+$0x5F0]  }
0x3bf: {  	[tilespmem:s20+$0x0] =	vst.add.f32.msk $0xffff, v3  }
0x3c0: {  	v3 =	vld [tilespmem:s18+$0x1F0];
	_ =	sdelay $0x2  }
0x3c1: {  	v1 =	vmul.f32 v4, v1  }
0x3c2: {  	v0 =	vmul.f32 v5, v0;
	s28 =	simm.s32 $0x133F0  }
0x3c3: {  	[tilespmem:s28+$0x0] =	vst.add.f32.msk $0xffff, v1;
	v1 =	vmul.f32 v3, v2  }
0x3c4: {  	[tilespmem:s28+$0x0] =	vst.add.f32.msk $0xffff, v0  }
0x3c5: {  	[tilespmem:s28+$0x0] =	vst.add.f32.msk $0xffff, v1  }
0x3c6: {  	v0 =	vld [tilespmem:$0x1F80]  }
0x3c7: {  	v1 =	vld [tilespmem:$0xAC00];
	_ =	sdelay $0x4  }
0x3c8: {  	v1 =	vmul.f32 v1, v0  }
0x3c9: {  	s28 =	simm.s32 $0x13000  }
0x3ca: {  	[tilespmem:s28+$0x0] =	vst.add.f32.msk $0xffff, v1  }
0x3cb: {  	v1 =	vld [tilespmem:$0xAC10];
	_ =	sdelay $0x4  }
0x3cc: {  	v1 =	vmul.f32 v1, v0  }
0x3cd: {  	s18 =	simm.s32 $0x13010  }
0x3ce: {  	[tilespmem:s18+$0x0] =	vst.add.f32.msk $0xffff, v1  }
0x3cf: {  	v1 =	vld [tilespmem:$0xAC20];
	_ =	sdelay $0x4  }
0x3d0: {  	v1 =	vmul.f32 v1, v0  }
0x3d1: {  	s18 =	simm.s32 $0x13020  }
0x3d2: {  	[tilespmem:s18+$0x0] =	vst.add.f32.msk $0xffff, v1  }
0x3d3: {  	v1 =	vld [tilespmem:$0xAC30];
	_ =	sdelay $0x4  }
0x3d4: {  	v1 =	vmul.f32 v1, v0  }
0x3d5: {  	s18 =	simm.s32 $0x13030  }
0x3d6: {  	[tilespmem:s18+$0x0] =	vst.add.f32.msk $0xffff, v1  }
0x3d7: {  	v1 =	vld [tilespmem:$0xAC40];
	_ =	sdelay $0x4  }
0x3d8: {  	v1 =	vmul.f32 v1, v0  }
0x3d9: {  	s18 =	simm.s32 $0x13040  }
0x3da: {  	[tilespmem:s18+$0x0] =	vst.add.f32.msk $0xffff, v1  }
0x3db: {  	v1 =	vld [tilespmem:$0xAC50];
	_ =	sdelay $0x4  }
0x3dc: {  	v1 =	vmul.f32 v1, v0  }
0x3dd: {  	s18 =	simm.s32 $0x13050  }
0x3de: {  	[tilespmem:s18+$0x0] =	vst.add.f32.msk $0xffff, v1  }
0x3df: {  	v1 =	vld [tilespmem:$0xAC60];
	_ =	sdelay $0x4  }
0x3e0: {  	v1 =	vmul.f32 v1, v0  }
0x3e1: {  	s18 =	simm.s32 $0x13060  }
0x3e2: {  	[tilespmem:s18+$0x0] =	vst.add.f32.msk $0xffff, v1  }
0x3e3: {  	v1 =	vld [tilespmem:$0xAC70];
	_ =	sdelay $0x4  }
0x3e4: {  	v1 =	vmul.f32 v1, v0  }
0x3e5: {  	s18 =	simm.s32 $0x13070  }
0x3e6: {  	[tilespmem:s18+$0x0] =	vst.add.f32.msk $0xffff, v1  }
0x3e7: {  	v1 =	vld [tilespmem:$0xAC80];
	_ =	sdelay $0x4  }
0x3e8: {  	v1 =	vmul.f32 v1, v0;
	_ =	sdelay $0x1  }
0x3e9: {  	[tilespmem:s15+$0x0] =	vst.add.f32.msk $0xffff, v1  }
0x3ea: {  	v1 =	vld [tilespmem:$0xAC90];
	_ =	sdelay $0x4  }
0x3eb: {  	v1 =	vmul.f32 v1, v0  }
0x3ec: {  	s18 =	simm.s32 $0x13090  }
0x3ed: {  	[tilespmem:s18+$0x0] =	vst.add.f32.msk $0xffff, v1  }
0x3ee: {  	v1 =	vld [tilespmem:$0xACA0];
	_ =	sdelay $0x4  }
0x3ef: {  	v1 =	vmul.f32 v1, v0  }
0x3f0: {  	s18 =	simm.s32 $0x130A0  }
0x3f1: {  	[tilespmem:s18+$0x0] =	vst.add.f32.msk $0xffff, v1  }
0x3f2: {  	v1 =	vld [tilespmem:$0xACB0];
	_ =	sdelay $0x4  }
0x3f3: {  	v1 =	vmul.f32 v1, v0  }
0x3f4: {  	s9 =	simm.s32 $0x130B0  }
0x3f5: {  	[tilespmem:s9+$0x0] =	vst.add.f32.msk $0xffff, v1  }
0x3f6: {  	v1 =	vld [tilespmem:$0xACC0];
	_ =	sdelay $0x4  }
0x3f7: {  	v1 =	vmul.f32 v1, v0  }
0x3f8: {  	s9 =	simm.s32 $0x130C0  }
0x3f9: {  	[tilespmem:s9+$0x0] =	vst.add.f32.msk $0xffff, v1  }
0x3fa: {  	v1 =	vld [tilespmem:$0xACD0];
	_ =	sdelay $0x4  }
0x3fb: {  	v1 =	vmul.f32 v1, v0  }
0x3fc: {  	s9 =	simm.s32 $0x130D0  }
0x3fd: {  	[tilespmem:s9+$0x0] =	vst.add.f32.msk $0xffff, v1  }
0x3fe: {  	v1 =	vld [tilespmem:$0xACE0];
	_ =	sdelay $0x4  }
0x3ff: {  	v1 =	vmul.f32 v1, v0  }
0x400: {  	s9 =	simm.s32 $0x130E0  }
0x401: {  	[tilespmem:s9+$0x0] =	vst.add.f32.msk $0xffff, v1  }
0x402: {  	v1 =	vld [tilespmem:$0xACF0];
	_ =	sdelay $0x4  }
0x403: {  	v1 =	vmul.f32 v1, v0  }
0x404: {  	s9 =	simm.s32 $0x130F0  }
0x405: {  	[tilespmem:s9+$0x0] =	vst.add.f32.msk $0xffff, v1  }
0x406: {  	v1 =	vld [tilespmem:$0xAD00];
	_ =	sdelay $0x4  }
0x407: {  	v1 =	vmul.f32 v1, v0  }
0x408: {  	s9 =	simm.s32 $0x13100  }
0x409: {  	[tilespmem:s9+$0x0] =	vst.add.f32.msk $0xffff, v1  }
0x40a: {  	v1 =	vld [tilespmem:$0xAD10];
	_ =	sdelay $0x4  }
0x40b: {  	v1 =	vmul.f32 v1, v0  }
0x40c: {  	s9 =	simm.s32 $0x13110  }
0x40d: {  	[tilespmem:s9+$0x0] =	vst.add.f32.msk $0xffff, v1  }
0x40e: {  	v1 =	vld [tilespmem:$0xAD20];
	_ =	sdelay $0x4  }
0x40f: {  	v1 =	vmul.f32 v1, v0  }
0x410: {  	s9 =	simm.s32 $0x13120  }
0x411: {  	[tilespmem:s9+$0x0] =	vst.add.f32.msk $0xffff, v1  }
0x412: {  	v1 =	vld [tilespmem:$0xAD30];
	_ =	sdelay $0x4  }
0x413: {  	v1 =	vmul.f32 v1, v0  }
0x414: {  	s9 =	simm.s32 $0x13130  }
0x415: {  	[tilespmem:s9+$0x0] =	vst.add.f32.msk $0xffff, v1  }
0x416: {  	v1 =	vld [tilespmem:$0xAD40];
	_ =	sdelay $0x4  }
0x417: {  	v1 =	vmul.f32 v1, v0  }
0x418: {  	s9 =	simm.s32 $0x13140  }
0x419: {  	[tilespmem:s9+$0x0] =	vst.add.f32.msk $0xffff, v1  }
0x41a: {  	v1 =	vld [tilespmem:$0xAD50];
	_ =	sdelay $0x4  }
0x41b: {  	v1 =	vmul.f32 v1, v0  }
0x41c: {  	s9 =	simm.s32 $0x13150  }
0x41d: {  	[tilespmem:s9+$0x0] =	vst.add.f32.msk $0xffff, v1  }
0x41e: {  	v1 =	vld [tilespmem:$0xAD60];
	_ =	sdelay $0x4  }
0x41f: {  	v1 =	vmul.f32 v1, v0  }
0x420: {  	s9 =	simm.s32 $0x13160  }
0x421: {  	[tilespmem:s9+$0x0] =	vst.add.f32.msk $0xffff, v1  }
0x422: {  	v1 =	vld [tilespmem:$0xAD70];
	_ =	sdelay $0x4  }
0x423: {  	v1 =	vmul.f32 v1, v0  }
0x424: {  	s9 =	simm.s32 $0x13170  }
0x425: {  	[tilespmem:s9+$0x0] =	vst.add.f32.msk $0xffff, v1  }
0x426: {  	v1 =	vld [tilespmem:$0xAD80];
	_ =	sdelay $0x4  }
0x427: {  	v1 =	vmul.f32 v1, v0  }
0x428: {  	s9 =	simm.s32 $0x13180  }
0x429: {  	[tilespmem:s9+$0x0] =	vst.add.f32.msk $0xffff, v1  }
0x42a: {  	v1 =	vld [tilespmem:$0xAD90];
	_ =	sdelay $0x4  }
0x42b: {  	v1 =	vmul.f32 v1, v0  }
0x42c: {  	s9 =	simm.s32 $0x13190  }
0x42d: {  	[tilespmem:s9+$0x0] =	vst.add.f32.msk $0xffff, v1  }
0x42e: {  	v1 =	vld [tilespmem:$0xADA0];
	_ =	sdelay $0x4  }
0x42f: {  	v1 =	vmul.f32 v1, v0;
	_ =	sdelay $0x1  }
0x430: {  	[tilespmem:s16+$0x0] =	vst.add.f32.msk $0xffff, v1  }
0x431: {  	v1 =	vld [tilespmem:$0xADB0];
	_ =	sdelay $0x4  }
0x432: {  	v1 =	vmul.f32 v1, v0;
	_ =	sdelay $0x1  }
0x433: {  	[tilespmem:s21+$0x0] =	vst.add.f32.msk $0xffff, v1  }
0x434: {  	v1 =	vld [tilespmem:$0xADC0];
	_ =	sdelay $0x4  }
0x435: {  	v1 =	vmul.f32 v1, v0;
	_ =	sdelay $0x1  }
0x436: {  	[tilespmem:s22+$0x0] =	vst.add.f32.msk $0xffff, v1  }
0x437: {  	v1 =	vld [tilespmem:$0xADD0];
	_ =	sdelay $0x4  }
0x438: {  	v1 =	vmul.f32 v1, v0;
	_ =	sdelay $0x1  }
0x439: {  	[tilespmem:s23+$0x0] =	vst.add.f32.msk $0xffff, v1  }
0x43a: {  	v1 =	vld [tilespmem:$0xADE0];
	_ =	sdelay $0x4  }
0x43b: {  	v1 =	vmul.f32 v1, v0;
	_ =	sdelay $0x1  }
0x43c: {  	[tilespmem:s24+$0x0] =	vst.add.f32.msk $0xffff, v1  }
0x43d: {  	v1 =	vld [tilespmem:$0xADF0];
	_ =	sdelay $0x4  }
0x43e: {  	v1 =	vmul.f32 v1, v0  }
0x43f: {  	s10 =	simm.s32 $0x131F0  }
0x440: {  	[tilespmem:s10+$0x0] =	vst.add.f32.msk $0xffff, v1  }
0x441: {  	v1 =	vld [tilespmem:$0xAE00];
	_ =	sdelay $0x4  }
0x442: {  	v1 =	vmul.f32 v1, v0;
	_ =	sdelay $0x1  }
0x443: {  	[tilespmem:s3+$0x0] =	vst.add.f32.msk $0xffff, v1  }
0x444: {  	v1 =	vld [tilespmem:$0xAE10];
	_ =	sdelay $0x4  }
0x445: {  	v1 =	vmul.f32 v1, v0  }
0x446: {  	s29 =	simm.s32 $0x13210  }
0x447: {  	[tilespmem:s29+$0x0] =	vst.add.f32.msk $0xffff, v1  }
0x448: {  	v1 =	vld [tilespmem:$0xAE20];
	_ =	sdelay $0x4  }
0x449: {  	v1 =	vmul.f32 v1, v0;
	_ =	sdelay $0x1  }
0x44a: {  	[tilespmem:s14+$0x0] =	vst.add.f32.msk $0xffff, v1  }
0x44b: {  	v1 =	vld [tilespmem:$0xAE30];
	_ =	sdelay $0x4  }
0x44c: {  	v1 =	vmul.f32 v1, v0  }
0x44d: {  	s10 =	simm.s32 $0x13230  }
0x44e: {  	[tilespmem:s10+$0x0] =	vst.add.f32.msk $0xffff, v1  }
0x44f: {  	v1 =	vld [tilespmem:$0xAE40];
	_ =	sdelay $0x4  }
0x450: {  	v1 =	vmul.f32 v1, v0;
	_ =	sdelay $0x1  }
0x451: {  	[tilespmem:s2+$0x0] =	vst.add.f32.msk $0xffff, v1  }
0x452: {  	v1 =	vld [tilespmem:$0xAE50];
	_ =	sdelay $0x4  }
0x453: {  	v1 =	vmul.f32 v1, v0;
	_ =	sdelay $0x1  }
0x454: {  	[tilespmem:s6+$0x0] =	vst.add.f32.msk $0xffff, v1  }
0x455: {  	v1 =	vld [tilespmem:$0xAE60];
	_ =	sdelay $0x4  }
0x456: {  	v1 =	vmul.f32 v1, v0;
	_ =	sdelay $0x1  }
0x457: {  	[tilespmem:s5+$0x0] =	vst.add.f32.msk $0xffff, v1  }
0x458: {  	v1 =	vld [tilespmem:$0xAE70];
	_ =	sdelay $0x4  }
0x459: {  	v1 =	vmul.f32 v1, v0;
	_ =	sdelay $0x1  }
0x45a: {  	[tilespmem:s4+$0x0] =	vst.add.f32.msk $0xffff, v1  }
0x45b: {  	v1 =	vld [tilespmem:$0xAE80];
	_ =	sdelay $0x4  }
0x45c: {  	v1 =	vmul.f32 v1, v0  }
0x45d: {  	s18 =	simm.s32 $0x13280  }
0x45e: {  	[tilespmem:s18+$0x0] =	vst.add.f32.msk $0xffff, v1  }
0x45f: {  	v1 =	vld [tilespmem:$0xAE90];
	_ =	sdelay $0x4  }
0x460: {  	v1 =	vmul.f32 v1, v0;
	_ =	sdelay $0x1  }
0x461: {  	[tilespmem:s13+$0x0] =	vst.add.f32.msk $0xffff, v1  }
0x462: {  	v1 =	vld [tilespmem:$0xAEA0];
	_ =	sdelay $0x4  }
0x463: {  	v1 =	vmul.f32 v1, v0  }
0x464: {  	s29 =	simm.s32 $0x132A0  }
0x465: {  	[tilespmem:s29+$0x0] =	vst.add.f32.msk $0xffff, v1  }
0x466: {  	v1 =	vld [tilespmem:$0xAEB0];
	_ =	sdelay $0x4  }
0x467: {  	v1 =	vmul.f32 v1, v0;
	_ =	sdelay $0x1  }
0x468: {  	[tilespmem:s12+$0x0] =	vst.add.f32.msk $0xffff, v1  }
0x469: {  	v1 =	vld [tilespmem:$0xAEC0];
	_ =	sdelay $0x4  }
0x46a: {  	v1 =	vmul.f32 v1, v0  }
0x46b: {  	s10 =	simm.s32 $0x132C0  }
0x46c: {  	[tilespmem:s10+$0x0] =	vst.add.f32.msk $0xffff, v1  }
0x46d: {  	v1 =	vld [tilespmem:$0xAED0];
	_ =	sdelay $0x4  }
0x46e: {  	v1 =	vmul.f32 v1, v0;
	_ =	sdelay $0x1  }
0x46f: {  	[tilespmem:s8+$0x0] =	vst.add.f32.msk $0xffff, v1  }
0x470: {  	v1 =	vld [tilespmem:$0xAEE0];
	_ =	sdelay $0x4  }
0x471: {  	v1 =	vmul.f32 v1, v0  }
0x472: {  	s18 =	simm.s32 $0x132E0  }
0x473: {  	[tilespmem:s18+$0x0] =	vst.add.f32.msk $0xffff, v1  }
0x474: {  	v1 =	vld [tilespmem:$0xAEF0];
	_ =	sdelay $0x4  }
0x475: {  	v1 =	vmul.f32 v1, v0;
	_ =	sdelay $0x1  }
0x476: {  	[tilespmem:s7+$0x0] =	vst.add.f32.msk $0xffff, v1  }
0x477: {  	v1 =	vld [tilespmem:$0xAF00];
	_ =	sdelay $0x4  }
0x478: {  	v1 =	vmul.f32 v1, v0  }
0x479: {  	s29 =	simm.s32 $0x13300  }
0x47a: {  	[tilespmem:s29+$0x0] =	vst.add.f32.msk $0xffff, v1  }
0x47b: {  	v1 =	vld [tilespmem:$0xAF10];
	_ =	sdelay $0x4  }
0x47c: {  	v1 =	vmul.f32 v1, v0;
	_ =	sdelay $0x1  }
0x47d: {  	[tilespmem:s11+$0x0] =	vst.add.f32.msk $0xffff, v1  }
0x47e: {  	v1 =	vld [tilespmem:$0xAF20];
	_ =	sdelay $0x4  }
0x47f: {  	v1 =	vmul.f32 v1, v0  }
0x480: {  	s10 =	simm.s32 $0x13320  }
0x481: {  	[tilespmem:s10+$0x0] =	vst.add.f32.msk $0xffff, v1  }
0x482: {  	v1 =	vld [tilespmem:$0xAF30];
	_ =	sdelay $0x4  }
0x483: {  	v1 =	vmul.f32 v1, v0;
	_ =	sdelay $0x1  }
0x484: {  	[tilespmem:s1+$0x0] =	vst.add.f32.msk $0xffff, v1  }
0x485: {  	v1 =	vld [tilespmem:$0xAF40];
	_ =	sdelay $0x4  }
0x486: {  	v1 =	vmul.f32 v1, v0  }
0x487: {  	s18 =	simm.s32 $0x13340  }
0x488: {  	[tilespmem:s18+$0x0] =	vst.add.f32.msk $0xffff, v1  }
0x489: {  	v1 =	vld [tilespmem:$0xAF50];
	_ =	sdelay $0x4  }
0x48a: {  	v1 =	vmul.f32 v1, v0;
	_ =	sdelay $0x1  }
0x48b: {  	[tilespmem:s0+$0x0] =	vst.add.f32.msk $0xffff, v1  }
0x48c: {  	v1 =	vld [tilespmem:$0xAF60];
	_ =	sdelay $0x4  }
0x48d: {  	v1 =	vmul.f32 v1, v0  }
0x48e: {  	s29 =	simm.s32 $0x13360  }
0x48f: {  	[tilespmem:s29+$0x0] =	vst.add.f32.msk $0xffff, v1  }
0x490: {  	v1 =	vld [tilespmem:$0xAF70];
	_ =	sdelay $0x4  }
0x491: {  	v1 =	vmul.f32 v1, v0;
	_ =	sdelay $0x1  }
0x492: {  	[tilespmem:s31+$0x0] =	vst.add.f32.msk $0xffff, v1  }
0x493: {  	v1 =	vld [tilespmem:$0xAF80];
	_ =	sdelay $0x4  }
0x494: {  	v1 =	vmul.f32 v1, v0  }
0x495: {  	s10 =	simm.s32 $0x13380  }
0x496: {  	[tilespmem:s10+$0x0] =	vst.add.f32.msk $0xffff, v1  }
0x497: {  	v1 =	vld [tilespmem:$0xAF90];
	_ =	sdelay $0x4  }
0x498: {  	v1 =	vmul.f32 v1, v0;
	_ =	sdelay $0x1  }
0x499: {  	[tilespmem:s30+$0x0] =	vst.add.f32.msk $0xffff, v1  }
0x49a: {  	v1 =	vld [tilespmem:$0xAFA0];
	_ =	sdelay $0x4  }
0x49b: {  	v1 =	vmul.f32 v1, v0  }
0x49c: {  	s18 =	simm.s32 $0x133A0  }
0x49d: {  	[tilespmem:s18+$0x0] =	vst.add.f32.msk $0xffff, v1  }
0x49e: {  	v1 =	vld [tilespmem:$0xAFB0];
	_ =	sdelay $0x4  }
0x49f: {  	v1 =	vmul.f32 v1, v0;
	_ =	sdelay $0x1  }
0x4a0: {  	[tilespmem:s25+$0x0] =	vst.add.f32.msk $0xffff, v1  }
0x4a1: {  	v1 =	vld [tilespmem:$0xAFC0];
	_ =	sdelay $0x4  }
0x4a2: {  	v1 =	vmul.f32 v1, v0  }
0x4a3: {  	s17 =	simm.s32 $0x133C0  }
0x4a4: {  	[tilespmem:s17+$0x0] =	vst.add.f32.msk $0xffff, v1  }
0x4a5: {  	v1 =	vld [tilespmem:$0xAFD0];
	_ =	sdelay $0x4  }
0x4a6: {  	v1 =	vmul.f32 v1, v0;
	_ =	sdelay $0x1  }
0x4a7: {  	[tilespmem:s26+$0x0] =	vst.add.f32.msk $0xffff, v1  }
0x4a8: {  	v1 =	vld [tilespmem:$0xAFE0];
	_ =	sdelay $0x4  }
0x4a9: {  	v1 =	vmul.f32 v1, v0  }
0x4aa: {  	s19 =	simm.s32 $0x133E0  }
0x4ab: {  	[tilespmem:s19+$0x0] =	vst.add.f32.msk $0xffff, v1  }
0x4ac: {  	v1 =	vld [tilespmem:$0xAFF0];
	_ =	sdelay $0x3  }
0x4ad: {  	s20 =	simm.s32 $0x133F0;
	s29 =	rddreg [dreg:$0xa]  }
0x4ae: {  	s9 =	simm.s32 $0x2;
	p0 =	seq.s32 s29, $0x3F;
	s18 =	sadd.s32 $0x1, s29;
	v0 =	vmul.f32 v1, v0  }
0x4af: {  	[dreg:$0xb] =	wrdreg s18;
	s17 =	sshll.u32 @!p0 s18, $0x6;
	s18 =	simm.s32 @!p0 $0x20  }
0x4b0: {  	s17 =	sand.u32 @!p0 $0x3FFFFFC0, s17;
	s19 =	simm.s32 @!p0 $0x3000;
	[tilespmem:s20+$0x0] =	vst.add.f32.msk $0xffff, v0;
	s20 =	rddreg [dreg:$0x2]  }
0x4b1: {  	[tilespmem:s19], [sflag:$0x1] =	stream.indirect.gather @!p0 [hbm4b:s20+s18], $0x400, s17, s18, $0xb8;
	[tilespmem:$0x13400] =	vst v63  }
0x4b2: {  	_ =	swait.ge [sflag:s9], $0x8000  }
0x4b3: {  	[sflag:s9] =	ssyncset.done $0x0  }
0x4b4: {  	s10 =	simm.s32 $0x2080;
	[sflag:s9] =	ssyncadd.s32 $0xFFFF8000  }
0x4b5: {  	s18 =	simm.s32 $0xB400;
	v3 =	vld [tilespmem:s10+$0x0]  }
0x4b6: {  	v0 =	vld [tilespmem:s18+$0x0];
	_ =	sdelay $0x4  }
0x4b7: {  	v1 =	vld [tilespmem:s18+$0xFFFFFC00];
	v2 =	vmul.f32 v0, v3  }
0x4b8: {  	v0 =	vld [tilespmem:s10+$0xFFFFFF80]  }
0x4b9: {  	[tilespmem:s28+$0x0] =	vst.add.f32.msk $0xffff, v2  }
0x4ba: {  	v2 =	vld [tilespmem:s18+$0x10];
	_ =	sdelay $0x2  }
0x4bb: {  	v1 =	vmul.f32 v1, v0;
	_ =	sdelay $0x1  }
0x4bc: {  	[tilespmem:s28+$0x0] =	vst.add.f32.msk $0xffff, v1;
	v1 =	vmul.f32 v2, v3  }
0x4bd: {  	s17 =	simm.s32 $0x13010;
	v2 =	vld [tilespmem:s18+$0xFFFFFC10]  }
0x4be: {  	[tilespmem:s17+$0x0] =	vst.add.f32.msk $0xffff, v1  }
0x4bf: {  	v1 =	vld [tilespmem:s18+$0x20];
	_ =	sdelay $0x2  }
0x4c0: {  	v2 =	vmul.f32 v2, v0;
	_ =	sdelay $0x1  }
0x4c1: {  	[tilespmem:s17+$0x0] =	vst.add.f32.msk $0xffff, v2;
	v1 =	vmul.f32 v1, v3  }
0x4c2: {  	s19 =	simm.s32 $0x13020;
	v2 =	vld [tilespmem:s18+$0xFFFFFC20]  }
0x4c3: {  	[tilespmem:s19+$0x0] =	vst.add.f32.msk $0xffff, v1  }
0x4c4: {  	v1 =	vld [tilespmem:s18+$0x30];
	_ =	sdelay $0x2  }
0x4c5: {  	v2 =	vmul.f32 v2, v0;
	_ =	sdelay $0x1  }
0x4c6: {  	[tilespmem:s19+$0x0] =	vst.add.f32.msk $0xffff, v2;
	v1 =	vmul.f32 v1, v3  }
0x4c7: {  	s20 =	simm.s32 $0x13030;
	v2 =	vld [tilespmem:s18+$0xFFFFFC30]  }
0x4c8: {  	[tilespmem:s20+$0x0] =	vst.add.f32.msk $0xffff, v1  }
0x4c9: {  	v1 =	vld [tilespmem:s18+$0x40];
	_ =	sdelay $0x2  }
0x4ca: {  	v2 =	vmul.f32 v2, v0;
	_ =	sdelay $0x1  }
0x4cb: {  	[tilespmem:s20+$0x0] =	vst.add.f32.msk $0xffff, v2;
	v1 =	vmul.f32 v1, v3  }
0x4cc: {  	s17 =	simm.s32 $0x13040;
	v2 =	vld [tilespmem:s18+$0xFFFFFC40]  }
0x4cd: {  	[tilespmem:s17+$0x0] =	vst.add.f32.msk $0xffff, v1  }
0x4ce: {  	v1 =	vld [tilespmem:s18+$0x50];
	_ =	sdelay $0x2  }
0x4cf: {  	v2 =	vmul.f32 v2, v0;
	_ =	sdelay $0x1  }
0x4d0: {  	[tilespmem:s17+$0x0] =	vst.add.f32.msk $0xffff, v2;
	v1 =	vmul.f32 v1, v3  }
0x4d1: {  	s19 =	simm.s32 $0x13050;
	v2 =	vld [tilespmem:s18+$0xFFFFFC50]  }
0x4d2: {  	[tilespmem:s19+$0x0] =	vst.add.f32.msk $0xffff, v1  }
0x4d3: {  	v1 =	vld [tilespmem:s18+$0x60];
	_ =	sdelay $0x2  }
0x4d4: {  	v2 =	vmul.f32 v2, v0;
	_ =	sdelay $0x1  }
0x4d5: {  	[tilespmem:s19+$0x0] =	vst.add.f32.msk $0xffff, v2;
	v1 =	vmul.f32 v1, v3  }
0x4d6: {  	s20 =	simm.s32 $0x13060;
	v2 =	vld [tilespmem:s18+$0xFFFFFC60]  }
0x4d7: {  	[tilespmem:s20+$0x0] =	vst.add.f32.msk $0xffff, v1  }
0x4d8: {  	v1 =	vld [tilespmem:s18+$0x70];
	_ =	sdelay $0x2  }
0x4d9: {  	v2 =	vmul.f32 v2, v0;
	_ =	sdelay $0x1  }
0x4da: {  	[tilespmem:s20+$0x0] =	vst.add.f32.msk $0xffff, v2;
	v1 =	vmul.f32 v1, v3  }
0x4db: {  	s19 =	simm.s32 $0x13070;
	v2 =	vld [tilespmem:s18+$0xFFFFFC70]  }
0x4dc: {  	[tilespmem:s19+$0x0] =	vst.add.f32.msk $0xffff, v1  }
0x4dd: {  	v1 =	vld [tilespmem:s18+$0x80];
	_ =	sdelay $0x2  }
0x4de: {  	v2 =	vmul.f32 v2, v0;
	_ =	sdelay $0x1  }
0x4df: {  	[tilespmem:s19+$0x0] =	vst.add.f32.msk $0xffff, v2;
	v1 =	vmul.f32 v1, v3  }
0x4e0: {  	v2 =	vld [tilespmem:s18+$0xFFFFFC80]  }
0x4e1: {  	[tilespmem:s15+$0x0] =	vst.add.f32.msk $0xffff, v1  }
0x4e2: {  	v1 =	vld [tilespmem:s18+$0x90];
	_ =	sdelay $0x2  }
0x4e3: {  	v2 =	vmul.f32 v2, v0;
	_ =	sdelay $0x1  }
0x4e4: {  	[tilespmem:s15+$0x0] =	vst.add.f32.msk $0xffff, v2;
	v1 =	vmul.f32 v1, v3  }
0x4e5: {  	s20 =	simm.s32 $0x13090;
	v2 =	vld [tilespmem:s18+$0xFFFFFC90]  }
0x4e6: {  	[tilespmem:s20+$0x0] =	vst.add.f32.msk $0xffff, v1  }
0x4e7: {  	v1 =	vld [tilespmem:s18+$0xA0];
	_ =	sdelay $0x2  }
0x4e8: {  	v2 =	vmul.f32 v2, v0;
	_ =	sdelay $0x1  }
0x4e9: {  	[tilespmem:s20+$0x0] =	vst.add.f32.msk $0xffff, v2;
	v1 =	vmul.f32 v1, v3  }
0x4ea: {  	s19 =	simm.s32 $0x130A0;
	v2 =	vld [tilespmem:s18+$0xFFFFFCA0]  }
0x4eb: {  	[tilespmem:s19+$0x0] =	vst.add.f32.msk $0xffff, v1  }
0x4ec: {  	v1 =	vld [tilespmem:s18+$0xB0];
	_ =	sdelay $0x2  }
0x4ed: {  	v2 =	vmul.f32 v2, v0;
	_ =	sdelay $0x1  }
0x4ee: {  	[tilespmem:s19+$0x0] =	vst.add.f32.msk $0xffff, v2;
	v1 =	vmul.f32 v1, v3  }
0x4ef: {  	s20 =	simm.s32 $0x130B0;
	v2 =	vld [tilespmem:s18+$0xFFFFFCB0]  }
0x4f0: {  	[tilespmem:s20+$0x0] =	vst.add.f32.msk $0xffff, v1  }
0x4f1: {  	v1 =	vld [tilespmem:s18+$0xC0];
	_ =	sdelay $0x2  }
0x4f2: {  	v2 =	vmul.f32 v2, v0;
	_ =	sdelay $0x1  }
0x4f3: {  	[tilespmem:s20+$0x0] =	vst.add.f32.msk $0xffff, v2;
	v1 =	vmul.f32 v1, v3  }
0x4f4: {  	s19 =	simm.s32 $0x130C0;
	v2 =	vld [tilespmem:s18+$0xFFFFFCC0]  }
0x4f5: {  	[tilespmem:s19+$0x0] =	vst.add.f32.msk $0xffff, v1  }
0x4f6: {  	v1 =	vld [tilespmem:s18+$0xD0];
	_ =	sdelay $0x2  }
0x4f7: {  	v2 =	vmul.f32 v2, v0;
	_ =	sdelay $0x1  }
0x4f8: {  	[tilespmem:s19+$0x0] =	vst.add.f32.msk $0xffff, v2;
	v1 =	vmul.f32 v1, v3  }
0x4f9: {  	s20 =	simm.s32 $0x130D0;
	v2 =	vld [tilespmem:s18+$0xFFFFFCD0]  }
0x4fa: {  	[tilespmem:s20+$0x0] =	vst.add.f32.msk $0xffff, v1  }
0x4fb: {  	v1 =	vld [tilespmem:s18+$0xE0];
	_ =	sdelay $0x2  }
0x4fc: {  	v2 =	vmul.f32 v2, v0;
	_ =	sdelay $0x1  }
0x4fd: {  	[tilespmem:s20+$0x0] =	vst.add.f32.msk $0xffff, v2;
	v1 =	vmul.f32 v1, v3  }
0x4fe: {  	s19 =	simm.s32 $0x130E0;
	v2 =	vld [tilespmem:s18+$0xFFFFFCE0]  }
0x4ff: {  	[tilespmem:s19+$0x0] =	vst.add.f32.msk $0xffff, v1  }
0x500: {  	v1 =	vld [tilespmem:s18+$0xF0];
	_ =	sdelay $0x2  }
0x501: {  	v2 =	vmul.f32 v2, v0;
	_ =	sdelay $0x1  }
0x502: {  	[tilespmem:s19+$0x0] =	vst.add.f32.msk $0xffff, v2;
	v1 =	vmul.f32 v1, v3  }
0x503: {  	s20 =	simm.s32 $0x130F0;
	v2 =	vld [tilespmem:s18+$0xFFFFFCF0]  }
0x504: {  	[tilespmem:s20+$0x0] =	vst.add.f32.msk $0xffff, v1  }
0x505: {  	v1 =	vld [tilespmem:s18+$0x100];
	_ =	sdelay $0x2  }
0x506: {  	v2 =	vmul.f32 v2, v0;
	_ =	sdelay $0x1  }
0x507: {  	[tilespmem:s20+$0x0] =	vst.add.f32.msk $0xffff, v2;
	v1 =	vmul.f32 v1, v3  }
0x508: {  	s19 =	simm.s32 $0x13100;
	v2 =	vld [tilespmem:s18+$0xFFFFFD00]  }
0x509: {  	[tilespmem:s19+$0x0] =	vst.add.f32.msk $0xffff, v1  }
0x50a: {  	v1 =	vld [tilespmem:s18+$0x110];
	_ =	sdelay $0x2  }
0x50b: {  	v2 =	vmul.f32 v2, v0;
	_ =	sdelay $0x1  }
0x50c: {  	[tilespmem:s19+$0x0] =	vst.add.f32.msk $0xffff, v2;
	v1 =	vmul.f32 v1, v3  }
0x50d: {  	s20 =	simm.s32 $0x13110;
	v2 =	vld [tilespmem:s18+$0xFFFFFD10]  }
0x50e: {  	[tilespmem:s20+$0x0] =	vst.add.f32.msk $0xffff, v1  }
0x50f: {  	v1 =	vld [tilespmem:s18+$0x120];
	_ =	sdelay $0x2  }
0x510: {  	v2 =	vmul.f32 v2, v0;
	_ =	sdelay $0x1  }
0x511: {  	[tilespmem:s20+$0x0] =	vst.add.f32.msk $0xffff, v2;
	v1 =	vmul.f32 v1, v3  }
0x512: {  	s19 =	simm.s32 $0x13120;
	v2 =	vld [tilespmem:s18+$0xFFFFFD20]  }
0x513: {  	[tilespmem:s19+$0x0] =	vst.add.f32.msk $0xffff, v1  }
0x514: {  	v1 =	vld [tilespmem:s18+$0x130];
	_ =	sdelay $0x2  }
0x515: {  	v2 =	vmul.f32 v2, v0;
	_ =	sdelay $0x1  }
0x516: {  	[tilespmem:s19+$0x0] =	vst.add.f32.msk $0xffff, v2;
	v1 =	vmul.f32 v1, v3  }
0x517: {  	s20 =	simm.s32 $0x13130;
	v2 =	vld [tilespmem:s18+$0xFFFFFD30]  }
0x518: {  	[tilespmem:s20+$0x0] =	vst.add.f32.msk $0xffff, v1  }
0x519: {  	v1 =	vld [tilespmem:s18+$0x140];
	_ =	sdelay $0x2  }
0x51a: {  	v2 =	vmul.f32 v2, v0;
	_ =	sdelay $0x1  }
0x51b: {  	[tilespmem:s20+$0x0] =	vst.add.f32.msk $0xffff, v2;
	v1 =	vmul.f32 v1, v3  }
0x51c: {  	s19 =	simm.s32 $0x13140;
	v2 =	vld [tilespmem:s18+$0xFFFFFD40]  }
0x51d: {  	[tilespmem:s19+$0x0] =	vst.add.f32.msk $0xffff, v1  }
0x51e: {  	v1 =	vld [tilespmem:s18+$0x150];
	_ =	sdelay $0x2  }
0x51f: {  	v2 =	vmul.f32 v2, v0;
	_ =	sdelay $0x1  }
0x520: {  	[tilespmem:s19+$0x0] =	vst.add.f32.msk $0xffff, v2;
	v1 =	vmul.f32 v1, v3  }
0x521: {  	s20 =	simm.s32 $0x13150;
	v2 =	vld [tilespmem:s18+$0xFFFFFD50]  }
0x522: {  	[tilespmem:s20+$0x0] =	vst.add.f32.msk $0xffff, v1  }
0x523: {  	v1 =	vld [tilespmem:s18+$0x160];
	_ =	sdelay $0x2  }
0x524: {  	v2 =	vmul.f32 v2, v0;
	_ =	sdelay $0x1  }
0x525: {  	[tilespmem:s20+$0x0] =	vst.add.f32.msk $0xffff, v2;
	v1 =	vmul.f32 v1, v3  }
0x526: {  	s19 =	simm.s32 $0x13160;
	v2 =	vld [tilespmem:s18+$0xFFFFFD60]  }
0x527: {  	[tilespmem:s19+$0x0] =	vst.add.f32.msk $0xffff, v1  }
0x528: {  	v1 =	vld [tilespmem:s18+$0x170];
	_ =	sdelay $0x2  }
0x529: {  	v2 =	vmul.f32 v2, v0;
	_ =	sdelay $0x1  }
0x52a: {  	[tilespmem:s19+$0x0] =	vst.add.f32.msk $0xffff, v2;
	v1 =	vmul.f32 v1, v3  }
0x52b: {  	s20 =	simm.s32 $0x13170;
	v2 =	vld [tilespmem:s18+$0xFFFFFD70]  }
0x52c: {  	[tilespmem:s20+$0x0] =	vst.add.f32.msk $0xffff, v1  }
0x52d: {  	v1 =	vld [tilespmem:s18+$0x180];
	_ =	sdelay $0x2  }
0x52e: {  	v2 =	vmul.f32 v2, v0;
	_ =	sdelay $0x1  }
0x52f: {  	[tilespmem:s20+$0x0] =	vst.add.f32.msk $0xffff, v2;
	v1 =	vmul.f32 v1, v3  }
0x530: {  	s19 =	simm.s32 $0x13180;
	v2 =	vld [tilespmem:s18+$0xFFFFFD80]  }
0x531: {  	[tilespmem:s19+$0x0] =	vst.add.f32.msk $0xffff, v1  }
0x532: {  	v1 =	vld [tilespmem:s18+$0x190];
	_ =	sdelay $0x2  }
0x533: {  	v2 =	vmul.f32 v2, v0;
	_ =	sdelay $0x1  }
0x534: {  	[tilespmem:s19+$0x0] =	vst.add.f32.msk $0xffff, v2;
	v1 =	vmul.f32 v1, v3  }
0x535: {  	s20 =	simm.s32 $0x13190;
	v2 =	vld [tilespmem:s18+$0xFFFFFD90]  }
0x536: {  	[tilespmem:s20+$0x0] =	vst.add.f32.msk $0xffff, v1  }
0x537: {  	v1 =	vld [tilespmem:s18+$0x1A0];
	_ =	sdelay $0x2  }
0x538: {  	v2 =	vmul.f32 v2, v0;
	_ =	sdelay $0x1  }
0x539: {  	[tilespmem:s20+$0x0] =	vst.add.f32.msk $0xffff, v2;
	v1 =	vmul.f32 v1, v3  }
0x53a: {  	v2 =	vld [tilespmem:s18+$0xFFFFFDA0]  }
0x53b: {  	[tilespmem:s16+$0x0] =	vst.add.f32.msk $0xffff, v1  }
0x53c: {  	v1 =	vld [tilespmem:s18+$0x1B0];
	_ =	sdelay $0x2  }
0x53d: {  	v2 =	vmul.f32 v2, v0;
	_ =	sdelay $0x1  }
0x53e: {  	[tilespmem:s16+$0x0] =	vst.add.f32.msk $0xffff, v2;
	v1 =	vmul.f32 v1, v3  }
0x53f: {  	v2 =	vld [tilespmem:s18+$0xFFFFFDB0]  }
0x540: {  	[tilespmem:s21+$0x0] =	vst.add.f32.msk $0xffff, v1  }
0x541: {  	v1 =	vld [tilespmem:s18+$0x1C0];
	_ =	sdelay $0x2  }
0x542: {  	v2 =	vmul.f32 v2, v0;
	_ =	sdelay $0x1  }
0x543: {  	[tilespmem:s21+$0x0] =	vst.add.f32.msk $0xffff, v2;
	v1 =	vmul.f32 v1, v3  }
0x544: {  	v2 =	vld [tilespmem:s18+$0xFFFFFDC0]  }
0x545: {  	[tilespmem:s22+$0x0] =	vst.add.f32.msk $0xffff, v1  }
0x546: {  	v1 =	vld [tilespmem:s18+$0x1D0];
	_ =	sdelay $0x2  }
0x547: {  	v2 =	vmul.f32 v2, v0;
	_ =	sdelay $0x1  }
0x548: {  	[tilespmem:s22+$0x0] =	vst.add.f32.msk $0xffff, v2;
	v1 =	vmul.f32 v1, v3  }
0x549: {  	v2 =	vld [tilespmem:s18+$0xFFFFFDD0]  }
0x54a: {  	[tilespmem:s23+$0x0] =	vst.add.f32.msk $0xffff, v1  }
0x54b: {  	v1 =	vld [tilespmem:s18+$0x1E0];
	_ =	sdelay $0x2  }
0x54c: {  	v2 =	vmul.f32 v2, v0;
	_ =	sdelay $0x1  }
0x54d: {  	[tilespmem:s23+$0x0] =	vst.add.f32.msk $0xffff, v2;
	v1 =	vmul.f32 v1, v3  }
0x54e: {  	v2 =	vld [tilespmem:s18+$0xFFFFFDE0]  }
0x54f: {  	[tilespmem:s24+$0x0] =	vst.add.f32.msk $0xffff, v1  }
0x550: {  	v1 =	vld [tilespmem:s18+$0x1F0];
	_ =	sdelay $0x2  }
0x551: {  	s17 =	simm.s32 $0xBC00;
	v2 =	vmul.f32 v2, v0  }
0x552: {  	v5 =	vld [tilespmem:s17+$0x0]  }
0x553: {  	[tilespmem:s24+$0x0] =	vst.add.f32.msk $0xffff, v2;
	v1 =	vmul.f32 v1, v3  }
0x554: {  	s20 =	simm.s32 $0x131F0;
	v2 =	vld [tilespmem:s18+$0xFFFFFDF0]  }
0x555: {  	s19 =	simm.s32 $0x2180;
	[tilespmem:s20+$0x0] =	vst.add.f32.msk $0xffff, v1  }
0x556: {  	v1 =	vld [tilespmem:s19+$0x0]  }
0x557: {  	v4 =	vld [tilespmem:s18+$0x200];
	_ =	sdelay $0x1  }
0x558: {  	v7 =	vld [tilespmem:s17+$0xFFFFFC00];
	v6 =	vmul.f32 v2, v0  }
0x559: {  	v2 =	vld [tilespmem:s19+$0xFFFFFF80]  }
0x55a: {  	[tilespmem:s20+$0x0] =	vst.add.f32.msk $0xffff, v6;
	v5 =	vmul.f32 v5, v1  }
0x55b: {  	v4 =	vmul.f32 v4, v3;
	v6 =	vld [tilespmem:s18+$0xFFFFFE00]  }
0x55c: {  	[tilespmem:s28+$0x0] =	vst.add.f32.msk $0xffff, v5  }
0x55d: {  	[tilespmem:s3+$0x0] =	vst.add.f32.msk $0xffff, v4  }
0x55e: {  	v5 =	vld [tilespmem:s17+$0x10]  }
0x55f: {  	v7 =	vmul.f32 v7, v2;
	v4 =	vld [tilespmem:s18+$0x210];
	_ =	sdelay $0x1  }
0x560: {  	[tilespmem:s28+$0x0] =	vst.add.f32.msk $0xffff, v7;
	v6 =	vmul.f32 v6, v0  }
0x561: {  	v7 =	vld [tilespmem:s17+$0xFFFFFC10]  }
0x562: {  	[tilespmem:s3+$0x0] =	vst.add.f32.msk $0xffff, v6;
	v5 =	vmul.f32 v5, v1  }
0x563: {  	s10 =	simm.s32 $0x13010;
	v4 =	vmul.f32 v4, v3;
	v6 =	vld [tilespmem:s18+$0xFFFFFE10]  }
0x564: {  	s28 =	simm.s32 $0x13210;
	[tilespmem:s10+$0x0] =	vst.add.f32.msk $0xffff, v5  }
0x565: {  	[tilespmem:s28+$0x0] =	vst.add.f32.msk $0xffff, v4  }
0x566: {  	v5 =	vld [tilespmem:s17+$0x20]  }
0x567: {  	v7 =	vmul.f32 v7, v2;
	v4 =	vld [tilespmem:s18+$0x220];
	_ =	sdelay $0x1  }
0x568: {  	[tilespmem:s10+$0x0] =	vst.add.f32.msk $0xffff, v7;
	v6 =	vmul.f32 v6, v0  }
0x569: {  	v7 =	vld [tilespmem:s17+$0xFFFFFC20]  }
0x56a: {  	[tilespmem:s28+$0x0] =	vst.add.f32.msk $0xffff, v6;
	v5 =	vmul.f32 v5, v1  }
0x56b: {  	s29 =	simm.s32 $0x13020;
	v4 =	vmul.f32 v4, v3;
	v6 =	vld [tilespmem:s18+$0xFFFFFE20]  }
0x56c: {  	[tilespmem:s29+$0x0] =	vst.add.f32.msk $0xffff, v5  }
0x56d: {  	[tilespmem:s14+$0x0] =	vst.add.f32.msk $0xffff, v4  }
0x56e: {  	v5 =	vld [tilespmem:s17+$0x30]  }
0x56f: {  	v7 =	vmul.f32 v7, v2;
	v4 =	vld [tilespmem:s18+$0x230];
	_ =	sdelay $0x1  }
0x570: {  	[tilespmem:s29+$0x0] =	vst.add.f32.msk $0xffff, v7;
	v6 =	vmul.f32 v6, v0  }
0x571: {  	v7 =	vld [tilespmem:s17+$0xFFFFFC30]  }
0x572: {  	[tilespmem:s14+$0x0] =	vst.add.f32.msk $0xffff, v6;
	v5 =	vmul.f32 v5, v1  }
0x573: {  	s29 =	simm.s32 $0x13030;
	v4 =	vmul.f32 v4, v3;
	v6 =	vld [tilespmem:s18+$0xFFFFFE30]  }
0x574: {  	s28 =	simm.s32 $0x13230;
	[tilespmem:s29+$0x0] =	vst.add.f32.msk $0xffff, v5  }
0x575: {  	[tilespmem:s28+$0x0] =	vst.add.f32.msk $0xffff, v4  }
0x576: {  	v5 =	vld [tilespmem:s17+$0x40]  }
0x577: {  	v7 =	vmul.f32 v7, v2;
	v4 =	vld [tilespmem:s18+$0x240];
	_ =	sdelay $0x1  }
0x578: {  	[tilespmem:s29+$0x0] =	vst.add.f32.msk $0xffff, v7;
	v6 =	vmul.f32 v6, v0  }
0x579: {  	v7 =	vld [tilespmem:s17+$0xFFFFFC40]  }
0x57a: {  	[tilespmem:s28+$0x0] =	vst.add.f32.msk $0xffff, v6;
	v5 =	vmul.f32 v5, v1  }
0x57b: {  	s20 =	simm.s32 $0x13040;
	v4 =	vmul.f32 v4, v3;
	v6 =	vld [tilespmem:s18+$0xFFFFFE40]  }
0x57c: {  	[tilespmem:s20+$0x0] =	vst.add.f32.msk $0xffff, v5  }
0x57d: {  	[tilespmem:s2+$0x0] =	vst.add.f32.msk $0xffff, v4  }
0x57e: {  	v5 =	vld [tilespmem:s17+$0x50]  }
0x57f: {  	v7 =	vmul.f32 v7, v2;
	v4 =	vld [tilespmem:s18+$0x250];
	_ =	sdelay $0x1  }
0x580: {  	[tilespmem:s20+$0x0] =	vst.add.f32.msk $0xffff, v7;
	v6 =	vmul.f32 v6, v0  }
0x581: {  	v7 =	vld [tilespmem:s17+$0xFFFFFC50]  }
0x582: {  	[tilespmem:s2+$0x0] =	vst.add.f32.msk $0xffff, v6;
	v5 =	vmul.f32 v5, v1  }
0x583: {  	s9 =	simm.s32 $0x13050;
	v4 =	vmul.f32 v4, v3;
	v6 =	vld [tilespmem:s18+$0xFFFFFE50]  }
0x584: {  	[tilespmem:s9+$0x0] =	vst.add.f32.msk $0xffff, v5  }
0x585: {  	[tilespmem:s6+$0x0] =	vst.add.f32.msk $0xffff, v4  }
0x586: {  	v5 =	vld [tilespmem:s17+$0x60]  }
0x587: {  	v7 =	vmul.f32 v7, v2;
	v4 =	vld [tilespmem:s18+$0x260];
	_ =	sdelay $0x1  }
0x588: {  	[tilespmem:s9+$0x0] =	vst.add.f32.msk $0xffff, v7;
	v6 =	vmul.f32 v6, v0  }
0x589: {  	v7 =	vld [tilespmem:s17+$0xFFFFFC60]  }
0x58a: {  	[tilespmem:s6+$0x0] =	vst.add.f32.msk $0xffff, v6;
	v5 =	vmul.f32 v5, v1  }
0x58b: {  	s28 =	simm.s32 $0x13060;
	v4 =	vmul.f32 v4, v3;
	v6 =	vld [tilespmem:s18+$0xFFFFFE60]  }
0x58c: {  	[tilespmem:s28+$0x0] =	vst.add.f32.msk $0xffff, v5  }
0x58d: {  	[tilespmem:s5+$0x0] =	vst.add.f32.msk $0xffff, v4  }
0x58e: {  	v5 =	vld [tilespmem:s17+$0x70]  }
0x58f: {  	v7 =	vmul.f32 v7, v2;
	v4 =	vld [tilespmem:s18+$0x270];
	_ =	sdelay $0x1  }
0x590: {  	[tilespmem:s28+$0x0] =	vst.add.f32.msk $0xffff, v7;
	v6 =	vmul.f32 v6, v0  }
0x591: {  	v7 =	vld [tilespmem:s17+$0xFFFFFC70]  }
0x592: {  	[tilespmem:s5+$0x0] =	vst.add.f32.msk $0xffff, v6;
	v5 =	vmul.f32 v5, v1  }
0x593: {  	s29 =	simm.s32 $0x13070;
	v4 =	vmul.f32 v4, v3;
	v6 =	vld [tilespmem:s18+$0xFFFFFE70]  }
0x594: {  	[tilespmem:s29+$0x0] =	vst.add.f32.msk $0xffff, v5  }
0x595: {  	[tilespmem:s4+$0x0] =	vst.add.f32.msk $0xffff, v4  }
0x596: {  	v5 =	vld [tilespmem:s17+$0x80]  }
0x597: {  	v7 =	vmul.f32 v7, v2;
	v4 =	vld [tilespmem:s18+$0x280];
	_ =	sdelay $0x1  }
0x598: {  	[tilespmem:s29+$0x0] =	vst.add.f32.msk $0xffff, v7;
	v6 =	vmul.f32 v6, v0  }
0x599: {  	v7 =	vld [tilespmem:s17+$0xFFFFFC80]  }
0x59a: {  	[tilespmem:s4+$0x0] =	vst.add.f32.msk $0xffff, v6;
	v5 =	vmul.f32 v5, v1  }
0x59b: {  	v4 =	vmul.f32 v4, v3;
	v6 =	vld [tilespmem:s18+$0xFFFFFE80]  }
0x59c: {  	s6 =	simm.s32 $0x13280;
	[tilespmem:s15+$0x0] =	vst.add.f32.msk $0xffff, v5  }
0x59d: {  	[tilespmem:s6+$0x0] =	vst.add.f32.msk $0xffff, v4  }
0x59e: {  	v5 =	vld [tilespmem:s17+$0x90]  }
0x59f: {  	v7 =	vmul.f32 v7, v2;
	v4 =	vld [tilespmem:s18+$0x290];
	_ =	sdelay $0x1  }
0x5a0: {  	[tilespmem:s15+$0x0] =	vst.add.f32.msk $0xffff, v7;
	v6 =	vmul.f32 v6, v0  }
0x5a1: {  	v7 =	vld [tilespmem:s17+$0xFFFFFC90]  }
0x5a2: {  	[tilespmem:s6+$0x0] =	vst.add.f32.msk $0xffff, v6;
	v5 =	vmul.f32 v5, v1  }
0x5a3: {  	s9 =	simm.s32 $0x13090;
	v4 =	vmul.f32 v4, v3;
	v6 =	vld [tilespmem:s18+$0xFFFFFE90]  }
0x5a4: {  	[tilespmem:s9+$0x0] =	vst.add.f32.msk $0xffff, v5  }
0x5a5: {  	[tilespmem:s13+$0x0] =	vst.add.f32.msk $0xffff, v4  }
0x5a6: {  	v5 =	vld [tilespmem:s17+$0xA0]  }
0x5a7: {  	v7 =	vmul.f32 v7, v2;
	v4 =	vld [tilespmem:s18+$0x2A0];
	_ =	sdelay $0x1  }
0x5a8: {  	[tilespmem:s9+$0x0] =	vst.add.f32.msk $0xffff, v7;
	v6 =	vmul.f32 v6, v0  }
0x5a9: {  	v7 =	vld [tilespmem:s17+$0xFFFFFCA0]  }
0x5aa: {  	[tilespmem:s13+$0x0] =	vst.add.f32.msk $0xffff, v6;
	v5 =	vmul.f32 v5, v1  }
0x5ab: {  	s15 =	simm.s32 $0x130A0;
	v4 =	vmul.f32 v4, v3;
	v6 =	vld [tilespmem:s18+$0xFFFFFEA0]  }
0x5ac: {  	s10 =	simm.s32 $0x132A0;
	[tilespmem:s15+$0x0] =	vst.add.f32.msk $0xffff, v5  }
0x5ad: {  	[tilespmem:s10+$0x0] =	vst.add.f32.msk $0xffff, v4  }
0x5ae: {  	v5 =	vld [tilespmem:s17+$0xB0]  }
0x5af: {  	v7 =	vmul.f32 v7, v2;
	v4 =	vld [tilespmem:s18+$0x2B0];
	_ =	sdelay $0x1  }
0x5b0: {  	[tilespmem:s15+$0x0] =	vst.add.f32.msk $0xffff, v7;
	v6 =	vmul.f32 v6, v0  }
0x5b1: {  	v7 =	vld [tilespmem:s17+$0xFFFFFCB0]  }
0x5b2: {  	[tilespmem:s10+$0x0] =	vst.add.f32.msk $0xffff, v6;
	v5 =	vmul.f32 v5, v1  }
0x5b3: {  	s20 =	simm.s32 $0x130B0;
	v4 =	vmul.f32 v4, v3;
	v6 =	vld [tilespmem:s18+$0xFFFFFEB0]  }
0x5b4: {  	[tilespmem:s20+$0x0] =	vst.add.f32.msk $0xffff, v5  }
0x5b5: {  	[tilespmem:s12+$0x0] =	vst.add.f32.msk $0xffff, v4  }
0x5b6: {  	v5 =	vld [tilespmem:s17+$0xC0]  }
0x5b7: {  	v7 =	vmul.f32 v7, v2;
	v4 =	vld [tilespmem:s18+$0x2C0];
	_ =	sdelay $0x1  }
0x5b8: {  	[tilespmem:s20+$0x0] =	vst.add.f32.msk $0xffff, v7;
	v6 =	vmul.f32 v6, v0  }
0x5b9: {  	v7 =	vld [tilespmem:s17+$0xFFFFFCC0]  }
0x5ba: {  	[tilespmem:s12+$0x0] =	vst.add.f32.msk $0xffff, v6;
	v5 =	vmul.f32 v5, v1  }
0x5bb: {  	s29 =	simm.s32 $0x130C0;
	v4 =	vmul.f32 v4, v3;
	v6 =	vld [tilespmem:s18+$0xFFFFFEC0]  }
0x5bc: {  	s28 =	simm.s32 $0x132C0;
	[tilespmem:s29+$0x0] =	vst.add.f32.msk $0xffff, v5  }
0x5bd: {  	[tilespmem:s28+$0x0] =	vst.add.f32.msk $0xffff, v4  }
0x5be: {  	v5 =	vld [tilespmem:s17+$0xD0]  }
0x5bf: {  	v7 =	vmul.f32 v7, v2;
	v4 =	vld [tilespmem:s18+$0x2D0];
	_ =	sdelay $0x1  }
0x5c0: {  	[tilespmem:s29+$0x0] =	vst.add.f32.msk $0xffff, v7;
	v6 =	vmul.f32 v6, v0  }
0x5c1: {  	v7 =	vld [tilespmem:s17+$0xFFFFFCD0]  }
0x5c2: {  	[tilespmem:s28+$0x0] =	vst.add.f32.msk $0xffff, v6;
	v5 =	vmul.f32 v5, v1  }
0x5c3: {  	s5 =	simm.s32 $0x130D0;
	v4 =	vmul.f32 v4, v3;
	v6 =	vld [tilespmem:s18+$0xFFFFFED0]  }
0x5c4: {  	[tilespmem:s5+$0x0] =	vst.add.f32.msk $0xffff, v5  }
0x5c5: {  	[tilespmem:s8+$0x0] =	vst.add.f32.msk $0xffff, v4  }
0x5c6: {  	v5 =	vld [tilespmem:s17+$0xE0]  }
0x5c7: {  	v7 =	vmul.f32 v7, v2;
	v4 =	vld [tilespmem:s18+$0x2E0];
	_ =	sdelay $0x1  }
0x5c8: {  	[tilespmem:s5+$0x0] =	vst.add.f32.msk $0xffff, v7;
	v6 =	vmul.f32 v6, v0  }
0x5c9: {  	v7 =	vld [tilespmem:s17+$0xFFFFFCE0]  }
0x5ca: {  	[tilespmem:s8+$0x0] =	vst.add.f32.msk $0xffff, v6;
	v5 =	vmul.f32 v5, v1  }
0x5cb: {  	s9 =	simm.s32 $0x130E0;
	v4 =	vmul.f32 v4, v3;
	v6 =	vld [tilespmem:s18+$0xFFFFFEE0]  }
0x5cc: {  	s6 =	simm.s32 $0x132E0;
	[tilespmem:s9+$0x0] =	vst.add.f32.msk $0xffff, v5  }
0x5cd: {  	[tilespmem:s6+$0x0] =	vst.add.f32.msk $0xffff, v4  }
0x5ce: {  	v5 =	vld [tilespmem:s17+$0xF0]  }
0x5cf: {  	v7 =	vmul.f32 v7, v2;
	v4 =	vld [tilespmem:s18+$0x2F0];
	_ =	sdelay $0x1  }
0x5d0: {  	[tilespmem:s9+$0x0] =	vst.add.f32.msk $0xffff, v7;
	v6 =	vmul.f32 v6, v0  }
0x5d1: {  	v7 =	vld [tilespmem:s17+$0xFFFFFCF0]  }
0x5d2: {  	[tilespmem:s6+$0x0] =	vst.add.f32.msk $0xffff, v6;
	v5 =	vmul.f32 v5, v1  }
0x5d3: {  	s10 =	simm.s32 $0x130F0;
	v4 =	vmul.f32 v4, v3;
	v6 =	vld [tilespmem:s18+$0xFFFFFEF0]  }
0x5d4: {  	[tilespmem:s10+$0x0] =	vst.add.f32.msk $0xffff, v5  }
0x5d5: {  	[tilespmem:s7+$0x0] =	vst.add.f32.msk $0xffff, v4  }
0x5d6: {  	v5 =	vld [tilespmem:s17+$0x100]  }
0x5d7: {  	v7 =	vmul.f32 v7, v2;
	v4 =	vld [tilespmem:s18+$0x300];
	_ =	sdelay $0x1  }
0x5d8: {  	[tilespmem:s10+$0x0] =	vst.add.f32.msk $0xffff, v7;
	v6 =	vmul.f32 v6, v0  }
0x5d9: {  	v7 =	vld [tilespmem:s17+$0xFFFFFD00]  }
0x5da: {  	[tilespmem:s7+$0x0] =	vst.add.f32.msk $0xffff, v6;
	v5 =	vmul.f32 v5, v1  }
0x5db: {  	s20 =	simm.s32 $0x13100;
	v4 =	vmul.f32 v4, v3;
	v6 =	vld [tilespmem:s18+$0xFFFFFF00]  }
0x5dc: {  	s15 =	simm.s32 $0x13300;
	[tilespmem:s20+$0x0] =	vst.add.f32.msk $0xffff, v5  }
0x5dd: {  	[tilespmem:s15+$0x0] =	vst.add.f32.msk $0xffff, v4  }
0x5de: {  	v5 =	vld [tilespmem:s17+$0x110]  }
0x5df: {  	v7 =	vmul.f32 v7, v2;
	v4 =	vld [tilespmem:s18+$0x310];
	_ =	sdelay $0x1  }
0x5e0: {  	[tilespmem:s20+$0x0] =	vst.add.f32.msk $0xffff, v7;
	v6 =	vmul.f32 v6, v0  }
0x5e1: {  	v7 =	vld [tilespmem:s17+$0xFFFFFD10]  }
0x5e2: {  	[tilespmem:s15+$0x0] =	vst.add.f32.msk $0xffff, v6;
	v5 =	vmul.f32 v5, v1  }
0x5e3: {  	s28 =	simm.s32 $0x13110;
	v4 =	vmul.f32 v4, v3;
	v6 =	vld [tilespmem:s18+$0xFFFFFF10]  }
0x5e4: {  	[tilespmem:s28+$0x0] =	vst.add.f32.msk $0xffff, v5  }
0x5e5: {  	[tilespmem:s11+$0x0] =	vst.add.f32.msk $0xffff, v4  }
0x5e6: {  	v5 =	vld [tilespmem:s17+$0x120]  }
0x5e7: {  	v7 =	vmul.f32 v7, v2;
	v4 =	vld [tilespmem:s18+$0x320];
	_ =	sdelay $0x1  }
0x5e8: {  	[tilespmem:s28+$0x0] =	vst.add.f32.msk $0xffff, v7;
	v6 =	vmul.f32 v6, v0  }
0x5e9: {  	v7 =	vld [tilespmem:s17+$0xFFFFFD20]  }
0x5ea: {  	[tilespmem:s11+$0x0] =	vst.add.f32.msk $0xffff, v6;
	v5 =	vmul.f32 v5, v1  }
0x5eb: {  	s6 =	simm.s32 $0x13120;
	v4 =	vmul.f32 v4, v3;
	v6 =	vld [tilespmem:s18+$0xFFFFFF20]  }
0x5ec: {  	s29 =	simm.s32 $0x13320;
	[tilespmem:s6+$0x0] =	vst.add.f32.msk $0xffff, v5  }
0x5ed: {  	[tilespmem:s29+$0x0] =	vst.add.f32.msk $0xffff, v4  }
0x5ee: {  	v5 =	vld [tilespmem:s17+$0x130]  }
0x5ef: {  	v7 =	vmul.f32 v7, v2;
	v4 =	vld [tilespmem:s18+$0x330];
	_ =	sdelay $0x1  }
0x5f0: {  	[tilespmem:s6+$0x0] =	vst.add.f32.msk $0xffff, v7;
	v6 =	vmul.f32 v6, v0  }
0x5f1: {  	v7 =	vld [tilespmem:s17+$0xFFFFFD30]  }
0x5f2: {  	[tilespmem:s29+$0x0] =	vst.add.f32.msk $0xffff, v6;
	v5 =	vmul.f32 v5, v1  }
0x5f3: {  	s9 =	simm.s32 $0x13130;
	v4 =	vmul.f32 v4, v3;
	v6 =	vld [tilespmem:s18+$0xFFFFFF30]  }
0x5f4: {  	[tilespmem:s9+$0x0] =	vst.add.f32.msk $0xffff, v5  }
0x5f5: {  	[tilespmem:s1+$0x0] =	vst.add.f32.msk $0xffff, v4  }
0x5f6: {  	v5 =	vld [tilespmem:s17+$0x140]  }
0x5f7: {  	v7 =	vmul.f32 v7, v2;
	v4 =	vld [tilespmem:s18+$0x340];
	_ =	sdelay $0x1  }
0x5f8: {  	[tilespmem:s9+$0x0] =	vst.add.f32.msk $0xffff, v7;
	v6 =	vmul.f32 v6, v0  }
0x5f9: {  	v7 =	vld [tilespmem:s17+$0xFFFFFD40]  }
0x5fa: {  	[tilespmem:s1+$0x0] =	vst.add.f32.msk $0xffff, v6;
	v5 =	vmul.f32 v5, v1  }
0x5fb: {  	s15 =	simm.s32 $0x13140;
	v4 =	vmul.f32 v4, v3;
	v6 =	vld [tilespmem:s18+$0xFFFFFF40]  }
0x5fc: {  	s10 =	simm.s32 $0x13340;
	[tilespmem:s15+$0x0] =	vst.add.f32.msk $0xffff, v5  }
0x5fd: {  	[tilespmem:s10+$0x0] =	vst.add.f32.msk $0xffff, v4  }
0x5fe: {  	v5 =	vld [tilespmem:s17+$0x150]  }
0x5ff: {  	v7 =	vmul.f32 v7, v2;
	v4 =	vld [tilespmem:s18+$0x350];
	_ =	sdelay $0x1  }
0x600: {  	[tilespmem:s15+$0x0] =	vst.add.f32.msk $0xffff, v7;
	v6 =	vmul.f32 v6, v0  }
0x601: {  	v7 =	vld [tilespmem:s17+$0xFFFFFD50]  }
0x602: {  	[tilespmem:s10+$0x0] =	vst.add.f32.msk $0xffff, v6;
	v5 =	vmul.f32 v5, v1  }
0x603: {  	s20 =	simm.s32 $0x13150;
	v4 =	vmul.f32 v4, v3;
	v6 =	vld [tilespmem:s18+$0xFFFFFF50]  }
0x604: {  	[tilespmem:s20+$0x0] =	vst.add.f32.msk $0xffff, v5  }
0x605: {  	[tilespmem:s0+$0x0] =	vst.add.f32.msk $0xffff, v4  }
0x606: {  	v5 =	vld [tilespmem:s17+$0x160]  }
0x607: {  	v7 =	vmul.f32 v7, v2;
	v4 =	vld [tilespmem:s18+$0x360];
	_ =	sdelay $0x1  }
0x608: {  	[tilespmem:s20+$0x0] =	vst.add.f32.msk $0xffff, v7;
	v6 =	vmul.f32 v6, v0  }
0x609: {  	v7 =	vld [tilespmem:s17+$0xFFFFFD60]  }
0x60a: {  	[tilespmem:s0+$0x0] =	vst.add.f32.msk $0xffff, v6;
	v5 =	vmul.f32 v5, v1  }
0x60b: {  	s29 =	simm.s32 $0x13160;
	v4 =	vmul.f32 v4, v3;
	v6 =	vld [tilespmem:s18+$0xFFFFFF60]  }
0x60c: {  	s28 =	simm.s32 $0x13360;
	[tilespmem:s29+$0x0] =	vst.add.f32.msk $0xffff, v5  }
0x60d: {  	[tilespmem:s28+$0x0] =	vst.add.f32.msk $0xffff, v4  }
0x60e: {  	v5 =	vld [tilespmem:s17+$0x170]  }
0x60f: {  	v7 =	vmul.f32 v7, v2;
	v4 =	vld [tilespmem:s18+$0x370];
	_ =	sdelay $0x1  }
0x610: {  	[tilespmem:s29+$0x0] =	vst.add.f32.msk $0xffff, v7;
	v6 =	vmul.f32 v6, v0  }
0x611: {  	v7 =	vld [tilespmem:s17+$0xFFFFFD70]  }
0x612: {  	[tilespmem:s28+$0x0] =	vst.add.f32.msk $0xffff, v6;
	v5 =	vmul.f32 v5, v1  }
0x613: {  	s5 =	simm.s32 $0x13170;
	v4 =	vmul.f32 v4, v3;
	v6 =	vld [tilespmem:s18+$0xFFFFFF70]  }
0x614: {  	[tilespmem:s5+$0x0] =	vst.add.f32.msk $0xffff, v5  }
0x615: {  	[tilespmem:s31+$0x0] =	vst.add.f32.msk $0xffff, v4  }
0x616: {  	v5 =	vld [tilespmem:s17+$0x180]  }
0x617: {  	v7 =	vmul.f32 v7, v2;
	v4 =	vld [tilespmem:s18+$0x380];
	_ =	sdelay $0x1  }
0x618: {  	[tilespmem:s5+$0x0] =	vst.add.f32.msk $0xffff, v7;
	v6 =	vmul.f32 v6, v0  }
0x619: {  	v7 =	vld [tilespmem:s17+$0xFFFFFD80]  }
0x61a: {  	[tilespmem:s31+$0x0] =	vst.add.f32.msk $0xffff, v6;
	v5 =	vmul.f32 v5, v1  }
0x61b: {  	s9 =	simm.s32 $0x13180;
	v4 =	vmul.f32 v4, v3;
	v6 =	vld [tilespmem:s18+$0xFFFFFF80]  }
0x61c: {  	s6 =	simm.s32 $0x13380;
	[tilespmem:s9+$0x0] =	vst.add.f32.msk $0xffff, v5  }
0x61d: {  	[tilespmem:s6+$0x0] =	vst.add.f32.msk $0xffff, v4  }
0x61e: {  	v5 =	vld [tilespmem:s17+$0x190]  }
0x61f: {  	v7 =	vmul.f32 v7, v2;
	v4 =	vld [tilespmem:s18+$0x390];
	_ =	sdelay $0x1  }
0x620: {  	[tilespmem:s9+$0x0] =	vst.add.f32.msk $0xffff, v7;
	v6 =	vmul.f32 v6, v0  }
0x621: {  	v7 =	vld [tilespmem:s17+$0xFFFFFD90]  }
0x622: {  	[tilespmem:s6+$0x0] =	vst.add.f32.msk $0xffff, v6;
	v5 =	vmul.f32 v5, v1  }
0x623: {  	s10 =	simm.s32 $0x13190;
	v4 =	vmul.f32 v4, v3;
	v6 =	vld [tilespmem:s18+$0xFFFFFF90]  }
0x624: {  	[tilespmem:s10+$0x0] =	vst.add.f32.msk $0xffff, v5  }
0x625: {  	[tilespmem:s30+$0x0] =	vst.add.f32.msk $0xffff, v4  }
0x626: {  	v5 =	vld [tilespmem:s17+$0x1A0]  }
0x627: {  	v7 =	vmul.f32 v7, v2;
	v4 =	vld [tilespmem:s18+$0x3A0];
	_ =	sdelay $0x1  }
0x628: {  	[tilespmem:s10+$0x0] =	vst.add.f32.msk $0xffff, v7;
	v6 =	vmul.f32 v6, v0  }
0x629: {  	v7 =	vld [tilespmem:s17+$0xFFFFFDA0]  }
0x62a: {  	[tilespmem:s30+$0x0] =	vst.add.f32.msk $0xffff, v6;
	v5 =	vmul.f32 v5, v1  }
0x62b: {  	v4 =	vmul.f32 v4, v3;
	v6 =	vld [tilespmem:s18+$0xFFFFFFA0]  }
0x62c: {  	s15 =	simm.s32 $0x133A0;
	[tilespmem:s16+$0x0] =	vst.add.f32.msk $0xffff, v5  }
0x62d: {  	[tilespmem:s15+$0x0] =	vst.add.f32.msk $0xffff, v4  }
0x62e: {  	v5 =	vld [tilespmem:s17+$0x1B0]  }
0x62f: {  	v7 =	vmul.f32 v7, v2;
	v4 =	vld [tilespmem:s18+$0x3B0];
	_ =	sdelay $0x1  }
0x630: {  	[tilespmem:s16+$0x0] =	vst.add.f32.msk $0xffff, v7;
	v6 =	vmul.f32 v6, v0  }
0x631: {  	v7 =	vld [tilespmem:s17+$0xFFFFFDB0]  }
0x632: {  	[tilespmem:s15+$0x0] =	vst.add.f32.msk $0xffff, v6;
	v5 =	vmul.f32 v5, v1  }
0x633: {  	v4 =	vmul.f32 v4, v3;
	v6 =	vld [tilespmem:s18+$0xFFFFFFB0]  }
0x634: {  	[tilespmem:s21+$0x0] =	vst.add.f32.msk $0xffff, v5  }
0x635: {  	[tilespmem:s25+$0x0] =	vst.add.f32.msk $0xffff, v4  }
0x636: {  	v5 =	vld [tilespmem:s17+$0x1C0]  }
0x637: {  	v7 =	vmul.f32 v7, v2;
	v4 =	vld [tilespmem:s18+$0x3C0];
	_ =	sdelay $0x1  }
0x638: {  	[tilespmem:s21+$0x0] =	vst.add.f32.msk $0xffff, v7;
	v6 =	vmul.f32 v6, v0  }
0x639: {  	v7 =	vld [tilespmem:s17+$0xFFFFFDC0]  }
0x63a: {  	[tilespmem:s25+$0x0] =	vst.add.f32.msk $0xffff, v6;
	v5 =	vmul.f32 v5, v1  }
0x63b: {  	v4 =	vmul.f32 v4, v3;
	v6 =	vld [tilespmem:s18+$0xFFFFFFC0]  }
0x63c: {  	s20 =	simm.s32 $0x133C0;
	[tilespmem:s22+$0x0] =	vst.add.f32.msk $0xffff, v5  }
0x63d: {  	[tilespmem:s20+$0x0] =	vst.add.f32.msk $0xffff, v4  }
0x63e: {  	v5 =	vld [tilespmem:s17+$0x1D0]  }
0x63f: {  	v7 =	vmul.f32 v7, v2;
	v4 =	vld [tilespmem:s18+$0x3D0];
	_ =	sdelay $0x1  }
0x640: {  	[tilespmem:s22+$0x0] =	vst.add.f32.msk $0xffff, v7;
	v6 =	vmul.f32 v6, v0  }
0x641: {  	v7 =	vld [tilespmem:s17+$0xFFFFFDD0]  }
0x642: {  	[tilespmem:s20+$0x0] =	vst.add.f32.msk $0xffff, v6;
	v5 =	vmul.f32 v5, v1  }
0x643: {  	v4 =	vmul.f32 v4, v3;
	v6 =	vld [tilespmem:s18+$0xFFFFFFD0]  }
0x644: {  	[tilespmem:s23+$0x0] =	vst.add.f32.msk $0xffff, v5  }
0x645: {  	[tilespmem:s26+$0x0] =	vst.add.f32.msk $0xffff, v4  }
0x646: {  	v5 =	vld [tilespmem:s17+$0x1E0]  }
0x647: {  	v7 =	vmul.f32 v7, v2;
	v4 =	vld [tilespmem:s18+$0x3E0];
	_ =	sdelay $0x1  }
0x648: {  	[tilespmem:s23+$0x0] =	vst.add.f32.msk $0xffff, v7;
	v6 =	vmul.f32 v6, v0  }
0x649: {  	v7 =	vld [tilespmem:s17+$0xFFFFFDE0]  }
0x64a: {  	[tilespmem:s26+$0x0] =	vst.add.f32.msk $0xffff, v6;
	v5 =	vmul.f32 v5, v1  }
0x64b: {  	v4 =	vmul.f32 v4, v3;
	v6 =	vld [tilespmem:s18+$0xFFFFFFE0]  }
0x64c: {  	s28 =	simm.s32 $0x133E0;
	[tilespmem:s24+$0x0] =	vst.add.f32.msk $0xffff, v5  }
0x64d: {  	[tilespmem:s28+$0x0] =	vst.add.f32.msk $0xffff, v4  }
0x64e: {  	v5 =	vmul.f32 v7, v2;
	v4 =	vld [tilespmem:s18+$0x3F0]  }
0x64f: {  	v7 =	vld [tilespmem:s17+$0x1F0]  }
0x650: {  	[tilespmem:s24+$0x0] =	vst.add.f32.msk $0xffff, v5;
	v5 =	vmul.f32 v6, v0  }
0x651: {  	v6 =	vld [tilespmem:s17+$0xFFFFFDF0]  }
0x652: {  	[tilespmem:s28+$0x0] =	vst.add.f32.msk $0xffff, v5  }
0x653: {  	v3 =	vmul.f32 v4, v3;
	v5 =	vld [tilespmem:s18+$0xFFFFFFF0]  }
0x654: {  	s29 =	simm.s32 $0x133F0;
	v4 =	vmul.f32 v7, v1  }
0x655: {  	s19 =	simm.s32 $0x131F0;
	[tilespmem:s29+$0x0] =	vst.add.f32.msk $0xffff, v3  }
0x656: {  	[tilespmem:s19+$0x0] =	vst.add.f32.msk $0xffff, v4  }
0x657: {  	s20 =	simm.s32 $0x2280;
	s18 =	simm.s32 $0xBC00;
	s19 =	simm.s32 $0x2;
	v6 =	vmul.f32 v6, v2;
	v7 =	vld [tilespmem:s17+$0x200]  }
.LBB2_5:
0x658: {  	v4 =	vld [tilespmem:s20+$0x0];
	s17 =	sadd.s32 $0x800, s17;
	v3 =	vmul.f32 v5, v0;
	v0 =	vmov v2  }
0x659: {  	s19 =	sadd.s32 $0x2, s19;
	v5 =	vld [tilespmem:s17+$0x0]  }
0x65a: {  	p0 =	slt.u32 s19, $0x1E;
	v8 =	vld [tilespmem:s17+$0xFFFFFC00]  }
0x65b: {  	s9 =	simm.s32 $0x131F0;
	v2 =	vld [tilespmem:s20+$0xFFFFFF80]  }
0x65c: {  	[tilespmem:s9+$0x0] =	vst.add.f32.msk $0xffff, v6;
	v6 =	vmul.f32 v7, v1  }
0x65d: {  	v7 =	vld [tilespmem:s18+$0xFFFFFE00]  }
0x65e: {  	v5 =	vmul.f32 v5, v4;
	[tilespmem:s3+$0x0] =	vst.add.f32.msk $0xffff, v6  }
0x65f: {  	s29 =	simm.s32 $0x13000;
	v6 =	vld [tilespmem:s18+$0x210]  }
0x660: {  	v8 =	vmul.f32 v8, v2;
	[tilespmem:s29+$0x0] =	vst.add.f32.msk $0xffff, v5  }
0x661: {  	v5 =	vld [tilespmem:s17+$0x10]  }
0x662: {  	s28 =	simm.s32 $0x13000;
	[tilespmem:s29+$0x0] =	vst.add.f32.msk $0xffff, v8;
	s29 =	simm.s32 $0x133F0;
	v7 =	vmul.f32 v7, v0  }
0x663: {  	v8 =	vld [tilespmem:s17+$0xFFFFFC10]  }
0x664: {  	[tilespmem:s3+$0x0] =	vst.add.f32.msk $0xffff, v7;
	v6 =	vmul.f32 v6, v1  }
0x665: {  	s4 =	simm.s32 $0x13210;
	v7 =	vld [tilespmem:s18+$0xFFFFFE10]  }
0x666: {  	v5 =	vmul.f32 v5, v4;
	[tilespmem:s4+$0x0] =	vst.add.f32.msk $0xffff, v6  }
0x667: {  	s10 =	simm.s32 $0x13010;
	v6 =	vld [tilespmem:s18+$0x220]  }
0x668: {  	v8 =	vmul.f32 v8, v2;
	[tilespmem:s10+$0x0] =	vst.add.f32.msk $0xffff, v5  }
0x669: {  	v5 =	vld [tilespmem:s17+$0x20]  }
0x66a: {  	[tilespmem:s10+$0x0] =	vst.add.f32.msk $0xffff, v8;
	s10 =	simm.s32 $0x13280;
	v7 =	vmul.f32 v7, v0  }
0x66b: {  	v8 =	vld [tilespmem:s17+$0xFFFFFC20]  }
0x66c: {  	[tilespmem:s4+$0x0] =	vst.add.f32.msk $0xffff, v7;
	v6 =	vmul.f32 v6, v1  }
0x66d: {  	v7 =	vld [tilespmem:s18+$0xFFFFFE20]  }
0x66e: {  	v5 =	vmul.f32 v5, v4;
	[tilespmem:s14+$0x0] =	vst.add.f32.msk $0xffff, v6  }
0x66f: {  	s4 =	simm.s32 $0x13020;
	v6 =	vld [tilespmem:s18+$0x230]  }
0x670: {  	v8 =	vmul.f32 v8, v2;
	[tilespmem:s4+$0x0] =	vst.add.f32.msk $0xffff, v5  }
0x671: {  	v5 =	vld [tilespmem:s17+$0x30]  }
0x672: {  	[tilespmem:s4+$0x0] =	vst.add.f32.msk $0xffff, v8;
	s4 =	simm.s32 $0x13270;
	v7 =	vmul.f32 v7, v0  }
0x673: {  	v8 =	vld [tilespmem:s17+$0xFFFFFC30]  }
0x674: {  	[tilespmem:s14+$0x0] =	vst.add.f32.msk $0xffff, v7;
	v6 =	vmul.f32 v6, v1  }
0x675: {  	s6 =	simm.s32 $0x13230;
	v7 =	vld [tilespmem:s18+$0xFFFFFE30]  }
0x676: {  	v5 =	vmul.f32 v5, v4;
	[tilespmem:s6+$0x0] =	vst.add.f32.msk $0xffff, v6  }
0x677: {  	s5 =	simm.s32 $0x13030;
	v6 =	vld [tilespmem:s18+$0x240]  }
0x678: {  	v8 =	vmul.f32 v8, v2;
	[tilespmem:s5+$0x0] =	vst.add.f32.msk $0xffff, v5  }
0x679: {  	v5 =	vld [tilespmem:s17+$0x40]  }
0x67a: {  	[tilespmem:s5+$0x0] =	vst.add.f32.msk $0xffff, v8;
	s5 =	simm.s32 $0x13260;
	v7 =	vmul.f32 v7, v0  }
0x67b: {  	v8 =	vld [tilespmem:s17+$0xFFFFFC40]  }
0x67c: {  	[tilespmem:s6+$0x0] =	vst.add.f32.msk $0xffff, v7;
	v6 =	vmul.f32 v6, v1  }
0x67d: {  	v7 =	vld [tilespmem:s18+$0xFFFFFE40]  }
0x67e: {  	v5 =	vmul.f32 v5, v4;
	[tilespmem:s2+$0x0] =	vst.add.f32.msk $0xffff, v6  }
0x67f: {  	s6 =	simm.s32 $0x13040;
	v6 =	vld [tilespmem:s18+$0x250]  }
0x680: {  	v8 =	vmul.f32 v8, v2;
	[tilespmem:s6+$0x0] =	vst.add.f32.msk $0xffff, v5  }
0x681: {  	v5 =	vld [tilespmem:s17+$0x50]  }
0x682: {  	[tilespmem:s6+$0x0] =	vst.add.f32.msk $0xffff, v8;
	s6 =	simm.s32 $0x13250;
	v7 =	vmul.f32 v7, v0  }
0x683: {  	v8 =	vld [tilespmem:s17+$0xFFFFFC50]  }
0x684: {  	[tilespmem:s2+$0x0] =	vst.add.f32.msk $0xffff, v7;
	v6 =	vmul.f32 v6, v1  }
0x685: {  	v7 =	vld [tilespmem:s18+$0xFFFFFE50]  }
0x686: {  	v5 =	vmul.f32 v5, v4;
	[tilespmem:s6+$0x0] =	vst.add.f32.msk $0xffff, v6  }
0x687: {  	s2 =	simm.s32 $0x13050;
	v6 =	vld [tilespmem:s18+$0x260]  }
0x688: {  	v8 =	vmul.f32 v8, v2;
	[tilespmem:s2+$0x0] =	vst.add.f32.msk $0xffff, v5  }
0x689: {  	v5 =	vld [tilespmem:s17+$0x60]  }
0x68a: {  	[tilespmem:s2+$0x0] =	vst.add.f32.msk $0xffff, v8;
	s2 =	simm.s32 $0x13240;
	v7 =	vmul.f32 v7, v0  }
0x68b: {  	v8 =	vld [tilespmem:s17+$0xFFFFFC60]  }
0x68c: {  	[tilespmem:s6+$0x0] =	vst.add.f32.msk $0xffff, v7;
	v6 =	vmul.f32 v6, v1  }
0x68d: {  	v7 =	vld [tilespmem:s18+$0xFFFFFE60]  }
0x68e: {  	v5 =	vmul.f32 v5, v4;
	[tilespmem:s5+$0x0] =	vst.add.f32.msk $0xffff, v6  }
0x68f: {  	s14 =	simm.s32 $0x13060;
	v6 =	vld [tilespmem:s18+$0x270]  }
0x690: {  	v8 =	vmul.f32 v8, v2;
	[tilespmem:s14+$0x0] =	vst.add.f32.msk $0xffff, v5  }
0x691: {  	v5 =	vld [tilespmem:s17+$0x70]  }
0x692: {  	[tilespmem:s14+$0x0] =	vst.add.f32.msk $0xffff, v8;
	s14 =	simm.s32 $0x13220;
	v7 =	vmul.f32 v7, v0  }
0x693: {  	v8 =	vld [tilespmem:s17+$0xFFFFFC70]  }
0x694: {  	[tilespmem:s5+$0x0] =	vst.add.f32.msk $0xffff, v7;
	v6 =	vmul.f32 v6, v1  }
0x695: {  	v7 =	vld [tilespmem:s18+$0xFFFFFE70]  }
0x696: {  	v5 =	vmul.f32 v5, v4;
	[tilespmem:s4+$0x0] =	vst.add.f32.msk $0xffff, v6  }
0x697: {  	s3 =	simm.s32 $0x13070;
	v6 =	vld [tilespmem:s18+$0x280]  }
0x698: {  	v8 =	vmul.f32 v8, v2;
	[tilespmem:s3+$0x0] =	vst.add.f32.msk $0xffff, v5  }
0x699: {  	v5 =	vld [tilespmem:s17+$0x80]  }
0x69a: {  	[tilespmem:s3+$0x0] =	vst.add.f32.msk $0xffff, v8;
	s3 =	simm.s32 $0x13200;
	v7 =	vmul.f32 v7, v0  }
0x69b: {  	v8 =	vld [tilespmem:s17+$0xFFFFFC80]  }
0x69c: {  	[tilespmem:s4+$0x0] =	vst.add.f32.msk $0xffff, v7;
	v6 =	vmul.f32 v6, v1  }
0x69d: {  	v7 =	vld [tilespmem:s18+$0xFFFFFE80]  }
0x69e: {  	v5 =	vmul.f32 v5, v4;
	[tilespmem:s10+$0x0] =	vst.add.f32.msk $0xffff, v6  }
0x69f: {  	s15 =	simm.s32 $0x13080;
	v6 =	vld [tilespmem:s18+$0x290]  }
0x6a0: {  	v8 =	vmul.f32 v8, v2;
	[tilespmem:s15+$0x0] =	vst.add.f32.msk $0xffff, v5  }
0x6a1: {  	v5 =	vld [tilespmem:s17+$0x90]  }
0x6a2: {  	[tilespmem:s15+$0x0] =	vst.add.f32.msk $0xffff, v8;
	v7 =	vmul.f32 v7, v0  }
0x6a3: {  	v8 =	vld [tilespmem:s17+$0xFFFFFC90]  }
0x6a4: {  	[tilespmem:s10+$0x0] =	vst.add.f32.msk $0xffff, v7;
	v6 =	vmul.f32 v6, v1  }
0x6a5: {  	v7 =	vld [tilespmem:s18+$0xFFFFFE90]  }
0x6a6: {  	v5 =	vmul.f32 v5, v4;
	[tilespmem:s13+$0x0] =	vst.add.f32.msk $0xffff, v6  }
0x6a7: {  	s15 =	simm.s32 $0x13090;
	v6 =	vld [tilespmem:s18+$0x2A0]  }
0x6a8: {  	v8 =	vmul.f32 v8, v2;
	[tilespmem:s15+$0x0] =	vst.add.f32.msk $0xffff, v5  }
0x6a9: {  	v5 =	vld [tilespmem:s17+$0xA0]  }
0x6aa: {  	[tilespmem:s15+$0x0] =	vst.add.f32.msk $0xffff, v8;
	v7 =	vmul.f32 v7, v0  }
0x6ab: {  	v8 =	vld [tilespmem:s17+$0xFFFFFCA0]  }
0x6ac: {  	[tilespmem:s13+$0x0] =	vst.add.f32.msk $0xffff, v7;
	v6 =	vmul.f32 v6, v1  }
0x6ad: {  	s13 =	simm.s32 $0x132A0;
	v7 =	vld [tilespmem:s18+$0xFFFFFEA0]  }
0x6ae: {  	v5 =	vmul.f32 v5, v4;
	[tilespmem:s13+$0x0] =	vst.add.f32.msk $0xffff, v6  }
0x6af: {  	s15 =	simm.s32 $0x130A0;
	v6 =	vld [tilespmem:s18+$0x2B0]  }
0x6b0: {  	v8 =	vmul.f32 v8, v2;
	[tilespmem:s15+$0x0] =	vst.add.f32.msk $0xffff, v5  }
0x6b1: {  	v5 =	vld [tilespmem:s17+$0xB0]  }
0x6b2: {  	[tilespmem:s15+$0x0] =	vst.add.f32.msk $0xffff, v8;
	v7 =	vmul.f32 v7, v0  }
0x6b3: {  	v8 =	vld [tilespmem:s17+$0xFFFFFCB0]  }
0x6b4: {  	[tilespmem:s13+$0x0] =	vst.add.f32.msk $0xffff, v7;
	s13 =	simm.s32 $0x13290;
	v6 =	vmul.f32 v6, v1  }
0x6b5: {  	v7 =	vld [tilespmem:s18+$0xFFFFFEB0]  }
0x6b6: {  	v5 =	vmul.f32 v5, v4;
	[tilespmem:s12+$0x0] =	vst.add.f32.msk $0xffff, v6  }
0x6b7: {  	s15 =	simm.s32 $0x130B0;
	v6 =	vld [tilespmem:s18+$0x2C0]  }
0x6b8: {  	v8 =	vmul.f32 v8, v2;
	[tilespmem:s15+$0x0] =	vst.add.f32.msk $0xffff, v5  }
0x6b9: {  	v5 =	vld [tilespmem:s17+$0xC0]  }
0x6ba: {  	[tilespmem:s15+$0x0] =	vst.add.f32.msk $0xffff, v8;
	v7 =	vmul.f32 v7, v0  }
0x6bb: {  	v8 =	vld [tilespmem:s17+$0xFFFFFCC0]  }
0x6bc: {  	[tilespmem:s12+$0x0] =	vst.add.f32.msk $0xffff, v7;
	v6 =	vmul.f32 v6, v1  }
0x6bd: {  	s12 =	simm.s32 $0x132C0;
	v7 =	vld [tilespmem:s18+$0xFFFFFEC0]  }
0x6be: {  	v5 =	vmul.f32 v5, v4;
	[tilespmem:s12+$0x0] =	vst.add.f32.msk $0xffff, v6  }
0x6bf: {  	s15 =	simm.s32 $0x130C0;
	v6 =	vld [tilespmem:s18+$0x2D0]  }
0x6c0: {  	v8 =	vmul.f32 v8, v2;
	[tilespmem:s15+$0x0] =	vst.add.f32.msk $0xffff, v5  }
0x6c1: {  	v5 =	vld [tilespmem:s17+$0xD0]  }
0x6c2: {  	[tilespmem:s15+$0x0] =	vst.add.f32.msk $0xffff, v8;
	v7 =	vmul.f32 v7, v0  }
0x6c3: {  	v8 =	vld [tilespmem:s17+$0xFFFFFCD0]  }
0x6c4: {  	[tilespmem:s12+$0x0] =	vst.add.f32.msk $0xffff, v7;
	s12 =	simm.s32 $0x132B0;
	v6 =	vmul.f32 v6, v1  }
0x6c5: {  	v7 =	vld [tilespmem:s18+$0xFFFFFED0]  }
0x6c6: {  	v5 =	vmul.f32 v5, v4;
	[tilespmem:s8+$0x0] =	vst.add.f32.msk $0xffff, v6  }
0x6c7: {  	s15 =	simm.s32 $0x130D0;
	v6 =	vld [tilespmem:s18+$0x2E0]  }
0x6c8: {  	v8 =	vmul.f32 v8, v2;
	[tilespmem:s15+$0x0] =	vst.add.f32.msk $0xffff, v5  }
0x6c9: {  	v5 =	vld [tilespmem:s17+$0xE0]  }
0x6ca: {  	[tilespmem:s15+$0x0] =	vst.add.f32.msk $0xffff, v8;
	v7 =	vmul.f32 v7, v0  }
0x6cb: {  	v8 =	vld [tilespmem:s17+$0xFFFFFCE0]  }
0x6cc: {  	[tilespmem:s8+$0x0] =	vst.add.f32.msk $0xffff, v7;
	v6 =	vmul.f32 v6, v1  }
0x6cd: {  	s8 =	simm.s32 $0x132E0;
	v7 =	vld [tilespmem:s18+$0xFFFFFEE0]  }
0x6ce: {  	v5 =	vmul.f32 v5, v4;
	[tilespmem:s8+$0x0] =	vst.add.f32.msk $0xffff, v6  }
0x6cf: {  	s15 =	simm.s32 $0x130E0;
	v6 =	vld [tilespmem:s18+$0x2F0]  }
0x6d0: {  	v8 =	vmul.f32 v8, v2;
	[tilespmem:s15+$0x0] =	vst.add.f32.msk $0xffff, v5  }
0x6d1: {  	v5 =	vld [tilespmem:s17+$0xF0]  }
0x6d2: {  	[tilespmem:s15+$0x0] =	vst.add.f32.msk $0xffff, v8;
	v7 =	vmul.f32 v7, v0  }
0x6d3: {  	v8 =	vld [tilespmem:s17+$0xFFFFFCF0]  }
0x6d4: {  	[tilespmem:s8+$0x0] =	vst.add.f32.msk $0xffff, v7;
	s8 =	simm.s32 $0x132D0;
	v6 =	vmul.f32 v6, v1  }
0x6d5: {  	v7 =	vld [tilespmem:s18+$0xFFFFFEF0]  }
0x6d6: {  	v5 =	vmul.f32 v5, v4;
	[tilespmem:s7+$0x0] =	vst.add.f32.msk $0xffff, v6  }
0x6d7: {  	s15 =	simm.s32 $0x130F0;
	v6 =	vld [tilespmem:s18+$0x300]  }
0x6d8: {  	v8 =	vmul.f32 v8, v2;
	[tilespmem:s15+$0x0] =	vst.add.f32.msk $0xffff, v5  }
0x6d9: {  	v5 =	vld [tilespmem:s17+$0x100]  }
0x6da: {  	[tilespmem:s15+$0x0] =	vst.add.f32.msk $0xffff, v8;
	v7 =	vmul.f32 v7, v0  }
0x6db: {  	v8 =	vld [tilespmem:s17+$0xFFFFFD00]  }
0x6dc: {  	[tilespmem:s7+$0x0] =	vst.add.f32.msk $0xffff, v7;
	v6 =	vmul.f32 v6, v1  }
0x6dd: {  	s7 =	simm.s32 $0x13300;
	v7 =	vld [tilespmem:s18+$0xFFFFFF00]  }
0x6de: {  	v5 =	vmul.f32 v5, v4;
	[tilespmem:s7+$0x0] =	vst.add.f32.msk $0xffff, v6  }
0x6df: {  	s15 =	simm.s32 $0x13100;
	v6 =	vld [tilespmem:s18+$0x310]  }
0x6e0: {  	v8 =	vmul.f32 v8, v2;
	[tilespmem:s15+$0x0] =	vst.add.f32.msk $0xffff, v5  }
0x6e1: {  	v5 =	vld [tilespmem:s17+$0x110]  }
0x6e2: {  	[tilespmem:s15+$0x0] =	vst.add.f32.msk $0xffff, v8;
	v7 =	vmul.f32 v7, v0  }
0x6e3: {  	v8 =	vld [tilespmem:s17+$0xFFFFFD10]  }
0x6e4: {  	[tilespmem:s7+$0x0] =	vst.add.f32.msk $0xffff, v7;
	s7 =	simm.s32 $0x132F0;
	v6 =	vmul.f32 v6, v1  }
0x6e5: {  	v7 =	vld [tilespmem:s18+$0xFFFFFF10]  }
0x6e6: {  	v5 =	vmul.f32 v5, v4;
	[tilespmem:s11+$0x0] =	vst.add.f32.msk $0xffff, v6  }
0x6e7: {  	s15 =	simm.s32 $0x13110;
	v6 =	vld [tilespmem:s18+$0x320]  }
0x6e8: {  	v8 =	vmul.f32 v8, v2;
	[tilespmem:s15+$0x0] =	vst.add.f32.msk $0xffff, v5  }
0x6e9: {  	v5 =	vld [tilespmem:s17+$0x120]  }
0x6ea: {  	[tilespmem:s15+$0x0] =	vst.add.f32.msk $0xffff, v8;
	v7 =	vmul.f32 v7, v0  }
0x6eb: {  	v8 =	vld [tilespmem:s17+$0xFFFFFD20]  }
0x6ec: {  	[tilespmem:s11+$0x0] =	vst.add.f32.msk $0xffff, v7;
	v6 =	vmul.f32 v6, v1  }
0x6ed: {  	s11 =	simm.s32 $0x13320;
	v7 =	vld [tilespmem:s18+$0xFFFFFF20]  }
0x6ee: {  	v5 =	vmul.f32 v5, v4;
	[tilespmem:s11+$0x0] =	vst.add.f32.msk $0xffff, v6  }
0x6ef: {  	s15 =	simm.s32 $0x13120;
	v6 =	vld [tilespmem:s18+$0x330]  }
0x6f0: {  	v8 =	vmul.f32 v8, v2;
	[tilespmem:s15+$0x0] =	vst.add.f32.msk $0xffff, v5  }
0x6f1: {  	v5 =	vld [tilespmem:s17+$0x130]  }
0x6f2: {  	[tilespmem:s15+$0x0] =	vst.add.f32.msk $0xffff, v8;
	v7 =	vmul.f32 v7, v0  }
0x6f3: {  	v8 =	vld [tilespmem:s17+$0xFFFFFD30]  }
0x6f4: {  	[tilespmem:s11+$0x0] =	vst.add.f32.msk $0xffff, v7;
	s11 =	simm.s32 $0x13310;
	v6 =	vmul.f32 v6, v1  }
0x6f5: {  	v7 =	vld [tilespmem:s18+$0xFFFFFF30]  }
0x6f6: {  	v5 =	vmul.f32 v5, v4;
	[tilespmem:s1+$0x0] =	vst.add.f32.msk $0xffff, v6  }
0x6f7: {  	s15 =	simm.s32 $0x13130;
	v6 =	vld [tilespmem:s18+$0x340]  }
0x6f8: {  	v8 =	vmul.f32 v8, v2;
	[tilespmem:s15+$0x0] =	vst.add.f32.msk $0xffff, v5  }
0x6f9: {  	v5 =	vld [tilespmem:s17+$0x140]  }
0x6fa: {  	[tilespmem:s15+$0x0] =	vst.add.f32.msk $0xffff, v8;
	v7 =	vmul.f32 v7, v0  }
0x6fb: {  	v8 =	vld [tilespmem:s17+$0xFFFFFD40]  }
0x6fc: {  	[tilespmem:s1+$0x0] =	vst.add.f32.msk $0xffff, v7;
	v6 =	vmul.f32 v6, v1  }
0x6fd: {  	s1 =	simm.s32 $0x13340;
	v7 =	vld [tilespmem:s18+$0xFFFFFF40]  }
0x6fe: {  	v5 =	vmul.f32 v5, v4;
	[tilespmem:s1+$0x0] =	vst.add.f32.msk $0xffff, v6  }
0x6ff: {  	s15 =	simm.s32 $0x13140;
	v6 =	vld [tilespmem:s18+$0x350]  }
0x700: {  	v8 =	vmul.f32 v8, v2;
	[tilespmem:s15+$0x0] =	vst.add.f32.msk $0xffff, v5  }
0x701: {  	v5 =	vld [tilespmem:s17+$0x150]  }
0x702: {  	[tilespmem:s15+$0x0] =	vst.add.f32.msk $0xffff, v8;
	v7 =	vmul.f32 v7, v0  }
0x703: {  	v8 =	vld [tilespmem:s17+$0xFFFFFD50]  }
0x704: {  	[tilespmem:s1+$0x0] =	vst.add.f32.msk $0xffff, v7;
	s1 =	simm.s32 $0x13330;
	v6 =	vmul.f32 v6, v1  }
0x705: {  	v7 =	vld [tilespmem:s18+$0xFFFFFF50]  }
0x706: {  	v5 =	vmul.f32 v5, v4;
	[tilespmem:s0+$0x0] =	vst.add.f32.msk $0xffff, v6  }
0x707: {  	s15 =	simm.s32 $0x13150;
	v6 =	vld [tilespmem:s18+$0x360]  }
0x708: {  	v8 =	vmul.f32 v8, v2;
	[tilespmem:s15+$0x0] =	vst.add.f32.msk $0xffff, v5  }
0x709: {  	v5 =	vld [tilespmem:s17+$0x160]  }
0x70a: {  	[tilespmem:s15+$0x0] =	vst.add.f32.msk $0xffff, v8;
	v7 =	vmul.f32 v7, v0  }
0x70b: {  	v8 =	vld [tilespmem:s17+$0xFFFFFD60]  }
0x70c: {  	[tilespmem:s0+$0x0] =	vst.add.f32.msk $0xffff, v7;
	v6 =	vmul.f32 v6, v1  }
0x70d: {  	s0 =	simm.s32 $0x13360;
	v7 =	vld [tilespmem:s18+$0xFFFFFF60]  }
0x70e: {  	v5 =	vmul.f32 v5, v4;
	[tilespmem:s0+$0x0] =	vst.add.f32.msk $0xffff, v6  }
0x70f: {  	s15 =	simm.s32 $0x13160;
	v6 =	vld [tilespmem:s18+$0x370]  }
0x710: {  	v8 =	vmul.f32 v8, v2;
	[tilespmem:s15+$0x0] =	vst.add.f32.msk $0xffff, v5  }
0x711: {  	v5 =	vld [tilespmem:s17+$0x170]  }
0x712: {  	[tilespmem:s15+$0x0] =	vst.add.f32.msk $0xffff, v8;
	v7 =	vmul.f32 v7, v0  }
0x713: {  	v8 =	vld [tilespmem:s17+$0xFFFFFD70]  }
0x714: {  	[tilespmem:s0+$0x0] =	vst.add.f32.msk $0xffff, v7;
	s0 =	simm.s32 $0x13350;
	v6 =	vmul.f32 v6, v1  }
0x715: {  	v7 =	vld [tilespmem:s18+$0xFFFFFF70]  }
0x716: {  	v5 =	vmul.f32 v5, v4;
	[tilespmem:s31+$0x0] =	vst.add.f32.msk $0xffff, v6  }
0x717: {  	s15 =	simm.s32 $0x13170;
	v6 =	vld [tilespmem:s18+$0x380]  }
0x718: {  	v8 =	vmul.f32 v8, v2;
	[tilespmem:s15+$0x0] =	vst.add.f32.msk $0xffff, v5  }
0x719: {  	v5 =	vld [tilespmem:s17+$0x180]  }
0x71a: {  	[tilespmem:s15+$0x0] =	vst.add.f32.msk $0xffff, v8;
	v7 =	vmul.f32 v7, v0  }
0x71b: {  	v8 =	vld [tilespmem:s17+$0xFFFFFD80]  }
0x71c: {  	[tilespmem:s31+$0x0] =	vst.add.f32.msk $0xffff, v7;
	v6 =	vmul.f32 v6, v1  }
0x71d: {  	s31 =	simm.s32 $0x13380;
	v7 =	vld [tilespmem:s18+$0xFFFFFF80]  }
0x71e: {  	v5 =	vmul.f32 v5, v4;
	[tilespmem:s31+$0x0] =	vst.add.f32.msk $0xffff, v6  }
0x71f: {  	s15 =	simm.s32 $0x13180;
	v6 =	vld [tilespmem:s18+$0x390]  }
0x720: {  	v8 =	vmul.f32 v8, v2;
	[tilespmem:s15+$0x0] =	vst.add.f32.msk $0xffff, v5  }
0x721: {  	v5 =	vld [tilespmem:s17+$0x190]  }
0x722: {  	[tilespmem:s15+$0x0] =	vst.add.f32.msk $0xffff, v8;
	v7 =	vmul.f32 v7, v0  }
0x723: {  	v8 =	vld [tilespmem:s17+$0xFFFFFD90]  }
0x724: {  	[tilespmem:s31+$0x0] =	vst.add.f32.msk $0xffff, v7;
	s31 =	simm.s32 $0x13370;
	v6 =	vmul.f32 v6, v1  }
0x725: {  	v7 =	vld [tilespmem:s18+$0xFFFFFF90]  }
0x726: {  	v5 =	vmul.f32 v5, v4;
	[tilespmem:s30+$0x0] =	vst.add.f32.msk $0xffff, v6  }
0x727: {  	s15 =	simm.s32 $0x13190;
	v6 =	vld [tilespmem:s18+$0x3A0]  }
0x728: {  	v8 =	vmul.f32 v8, v2;
	[tilespmem:s15+$0x0] =	vst.add.f32.msk $0xffff, v5  }
0x729: {  	v5 =	vld [tilespmem:s17+$0x1A0]  }
0x72a: {  	[tilespmem:s15+$0x0] =	vst.add.f32.msk $0xffff, v8;
	v7 =	vmul.f32 v7, v0  }
0x72b: {  	v8 =	vld [tilespmem:s17+$0xFFFFFDA0]  }
0x72c: {  	[tilespmem:s30+$0x0] =	vst.add.f32.msk $0xffff, v7;
	v6 =	vmul.f32 v6, v1  }
0x72d: {  	s30 =	simm.s32 $0x133A0;
	v7 =	vld [tilespmem:s18+$0xFFFFFFA0]  }
0x72e: {  	v5 =	vmul.f32 v5, v4;
	[tilespmem:s30+$0x0] =	vst.add.f32.msk $0xffff, v6  }
0x72f: {  	v6 =	vld [tilespmem:s18+$0x3B0]  }
0x730: {  	v8 =	vmul.f32 v8, v2;
	[tilespmem:s16+$0x0] =	vst.add.f32.msk $0xffff, v5  }
0x731: {  	v5 =	vld [tilespmem:s17+$0x1B0]  }
0x732: {  	[tilespmem:s16+$0x0] =	vst.add.f32.msk $0xffff, v8;
	v7 =	vmul.f32 v7, v0  }
0x733: {  	v8 =	vld [tilespmem:s17+$0xFFFFFDB0]  }
0x734: {  	[tilespmem:s30+$0x0] =	vst.add.f32.msk $0xffff, v7;
	s30 =	simm.s32 $0x13390;
	v6 =	vmul.f32 v6, v1  }
0x735: {  	v7 =	vld [tilespmem:s18+$0xFFFFFFB0]  }
0x736: {  	v5 =	vmul.f32 v5, v4;
	[tilespmem:s25+$0x0] =	vst.add.f32.msk $0xffff, v6  }
0x737: {  	v6 =	vld [tilespmem:s18+$0x3C0]  }
0x738: {  	v8 =	vmul.f32 v8, v2;
	[tilespmem:s21+$0x0] =	vst.add.f32.msk $0xffff, v5  }
0x739: {  	v5 =	vld [tilespmem:s17+$0x1C0]  }
0x73a: {  	[tilespmem:s21+$0x0] =	vst.add.f32.msk $0xffff, v8;
	v7 =	vmul.f32 v7, v0  }
0x73b: {  	v8 =	vld [tilespmem:s17+$0xFFFFFDC0]  }
0x73c: {  	[tilespmem:s25+$0x0] =	vst.add.f32.msk $0xffff, v7;
	v6 =	vmul.f32 v6, v1  }
0x73d: {  	s25 =	simm.s32 $0x133C0;
	v7 =	vld [tilespmem:s18+$0xFFFFFFC0]  }
0x73e: {  	v5 =	vmul.f32 v5, v4;
	[tilespmem:s25+$0x0] =	vst.add.f32.msk $0xffff, v6  }
0x73f: {  	v6 =	vld [tilespmem:s18+$0x3D0]  }
0x740: {  	v8 =	vmul.f32 v8, v2;
	[tilespmem:s22+$0x0] =	vst.add.f32.msk $0xffff, v5  }
0x741: {  	v5 =	vld [tilespmem:s17+$0x1D0]  }
0x742: {  	[tilespmem:s22+$0x0] =	vst.add.f32.msk $0xffff, v8;
	v7 =	vmul.f32 v7, v0  }
0x743: {  	v8 =	vld [tilespmem:s17+$0xFFFFFDD0]  }
0x744: {  	[tilespmem:s25+$0x0] =	vst.add.f32.msk $0xffff, v7;
	s25 =	simm.s32 $0x133B0;
	v6 =	vmul.f32 v6, v1  }
0x745: {  	v7 =	vld [tilespmem:s18+$0xFFFFFFD0]  }
0x746: {  	v5 =	vmul.f32 v5, v4;
	[tilespmem:s26+$0x0] =	vst.add.f32.msk $0xffff, v6  }
0x747: {  	v6 =	vld [tilespmem:s18+$0x3E0]  }
0x748: {  	v8 =	vmul.f32 v8, v2;
	[tilespmem:s23+$0x0] =	vst.add.f32.msk $0xffff, v5  }
0x749: {  	v5 =	vld [tilespmem:s17+$0x1E0]  }
0x74a: {  	[tilespmem:s23+$0x0] =	vst.add.f32.msk $0xffff, v8;
	v7 =	vmul.f32 v7, v0  }
0x74b: {  	v8 =	vld [tilespmem:s17+$0xFFFFFDE0]  }
0x74c: {  	[tilespmem:s26+$0x0] =	vst.add.f32.msk $0xffff, v7;
	v6 =	vmul.f32 v6, v1  }
0x74d: {  	s26 =	simm.s32 $0x133E0;
	v7 =	vld [tilespmem:s18+$0xFFFFFFE0]  }
0x74e: {  	v5 =	vmul.f32 v5, v4;
	[tilespmem:s26+$0x0] =	vst.add.f32.msk $0xffff, v6  }
0x74f: {  	v6 =	vld [tilespmem:s18+$0x3F0]  }
0x750: {  	v8 =	vmul.f32 v8, v2;
	[tilespmem:s24+$0x0] =	vst.add.f32.msk $0xffff, v5  }
0x751: {  	v9 =	vld [tilespmem:s17+$0x1F0]  }
0x752: {  	[tilespmem:s24+$0x0] =	vst.add.f32.msk $0xffff, v8;
	v5 =	vmul.f32 v7, v0  }
0x753: {  	v7 =	vld [tilespmem:s17+$0xFFFFFDF0]  }
0x754: {  	[tilespmem:s26+$0x0] =	vst.add.f32.msk $0xffff, v5;
	s26 =	simm.s32 $0x133D0;
	v6 =	vmul.f32 v6, v1;
	v1 =	vmov v4  }
.Ltmp1:
0x755: {  	v5 =	vld [tilespmem:s18+$0xFFFFFFF0];
	s18 =	smov.u32 s17;
	(pc) =	sbr.rel @p0 .LBB2_5-.Ltmp1, $4  }
0x756: {  	v4 =	vmul.f32 v9, v1;
	[tilespmem:s29+$0x0] =	vst.add.f32.msk $0xffff, v6  }
0x757: {  	[tilespmem:s29+$0x0] =	vst.add.f32.msk $0xffff, v3  }
0x758: {  	s15 =	simm.s32 $0x131F0;
	v6 =	vmul.f32 v7, v2;
	[tilespmem:s9+$0x0] =	vst.add.f32.msk $0xffff, v4  }
0x759: {  	s20 =	sadd.s32 $0x100, s20;
	v7 =	vld [tilespmem:s17+$0x200]  }
0x75a: {  	[tilespmem:s15+$0x0] =	vst.add.f32.msk $0xffff, v6  }
0x75b: {  	v3 =	vld [tilespmem:s18+$0xFFFFFE00];
	_ =	sdelay $0x2  }
0x75c: {  	v4 =	vmul.f32 v7, v1;
	_ =	sdelay $0x1  }
0x75d: {  	[tilespmem:s3+$0x0] =	vst.add.f32.msk $0xffff, v4;
	v3 =	vmul.f32 v3, v2  }
0x75e: {  	v4 =	vld [tilespmem:s18+$0x210]  }
0x75f: {  	[tilespmem:s3+$0x0] =	vst.add.f32.msk $0xffff, v3  }
0x760: {  	v3 =	vld [tilespmem:s18+$0xFFFFFE10];
	_ =	sdelay $0x2  }
0x761: {  	v4 =	vmul.f32 v4, v1  }
0x762: {  	s19 =	simm.s32 $0x13210  }
0x763: {  	[tilespmem:s19+$0x0] =	vst.add.f32.msk $0xffff, v4;
	v3 =	vmul.f32 v3, v2  }
0x764: {  	v4 =	vld [tilespmem:s18+$0x220]  }
0x765: {  	[tilespmem:s19+$0x0] =	vst.add.f32.msk $0xffff, v3  }
0x766: {  	v3 =	vld [tilespmem:s18+$0xFFFFFE20];
	_ =	sdelay $0x2  }
0x767: {  	v4 =	vmul.f32 v4, v1;
	_ =	sdelay $0x1  }
0x768: {  	[tilespmem:s14+$0x0] =	vst.add.f32.msk $0xffff, v4;
	v3 =	vmul.f32 v3, v2  }
0x769: {  	v4 =	vld [tilespmem:s18+$0x230]  }
0x76a: {  	[tilespmem:s14+$0x0] =	vst.add.f32.msk $0xffff, v3  }
0x76b: {  	v3 =	vld [tilespmem:s18+$0xFFFFFE30];
	_ =	sdelay $0x2  }
0x76c: {  	v4 =	vmul.f32 v4, v1  }
0x76d: {  	s20 =	simm.s32 $0x13230  }
0x76e: {  	[tilespmem:s20+$0x0] =	vst.add.f32.msk $0xffff, v4;
	v3 =	vmul.f32 v3, v2  }
0x76f: {  	v4 =	vld [tilespmem:s18+$0x240]  }
0x770: {  	[tilespmem:s20+$0x0] =	vst.add.f32.msk $0xffff, v3  }
0x771: {  	v3 =	vld [tilespmem:s18+$0xFFFFFE40];
	_ =	sdelay $0x2  }
0x772: {  	v4 =	vmul.f32 v4, v1;
	_ =	sdelay $0x1  }
0x773: {  	[tilespmem:s2+$0x0] =	vst.add.f32.msk $0xffff, v4;
	v3 =	vmul.f32 v3, v2  }
0x774: {  	v4 =	vld [tilespmem:s18+$0x250]  }
0x775: {  	[tilespmem:s2+$0x0] =	vst.add.f32.msk $0xffff, v3  }
0x776: {  	v3 =	vld [tilespmem:s18+$0xFFFFFE50];
	_ =	sdelay $0x2  }
0x777: {  	v4 =	vmul.f32 v4, v1;
	_ =	sdelay $0x1  }
0x778: {  	[tilespmem:s6+$0x0] =	vst.add.f32.msk $0xffff, v4;
	v3 =	vmul.f32 v3, v2  }
0x779: {  	v4 =	vld [tilespmem:s18+$0x260]  }
0x77a: {  	[tilespmem:s6+$0x0] =	vst.add.f32.msk $0xffff, v3  }
0x77b: {  	v3 =	vld [tilespmem:s18+$0xFFFFFE60];
	_ =	sdelay $0x2  }
0x77c: {  	v4 =	vmul.f32 v4, v1;
	_ =	sdelay $0x1  }
0x77d: {  	[tilespmem:s5+$0x0] =	vst.add.f32.msk $0xffff, v4;
	v3 =	vmul.f32 v3, v2  }
0x77e: {  	v4 =	vld [tilespmem:s18+$0x270]  }
0x77f: {  	[tilespmem:s5+$0x0] =	vst.add.f32.msk $0xffff, v3  }
0x780: {  	v3 =	vld [tilespmem:s18+$0xFFFFFE70];
	_ =	sdelay $0x2  }
0x781: {  	v4 =	vmul.f32 v4, v1;
	_ =	sdelay $0x1  }
0x782: {  	[tilespmem:s4+$0x0] =	vst.add.f32.msk $0xffff, v4;
	v3 =	vmul.f32 v3, v2  }
0x783: {  	v4 =	vld [tilespmem:s18+$0x280]  }
0x784: {  	[tilespmem:s4+$0x0] =	vst.add.f32.msk $0xffff, v3  }
0x785: {  	v3 =	vld [tilespmem:s18+$0xFFFFFE80];
	_ =	sdelay $0x2  }
0x786: {  	v4 =	vmul.f32 v4, v1;
	_ =	sdelay $0x1  }
0x787: {  	[tilespmem:s10+$0x0] =	vst.add.f32.msk $0xffff, v4;
	v3 =	vmul.f32 v3, v2  }
0x788: {  	v4 =	vld [tilespmem:s18+$0x290]  }
0x789: {  	[tilespmem:s10+$0x0] =	vst.add.f32.msk $0xffff, v3  }
0x78a: {  	v3 =	vld [tilespmem:s18+$0xFFFFFE90];
	_ =	sdelay $0x2  }
0x78b: {  	v4 =	vmul.f32 v4, v1;
	_ =	sdelay $0x1  }
0x78c: {  	[tilespmem:s13+$0x0] =	vst.add.f32.msk $0xffff, v4;
	v3 =	vmul.f32 v3, v2  }
0x78d: {  	v4 =	vld [tilespmem:s18+$0x2A0]  }
0x78e: {  	[tilespmem:s13+$0x0] =	vst.add.f32.msk $0xffff, v3  }
0x78f: {  	v3 =	vld [tilespmem:s18+$0xFFFFFEA0];
	_ =	sdelay $0x2  }
0x790: {  	v4 =	vmul.f32 v4, v1  }
0x791: {  	s9 =	simm.s32 $0x132A0  }
0x792: {  	[tilespmem:s9+$0x0] =	vst.add.f32.msk $0xffff, v4;
	v3 =	vmul.f32 v3, v2  }
0x793: {  	v4 =	vld [tilespmem:s18+$0x2B0]  }
0x794: {  	[tilespmem:s9+$0x0] =	vst.add.f32.msk $0xffff, v3  }
0x795: {  	v3 =	vld [tilespmem:s18+$0xFFFFFEB0];
	_ =	sdelay $0x2  }
0x796: {  	v4 =	vmul.f32 v4, v1;
	_ =	sdelay $0x1  }
0x797: {  	[tilespmem:s12+$0x0] =	vst.add.f32.msk $0xffff, v4;
	v3 =	vmul.f32 v3, v2  }
0x798: {  	v4 =	vld [tilespmem:s18+$0x2C0]  }
0x799: {  	[tilespmem:s12+$0x0] =	vst.add.f32.msk $0xffff, v3  }
0x79a: {  	v3 =	vld [tilespmem:s18+$0xFFFFFEC0];
	_ =	sdelay $0x2  }
0x79b: {  	v4 =	vmul.f32 v4, v1  }
0x79c: {  	s10 =	simm.s32 $0x132C0  }
0x79d: {  	[tilespmem:s10+$0x0] =	vst.add.f32.msk $0xffff, v4;
	v3 =	vmul.f32 v3, v2  }
0x79e: {  	v4 =	vld [tilespmem:s18+$0x2D0]  }
0x79f: {  	[tilespmem:s10+$0x0] =	vst.add.f32.msk $0xffff, v3  }
0x7a0: {  	v3 =	vld [tilespmem:s18+$0xFFFFFED0];
	_ =	sdelay $0x2  }
0x7a1: {  	v4 =	vmul.f32 v4, v1;
	_ =	sdelay $0x1  }
0x7a2: {  	[tilespmem:s8+$0x0] =	vst.add.f32.msk $0xffff, v4;
	v3 =	vmul.f32 v3, v2  }
0x7a3: {  	v4 =	vld [tilespmem:s18+$0x2E0]  }
0x7a4: {  	[tilespmem:s8+$0x0] =	vst.add.f32.msk $0xffff, v3  }
0x7a5: {  	v3 =	vld [tilespmem:s18+$0xFFFFFEE0];
	_ =	sdelay $0x2  }
0x7a6: {  	v4 =	vmul.f32 v4, v1  }
0x7a7: {  	s12 =	simm.s32 $0x132E0  }
0x7a8: {  	[tilespmem:s12+$0x0] =	vst.add.f32.msk $0xffff, v4;
	v3 =	vmul.f32 v3, v2  }
0x7a9: {  	v4 =	vld [tilespmem:s18+$0x2F0]  }
0x7aa: {  	[tilespmem:s12+$0x0] =	vst.add.f32.msk $0xffff, v3  }
0x7ab: {  	v3 =	vld [tilespmem:s18+$0xFFFFFEF0];
	_ =	sdelay $0x2  }
0x7ac: {  	v4 =	vmul.f32 v4, v1;
	_ =	sdelay $0x1  }
0x7ad: {  	[tilespmem:s7+$0x0] =	vst.add.f32.msk $0xffff, v4;
	v3 =	vmul.f32 v3, v2  }
0x7ae: {  	v4 =	vld [tilespmem:s18+$0x300]  }
0x7af: {  	[tilespmem:s7+$0x0] =	vst.add.f32.msk $0xffff, v3  }
0x7b0: {  	v3 =	vld [tilespmem:s18+$0xFFFFFF00];
	_ =	sdelay $0x2  }
0x7b1: {  	v4 =	vmul.f32 v4, v1  }
0x7b2: {  	s13 =	simm.s32 $0x13300  }
0x7b3: {  	[tilespmem:s13+$0x0] =	vst.add.f32.msk $0xffff, v4;
	v3 =	vmul.f32 v3, v2  }
0x7b4: {  	v4 =	vld [tilespmem:s18+$0x310]  }
0x7b5: {  	[tilespmem:s13+$0x0] =	vst.add.f32.msk $0xffff, v3  }
0x7b6: {  	v3 =	vld [tilespmem:s18+$0xFFFFFF10];
	_ =	sdelay $0x2  }
0x7b7: {  	v4 =	vmul.f32 v4, v1;
	_ =	sdelay $0x1  }
0x7b8: {  	[tilespmem:s11+$0x0] =	vst.add.f32.msk $0xffff, v4;
	v3 =	vmul.f32 v3, v2  }
0x7b9: {  	v4 =	vld [tilespmem:s18+$0x320]  }
0x7ba: {  	[tilespmem:s11+$0x0] =	vst.add.f32.msk $0xffff, v3  }
0x7bb: {  	v3 =	vld [tilespmem:s18+$0xFFFFFF20];
	_ =	sdelay $0x2  }
0x7bc: {  	v4 =	vmul.f32 v4, v1  }
0x7bd: {  	s14 =	simm.s32 $0x13320  }
0x7be: {  	[tilespmem:s14+$0x0] =	vst.add.f32.msk $0xffff, v4;
	v3 =	vmul.f32 v3, v2  }
0x7bf: {  	v4 =	vld [tilespmem:s18+$0x330]  }
0x7c0: {  	[tilespmem:s14+$0x0] =	vst.add.f32.msk $0xffff, v3  }
0x7c1: {  	v3 =	vld [tilespmem:s18+$0xFFFFFF30];
	_ =	sdelay $0x2  }
0x7c2: {  	v4 =	vmul.f32 v4, v1;
	_ =	sdelay $0x1  }
0x7c3: {  	[tilespmem:s1+$0x0] =	vst.add.f32.msk $0xffff, v4;
	v3 =	vmul.f32 v3, v2  }
0x7c4: {  	v4 =	vld [tilespmem:s18+$0x340]  }
0x7c5: {  	[tilespmem:s1+$0x0] =	vst.add.f32.msk $0xffff, v3  }
0x7c6: {  	v3 =	vld [tilespmem:s18+$0xFFFFFF40];
	_ =	sdelay $0x2  }
0x7c7: {  	v4 =	vmul.f32 v4, v1  }
0x7c8: {  	s15 =	simm.s32 $0x13340  }
0x7c9: {  	[tilespmem:s15+$0x0] =	vst.add.f32.msk $0xffff, v4;
	v3 =	vmul.f32 v3, v2  }
0x7ca: {  	v4 =	vld [tilespmem:s18+$0x350]  }
0x7cb: {  	[tilespmem:s15+$0x0] =	vst.add.f32.msk $0xffff, v3  }
0x7cc: {  	v3 =	vld [tilespmem:s18+$0xFFFFFF50];
	_ =	sdelay $0x2  }
0x7cd: {  	v4 =	vmul.f32 v4, v1;
	_ =	sdelay $0x1  }
0x7ce: {  	[tilespmem:s0+$0x0] =	vst.add.f32.msk $0xffff, v4;
	v3 =	vmul.f32 v3, v2  }
0x7cf: {  	v4 =	vld [tilespmem:s18+$0x360]  }
0x7d0: {  	[tilespmem:s0+$0x0] =	vst.add.f32.msk $0xffff, v3  }
0x7d1: {  	v3 =	vld [tilespmem:s18+$0xFFFFFF60];
	_ =	sdelay $0x2  }
0x7d2: {  	v4 =	vmul.f32 v4, v1  }
0x7d3: {  	s17 =	simm.s32 $0x13360  }
0x7d4: {  	[tilespmem:s17+$0x0] =	vst.add.f32.msk $0xffff, v4;
	v3 =	vmul.f32 v3, v2  }
0x7d5: {  	v4 =	vld [tilespmem:s18+$0x370]  }
0x7d6: {  	[tilespmem:s17+$0x0] =	vst.add.f32.msk $0xffff, v3  }
0x7d7: {  	v3 =	vld [tilespmem:s18+$0xFFFFFF70];
	_ =	sdelay $0x2  }
0x7d8: {  	v4 =	vmul.f32 v4, v1;
	_ =	sdelay $0x1  }
0x7d9: {  	[tilespmem:s31+$0x0] =	vst.add.f32.msk $0xffff, v4;
	v3 =	vmul.f32 v3, v2  }
0x7da: {  	v4 =	vld [tilespmem:s18+$0x380]  }
0x7db: {  	[tilespmem:s31+$0x0] =	vst.add.f32.msk $0xffff, v3  }
0x7dc: {  	v3 =	vld [tilespmem:s18+$0xFFFFFF80];
	_ =	sdelay $0x2  }
0x7dd: {  	v4 =	vmul.f32 v4, v1  }
0x7de: {  	s19 =	simm.s32 $0x13380  }
0x7df: {  	[tilespmem:s19+$0x0] =	vst.add.f32.msk $0xffff, v4;
	v3 =	vmul.f32 v3, v2  }
0x7e0: {  	v4 =	vld [tilespmem:s18+$0x390]  }
0x7e1: {  	[tilespmem:s19+$0x0] =	vst.add.f32.msk $0xffff, v3  }
0x7e2: {  	v3 =	vld [tilespmem:s18+$0xFFFFFF90];
	_ =	sdelay $0x2  }
0x7e3: {  	v4 =	vmul.f32 v4, v1;
	_ =	sdelay $0x1  }
0x7e4: {  	[tilespmem:s30+$0x0] =	vst.add.f32.msk $0xffff, v4;
	v3 =	vmul.f32 v3, v2  }
0x7e5: {  	v4 =	vld [tilespmem:s18+$0x3A0]  }
0x7e6: {  	[tilespmem:s30+$0x0] =	vst.add.f32.msk $0xffff, v3  }
0x7e7: {  	v3 =	vld [tilespmem:s18+$0xFFFFFFA0];
	_ =	sdelay $0x2  }
0x7e8: {  	v4 =	vmul.f32 v4, v1  }
0x7e9: {  	s20 =	simm.s32 $0x133A0  }
0x7ea: {  	[tilespmem:s20+$0x0] =	vst.add.f32.msk $0xffff, v4;
	v3 =	vmul.f32 v3, v2  }
0x7eb: {  	v4 =	vld [tilespmem:s18+$0x3B0]  }
0x7ec: {  	[tilespmem:s20+$0x0] =	vst.add.f32.msk $0xffff, v3  }
0x7ed: {  	v3 =	vld [tilespmem:s18+$0xFFFFFFB0];
	_ =	sdelay $0x2  }
0x7ee: {  	v4 =	vmul.f32 v4, v1;
	_ =	sdelay $0x1  }
0x7ef: {  	[tilespmem:s25+$0x0] =	vst.add.f32.msk $0xffff, v4;
	v3 =	vmul.f32 v3, v2  }
0x7f0: {  	v4 =	vld [tilespmem:s18+$0x3C0]  }
0x7f1: {  	[tilespmem:s25+$0x0] =	vst.add.f32.msk $0xffff, v3  }
0x7f2: {  	v3 =	vld [tilespmem:s18+$0xFFFFFFC0];
	_ =	sdelay $0x2  }
0x7f3: {  	v4 =	vmul.f32 v4, v1  }
0x7f4: {  	s25 =	simm.s32 $0x133C0  }
0x7f5: {  	[tilespmem:s25+$0x0] =	vst.add.f32.msk $0xffff, v4;
	v3 =	vmul.f32 v3, v2  }
0x7f6: {  	v4 =	vld [tilespmem:s18+$0x3D0]  }
0x7f7: {  	[tilespmem:s25+$0x0] =	vst.add.f32.msk $0xffff, v3  }
0x7f8: {  	v3 =	vld [tilespmem:s18+$0xFFFFFFD0];
	_ =	sdelay $0x2  }
0x7f9: {  	v4 =	vmul.f32 v4, v1;
	_ =	sdelay $0x1  }
0x7fa: {  	[tilespmem:s26+$0x0] =	vst.add.f32.msk $0xffff, v4;
	v3 =	vmul.f32 v3, v2  }
0x7fb: {  	v4 =	vld [tilespmem:s18+$0x3E0]  }
0x7fc: {  	[tilespmem:s26+$0x0] =	vst.add.f32.msk $0xffff, v3  }
0x7fd: {  	v3 =	vld [tilespmem:s18+$0xFFFFFFE0];
	_ =	sdelay $0x2  }
0x7fe: {  	v4 =	vmul.f32 v4, v1  }
0x7ff: {  	s30 =	simm.s32 $0x133E0  }
0x800: {  	[tilespmem:s30+$0x0] =	vst.add.f32.msk $0xffff, v4;
	v3 =	vmul.f32 v3, v2  }
0x801: {  	v4 =	vld [tilespmem:s18+$0x3F0]  }
0x802: {  	[tilespmem:s30+$0x0] =	vst.add.f32.msk $0xffff, v3  }
0x803: {  	v3 =	vld [tilespmem:s18+$0xFFFFFFF0];
	_ =	sdelay $0x2  }
0x804: {  	v0 =	vmul.f32 v5, v0  }
0x805: {  	v62 =	vmul.f32 v4, v1  }
0x806: {  	[tilespmem:s29+$0x0] =	vst.add.f32.msk $0xffff, v0;
	v63 =	vmul.f32 v3, v2  }
0x807: {  	[tilespmem:s29+$0x0] =	vst.add.f32.msk $0xffff, v62  }
0x808: {  	s0 =	rddreg [dreg:$0x9];
	[tilespmem:s29+$0x0] =	vst.add.f32.msk $0xffff, v63  }
0x809: {  	s17 =	sshll.u32 s0, $0x7;
	s31 =	rddreg [dreg:$0x4]  }
0x80a: {  	s6 =	simm.s32 $0x0;
	s1 =	simm.s32 $0x3;
	s17 =	sadd.s32 s31, s17  }
0x80b: {  	[hbm4b:s17+s6] =	stream.linear.scatter [tilespmem:s28], [sflag:$0x3], $0x400, $0x38;
	[tilespmem:$0x13400] =	vst v63  }
0x80c: {  	_ =	swait.ge [sflag:s1], $0x400  }
0x80d: {  	s0 =	rddreg [dreg:$0xb]  }
0x80e: {  	p0 =	sne.s32 s0, $0x40  }
.Ltmp2:
0x80f: {  	_ = 	snop;
	(pc) =	sbr.rel @p0 .LBB2_2-.Ltmp2, $3  }
0x810: {  	_ =	sdelay $0x1  }
0x811: {  	[sflag:s1] =	ssyncset.done $0x0  }
0x812: {  	[sflag:s1] =	ssyncadd.s32 $0xFFFFFC00  }
0x813: {  	s0 =	rddreg [dreg:$0x8]  }
0x814: {  	s17 =	rddreg [dreg:$0x7];
	s0 =	sadd.s32 $0x1, s0  }
0x815: {  	p0 =	sne.s32 s0, s17  }
.Ltmp3:
0x816: {  	_ = 	snop;
	(pc) =	sbr.rel @p0 .LBB2_1-.Ltmp3, $1  }
0x817: {  	_ =	sdelay $0x3  }
0x818: {  	_ =	sfence.sel $0x180000  }
0x819: {  	[bflag:$0x0] =	sbarrier.arrive $0xFFFF  }
0x81a: {  	_ =	strace $0x9000004A  }
0x81b: {  	s0 =	stileid.u32;
	[bflag:$0x2] =	sbarrier.arrive $0xFFFF  }
0x81c: {  	p0 =	sne.s32 s0, $0x0;
	s0 =	rddreg [dreg:$0x1]  }
0x81d: {  	s0 =	sadd.s32 @!p0 $0x100000, s0  }
0x81e: {  	[sflag:s0] =	ssyncadd.tile.s32 @!p0 $0x1;
	_ =	shalt  }
.Lfunc_end2:
_tile_overlayer_lowered:
.L_overlay_start_2:
0x81f: {  	(tag) =	ssettag $0x2  }
0x820: {  	s0 =	rddreg [dreg:$0x0];
	s2 =	stileid.u32  }
0x821: {  	s1 =	rddreg [dreg:$0x1];
	p0 =	sne.s32 s2, $0x0  }
0x822: {  	s3 =	rddreg [dreg:$0x2];
	[bflag:$0x3] =	sbarrier.arrive $0xFFFF;
	s2 =	simm.s32 @!p0 $0x1C03  }
0x823: {  	[timem:s3], [sflag:s2] =	dma.local @!p0 [hbm:s0], s1  }
0x824: {  	s0 =	simm.s32 @!p0 $0x3  }
0x825: {  	_ =	swait.ge @!p0 [sflag:s0], s1  }
0x826: {  	s1 =	ssub.s32 @!p0 $0x0, s1;
	[sflag:s0] =	ssyncset.done @!p0 $0x0  }
0x827: {  	[sflag:s0] =	ssyncadd.s32 @!p0 s1  }
0x828: {  	[bflag:$0x3] =	sbarrier.arrive $0xFFFF  }
0x829: {  	_ =	shalt  }

</sc_bundles>
